<compile_context>
chip_gen: v7x
topology: tpu7x:2x2x1
jax: 0.10.2.dev20260603
libtpu: 0.0.44.dev20260713+nightly
codegen_flags: <defaults>
</compile_context>

<pallas_src>
import functools

import jax
import jax.numpy as jnp
from jax import lax
from jax.experimental import pallas as pl
from jax.experimental.pallas import tpu as pltpu
from jax.experimental.pallas import tpu_sc as plsc

_BINS = 1000000
_TOKEN_DIM = 64
_N_CTX = 8192
_B = 4

_NC = 2
_NS = 16
_NW = _NC * _NS
_TOK = _B * _N_CTX
_LANES = 16

_SLAB = 256
_NSLAB = (_BINS + _SLAB - 1) // _SLAB
_TAIL_BASE = (_NSLAB - 1) * _SLAB
_TAIL_OWNER = (_NSLAB - 1) % _NW
_KMAX = (_NSLAB - 1) // _NW + 1
_NSLOT = _KMAX * _SLAB
_DUMP = _NSLOT
_CHUNK = 2048
_RING = 8
_PCAP = 2048


def _iota16():
    return jax.lax.broadcasted_iota(jnp.int32, (_LANES,), 0)


def _gather_body(tokens_hbm, xt_hbm, tail_hbm, raw_hbm, pend_hbm,
                 slot, tokch, slab_a, slab_b, slab_c, slab_d,
                 hit_m, hit_p, rowbuf, tail_v,
                 pend_src, pend_dst, rowpend_s,
                 sem_a, sem_b, sem_c, sem_d, sem_row, sem_p):
    c = lax.axis_index("c")
    s = lax.axis_index("s")
    wid = s * _NC + c

    @pl.when(wid == _TAIL_OWNER)
    def _load_tail():
        pltpu.sync_copy(tail_hbm, tail_v)

    def memset(i, carry):
        slot[pl.ds(i * _LANES, _LANES)] = jnp.full((_LANES,), -1, jnp.int32)
        return carry

    lax.fori_loop(0, (_NSLOT + _LANES) // _LANES, memset, 0)
    rowpend_s[0] = 0

    def lanes_of(toks):
        sl = lax.shift_right_logical(toks, 8)
        mine = lax.bitwise_and(sl, _NW - 1) == wid
        k = lax.shift_right_logical(sl, 5)
        l = lax.bitwise_or(lax.shift_left(k, 8),
                           lax.bitwise_and(toks, _SLAB - 1))
        return jnp.where(mine, l, _DUMP), mine

    def a1_chunk(ch, carry):
        pltpu.sync_copy(tokens_hbm.at[pl.ds(ch * _CHUNK, _CHUNK)], tokch)

        def a1_vreg(g, carry):
            toks = tokch[pl.ds(g * _LANES, _LANES)]
            l, _ = lanes_of(toks)
            pos = _iota16() + (ch * _CHUNK + g * _LANES)
            plsc.store_scatter(slot, [l], pos)
            return carry

        return lax.fori_loop(0, _CHUNK // _LANES, a1_vreg, carry)

    lax.fori_loop(0, _TOK // _CHUNK, a1_chunk, 0)

    def a2_chunk(ch, carry):
        pltpu.sync_copy(tokens_hbm.at[pl.ds(ch * _CHUNK, _CHUNK)], tokch)

        def a2_vreg(g, carry):
            pcur, nspill = carry
            toks = tokch[pl.ds(g * _LANES, _LANES)]
            l, mine = lanes_of(toks)
            pos = _iota16() + (ch * _CHUNK + g * _LANES)
            got = plsc.load_gather(slot, [l])
            lost = jnp.logical_and(mine, got != pos)
            lcnt = plsc.all_reduce_population_count(lost)[0]

            def append(carry):
                pcur, nspill = carry
                li = jnp.where(lost, 1, 0)
                for k in range(_LANES):
                    idxv = jnp.where(
                        jnp.logical_and(_iota16() == k, lost),
                        jnp.full((_LANES,), pcur, jnp.int32),
                        jnp.full((_LANES,), _PCAP, jnp.int32))
                    plsc.store_scatter(pend_src, [idxv], got)
                    plsc.store_scatter(pend_dst, [idxv], pos)
                    pcur = pcur + li[k]

                def spill(cc):
                    pc, ns = cc
                    pltpu.sync_copy(
                        pend_src.at[pl.ds(0, _PCAP)],
                        pend_hbm.at[0, pl.ds(ns * _PCAP, _PCAP)])
                    pltpu.sync_copy(
                        pend_dst.at[pl.ds(0, _PCAP)],
                        pend_hbm.at[1, pl.ds(ns * _PCAP, _PCAP)])
                    return 0, ns + 1

                return lax.cond(pcur >= _PCAP, spill, lambda cc: cc,
                                (pcur, nspill))

            return lax.cond(lcnt > 0, append, lambda cc: cc, (pcur, nspill))

        return lax.fori_loop(0, _CHUNK // _LANES, a2_vreg, carry)

    pcur, nspill = lax.fori_loop(0, _TOK // _CHUNK, a2_chunk, (0, 0))

    my_nfull = lax.shift_right_logical(_NSLAB - 2 - wid, 5) + 1
    npairs = lax.shift_right_logical(my_nfull + 1, 1)

    def k_start(k):
        kk = jnp.where(k < my_nfull, k, 0)
        return (wid + kk * _NW) * _SLAB

    def issue_k(k, buf, sem):
        pltpu.async_copy(
            xt_hbm.at[:, pl.ds(pl.multiple_of(k_start(k), 128), _SLAB)],
            buf, sem)

    def wait_slab(buf, sem):
        pltpu.make_async_copy(
            xt_hbm.at[:, pl.ds(0, _SLAB)], buf, sem).wait()

    def row_out(p):
        pd = rowpend_s[0]
        pltpu.async_copy(
            rowbuf.at[pl.ds(jnp.where(pd == _RING, 0, pd), 1)],
            raw_hbm.at[pl.ds(p, 1)], sem_row)
        rowpend_s[0] = jnp.where(pd == _RING, 1, pd + 1)

    def ring_prepare():
        pd = rowpend_s[0]

        @pl.when(pd == _RING)
        def _absorb():
            pltpu.make_async_copy(
                rowbuf, raw_hbm.at[pl.ds(0, _RING)], sem_row).wait()

        return jnp.where(pd == _RING, 0, pd)

    def process_region(k, gather_from_tail, buf):

        def scan_vreg(v, carry):
            base = lax.shift_left(k, 8) + v * _LANES
            sv = slot[pl.ds(base, _LANES)]
            hits = sv >= 0
            cnt = plsc.all_reduce_population_count(hits)[0]

            @pl.when(cnt > 0)
            def _hits():
                mvec = _iota16() + v * _LANES
                plsc.store_compressed(
                    hit_m.at[pl.ds(0, _LANES)], mvec, mask=hits)
                plsc.store_compressed(
                    hit_p.at[pl.ds(0, _LANES)], sv, mask=hits)

                def do_hit(h, carry):
                    m = hit_m[pl.ds(h, _LANES)][0]
                    p = hit_p[pl.ds(h, _LANES)][0]
                    slot_r = ring_prepare()
                    if gather_from_tail:
                        for j in range(_TOKEN_DIM // _LANES):
                            sl = pl.ds(j * _LANES, _LANES)
                            rowbuf[slot_r, sl] = tail_v[m, sl]
                    else:
                        col = jnp.full((_LANES,), m, dtype=jnp.int32)
                        for j in range(_TOKEN_DIM // _LANES):
                            vals = plsc.load_gather(
                                buf, [_iota16() + j * _LANES, col])
                            rowbuf[slot_r, pl.ds(j * _LANES, _LANES)] = vals
                    row_out(p)
                    return carry

                lax.fori_loop(0, cnt, do_hit, 0)

            return carry

        lax.fori_loop(0, _SLAB // _LANES, scan_vreg, 0)

    bufs = (slab_a, slab_b, slab_c, slab_d)
    sems = (sem_a, sem_b, sem_c, sem_d)
    nquads = lax.shift_right_logical(my_nfull + 3, 2)

    for q in range(4):
        issue_k(q, bufs[q], sems[q])

    def quadloop(i, carry):
        k0 = 4 * i
        for q in range(4):
            wait_slab(bufs[q], sems[q])

            @pl.when(k0 + q < my_nfull)
            def _p(q=q):
                process_region(k0 + q, False, bufs[q])

            @pl.when(i + 1 < nquads)
            def _pre(q=q):
                issue_k(k0 + 4 + q, bufs[q], sems[q])

        return carry

    lax.fori_loop(0, nquads, quadloop, 0)

    @pl.when(wid == _TAIL_OWNER)
    def _tail():
        process_region((_NSLAB - 1) // _NW, True, slab_a)

    def drain(r, carry):
        @pl.when(r < rowpend_s[0])
        def _w():
            pltpu.make_async_copy(
                rowbuf.at[pl.ds(0, 1)], raw_hbm.at[pl.ds(0, 1)], sem_row
            ).wait()
        return carry

    lax.fori_loop(0, _RING, drain, 0)

    def dup_copy(i, carry):
        src = pend_src[pl.ds(i, _LANES)][0]
        dst = pend_dst[pl.ds(i, _LANES)][0]
        pltpu.async_copy(
            raw_hbm.at[pl.ds(src, 1)], raw_hbm.at[pl.ds(dst, 1)], sem_p)
        pltpu.make_async_copy(
            raw_hbm.at[pl.ds(0, 1)], raw_hbm.at[pl.ds(0, 1)], sem_p).wait()
        return carry

    def dup_chunk(sp, carry):
        pltpu.sync_copy(pend_hbm.at[0, pl.ds(sp * _PCAP, _PCAP)],
                        pend_src.at[pl.ds(0, _PCAP)])
        pltpu.sync_copy(pend_hbm.at[1, pl.ds(sp * _PCAP, _PCAP)],
                        pend_dst.at[pl.ds(0, _PCAP)])
        lax.fori_loop(0, _PCAP, dup_copy, 0)
        return carry

    lax.fori_loop(0, nspill, dup_chunk, 0)
    lax.fori_loop(0, pcur, dup_copy, 0)


def _add_body(raw_hbm, pos_hbm, out_hbm, rows_v, pos_v):
    c = lax.axis_index("c")
    s = lax.axis_index("s")
    wid = s * _NC + c
    per_w = _TOK // _NW
    base = wid * per_w
    pos_base = (wid % (_N_CTX // per_w)) * per_w
    q = per_w // 4

    for h in range(4):
        pltpu.sync_copy(raw_hbm.at[pl.ds(base + h * q, q)], rows_v)
        pltpu.sync_copy(pos_hbm.at[pl.ds(pos_base + h * q, q)], pos_v)

        def add_row(r, carry):
            for j in range(_TOKEN_DIM // _LANES):
                sl = pl.ds(j * _LANES, _LANES)
                rows_v[r, sl] = rows_v[r, sl] + pos_v[r, sl]
            return carry

        lax.fori_loop(0, q, add_row, 0)
        pltpu.sync_copy(rows_v, out_hbm.at[pl.ds(base + h * q, q)])


@jax.jit
def _conditioner(tokens_flat, xt, tail, pos_emb):
    mesh = plsc.VectorSubcoreMesh(core_axis_name="c", subcore_axis_name="s")
    raw, _ = functools.partial(
        pl.kernel,
        mesh=mesh,
        compiler_params=pltpu.CompilerParams(needs_layout_passes=False),
        out_type=(
            jax.ShapeDtypeStruct((_TOK, _TOKEN_DIM), jnp.float32),
            jax.ShapeDtypeStruct((2, _TOK), jnp.int32),
        ),
        scratch_types=[
            pltpu.VMEM((_NSLOT + _LANES,), jnp.int32),
            pltpu.VMEM((_CHUNK,), jnp.int32),
            pltpu.VMEM((_TOKEN_DIM, _SLAB), jnp.float32),
            pltpu.VMEM((_TOKEN_DIM, _SLAB), jnp.float32),
            pltpu.VMEM((_TOKEN_DIM, _SLAB), jnp.float32),
            pltpu.VMEM((_TOKEN_DIM, _SLAB), jnp.float32),
            pltpu.VMEM((2 * _LANES,), jnp.int32),
            pltpu.VMEM((2 * _LANES,), jnp.int32),
            pltpu.VMEM((_RING, _TOKEN_DIM), jnp.float32),
            pltpu.VMEM((64, _TOKEN_DIM), jnp.float32),
            pltpu.VMEM((_PCAP + _LANES,), jnp.int32),
            pltpu.VMEM((_PCAP + _LANES,), jnp.int32),
            pltpu.SMEM((1,), jnp.int32),
            pltpu.SemaphoreType.DMA,
            pltpu.SemaphoreType.DMA,
            pltpu.SemaphoreType.DMA,
            pltpu.SemaphoreType.DMA,
            pltpu.SemaphoreType.DMA,
            pltpu.SemaphoreType.DMA,
        ],
    )(_gather_body)(tokens_flat, xt, tail)

    out = functools.partial(
        pl.kernel,
        mesh=mesh,
        compiler_params=pltpu.CompilerParams(needs_layout_passes=False),
        out_type=jax.ShapeDtypeStruct((_TOK, _TOKEN_DIM), jnp.float32),
        scratch_types=[
            pltpu.VMEM((_TOK // _NW // 4, _TOKEN_DIM), jnp.float32),
            pltpu.VMEM((_TOK // _NW // 4, _TOKEN_DIM), jnp.float32),
        ],
    )(_add_body)(raw, pos_emb)
    return out


def kernel(tokens, x_emb, pos_emb):
    tokens_flat = tokens.reshape(-1).astype(jnp.int32)
    tail = x_emb[_TAIL_BASE:, :]
    out = _conditioner(tokens_flat, x_emb.T, tail, pos_emb)
    return out.reshape(_B, _N_CTX, _TOKEN_DIM)

# --- scband reference (transcript-rebuilt; emitter-appended) ---
"""Pipeline reference for scband-conditioner-80023830659132 (READ-ONLY COPY).

The authoritative reference and input builder live on the scoring server;
editing this copy changes nothing except your own understanding.
"""

import jax, jax.numpy as jnp
import numpy as np

BINS = 1000000
TOKEN_DIM = 64
N_CTX = 8192
B = 4
BINS_INIT_SCALE = 0.02
POS_INIT_SCALE = 0.02


def setup_inputs(seed: int = 0) -> dict:
    key = jax.random.key(seed)
    k1, k2, k3 = jax.random.split(key, 3)
    tokens = jax.random.randint(k1, (B, N_CTX), 0, BINS)
    # x_emb: nn.Embedding(bins, token_dim) initialized with normal(std=bins_init_scale)
    x_emb = jax.random.normal(k2, (BINS, TOKEN_DIM), dtype=jnp.float32) * BINS_INIT_SCALE
    # pos_emb: TrainablePositionalEncoding over (n_ctx,) with width=token_dim
    pos_emb = jax.random.normal(k3, (N_CTX, TOKEN_DIM), dtype=jnp.float32) * POS_INIT_SCALE
    return {"tokens": tokens, "x_emb": x_emb, "pos_emb": pos_emb}


def reference(tokens, x_emb, pos_emb):
    # get_conditioned_emb: embeddings = self.x_emb(tokens)
    emb = jnp.take(x_emb, tokens, axis=0)  # [B, T, token_dim]
    # get_pos_emb: pos_emb(length=T).unsqueeze(0).repeat(bs, 1, 1)
    pos = jnp.broadcast_to(pos_emb[None, :, :], (tokens.shape[0], N_CTX, TOKEN_DIM))
    # join_conditioning with conditioning_dropout=0.0 (identity dropout),
    # conditioning_concat=False -> x + sum(conds); only pos_cond is active
    # (up_tokens=None, artist=None, time=None)
    return emb + pos

if __name__ == "__main__":
    import jax
    _d = setup_inputs()
    print(jax.jit(kernel)(*tuple(_d.values())))

</pallas_src>

<mosaic_0001>
#map = affine_map<(d0, d1) -> (0)>
#map1 = affine_map<(d0, d1) -> (0, 0)>
module attributes {stable_mosaic.version = 14 : i64} {
  func.func @_gather_body(%arg0: i32, %arg1: i32, %arg2: memref<32768xi32, #tpu.memory_space<hbm>>, %arg3: memref<64x1000000xf32, #tpu.memory_space<hbm>>, %arg4: memref<64x64xf32, #tpu.memory_space<hbm>>, %arg5: memref<32768x64xf32, #tpu.memory_space<hbm>>, %arg6: memref<2x32768xi32, #tpu.memory_space<hbm>>, %arg7: memref<31504xi32, #tpu.memory_space<vmem>>, %arg8: memref<2048xi32, #tpu.memory_space<vmem>>, %arg9: memref<64x256xf32, #tpu.memory_space<vmem>>, %arg10: memref<64x256xf32, #tpu.memory_space<vmem>>, %arg11: memref<64x256xf32, #tpu.memory_space<vmem>>, %arg12: memref<64x256xf32, #tpu.memory_space<vmem>>, %arg13: memref<32xi32, #tpu.memory_space<vmem>>, %arg14: memref<32xi32, #tpu.memory_space<vmem>>, %arg15: memref<8x64xf32, #tpu.memory_space<vmem>>, %arg16: memref<64x64xf32, #tpu.memory_space<vmem>>, %arg17: memref<2064xi32, #tpu.memory_space<vmem>>, %arg18: memref<2064xi32, #tpu.memory_space<vmem>>, %arg19: memref<1xi32, #tpu.memory_space<smem>>, %arg20: memref<!tpu.dma_semaphore, #tpu.memory_space<semaphore_mem>>, %arg21: memref<!tpu.dma_semaphore, #tpu.memory_space<semaphore_mem>>, %arg22: memref<!tpu.dma_semaphore, #tpu.memory_space<semaphore_mem>>, %arg23: memref<!tpu.dma_semaphore, #tpu.memory_space<semaphore_mem>>, %arg24: memref<!tpu.dma_semaphore, #tpu.memory_space<semaphore_mem>>, %arg25: memref<!tpu.dma_semaphore, #tpu.memory_space<semaphore_mem>>) attributes {dimension_semantics = [#tpu.dimension_semantics<core_parallel>, #tpu.dimension_semantics<subcore_parallel>], iteration_bounds = array<i64: 2, 16>, scalar_prefetch = 0 : i64, scratch_operands = 19 : i64, tpu.core_type = #tpu.core_type<sc_vector_subcore>, window_params = [{transform_indices = #map}, {transform_indices = #map1}, {transform_indices = #map1}, {transform_indices = #map1}, {transform_indices = #map1}]} {
    %mul3A = arith.constant 2 : i32
    %mul3A_0 = arith.muli %arg1, %mul3A : i32
    %add3A = arith.addi %mul3A_0, %arg0 : i32
    %eq3A = arith.constant 2 : i32
    %eq3A_1 = arith.cmpi eq, %add3A, %eq3A : i32
    %convert_element_type3A = arith.extui %eq3A_1 : i1 to i32
    %cond3A = arith.constant 0 : i32
    %cond3A_2 = arith.cmpi ne, %convert_element_type3A, %cond3A : i32
    scf.if %cond3A_2 {
      "tpu.region"() ({
        %run_scoped3A = tpu.sem_alloc : memref<!tpu.dma_semaphore, #tpu.memory_space<semaphore_mem>>
        tpu.enqueue_dma source(%arg4 : memref<64x64xf32, #tpu.memory_space<hbm>>) target(%arg16 : memref<64x64xf32, #tpu.memory_space<vmem>>) target_semaphore(%run_scoped3A : memref<!tpu.dma_semaphore, #tpu.memory_space<semaphore_mem>>)
        tpu.wait_dma2 semaphore(%run_scoped3A : memref<!tpu.dma_semaphore, #tpu.memory_space<semaphore_mem>>) src(%arg4 : memref<64x64xf32, #tpu.memory_space<hbm>>) dst(%arg16 : memref<64x64xf32, #tpu.memory_space<vmem>>)
        tpu.yield
      }) : () -> ()
    } else {
    }
    %scan3A = arith.constant 0 : i32
    %scan3A_3 = arith.constant 0 : i32
    %scan3A_4 = arith.constant 1969 : i32
    %scan3A_5 = arith.addi %scan3A_3, %scan3A_4 : i32
    %scan3A_6 = arith.constant 1 : i32
    scf.for %scan3A_132 = %scan3A_3 to %scan3A_5 step %scan3A_6  : i32 {
      %broadcast_in_dim3A = arith.constant -1 : i32
      %broadcast_in_dim3A_133 = vector.broadcast %broadcast_in_dim3A : i32 to vector<16xi32>
      %mul3A_134 = arith.constant 16 : i32
      %mul3A_135 = arith.muli %scan3A_132, %mul3A_134 : i32
      %swap3A_136 = arith.index_cast %mul3A_135 : i32 to index
      %swap3A_137 = tpu.vector_load %arg7[%swap3A_136] {strides = array<i32>} : memref<31504xi32, #tpu.memory_space<vmem>>, vector<16xi32>,
      tpu.vector_store %arg7[%swap3A_136], %broadcast_in_dim3A_133 {strides = array<i32>} : memref<31504xi32, #tpu.memory_space<vmem>>, vector<16xi32>,
    }
    %scan3A_7 = arith.constant 1969 : i32
    %swap3A = arith.constant 0 : i32
    %swap3A_8 = arith.constant 0 : i32
    %swap3A_9 = arith.index_cast %swap3A_8 : i32 to index
    %swap3A_10 = memref.load %arg19[%swap3A_9] : memref<1xi32, #tpu.memory_space<smem>>
    memref.store %swap3A, %arg19[%swap3A_9] : memref<1xi32, #tpu.memory_space<smem>>
    %scan3A_11 = arith.constant 0 : i32
    %scan3A_12 = arith.constant 0 : i32
    %scan3A_13 = arith.constant 16 : i32
    %scan3A_14 = arith.addi %scan3A_12, %scan3A_13 : i32
    %scan3A_15 = arith.constant 1 : i32
    scf.for %scan3A_132 = %scan3A_12 to %scan3A_14 step %scan3A_15  : i32 {
      %mul3A_133 = arith.constant 2048 : i32
      %mul3A_134 = arith.muli %scan3A_132, %mul3A_133 : i32
      "tpu.region"() ({
        %run_scoped3A = tpu.sem_alloc : memref<!tpu.dma_semaphore, #tpu.memory_space<semaphore_mem>>
        %dma_start3A_140 = tpu.memref_slice %arg2[%mul3A_134] : memref<32768xi32, #tpu.memory_space<hbm>> -> memref<2048xi32, #tpu.memory_space<hbm>>
        %dma_start3A_141 = tpu.memref_slice %arg2[%mul3A_134] : memref<32768xi32, #tpu.memory_space<hbm>> -> memref<2048xi32, #tpu.memory_space<hbm>>
        tpu.enqueue_dma source(%dma_start3A_141 : memref<2048xi32, #tpu.memory_space<hbm>>) target(%arg8 : memref<2048xi32, #tpu.memory_space<vmem>>) target_semaphore(%run_scoped3A : memref<!tpu.dma_semaphore, #tpu.memory_space<semaphore_mem>>)
        %dma_wait3A = tpu.memref_slice %arg2[%mul3A_134] : memref<32768xi32, #tpu.memory_space<hbm>> -> memref<2048xi32, #tpu.memory_space<hbm>>
        %dma_wait3A_142 = tpu.memref_slice %arg2[%mul3A_134] : memref<32768xi32, #tpu.memory_space<hbm>> -> memref<2048xi32, #tpu.memory_space<hbm>>
        tpu.wait_dma2 semaphore(%run_scoped3A : memref<!tpu.dma_semaphore, #tpu.memory_space<semaphore_mem>>) src(%dma_wait3A_142 : memref<2048xi32, #tpu.memory_space<hbm>>) dst(%arg8 : memref<2048xi32, #tpu.memory_space<vmem>>)
        tpu.yield
      }) : () -> ()
      %scan3A_135 = arith.constant 0 : i32
      %scan3A_136 = arith.constant 128 : i32
      %scan3A_137 = arith.addi %scan3A_135, %scan3A_136 : i32
      %scan3A_138 = arith.constant 1 : i32
      scf.for %scan3A_140 = %scan3A_135 to %scan3A_137 step %scan3A_138  : i32 {
        %mul3A_141 = arith.constant 16 : i32
        %mul3A_142 = arith.muli %scan3A_140, %mul3A_141 : i32
        %get3A = arith.index_cast %mul3A_142 : i32 to index
        %get3A_143 = tpu.vector_load %arg8[%get3A] {strides = array<i32>} : memref<2048xi32, #tpu.memory_space<vmem>>, vector<16xi32>,
        %shift_right_logical3A_144 = arith.constant 8 : i32
        %shift_right_logical3A_145 = vector.broadcast %shift_right_logical3A_144 : i32 to vector<16xi32>
        %shift_right_logical3A_146 = arith.shrui %get3A_143, %shift_right_logical3A_145 : vector<16xi32>
        %and3A = arith.constant 31 : i32
        %and3A_147 = vector.broadcast %and3A : i32 to vector<16xi32>
        %and3A_148 = arith.andi %shift_right_logical3A_146, %and3A_147 : vector<16xi32>
        %eq3A_149 = vector.broadcast %add3A : i32 to vector<16xi32>
        %eq3A_150 = arith.cmpi eq, %and3A_148, %eq3A_149 : vector<16xi32>
        %shift_right_logical3A_151 = arith.constant 5 : i32
        %shift_right_logical3A_152 = vector.broadcast %shift_right_logical3A_151 : i32 to vector<16xi32>
        %shift_right_logical3A_153 = arith.shrui %shift_right_logical3A_146, %shift_right_logical3A_152 : vector<16xi32>
        %shift_left3A = arith.constant 8 : i32
        %shift_left3A_154 = vector.broadcast %shift_left3A : i32 to vector<16xi32>
        %shift_left3A_155 = arith.shli %shift_right_logical3A_153, %shift_left3A_154 : vector<16xi32>
        %and3A_156 = arith.constant 255 : i32
        %and3A_157 = vector.broadcast %and3A_156 : i32 to vector<16xi32>
        %and3A_158 = arith.andi %get3A_143, %and3A_157 : vector<16xi32>
        %or3A = arith.ori %shift_left3A_155, %and3A_158 : vector<16xi32>
        %jit3A_159 = arith.constant 31488 : i32
        %broadcast_in_dim3A = vector.broadcast %jit3A_159 : i32 to vector<16xi32>
        %select_n3A_160 = arith.select %eq3A_150, %or3A, %broadcast_in_dim3A : vector<16xi1>, vector<16xi32>
        %iota3A = tpu.iota {dimensions = array<i32: 0>} : vector<16xi32>
        %mul3A_161 = arith.constant 2048 : i32
        %mul3A_162 = arith.muli %scan3A_132, %mul3A_161 : i32
        %mul3A_163 = arith.constant 16 : i32
        %mul3A_164 = arith.muli %scan3A_140, %mul3A_163 : i32
        %add3A_165 = arith.addi %mul3A_162, %mul3A_164 : i32
        %add3A_166 = vector.broadcast %add3A_165 : i32 to vector<16xi32>
        %add3A_167 = arith.addi %iota3A, %add3A_166 : vector<16xi32>
        tpu.vector_store_idx %arg7[%select_n3A_160], %add3A_167 : memref<31504xi32, #tpu.memory_space<vmem>>[vector<16xi32>], vector<16xi32>,
      }
      %scan3A_139 = arith.constant 128 : i32
    }
    %scan3A_16 = arith.constant 16 : i32
    %scan3A_17 = arith.constant 0 : i32
    %scan3A_18 = arith.constant 0 : i32
    %scan3A_19 = arith.constant 0 : i32
    %scan3A_20 = arith.constant 16 : i32
    %scan3A_21 = arith.addi %scan3A_19, %scan3A_20 : i32
    %scan3A_22 = arith.constant 1 : i32
    %scan3A_23:2 = scf.for %scan3A_132 = %scan3A_19 to %scan3A_21 step %scan3A_22 iter_args(%scan3A_133 = %scan3A_17, %scan3A_134 = %scan3A_18) -> (i32, i32)  : i32 {
      %mul3A_135 = arith.constant 2048 : i32
      %mul3A_136 = arith.muli %scan3A_132, %mul3A_135 : i32
      "tpu.region"() ({
        %run_scoped3A = tpu.sem_alloc : memref<!tpu.dma_semaphore, #tpu.memory_space<semaphore_mem>>
        %dma_start3A_143 = tpu.memref_slice %arg2[%mul3A_136] : memref<32768xi32, #tpu.memory_space<hbm>> -> memref<2048xi32, #tpu.memory_space<hbm>>
        %dma_start3A_144 = tpu.memref_slice %arg2[%mul3A_136] : memref<32768xi32, #tpu.memory_space<hbm>> -> memref<2048xi32, #tpu.memory_space<hbm>>
        tpu.enqueue_dma source(%dma_start3A_144 : memref<2048xi32, #tpu.memory_space<hbm>>) target(%arg8 : memref<2048xi32, #tpu.memory_space<vmem>>) target_semaphore(%run_scoped3A : memref<!tpu.dma_semaphore, #tpu.memory_space<semaphore_mem>>)
        %dma_wait3A = tpu.memref_slice %arg2[%mul3A_136] : memref<32768xi32, #tpu.memory_space<hbm>> -> memref<2048xi32, #tpu.memory_space<hbm>>
        %dma_wait3A_145 = tpu.memref_slice %arg2[%mul3A_136] : memref<32768xi32, #tpu.memory_space<hbm>> -> memref<2048xi32, #tpu.memory_space<hbm>>
        tpu.wait_dma2 semaphore(%run_scoped3A : memref<!tpu.dma_semaphore, #tpu.memory_space<semaphore_mem>>) src(%dma_wait3A_145 : memref<2048xi32, #tpu.memory_space<hbm>>) dst(%arg8 : memref<2048xi32, #tpu.memory_space<vmem>>)
        tpu.yield
      }) : () -> ()
      %scan3A_137 = arith.constant 0 : i32
      %scan3A_138 = arith.constant 128 : i32
      %scan3A_139 = arith.addi %scan3A_137, %scan3A_138 : i32
      %scan3A_140 = arith.constant 1 : i32
      %scan3A_141:2 = scf.for %scan3A_143 = %scan3A_137 to %scan3A_139 step %scan3A_140 iter_args(%scan3A_144 = %scan3A_133, %scan3A_145 = %scan3A_134) -> (i32, i32)  : i32 {
        %mul3A_146 = arith.constant 16 : i32
        %mul3A_147 = arith.muli %scan3A_143, %mul3A_146 : i32
        %get3A = arith.index_cast %mul3A_147 : i32 to index
        %get3A_148 = tpu.vector_load %arg8[%get3A] {strides = array<i32>} : memref<2048xi32, #tpu.memory_space<vmem>>, vector<16xi32>,
        %shift_right_logical3A_149 = arith.constant 8 : i32
        %shift_right_logical3A_150 = vector.broadcast %shift_right_logical3A_149 : i32 to vector<16xi32>
        %shift_right_logical3A_151 = arith.shrui %get3A_148, %shift_right_logical3A_150 : vector<16xi32>
        %and3A = arith.constant 31 : i32
        %and3A_152 = vector.broadcast %and3A : i32 to vector<16xi32>
        %and3A_153 = arith.andi %shift_right_logical3A_151, %and3A_152 : vector<16xi32>
        %eq3A_154 = vector.broadcast %add3A : i32 to vector<16xi32>
        %eq3A_155 = arith.cmpi eq, %and3A_153, %eq3A_154 : vector<16xi32>
        %shift_right_logical3A_156 = arith.constant 5 : i32
        %shift_right_logical3A_157 = vector.broadcast %shift_right_logical3A_156 : i32 to vector<16xi32>
        %shift_right_logical3A_158 = arith.shrui %shift_right_logical3A_151, %shift_right_logical3A_157 : vector<16xi32>
        %shift_left3A = arith.constant 8 : i32
        %shift_left3A_159 = vector.broadcast %shift_left3A : i32 to vector<16xi32>
        %shift_left3A_160 = arith.shli %shift_right_logical3A_158, %shift_left3A_159 : vector<16xi32>
        %and3A_161 = arith.constant 255 : i32
        %and3A_162 = vector.broadcast %and3A_161 : i32 to vector<16xi32>
        %and3A_163 = arith.andi %get3A_148, %and3A_162 : vector<16xi32>
        %or3A = arith.ori %shift_left3A_160, %and3A_163 : vector<16xi32>
        %jit3A_164 = arith.constant 31488 : i32
        %broadcast_in_dim3A = vector.broadcast %jit3A_164 : i32 to vector<16xi32>
        %select_n3A_165 = arith.select %eq3A_155, %or3A, %broadcast_in_dim3A : vector<16xi1>, vector<16xi32>
        %iota3A = tpu.iota {dimensions = array<i32: 0>} : vector<16xi32>
        %mul3A_166 = arith.constant 2048 : i32
        %mul3A_167 = arith.muli %scan3A_132, %mul3A_166 : i32
        %mul3A_168 = arith.constant 16 : i32
        %mul3A_169 = arith.muli %scan3A_143, %mul3A_168 : i32
        %add3A_170 = arith.addi %mul3A_167, %mul3A_169 : i32
        %add3A_171 = vector.broadcast %add3A_170 : i32 to vector<16xi32>
        %add3A_172 = arith.addi %iota3A, %add3A_171 : vector<16xi32>
        %gather3A = tpu.vector_load_idx %arg7[%select_n3A_165] : memref<31504xi32, #tpu.memory_space<vmem>>[vector<16xi32>], vector<16xi32>,
        %ne3A = arith.cmpi ne, %gather3A, %add3A_172 : vector<16xi32>
        %and3A_173 = arith.andi %eq3A_155, %ne3A : vector<16xi1>
        %all_reduce_population_count3A = tpu.all_reduce %and3A_173 {dim = 0 : i64, kind = #tpu.reduction_kind<sum>} : vector<16xi1> -> vector<16xi32>
        %slice3A = vector.extract_strided_slice %all_reduce_population_count3A {offsets = [0], sizes = [1], strides = [1]} : vector<16xi32> to vector<1xi32>
        %squeeze3A = vector.extract %slice3A[0] : i32 from vector<1xi32>
        %gt3A_174 = arith.constant 0 : i32
        %gt3A_175 = arith.cmpi sgt, %squeeze3A, %gt3A_174 : i32
        %convert_element_type3A_176 = arith.extui %gt3A_175 : i1 to i32
        %cond3A_177 = arith.constant 0 : i32
        %cond3A_178 = arith.cmpi ne, %convert_element_type3A_176, %cond3A_177 : i32
        %cond3A_179:2 = scf.if %cond3A_178 -> (i32, i32) {
          %jit3A_180 = arith.constant 1 : i32
          %jit3A_181 = arith.constant 0 : i32
          %broadcast_in_dim3A_182 = vector.broadcast %jit3A_180 : i32 to vector<16xi32>
          %broadcast_in_dim3A_183 = vector.broadcast %jit3A_181 : i32 to vector<16xi32>
          %select_n3A_184 = arith.select %and3A_173, %broadcast_in_dim3A_182, %broadcast_in_dim3A_183 : vector<16xi1>, vector<16xi32>
          %iota3A_185 = tpu.iota {dimensions = array<i32: 0>} : vector<16xi32>
          %eq3A_186 = arith.constant 0 : i32
          %eq3A_187 = vector.broadcast %eq3A_186 : i32 to vector<16xi32>
          %eq3A_188 = arith.cmpi eq, %iota3A_185, %eq3A_187 : vector<16xi32>
          %and3A_189 = arith.andi %eq3A_188, %and3A_173 : vector<16xi1>
          %broadcast_in_dim3A_190 = vector.broadcast %scan3A_144 : i32 to vector<16xi32>
          %broadcast_in_dim3A_191 = arith.constant 2048 : i32
          %broadcast_in_dim3A_192 = vector.broadcast %broadcast_in_dim3A_191 : i32 to vector<16xi32>
          %select_n3A_193 = arith.select %and3A_189, %broadcast_in_dim3A_190, %broadcast_in_dim3A_192 : vector<16xi1>, vector<16xi32>
          tpu.vector_store_idx %arg17[%select_n3A_193], %gather3A : memref<2064xi32, #tpu.memory_space<vmem>>[vector<16xi32>], vector<16xi32>,
          tpu.vector_store_idx %arg18[%select_n3A_193], %add3A_172 : memref<2064xi32, #tpu.memory_space<vmem>>[vector<16xi32>], vector<16xi32>,
          %slice3A_194 = vector.extract_strided_slice %select_n3A_184 {offsets = [0], sizes = [1], strides = [1]} : vector<16xi32> to vector<1xi32>
          %squeeze3A_195 = vector.extract %slice3A_194[0] : i32 from vector<1xi32>
          %add3A_196 = arith.addi %scan3A_144, %squeeze3A_195 : i32
          %iota3A_197 = tpu.iota {dimensions = array<i32: 0>} : vector<16xi32>
          %eq3A_198 = arith.constant 1 : i32
          %eq3A_199 = vector.broadcast %eq3A_198 : i32 to vector<16xi32>
          %eq3A_200 = arith.cmpi eq, %iota3A_197, %eq3A_199 : vector<16xi32>
          %and3A_201 = arith.andi %eq3A_200, %and3A_173 : vector<16xi1>
          %broadcast_in_dim3A_202 = vector.broadcast %add3A_196 : i32 to vector<16xi32>
          %broadcast_in_dim3A_203 = arith.constant 2048 : i32
          %broadcast_in_dim3A_204 = vector.broadcast %broadcast_in_dim3A_203 : i32 to vector<16xi32>
          %select_n3A_205 = arith.select %and3A_201, %broadcast_in_dim3A_202, %broadcast_in_dim3A_204 : vector<16xi1>, vector<16xi32>
          tpu.vector_store_idx %arg17[%select_n3A_205], %gather3A : memref<2064xi32, #tpu.memory_space<vmem>>[vector<16xi32>], vector<16xi32>,
          tpu.vector_store_idx %arg18[%select_n3A_205], %add3A_172 : memref<2064xi32, #tpu.memory_space<vmem>>[vector<16xi32>], vector<16xi32>,
          %slice3A_206 = vector.extract_strided_slice %select_n3A_184 {offsets = [1], sizes = [1], strides = [1]} : vector<16xi32> to vector<1xi32>
          %squeeze3A_207 = vector.extract %slice3A_206[0] : i32 from vector<1xi32>
          %add3A_208 = arith.addi %add3A_196, %squeeze3A_207 : i32
          %iota3A_209 = tpu.iota {dimensions = array<i32: 0>} : vector<16xi32>
          %eq3A_210 = arith.constant 2 : i32
          %eq3A_211 = vector.broadcast %eq3A_210 : i32 to vector<16xi32>
          %eq3A_212 = arith.cmpi eq, %iota3A_209, %eq3A_211 : vector<16xi32>
          %and3A_213 = arith.andi %eq3A_212, %and3A_173 : vector<16xi1>
          %broadcast_in_dim3A_214 = vector.broadcast %add3A_208 : i32 to vector<16xi32>
          %broadcast_in_dim3A_215 = arith.constant 2048 : i32
          %broadcast_in_dim3A_216 = vector.broadcast %broadcast_in_dim3A_215 : i32 to vector<16xi32>
          %select_n3A_217 = arith.select %and3A_213, %broadcast_in_dim3A_214, %broadcast_in_dim3A_216 : vector<16xi1>, vector<16xi32>
          tpu.vector_store_idx %arg17[%select_n3A_217], %gather3A : memref<2064xi32, #tpu.memory_space<vmem>>[vector<16xi32>], vector<16xi32>,
          tpu.vector_store_idx %arg18[%select_n3A_217], %add3A_172 : memref<2064xi32, #tpu.memory_space<vmem>>[vector<16xi32>], vector<16xi32>,
          %slice3A_218 = vector.extract_strided_slice %select_n3A_184 {offsets = [2], sizes = [1], strides = [1]} : vector<16xi32> to vector<1xi32>
          %squeeze3A_219 = vector.extract %slice3A_218[0] : i32 from vector<1xi32>
          %add3A_220 = arith.addi %add3A_208, %squeeze3A_219 : i32
          %iota3A_221 = tpu.iota {dimensions = array<i32: 0>} : vector<16xi32>
          %eq3A_222 = arith.constant 3 : i32
          %eq3A_223 = vector.broadcast %eq3A_222 : i32 to vector<16xi32>
          %eq3A_224 = arith.cmpi eq, %iota3A_221, %eq3A_223 : vector<16xi32>
          %and3A_225 = arith.andi %eq3A_224, %and3A_173 : vector<16xi1>
          %broadcast_in_dim3A_226 = vector.broadcast %add3A_220 : i32 to vector<16xi32>
          %broadcast_in_dim3A_227 = arith.constant 2048 : i32
          %broadcast_in_dim3A_228 = vector.broadcast %broadcast_in_dim3A_227 : i32 to vector<16xi32>
          %select_n3A_229 = arith.select %and3A_225, %broadcast_in_dim3A_226, %broadcast_in_dim3A_228 : vector<16xi1>, vector<16xi32>
          tpu.vector_store_idx %arg17[%select_n3A_229], %gather3A : memref<2064xi32, #tpu.memory_space<vmem>>[vector<16xi32>], vector<16xi32>,
          tpu.vector_store_idx %arg18[%select_n3A_229], %add3A_172 : memref<2064xi32, #tpu.memory_space<vmem>>[vector<16xi32>], vector<16xi32>,
          %slice3A_230 = vector.extract_strided_slice %select_n3A_184 {offsets = [3], sizes = [1], strides = [1]} : vector<16xi32> to vector<1xi32>
          %squeeze3A_231 = vector.extract %slice3A_230[0] : i32 from vector<1xi32>
          %add3A_232 = arith.addi %add3A_220, %squeeze3A_231 : i32
          %iota3A_233 = tpu.iota {dimensions = array<i32: 0>} : vector<16xi32>
          %eq3A_234 = arith.constant 4 : i32
          %eq3A_235 = vector.broadcast %eq3A_234 : i32 to vector<16xi32>
          %eq3A_236 = arith.cmpi eq, %iota3A_233, %eq3A_235 : vector<16xi32>
          %and3A_237 = arith.andi %eq3A_236, %and3A_173 : vector<16xi1>
          %broadcast_in_dim3A_238 = vector.broadcast %add3A_232 : i32 to vector<16xi32>
          %broadcast_in_dim3A_239 = arith.constant 2048 : i32
          %broadcast_in_dim3A_240 = vector.broadcast %broadcast_in_dim3A_239 : i32 to vector<16xi32>
          %select_n3A_241 = arith.select %and3A_237, %broadcast_in_dim3A_238, %broadcast_in_dim3A_240 : vector<16xi1>, vector<16xi32>
          tpu.vector_store_idx %arg17[%select_n3A_241], %gather3A : memref<2064xi32, #tpu.memory_space<vmem>>[vector<16xi32>], vector<16xi32>,
          tpu.vector_store_idx %arg18[%select_n3A_241], %add3A_172 : memref<2064xi32, #tpu.memory_space<vmem>>[vector<16xi32>], vector<16xi32>,
          %slice3A_242 = vector.extract_strided_slice %select_n3A_184 {offsets = [4], sizes = [1], strides = [1]} : vector<16xi32> to vector<1xi32>
          %squeeze3A_243 = vector.extract %slice3A_242[0] : i32 from vector<1xi32>
          %add3A_244 = arith.addi %add3A_232, %squeeze3A_243 : i32
          %iota3A_245 = tpu.iota {dimensions = array<i32: 0>} : vector<16xi32>
          %eq3A_246 = arith.constant 5 : i32
          %eq3A_247 = vector.broadcast %eq3A_246 : i32 to vector<16xi32>
          %eq3A_248 = arith.cmpi eq, %iota3A_245, %eq3A_247 : vector<16xi32>
          %and3A_249 = arith.andi %eq3A_248, %and3A_173 : vector<16xi1>
          %broadcast_in_dim3A_250 = vector.broadcast %add3A_244 : i32 to vector<16xi32>
          %broadcast_in_dim3A_251 = arith.constant 2048 : i32
          %broadcast_in_dim3A_252 = vector.broadcast %broadcast_in_dim3A_251 : i32 to vector<16xi32>
          %select_n3A_253 = arith.select %and3A_249, %broadcast_in_dim3A_250, %broadcast_in_dim3A_252 : vector<16xi1>, vector<16xi32>
          tpu.vector_store_idx %arg17[%select_n3A_253], %gather3A : memref<2064xi32, #tpu.memory_space<vmem>>[vector<16xi32>], vector<16xi32>,
          tpu.vector_store_idx %arg18[%select_n3A_253], %add3A_172 : memref<2064xi32, #tpu.memory_space<vmem>>[vector<16xi32>], vector<16xi32>,
          %slice3A_254 = vector.extract_strided_slice %select_n3A_184 {offsets = [5], sizes = [1], strides = [1]} : vector<16xi32> to vector<1xi32>
          %squeeze3A_255 = vector.extract %slice3A_254[0] : i32 from vector<1xi32>
          %add3A_256 = arith.addi %add3A_244, %squeeze3A_255 : i32
          %iota3A_257 = tpu.iota {dimensions = array<i32: 0>} : vector<16xi32>
          %eq3A_258 = arith.constant 6 : i32
          %eq3A_259 = vector.broadcast %eq3A_258 : i32 to vector<16xi32>
          %eq3A_260 = arith.cmpi eq, %iota3A_257, %eq3A_259 : vector<16xi32>
          %and3A_261 = arith.andi %eq3A_260, %and3A_173 : vector<16xi1>
          %broadcast_in_dim3A_262 = vector.broadcast %add3A_256 : i32 to vector<16xi32>
          %broadcast_in_dim3A_263 = arith.constant 2048 : i32
          %broadcast_in_dim3A_264 = vector.broadcast %broadcast_in_dim3A_263 : i32 to vector<16xi32>
          %select_n3A_265 = arith.select %and3A_261, %broadcast_in_dim3A_262, %broadcast_in_dim3A_264 : vector<16xi1>, vector<16xi32>
          tpu.vector_store_idx %arg17[%select_n3A_265], %gather3A : memref<2064xi32, #tpu.memory_space<vmem>>[vector<16xi32>], vector<16xi32>,
          tpu.vector_store_idx %arg18[%select_n3A_265], %add3A_172 : memref<2064xi32, #tpu.memory_space<vmem>>[vector<16xi32>], vector<16xi32>,
          %slice3A_266 = vector.extract_strided_slice %select_n3A_184 {offsets = [6], sizes = [1], strides = [1]} : vector<16xi32> to vector<1xi32>
          %squeeze3A_267 = vector.extract %slice3A_266[0] : i32 from vector<1xi32>
          %add3A_268 = arith.addi %add3A_256, %squeeze3A_267 : i32
          %iota3A_269 = tpu.iota {dimensions = array<i32: 0>} : vector<16xi32>
          %eq3A_270 = arith.constant 7 : i32
          %eq3A_271 = vector.broadcast %eq3A_270 : i32 to vector<16xi32>
          %eq3A_272 = arith.cmpi eq, %iota3A_269, %eq3A_271 : vector<16xi32>
          %and3A_273 = arith.andi %eq3A_272, %and3A_173 : vector<16xi1>
          %broadcast_in_dim3A_274 = vector.broadcast %add3A_268 : i32 to vector<16xi32>
          %broadcast_in_dim3A_275 = arith.constant 2048 : i32
          %broadcast_in_dim3A_276 = vector.broadcast %broadcast_in_dim3A_275 : i32 to vector<16xi32>
          %select_n3A_277 = arith.select %and3A_273, %broadcast_in_dim3A_274, %broadcast_in_dim3A_276 : vector<16xi1>, vector<16xi32>
          tpu.vector_store_idx %arg17[%select_n3A_277], %gather3A : memref<2064xi32, #tpu.memory_space<vmem>>[vector<16xi32>], vector<16xi32>,
          tpu.vector_store_idx %arg18[%select_n3A_277], %add3A_172 : memref<2064xi32, #tpu.memory_space<vmem>>[vector<16xi32>], vector<16xi32>,
          %slice3A_278 = vector.extract_strided_slice %select_n3A_184 {offsets = [7], sizes = [1], strides = [1]} : vector<16xi32> to vector<1xi32>
          %squeeze3A_279 = vector.extract %slice3A_278[0] : i32 from vector<1xi32>
          %add3A_280 = arith.addi %add3A_268, %squeeze3A_279 : i32
          %iota3A_281 = tpu.iota {dimensions = array<i32: 0>} : vector<16xi32>
          %eq3A_282 = arith.constant 8 : i32
          %eq3A_283 = vector.broadcast %eq3A_282 : i32 to vector<16xi32>
          %eq3A_284 = arith.cmpi eq, %iota3A_281, %eq3A_283 : vector<16xi32>
          %and3A_285 = arith.andi %eq3A_284, %and3A_173 : vector<16xi1>
          %broadcast_in_dim3A_286 = vector.broadcast %add3A_280 : i32 to vector<16xi32>
          %broadcast_in_dim3A_287 = arith.constant 2048 : i32
          %broadcast_in_dim3A_288 = vector.broadcast %broadcast_in_dim3A_287 : i32 to vector<16xi32>
          %select_n3A_289 = arith.select %and3A_285, %broadcast_in_dim3A_286, %broadcast_in_dim3A_288 : vector<16xi1>, vector<16xi32>
          tpu.vector_store_idx %arg17[%select_n3A_289], %gather3A : memref<2064xi32, #tpu.memory_space<vmem>>[vector<16xi32>], vector<16xi32>,
          tpu.vector_store_idx %arg18[%select_n3A_289], %add3A_172 : memref<2064xi32, #tpu.memory_space<vmem>>[vector<16xi32>], vector<16xi32>,
          %slice3A_290 = vector.extract_strided_slice %select_n3A_184 {offsets = [8], sizes = [1], strides = [1]} : vector<16xi32> to vector<1xi32>
          %squeeze3A_291 = vector.extract %slice3A_290[0] : i32 from vector<1xi32>
          %add3A_292 = arith.addi %add3A_280, %squeeze3A_291 : i32
          %iota3A_293 = tpu.iota {dimensions = array<i32: 0>} : vector<16xi32>
          %eq3A_294 = arith.constant 9 : i32
          %eq3A_295 = vector.broadcast %eq3A_294 : i32 to vector<16xi32>
          %eq3A_296 = arith.cmpi eq, %iota3A_293, %eq3A_295 : vector<16xi32>
          %and3A_297 = arith.andi %eq3A_296, %and3A_173 : vector<16xi1>
          %broadcast_in_dim3A_298 = vector.broadcast %add3A_292 : i32 to vector<16xi32>
          %broadcast_in_dim3A_299 = arith.constant 2048 : i32
          %broadcast_in_dim3A_300 = vector.broadcast %broadcast_in_dim3A_299 : i32 to vector<16xi32>
          %select_n3A_301 = arith.select %and3A_297, %broadcast_in_dim3A_298, %broadcast_in_dim3A_300 : vector<16xi1>, vector<16xi32>
          tpu.vector_store_idx %arg17[%select_n3A_301], %gather3A : memref<2064xi32, #tpu.memory_space<vmem>>[vector<16xi32>], vector<16xi32>,
          tpu.vector_store_idx %arg18[%select_n3A_301], %add3A_172 : memref<2064xi32, #tpu.memory_space<vmem>>[vector<16xi32>], vector<16xi32>,
          %slice3A_302 = vector.extract_strided_slice %select_n3A_184 {offsets = [9], sizes = [1], strides = [1]} : vector<16xi32> to vector<1xi32>
          %squeeze3A_303 = vector.extract %slice3A_302[0] : i32 from vector<1xi32>
          %add3A_304 = arith.addi %add3A_292, %squeeze3A_303 : i32
          %iota3A_305 = tpu.iota {dimensions = array<i32: 0>} : vector<16xi32>
          %eq3A_306 = arith.constant 10 : i32
          %eq3A_307 = vector.broadcast %eq3A_306 : i32 to vector<16xi32>
          %eq3A_308 = arith.cmpi eq, %iota3A_305, %eq3A_307 : vector<16xi32>
          %and3A_309 = arith.andi %eq3A_308, %and3A_173 : vector<16xi1>
          %broadcast_in_dim3A_310 = vector.broadcast %add3A_304 : i32 to vector<16xi32>
          %broadcast_in_dim3A_311 = arith.constant 2048 : i32
          %broadcast_in_dim3A_312 = vector.broadcast %broadcast_in_dim3A_311 : i32 to vector<16xi32>
          %select_n3A_313 = arith.select %and3A_309, %broadcast_in_dim3A_310, %broadcast_in_dim3A_312 : vector<16xi1>, vector<16xi32>
          tpu.vector_store_idx %arg17[%select_n3A_313], %gather3A : memref<2064xi32, #tpu.memory_space<vmem>>[vector<16xi32>], vector<16xi32>,
          tpu.vector_store_idx %arg18[%select_n3A_313], %add3A_172 : memref<2064xi32, #tpu.memory_space<vmem>>[vector<16xi32>], vector<16xi32>,
          %slice3A_314 = vector.extract_strided_slice %select_n3A_184 {offsets = [10], sizes = [1], strides = [1]} : vector<16xi32> to vector<1xi32>
          %squeeze3A_315 = vector.extract %slice3A_314[0] : i32 from vector<1xi32>
          %add3A_316 = arith.addi %add3A_304, %squeeze3A_315 : i32
          %iota3A_317 = tpu.iota {dimensions = array<i32: 0>} : vector<16xi32>
          %eq3A_318 = arith.constant 11 : i32
          %eq3A_319 = vector.broadcast %eq3A_318 : i32 to vector<16xi32>
          %eq3A_320 = arith.cmpi eq, %iota3A_317, %eq3A_319 : vector<16xi32>
          %and3A_321 = arith.andi %eq3A_320, %and3A_173 : vector<16xi1>
          %broadcast_in_dim3A_322 = vector.broadcast %add3A_316 : i32 to vector<16xi32>
          %broadcast_in_dim3A_323 = arith.constant 2048 : i32
          %broadcast_in_dim3A_324 = vector.broadcast %broadcast_in_dim3A_323 : i32 to vector<16xi32>
          %select_n3A_325 = arith.select %and3A_321, %broadcast_in_dim3A_322, %broadcast_in_dim3A_324 : vector<16xi1>, vector<16xi32>
          tpu.vector_store_idx %arg17[%select_n3A_325], %gather3A : memref<2064xi32, #tpu.memory_space<vmem>>[vector<16xi32>], vector<16xi32>,
          tpu.vector_store_idx %arg18[%select_n3A_325], %add3A_172 : memref<2064xi32, #tpu.memory_space<vmem>>[vector<16xi32>], vector<16xi32>,
          %slice3A_326 = vector.extract_strided_slice %select_n3A_184 {offsets = [11], sizes = [1], strides = [1]} : vector<16xi32> to vector<1xi32>
          %squeeze3A_327 = vector.extract %slice3A_326[0] : i32 from vector<1xi32>
          %add3A_328 = arith.addi %add3A_316, %squeeze3A_327 : i32
          %iota3A_329 = tpu.iota {dimensions = array<i32: 0>} : vector<16xi32>
          %eq3A_330 = arith.constant 12 : i32
          %eq3A_331 = vector.broadcast %eq3A_330 : i32 to vector<16xi32>
          %eq3A_332 = arith.cmpi eq, %iota3A_329, %eq3A_331 : vector<16xi32>
          %and3A_333 = arith.andi %eq3A_332, %and3A_173 : vector<16xi1>
          %broadcast_in_dim3A_334 = vector.broadcast %add3A_328 : i32 to vector<16xi32>
          %broadcast_in_dim3A_335 = arith.constant 2048 : i32
          %broadcast_in_dim3A_336 = vector.broadcast %broadcast_in_dim3A_335 : i32 to vector<16xi32>
          %select_n3A_337 = arith.select %and3A_333, %broadcast_in_dim3A_334, %broadcast_in_dim3A_336 : vector<16xi1>, vector<16xi32>
          tpu.vector_store_idx %arg17[%select_n3A_337], %gather3A : memref<2064xi32, #tpu.memory_space<vmem>>[vector<16xi32>], vector<16xi32>,
          tpu.vector_store_idx %arg18[%select_n3A_337], %add3A_172 : memref<2064xi32, #tpu.memory_space<vmem>>[vector<16xi32>], vector<16xi32>,
          %slice3A_338 = vector.extract_strided_slice %select_n3A_184 {offsets = [12], sizes = [1], strides = [1]} : vector<16xi32> to vector<1xi32>
          %squeeze3A_339 = vector.extract %slice3A_338[0] : i32 from vector<1xi32>
          %add3A_340 = arith.addi %add3A_328, %squeeze3A_339 : i32
          %iota3A_341 = tpu.iota {dimensions = array<i32: 0>} : vector<16xi32>
          %eq3A_342 = arith.constant 13 : i32
          %eq3A_343 = vector.broadcast %eq3A_342 : i32 to vector<16xi32>
          %eq3A_344 = arith.cmpi eq, %iota3A_341, %eq3A_343 : vector<16xi32>
          %and3A_345 = arith.andi %eq3A_344, %and3A_173 : vector<16xi1>
          %broadcast_in_dim3A_346 = vector.broadcast %add3A_340 : i32 to vector<16xi32>
          %broadcast_in_dim3A_347 = arith.constant 2048 : i32
          %broadcast_in_dim3A_348 = vector.broadcast %broadcast_in_dim3A_347 : i32 to vector<16xi32>
          %select_n3A_349 = arith.select %and3A_345, %broadcast_in_dim3A_346, %broadcast_in_dim3A_348 : vector<16xi1>, vector<16xi32>
          tpu.vector_store_idx %arg17[%select_n3A_349], %gather3A : memref<2064xi32, #tpu.memory_space<vmem>>[vector<16xi32>], vector<16xi32>,
          tpu.vector_store_idx %arg18[%select_n3A_349], %add3A_172 : memref<2064xi32, #tpu.memory_space<vmem>>[vector<16xi32>], vector<16xi32>,
          %slice3A_350 = vector.extract_strided_slice %select_n3A_184 {offsets = [13], sizes = [1], strides = [1]} : vector<16xi32> to vector<1xi32>
          %squeeze3A_351 = vector.extract %slice3A_350[0] : i32 from vector<1xi32>
          %add3A_352 = arith.addi %add3A_340, %squeeze3A_351 : i32
          %iota3A_353 = tpu.iota {dimensions = array<i32: 0>} : vector<16xi32>
          %eq3A_354 = arith.constant 14 : i32
          %eq3A_355 = vector.broadcast %eq3A_354 : i32 to vector<16xi32>
          %eq3A_356 = arith.cmpi eq, %iota3A_353, %eq3A_355 : vector<16xi32>
          %and3A_357 = arith.andi %eq3A_356, %and3A_173 : vector<16xi1>
          %broadcast_in_dim3A_358 = vector.broadcast %add3A_352 : i32 to vector<16xi32>
          %broadcast_in_dim3A_359 = arith.constant 2048 : i32
          %broadcast_in_dim3A_360 = vector.broadcast %broadcast_in_dim3A_359 : i32 to vector<16xi32>
          %select_n3A_361 = arith.select %and3A_357, %broadcast_in_dim3A_358, %broadcast_in_dim3A_360 : vector<16xi1>, vector<16xi32>
          tpu.vector_store_idx %arg17[%select_n3A_361], %gather3A : memref<2064xi32, #tpu.memory_space<vmem>>[vector<16xi32>], vector<16xi32>,
          tpu.vector_store_idx %arg18[%select_n3A_361], %add3A_172 : memref<2064xi32, #tpu.memory_space<vmem>>[vector<16xi32>], vector<16xi32>,
          %slice3A_362 = vector.extract_strided_slice %select_n3A_184 {offsets = [14], sizes = [1], strides = [1]} : vector<16xi32> to vector<1xi32>
          %squeeze3A_363 = vector.extract %slice3A_362[0] : i32 from vector<1xi32>
          %add3A_364 = arith.addi %add3A_352, %squeeze3A_363 : i32
          %iota3A_365 = tpu.iota {dimensions = array<i32: 0>} : vector<16xi32>
          %eq3A_366 = arith.constant 15 : i32
          %eq3A_367 = vector.broadcast %eq3A_366 : i32 to vector<16xi32>
          %eq3A_368 = arith.cmpi eq, %iota3A_365, %eq3A_367 : vector<16xi32>
          %and3A_369 = arith.andi %eq3A_368, %and3A_173 : vector<16xi1>
          %broadcast_in_dim3A_370 = vector.broadcast %add3A_364 : i32 to vector<16xi32>
          %broadcast_in_dim3A_371 = arith.constant 2048 : i32
          %broadcast_in_dim3A_372 = vector.broadcast %broadcast_in_dim3A_371 : i32 to vector<16xi32>
          %select_n3A_373 = arith.select %and3A_369, %broadcast_in_dim3A_370, %broadcast_in_dim3A_372 : vector<16xi1>, vector<16xi32>
          tpu.vector_store_idx %arg17[%select_n3A_373], %gather3A : memref<2064xi32, #tpu.memory_space<vmem>>[vector<16xi32>], vector<16xi32>,
          tpu.vector_store_idx %arg18[%select_n3A_373], %add3A_172 : memref<2064xi32, #tpu.memory_space<vmem>>[vector<16xi32>], vector<16xi32>,
          %slice3A_374 = vector.extract_strided_slice %select_n3A_184 {offsets = [15], sizes = [1], strides = [1]} : vector<16xi32> to vector<1xi32>
          %squeeze3A_375 = vector.extract %slice3A_374[0] : i32 from vector<1xi32>
          %add3A_376 = arith.addi %add3A_364, %squeeze3A_375 : i32
          %ge3A = arith.constant 2048 : i32
          %ge3A_377 = arith.cmpi sge, %add3A_376, %ge3A : i32
          %convert_element_type3A_378 = arith.extui %ge3A_377 : i1 to i32
          %cond3A_379 = arith.constant 0 : i32
          %cond3A_380 = arith.cmpi ne, %convert_element_type3A_378, %cond3A_379 : i32
          %cond3A_381:2 = scf.if %cond3A_380 -> (i32, i32) {
            %mul3A_382 = arith.constant 2048 : i32
            %mul3A_383 = arith.muli %scan3A_145, %mul3A_382 : i32
            %run_scoped3A = arith.constant 0 : i32
            "tpu.region"() ({
              %run_scoped3A_390 = tpu.sem_alloc : memref<!tpu.dma_semaphore, #tpu.memory_space<semaphore_mem>>
              %dma_start3A_391 = arith.constant 0 : i32
              %dma_start3A_392 = tpu.memref_slice %arg17[%dma_start3A_391] : memref<2064xi32, #tpu.memory_space<vmem>> -> memref<2048xi32, #tpu.memory_space<vmem>>
              %dma_start3A_393 = tpu.memref_slice %arg6[%run_scoped3A, %mul3A_383] : memref<2x32768xi32, #tpu.memory_space<hbm>> -> memref<1x2048xi32, #tpu.memory_space<hbm>>
              %dma_start3A_394 = tpu.memref_squeeze %dma_start3A_393 : memref<1x2048xi32, #tpu.memory_space<hbm>> -> memref<2048xi32, #tpu.memory_space<hbm>>
              %dma_start3A_395 = tpu.memref_slice %arg6[%run_scoped3A, %mul3A_383] : memref<2x32768xi32, #tpu.memory_space<hbm>> -> memref<1x2048xi32, #tpu.memory_space<hbm>>
              %dma_start3A_396 = tpu.memref_squeeze %dma_start3A_395 : memref<1x2048xi32, #tpu.memory_space<hbm>> -> memref<2048xi32, #tpu.memory_space<hbm>>
              %dma_start3A_397 = arith.constant 0 : i32
              %dma_start3A_398 = tpu.memref_slice %arg17[%dma_start3A_397] : memref<2064xi32, #tpu.memory_space<vmem>> -> memref<2048xi32, #tpu.memory_space<vmem>>
              tpu.enqueue_dma source(%dma_start3A_398 : memref<2048xi32, #tpu.memory_space<vmem>>) target(%dma_start3A_396 : memref<2048xi32, #tpu.memory_space<hbm>>) target_semaphore(%run_scoped3A_390 : memref<!tpu.dma_semaphore, #tpu.memory_space<semaphore_mem>>)
              %dma_wait3A = arith.constant 0 : i32
              %dma_wait3A_399 = tpu.memref_slice %arg17[%dma_wait3A] : memref<2064xi32, #tpu.memory_space<vmem>> -> memref<2048xi32, #tpu.memory_space<vmem>>
              %dma_wait3A_400 = tpu.memref_slice %arg6[%run_scoped3A, %mul3A_383] : memref<2x32768xi32, #tpu.memory_space<hbm>> -> memref<1x2048xi32, #tpu.memory_space<hbm>>
              %dma_wait3A_401 = tpu.memref_squeeze %dma_wait3A_400 : memref<1x2048xi32, #tpu.memory_space<hbm>> -> memref<2048xi32, #tpu.memory_space<hbm>>
              %dma_wait3A_402 = tpu.memref_slice %arg6[%run_scoped3A, %mul3A_383] : memref<2x32768xi32, #tpu.memory_space<hbm>> -> memref<1x2048xi32, #tpu.memory_space<hbm>>
              %dma_wait3A_403 = tpu.memref_squeeze %dma_wait3A_402 : memref<1x2048xi32, #tpu.memory_space<hbm>> -> memref<2048xi32, #tpu.memory_space<hbm>>
              %dma_wait3A_404 = arith.constant 0 : i32
              %dma_wait3A_405 = tpu.memref_slice %arg17[%dma_wait3A_404] : memref<2064xi32, #tpu.memory_space<vmem>> -> memref<2048xi32, #tpu.memory_space<vmem>>
              tpu.wait_dma2 semaphore(%run_scoped3A_390 : memref<!tpu.dma_semaphore, #tpu.memory_space<semaphore_mem>>) src(%dma_wait3A_405 : memref<2048xi32, #tpu.memory_space<vmem>>) dst(%dma_wait3A_403 : memref<2048xi32, #tpu.memory_space<hbm>>)
              tpu.yield
            }) : () -> ()
            %mul3A_384 = arith.constant 2048 : i32
            %mul3A_385 = arith.muli %scan3A_145, %mul3A_384 : i32
            %run_scoped3A_386 = arith.constant 1 : i32
            "tpu.region"() ({
              %run_scoped3A_390 = tpu.sem_alloc : memref<!tpu.dma_semaphore, #tpu.memory_space<semaphore_mem>>
              %dma_start3A_391 = arith.constant 0 : i32
              %dma_start3A_392 = tpu.memref_slice %arg18[%dma_start3A_391] : memref<2064xi32, #tpu.memory_space<vmem>> -> memref<2048xi32, #tpu.memory_space<vmem>>
              %dma_start3A_393 = tpu.memref_slice %arg6[%run_scoped3A_386, %mul3A_385] : memref<2x32768xi32, #tpu.memory_space<hbm>> -> memref<1x2048xi32, #tpu.memory_space<hbm>>
              %dma_start3A_394 = tpu.memref_squeeze %dma_start3A_393 : memref<1x2048xi32, #tpu.memory_space<hbm>> -> memref<2048xi32, #tpu.memory_space<hbm>>
              %dma_start3A_395 = tpu.memref_slice %arg6[%run_scoped3A_386, %mul3A_385] : memref<2x32768xi32, #tpu.memory_space<hbm>> -> memref<1x2048xi32, #tpu.memory_space<hbm>>
              %dma_start3A_396 = tpu.memref_squeeze %dma_start3A_395 : memref<1x2048xi32, #tpu.memory_space<hbm>> -> memref<2048xi32, #tpu.memory_space<hbm>>
              %dma_start3A_397 = arith.constant 0 : i32
              %dma_start3A_398 = tpu.memref_slice %arg18[%dma_start3A_397] : memref<2064xi32, #tpu.memory_space<vmem>> -> memref<2048xi32, #tpu.memory_space<vmem>>
              tpu.enqueue_dma source(%dma_start3A_398 : memref<2048xi32, #tpu.memory_space<vmem>>) target(%dma_start3A_396 : memref<2048xi32, #tpu.memory_space<hbm>>) target_semaphore(%run_scoped3A_390 : memref<!tpu.dma_semaphore, #tpu.memory_space<semaphore_mem>>)
              %dma_wait3A = arith.constant 0 : i32
              %dma_wait3A_399 = tpu.memref_slice %arg18[%dma_wait3A] : memref<2064xi32, #tpu.memory_space<vmem>> -> memref<2048xi32, #tpu.memory_space<vmem>>
              %dma_wait3A_400 = tpu.memref_slice %arg6[%run_scoped3A_386, %mul3A_385] : memref<2x32768xi32, #tpu.memory_space<hbm>> -> memref<1x2048xi32, #tpu.memory_space<hbm>>
              %dma_wait3A_401 = tpu.memref_squeeze %dma_wait3A_400 : memref<1x2048xi32, #tpu.memory_space<hbm>> -> memref<2048xi32, #tpu.memory_space<hbm>>
              %dma_wait3A_402 = tpu.memref_slice %arg6[%run_scoped3A_386, %mul3A_385] : memref<2x32768xi32, #tpu.memory_space<hbm>> -> memref<1x2048xi32, #tpu.memory_space<hbm>>
              %dma_wait3A_403 = tpu.memref_squeeze %dma_wait3A_402 : memref<1x2048xi32, #tpu.memory_space<hbm>> -> memref<2048xi32, #tpu.memory_space<hbm>>
              %dma_wait3A_404 = arith.constant 0 : i32
              %dma_wait3A_405 = tpu.memref_slice %arg18[%dma_wait3A_404] : memref<2064xi32, #tpu.memory_space<vmem>> -> memref<2048xi32, #tpu.memory_space<vmem>>
              tpu.wait_dma2 semaphore(%run_scoped3A_390 : memref<!tpu.dma_semaphore, #tpu.memory_space<semaphore_mem>>) src(%dma_wait3A_405 : memref<2048xi32, #tpu.memory_space<vmem>>) dst(%dma_wait3A_403 : memref<2048xi32, #tpu.memory_space<hbm>>)
              tpu.yield
            }) : () -> ()
            %add3A_387 = arith.constant 1 : i32
            %add3A_388 = arith.addi %scan3A_145, %add3A_387 : i32
            %cond3A_389 = arith.constant 0 : i32
            scf.yield %cond3A_389, %add3A_388 : i32, i32
          } else {
            scf.yield %add3A_376, %scan3A_145 : i32, i32
          }
          scf.yield %cond3A_381#0, %cond3A_381#1 : i32, i32
        } else {
          scf.yield %scan3A_144, %scan3A_145 : i32, i32
        }
        scf.yield %cond3A_179#0, %cond3A_179#1 : i32, i32
      }
      %scan3A_142 = arith.constant 128 : i32
      scf.yield %scan3A_141#0, %scan3A_141#1 : i32, i32
    }
    %scan3A_24 = arith.constant 16 : i32
    %sub3A = arith.constant 3905 : i32
    %sub3A_25 = arith.subi %sub3A, %add3A : i32
    %shift_right_logical3A = arith.constant 5 : i32
    %shift_right_logical3A_26 = arith.shrui %sub3A_25, %shift_right_logical3A : i32
    %add3A_27 = arith.constant 1 : i32
    %add3A_28 = arith.addi %shift_right_logical3A_26, %add3A_27 : i32
    %add3A_29 = arith.constant 1 : i32
    %add3A_30 = arith.addi %add3A_28, %add3A_29 : i32
    %shift_right_logical3A_31 = arith.constant 1 : i32
    %shift_right_logical3A_32 = arith.shrui %add3A_30, %shift_right_logical3A_31 : i32
    %add3A_33 = arith.constant 3 : i32
    %add3A_34 = arith.addi %add3A_28, %add3A_33 : i32
    %shift_right_logical3A_35 = arith.constant 2 : i32
    %shift_right_logical3A_36 = arith.shrui %add3A_34, %shift_right_logical3A_35 : i32
    %gt3A = arith.constant 0 : i32
    %gt3A_37 = arith.cmpi sgt, %add3A_28, %gt3A : i32
    %jit3A = arith.constant 0 : i32
    %jit3A_38 = arith.constant 0 : i32
    %select_n3A = arith.select %gt3A_37, %jit3A, %jit3A_38 : i32
    %mul3A_39 = arith.constant 32 : i32
    %mul3A_40 = arith.muli %select_n3A, %mul3A_39 : i32
    %add3A_41 = arith.addi %add3A, %mul3A_40 : i32
    %mul3A_42 = arith.constant 256 : i32
    %mul3A_43 = arith.muli %add3A_41, %mul3A_42 : i32
    %multiple_of3A = tpu.assume_multiple %mul3A_43, 128 : i32
    %dma_start3A = arith.constant 0 : i32
    %dma_start3A_44 = tpu.memref_slice %arg3[%dma_start3A, %multiple_of3A] : memref<64x1000000xf32, #tpu.memory_space<hbm>> -> memref<64x256xf32, #tpu.memory_space<hbm>>
    %dma_start3A_45 = arith.constant 0 : i32
    %dma_start3A_46 = tpu.memref_slice %arg3[%dma_start3A_45, %multiple_of3A] : memref<64x1000000xf32, #tpu.memory_space<hbm>> -> memref<64x256xf32, #tpu.memory_space<hbm>>
    tpu.enqueue_dma source(%dma_start3A_46 : memref<64x256xf32, #tpu.memory_space<hbm>>) target(%arg9 : memref<64x256xf32, #tpu.memory_space<vmem>>) target_semaphore(%arg20 : memref<!tpu.dma_semaphore, #tpu.memory_space<semaphore_mem>>)
    %gt3A_47 = arith.constant 1 : i32
    %gt3A_48 = arith.cmpi sgt, %add3A_28, %gt3A_47 : i32
    %jit3A_49 = arith.constant 1 : i32
    %jit3A_50 = arith.constant 0 : i32
    %select_n3A_51 = arith.select %gt3A_48, %jit3A_49, %jit3A_50 : i32
    %mul3A_52 = arith.constant 32 : i32
    %mul3A_53 = arith.muli %select_n3A_51, %mul3A_52 : i32
    %add3A_54 = arith.addi %add3A, %mul3A_53 : i32
    %mul3A_55 = arith.constant 256 : i32
    %mul3A_56 = arith.muli %add3A_54, %mul3A_55 : i32
    %multiple_of3A_57 = tpu.assume_multiple %mul3A_56, 128 : i32
    %dma_start3A_58 = arith.constant 0 : i32
    %dma_start3A_59 = tpu.memref_slice %arg3[%dma_start3A_58, %multiple_of3A_57] : memref<64x1000000xf32, #tpu.memory_space<hbm>> -> memref<64x256xf32, #tpu.memory_space<hbm>>
    %dma_start3A_60 = arith.constant 0 : i32
    %dma_start3A_61 = tpu.memref_slice %arg3[%dma_start3A_60, %multiple_of3A_57] : memref<64x1000000xf32, #tpu.memory_space<hbm>> -> memref<64x256xf32, #tpu.memory_space<hbm>>
    tpu.enqueue_dma source(%dma_start3A_61 : memref<64x256xf32, #tpu.memory_space<hbm>>) target(%arg10 : memref<64x256xf32, #tpu.memory_space<vmem>>) target_semaphore(%arg21 : memref<!tpu.dma_semaphore, #tpu.memory_space<semaphore_mem>>)
    %gt3A_62 = arith.constant 2 : i32
    %gt3A_63 = arith.cmpi sgt, %add3A_28, %gt3A_62 : i32
    %jit3A_64 = arith.constant 2 : i32
    %jit3A_65 = arith.constant 0 : i32
    %select_n3A_66 = arith.select %gt3A_63, %jit3A_64, %jit3A_65 : i32
    %mul3A_67 = arith.constant 32 : i32
    %mul3A_68 = arith.muli %select_n3A_66, %mul3A_67 : i32
    %add3A_69 = arith.addi %add3A, %mul3A_68 : i32
    %mul3A_70 = arith.constant 256 : i32
    %mul3A_71 = arith.muli %add3A_69, %mul3A_70 : i32
    %multiple_of3A_72 = tpu.assume_multiple %mul3A_71, 128 : i32
    %dma_start3A_73 = arith.constant 0 : i32
    %dma_start3A_74 = tpu.memref_slice %arg3[%dma_start3A_73, %multiple_of3A_72] : memref<64x1000000xf32, #tpu.memory_space<hbm>> -> memref<64x256xf32, #tpu.memory_space<hbm>>
    %dma_start3A_75 = arith.constant 0 : i32
    %dma_start3A_76 = tpu.memref_slice %arg3[%dma_start3A_75, %multiple_of3A_72] : memref<64x1000000xf32, #tpu.memory_space<hbm>> -> memref<64x256xf32, #tpu.memory_space<hbm>>
    tpu.enqueue_dma source(%dma_start3A_76 : memref<64x256xf32, #tpu.memory_space<hbm>>) target(%arg11 : memref<64x256xf32, #tpu.memory_space<vmem>>) target_semaphore(%arg22 : memref<!tpu.dma_semaphore, #tpu.memory_space<semaphore_mem>>)
    %gt3A_77 = arith.constant 3 : i32
    %gt3A_78 = arith.cmpi sgt, %add3A_28, %gt3A_77 : i32
    %jit3A_79 = arith.constant 3 : i32
    %jit3A_80 = arith.constant 0 : i32
    %select_n3A_81 = arith.select %gt3A_78, %jit3A_79, %jit3A_80 : i32
    %mul3A_82 = arith.constant 32 : i32
    %mul3A_83 = arith.muli %select_n3A_81, %mul3A_82 : i32
    %add3A_84 = arith.addi %add3A, %mul3A_83 : i32
    %mul3A_85 = arith.constant 256 : i32
    %mul3A_86 = arith.muli %add3A_84, %mul3A_85 : i32
    %multiple_of3A_87 = tpu.assume_multiple %mul3A_86, 128 : i32
    %dma_start3A_88 = arith.constant 0 : i32
    %dma_start3A_89 = tpu.memref_slice %arg3[%dma_start3A_88, %multiple_of3A_87] : memref<64x1000000xf32, #tpu.memory_space<hbm>> -> memref<64x256xf32, #tpu.memory_space<hbm>>
    %dma_start3A_90 = arith.constant 0 : i32
    %dma_start3A_91 = tpu.memref_slice %arg3[%dma_start3A_90, %multiple_of3A_87] : memref<64x1000000xf32, #tpu.memory_space<hbm>> -> memref<64x256xf32, #tpu.memory_space<hbm>>
    tpu.enqueue_dma source(%dma_start3A_91 : memref<64x256xf32, #tpu.memory_space<hbm>>) target(%arg12 : memref<64x256xf32, #tpu.memory_space<vmem>>) target_semaphore(%arg23 : memref<!tpu.dma_semaphore, #tpu.memory_space<semaphore_mem>>)
    %while3A = arith.constant 0 : i32
    %while3A_92 = arith.constant 0 : i32
    %while3A_93 = arith.subi %shift_right_logical3A_36, %while3A_92 : i32
    %while3A_94 = arith.addi %while3A_92, %while3A_93 : i32
    %while3A_95 = arith.constant 1 : i32
    %while3A_96 = arith.divsi %while3A_93, %while3A_95 : i32
    %while3A_97 = arith.muli %while3A_96, %while3A_95 : i32
    %while3A_98 = arith.addi %while3A_92, %while3A_97 : i32
    %while3A_99 = arith.constant 1 : i32
    scf.for %while3A_132 = %while3A_92 to %while3A_98 step %while3A_99  : i32 {
      %mul3A_133 = arith.constant 4 : i32
      %mul3A_134 = arith.muli %mul3A_133, %while3A_132 : i32
      %dma_wait3A = arith.constant 0 : i32
      %dma_wait3A_135 = arith.constant 0 : i32
      %dma_wait3A_136 = tpu.memref_slice %arg3[%dma_wait3A, %dma_wait3A_135] : memref<64x1000000xf32, #tpu.memory_space<hbm>> -> memref<64x256xf32, #tpu.memory_space<hbm>>
      %dma_wait3A_137 = arith.constant 0 : i32
      %dma_wait3A_138 = arith.constant 0 : i32
      %dma_wait3A_139 = tpu.memref_slice %arg3[%dma_wait3A_137, %dma_wait3A_138] : memref<64x1000000xf32, #tpu.memory_space<hbm>> -> memref<64x256xf32, #tpu.memory_space<hbm>>
      tpu.wait_dma2 semaphore(%arg20 : memref<!tpu.dma_semaphore, #tpu.memory_space<semaphore_mem>>) src(%dma_wait3A_139 : memref<64x256xf32, #tpu.memory_space<hbm>>) dst(%arg9 : memref<64x256xf32, #tpu.memory_space<vmem>>)
      %add3A_140 = arith.constant 0 : i32
      %add3A_141 = arith.addi %mul3A_134, %add3A_140 : i32
      %lt3A = arith.cmpi slt, %add3A_141, %add3A_28 : i32
      %convert_element_type3A_142 = arith.extui %lt3A : i1 to i32
      %cond3A_143 = arith.constant 0 : i32
      %cond3A_144 = arith.cmpi ne, %convert_element_type3A_142, %cond3A_143 : i32
      scf.if %cond3A_144 {
        %add3A_205 = arith.constant 0 : i32
        %add3A_206 = arith.addi %mul3A_134, %add3A_205 : i32
        %scan3A_207 = arith.constant 0 : i32
        %scan3A_208 = arith.constant 0 : i32
        %scan3A_209 = arith.constant 16 : i32
        %scan3A_210 = arith.addi %scan3A_208, %scan3A_209 : i32
        %scan3A_211 = arith.constant 1 : i32
        scf.for %scan3A_213 = %scan3A_208 to %scan3A_210 step %scan3A_211  : i32 {
          %shift_left3A = arith.constant 8 : i32
          %shift_left3A_214 = arith.shli %add3A_206, %shift_left3A : i32
          %mul3A_215 = arith.constant 16 : i32
          %mul3A_216 = arith.muli %scan3A_213, %mul3A_215 : i32
          %add3A_217 = arith.addi %shift_left3A_214, %mul3A_216 : i32
          %get3A = arith.index_cast %add3A_217 : i32 to index
          %get3A_218 = tpu.vector_load %arg7[%get3A] {strides = array<i32>} : memref<31504xi32, #tpu.memory_space<vmem>>, vector<16xi32>,
          %ge3A = arith.constant 0 : i32
          %ge3A_219 = vector.broadcast %ge3A : i32 to vector<16xi32>
          %ge3A_220 = arith.cmpi sge, %get3A_218, %ge3A_219 : vector<16xi32>
          %all_reduce_population_count3A = tpu.all_reduce %ge3A_220 {dim = 0 : i64, kind = #tpu.reduction_kind<sum>} : vector<16xi1> -> vector<16xi32>
          %slice3A = vector.extract_strided_slice %all_reduce_population_count3A {offsets = [0], sizes = [1], strides = [1]} : vector<16xi32> to vector<1xi32>
          %squeeze3A = vector.extract %slice3A[0] : i32 from vector<1xi32>
          %gt3A_221 = arith.constant 0 : i32
          %gt3A_222 = arith.cmpi sgt, %squeeze3A, %gt3A_221 : i32
          %convert_element_type3A_223 = arith.extui %gt3A_222 : i1 to i32
          %cond3A_224 = arith.constant 0 : i32
          %cond3A_225 = arith.cmpi ne, %convert_element_type3A_223, %cond3A_224 : i32
          scf.if %cond3A_225 {
            %iota3A = tpu.iota {dimensions = array<i32: 0>} : vector<16xi32>
            %mul3A_226 = arith.constant 16 : i32
            %mul3A_227 = arith.muli %scan3A_213, %mul3A_226 : i32
            %add3A_228 = vector.broadcast %mul3A_227 : i32 to vector<16xi32>
            %add3A_229 = arith.addi %iota3A, %add3A_228 : vector<16xi32>
            %swap3A_230 = arith.constant 0 : index
            %swap3A_231 = tpu.vector_load %arg13[%swap3A_230] masked %ge3A_220 {strides = array<i32>} : memref<32xi32, #tpu.memory_space<vmem>>, vector<16xi32>, vector<16xi1>
            tpu.vector_store %arg13[%swap3A_230], %add3A_229 masked %ge3A_220 {strides = array<i32>} : memref<32xi32, #tpu.memory_space<vmem>>, vector<16xi32>, vector<16xi1>
            %swap3A_232 = arith.constant 0 : index
            %swap3A_233 = tpu.vector_load %arg14[%swap3A_232] masked %ge3A_220 {strides = array<i32>} : memref<32xi32, #tpu.memory_space<vmem>>, vector<16xi32>, vector<16xi1>
            tpu.vector_store %arg14[%swap3A_232], %get3A_218 masked %ge3A_220 {strides = array<i32>} : memref<32xi32, #tpu.memory_space<vmem>>, vector<16xi32>, vector<16xi1>
            %while3A_234 = arith.constant 0 : i32
            %while3A_235 = arith.constant 0 : i32
            %while3A_236 = arith.subi %squeeze3A, %while3A_235 : i32
            %while3A_237 = arith.addi %while3A_235, %while3A_236 : i32
            %while3A_238 = arith.constant 1 : i32
            %while3A_239 = arith.divsi %while3A_236, %while3A_238 : i32
            %while3A_240 = arith.muli %while3A_239, %while3A_238 : i32
            %while3A_241 = arith.addi %while3A_235, %while3A_240 : i32
            %while3A_242 = arith.constant 1 : i32
            scf.for %while3A_244 = %while3A_235 to %while3A_241 step %while3A_242  : i32 {
              %get3A_245 = arith.index_cast %while3A_244 : i32 to index
              %get3A_246 = tpu.vector_load %arg13[%get3A_245] {strides = array<i32>} : memref<32xi32, #tpu.memory_space<vmem>>, vector<16xi32>,
              %slice3A_247 = vector.extract_strided_slice %get3A_246 {offsets = [0], sizes = [1], strides = [1]} : vector<16xi32> to vector<1xi32>
              %squeeze3A_248 = vector.extract %slice3A_247[0] : i32 from vector<1xi32>
              %get3A_249 = arith.index_cast %while3A_244 : i32 to index
              %get3A_250 = tpu.vector_load %arg14[%get3A_249] {strides = array<i32>} : memref<32xi32, #tpu.memory_space<vmem>>, vector<16xi32>,
              %slice3A_251 = vector.extract_strided_slice %get3A_250 {offsets = [0], sizes = [1], strides = [1]} : vector<16xi32> to vector<1xi32>
              %squeeze3A_252 = vector.extract %slice3A_251[0] : i32 from vector<1xi32>
              %get3A_253 = arith.constant 0 : i32
              %get3A_254 = arith.index_cast %get3A_253 : i32 to index
              %get3A_255 = memref.load %arg19[%get3A_254] : memref<1xi32, #tpu.memory_space<smem>>
              %eq3A_256 = arith.constant 8 : i32
              %eq3A_257 = arith.cmpi eq, %get3A_255, %eq3A_256 : i32
              %convert_element_type3A_258 = arith.extui %eq3A_257 : i1 to i32
              %cond3A_259 = arith.constant 0 : i32
              %cond3A_260 = arith.cmpi ne, %convert_element_type3A_258, %cond3A_259 : i32
              scf.if %cond3A_260 {
                %dma_wait3A_320 = arith.constant 0 : i32
                %dma_wait3A_321 = arith.constant 0 : i32
                %dma_wait3A_322 = tpu.memref_slice %arg5[%dma_wait3A_320, %dma_wait3A_321] : memref<32768x64xf32, #tpu.memory_space<hbm>> -> memref<8x64xf32, #tpu.memory_space<hbm>>
                %dma_wait3A_323 = arith.constant 0 : i32
                %dma_wait3A_324 = arith.constant 0 : i32
                %dma_wait3A_325 = tpu.memref_slice %arg5[%dma_wait3A_323, %dma_wait3A_324] : memref<32768x64xf32, #tpu.memory_space<hbm>> -> memref<8x64xf32, #tpu.memory_space<hbm>>
                tpu.wait_dma2 semaphore(%arg24 : memref<!tpu.dma_semaphore, #tpu.memory_space<semaphore_mem>>) src(%arg15 : memref<8x64xf32, #tpu.memory_space<vmem>>) dst(%dma_wait3A_325 : memref<8x64xf32, #tpu.memory_space<hbm>>)
              } else {
              }
              %eq3A_261 = arith.constant 8 : i32
              %eq3A_262 = arith.cmpi eq, %get3A_255, %eq3A_261 : i32
              %jit3A_263 = arith.constant 0 : i32
              %select_n3A_264 = arith.select %eq3A_262, %jit3A_263, %get3A_255 : i32
              %broadcast_in_dim3A = vector.broadcast %squeeze3A_248 : i32 to vector<16xi32>
              %iota3A_265 = tpu.iota {dimensions = array<i32: 0>} : vector<16xi32>
              %add3A_266 = arith.constant 0 : i32
              %add3A_267 = vector.broadcast %add3A_266 : i32 to vector<16xi32>
              %add3A_268 = arith.addi %iota3A_265, %add3A_267 : vector<16xi32>
              %gather3A = tpu.vector_load_idx %arg9[%add3A_268, %broadcast_in_dim3A] : memref<64x256xf32, #tpu.memory_space<vmem>>[vector<16xi32>, vector<16xi32>], vector<16xf32>,
              %swap3A_269 = arith.index_cast %select_n3A_264 : i32 to index
              %swap3A_270 = arith.constant 0 : index
              %swap3A_271 = tpu.vector_load %arg15[%swap3A_269, %swap3A_270] {strides = array<i32>} : memref<8x64xf32, #tpu.memory_space<vmem>>, vector<16xf32>,
              tpu.vector_store %arg15[%swap3A_269, %swap3A_270], %gather3A {strides = array<i32>} : memref<8x64xf32, #tpu.memory_space<vmem>>, vector<16xf32>,
              %iota3A_272 = tpu.iota {dimensions = array<i32: 0>} : vector<16xi32>
              %add3A_273 = arith.constant 16 : i32
              %add3A_274 = vector.broadcast %add3A_273 : i32 to vector<16xi32>
              %add3A_275 = arith.addi %iota3A_272, %add3A_274 : vector<16xi32>
              %gather3A_276 = tpu.vector_load_idx %arg9[%add3A_275, %broadcast_in_dim3A] : memref<64x256xf32, #tpu.memory_space<vmem>>[vector<16xi32>, vector<16xi32>], vector<16xf32>,
              %swap3A_277 = arith.index_cast %select_n3A_264 : i32 to index
              %swap3A_278 = arith.constant 16 : index
              %swap3A_279 = tpu.vector_load %arg15[%swap3A_277, %swap3A_278] {strides = array<i32>} : memref<8x64xf32, #tpu.memory_space<vmem>>, vector<16xf32>,
              tpu.vector_store %arg15[%swap3A_277, %swap3A_278], %gather3A_276 {strides = array<i32>} : memref<8x64xf32, #tpu.memory_space<vmem>>, vector<16xf32>,
              %iota3A_280 = tpu.iota {dimensions = array<i32: 0>} : vector<16xi32>
              %add3A_281 = arith.constant 32 : i32
              %add3A_282 = vector.broadcast %add3A_281 : i32 to vector<16xi32>
              %add3A_283 = arith.addi %iota3A_280, %add3A_282 : vector<16xi32>
              %gather3A_284 = tpu.vector_load_idx %arg9[%add3A_283, %broadcast_in_dim3A] : memref<64x256xf32, #tpu.memory_space<vmem>>[vector<16xi32>, vector<16xi32>], vector<16xf32>,
              %swap3A_285 = arith.index_cast %select_n3A_264 : i32 to index
              %swap3A_286 = arith.constant 32 : index
              %swap3A_287 = tpu.vector_load %arg15[%swap3A_285, %swap3A_286] {strides = array<i32>} : memref<8x64xf32, #tpu.memory_space<vmem>>, vector<16xf32>,
              tpu.vector_store %arg15[%swap3A_285, %swap3A_286], %gather3A_284 {strides = array<i32>} : memref<8x64xf32, #tpu.memory_space<vmem>>, vector<16xf32>,
              %iota3A_288 = tpu.iota {dimensions = array<i32: 0>} : vector<16xi32>
              %add3A_289 = arith.constant 48 : i32
              %add3A_290 = vector.broadcast %add3A_289 : i32 to vector<16xi32>
              %add3A_291 = arith.addi %iota3A_288, %add3A_290 : vector<16xi32>
              %gather3A_292 = tpu.vector_load_idx %arg9[%add3A_291, %broadcast_in_dim3A] : memref<64x256xf32, #tpu.memory_space<vmem>>[vector<16xi32>, vector<16xi32>], vector<16xf32>,
              %swap3A_293 = arith.index_cast %select_n3A_264 : i32 to index
              %swap3A_294 = arith.constant 48 : index
              %swap3A_295 = tpu.vector_load %arg15[%swap3A_293, %swap3A_294] {strides = array<i32>} : memref<8x64xf32, #tpu.memory_space<vmem>>, vector<16xf32>,
              tpu.vector_store %arg15[%swap3A_293, %swap3A_294], %gather3A_292 {strides = array<i32>} : memref<8x64xf32, #tpu.memory_space<vmem>>, vector<16xf32>,
              %get3A_296 = arith.constant 0 : i32
              %get3A_297 = arith.index_cast %get3A_296 : i32 to index
              %get3A_298 = memref.load %arg19[%get3A_297] : memref<1xi32, #tpu.memory_space<smem>>
              %eq3A_299 = arith.constant 8 : i32
              %eq3A_300 = arith.cmpi eq, %get3A_298, %eq3A_299 : i32
              %jit3A_301 = arith.constant 0 : i32
              %select_n3A_302 = arith.select %eq3A_300, %jit3A_301, %get3A_298 : i32
              %dma_start3A_303 = arith.constant 0 : i32
              %dma_start3A_304 = tpu.memref_slice %arg15[%select_n3A_302, %dma_start3A_303] : memref<8x64xf32, #tpu.memory_space<vmem>> -> memref<1x64xf32, #tpu.memory_space<vmem>>
              %dma_start3A_305 = arith.constant 0 : i32
              %dma_start3A_306 = tpu.memref_slice %arg5[%squeeze3A_252, %dma_start3A_305] : memref<32768x64xf32, #tpu.memory_space<hbm>> -> memref<1x64xf32, #tpu.memory_space<hbm>>
              %dma_start3A_307 = arith.constant 0 : i32
              %dma_start3A_308 = tpu.memref_slice %arg5[%squeeze3A_252, %dma_start3A_307] : memref<32768x64xf32, #tpu.memory_space<hbm>> -> memref<1x64xf32, #tpu.memory_space<hbm>>
              %dma_start3A_309 = arith.constant 0 : i32
              %dma_start3A_310 = tpu.memref_slice %arg15[%select_n3A_302, %dma_start3A_309] : memref<8x64xf32, #tpu.memory_space<vmem>> -> memref<1x64xf32, #tpu.memory_space<vmem>>
              tpu.enqueue_dma source(%dma_start3A_310 : memref<1x64xf32, #tpu.memory_space<vmem>>) target(%dma_start3A_308 : memref<1x64xf32, #tpu.memory_space<hbm>>) target_semaphore(%arg24 : memref<!tpu.dma_semaphore, #tpu.memory_space<semaphore_mem>>)
              %eq3A_311 = arith.constant 8 : i32
              %eq3A_312 = arith.cmpi eq, %get3A_298, %eq3A_311 : i32
              %add3A_313 = arith.constant 1 : i32
              %add3A_314 = arith.addi %get3A_298, %add3A_313 : i32
              %jit3A_315 = arith.constant 1 : i32
              %select_n3A_316 = arith.select %eq3A_312, %jit3A_315, %add3A_314 : i32
              %swap3A_317 = arith.constant 0 : i32
              %swap3A_318 = arith.index_cast %swap3A_317 : i32 to index
              %swap3A_319 = memref.load %arg19[%swap3A_318] : memref<1xi32, #tpu.memory_space<smem>>
              memref.store %select_n3A_316, %arg19[%swap3A_318] : memref<1xi32, #tpu.memory_space<smem>>
            }
            %while3A_243 = arith.constant 1 : i32
            scf.for %while3A_244 = %while3A_241 to %while3A_237 step %while3A_243  : i32 {
              %get3A_245 = arith.index_cast %while3A_244 : i32 to index
              %get3A_246 = tpu.vector_load %arg13[%get3A_245] {strides = array<i32>} : memref<32xi32, #tpu.memory_space<vmem>>, vector<16xi32>,
              %slice3A_247 = vector.extract_strided_slice %get3A_246 {offsets = [0], sizes = [1], strides = [1]} : vector<16xi32> to vector<1xi32>
              %squeeze3A_248 = vector.extract %slice3A_247[0] : i32 from vector<1xi32>
              %get3A_249 = arith.index_cast %while3A_244 : i32 to index
              %get3A_250 = tpu.vector_load %arg14[%get3A_249] {strides = array<i32>} : memref<32xi32, #tpu.memory_space<vmem>>, vector<16xi32>,
              %slice3A_251 = vector.extract_strided_slice %get3A_250 {offsets = [0], sizes = [1], strides = [1]} : vector<16xi32> to vector<1xi32>
              %squeeze3A_252 = vector.extract %slice3A_251[0] : i32 from vector<1xi32>
              %get3A_253 = arith.constant 0 : i32
              %get3A_254 = arith.index_cast %get3A_253 : i32 to index
              %get3A_255 = memref.load %arg19[%get3A_254] : memref<1xi32, #tpu.memory_space<smem>>
              %eq3A_256 = arith.constant 8 : i32
              %eq3A_257 = arith.cmpi eq, %get3A_255, %eq3A_256 : i32
              %convert_element_type3A_258 = arith.extui %eq3A_257 : i1 to i32
              %cond3A_259 = arith.constant 0 : i32
              %cond3A_260 = arith.cmpi ne, %convert_element_type3A_258, %cond3A_259 : i32
              scf.if %cond3A_260 {
                %dma_wait3A_320 = arith.constant 0 : i32
                %dma_wait3A_321 = arith.constant 0 : i32
                %dma_wait3A_322 = tpu.memref_slice %arg5[%dma_wait3A_320, %dma_wait3A_321] : memref<32768x64xf32, #tpu.memory_space<hbm>> -> memref<8x64xf32, #tpu.memory_space<hbm>>
                %dma_wait3A_323 = arith.constant 0 : i32
                %dma_wait3A_324 = arith.constant 0 : i32
                %dma_wait3A_325 = tpu.memref_slice %arg5[%dma_wait3A_323, %dma_wait3A_324] : memref<32768x64xf32, #tpu.memory_space<hbm>> -> memref<8x64xf32, #tpu.memory_space<hbm>>
                tpu.wait_dma2 semaphore(%arg24 : memref<!tpu.dma_semaphore, #tpu.memory_space<semaphore_mem>>) src(%arg15 : memref<8x64xf32, #tpu.memory_space<vmem>>) dst(%dma_wait3A_325 : memref<8x64xf32, #tpu.memory_space<hbm>>)
              } else {
              }
              %eq3A_261 = arith.constant 8 : i32
              %eq3A_262 = arith.cmpi eq, %get3A_255, %eq3A_261 : i32
              %jit3A_263 = arith.constant 0 : i32
              %select_n3A_264 = arith.select %eq3A_262, %jit3A_263, %get3A_255 : i32
              %broadcast_in_dim3A = vector.broadcast %squeeze3A_248 : i32 to vector<16xi32>
              %iota3A_265 = tpu.iota {dimensions = array<i32: 0>} : vector<16xi32>
              %add3A_266 = arith.constant 0 : i32
              %add3A_267 = vector.broadcast %add3A_266 : i32 to vector<16xi32>
              %add3A_268 = arith.addi %iota3A_265, %add3A_267 : vector<16xi32>
              %gather3A = tpu.vector_load_idx %arg9[%add3A_268, %broadcast_in_dim3A] : memref<64x256xf32, #tpu.memory_space<vmem>>[vector<16xi32>, vector<16xi32>], vector<16xf32>,
              %swap3A_269 = arith.index_cast %select_n3A_264 : i32 to index
              %swap3A_270 = arith.constant 0 : index
              %swap3A_271 = tpu.vector_load %arg15[%swap3A_269, %swap3A_270] {strides = array<i32>} : memref<8x64xf32, #tpu.memory_space<vmem>>, vector<16xf32>,
              tpu.vector_store %arg15[%swap3A_269, %swap3A_270], %gather3A {strides = array<i32>} : memref<8x64xf32, #tpu.memory_space<vmem>>, vector<16xf32>,
              %iota3A_272 = tpu.iota {dimensions = array<i32: 0>} : vector<16xi32>
              %add3A_273 = arith.constant 16 : i32
              %add3A_274 = vector.broadcast %add3A_273 : i32 to vector<16xi32>
              %add3A_275 = arith.addi %iota3A_272, %add3A_274 : vector<16xi32>
              %gather3A_276 = tpu.vector_load_idx %arg9[%add3A_275, %broadcast_in_dim3A] : memref<64x256xf32, #tpu.memory_space<vmem>>[vector<16xi32>, vector<16xi32>], vector<16xf32>,
              %swap3A_277 = arith.index_cast %select_n3A_264 : i32 to index
              %swap3A_278 = arith.constant 16 : index
              %swap3A_279 = tpu.vector_load %arg15[%swap3A_277, %swap3A_278] {strides = array<i32>} : memref<8x64xf32, #tpu.memory_space<vmem>>, vector<16xf32>,
              tpu.vector_store %arg15[%swap3A_277, %swap3A_278], %gather3A_276 {strides = array<i32>} : memref<8x64xf32, #tpu.memory_space<vmem>>, vector<16xf32>,
              %iota3A_280 = tpu.iota {dimensions = array<i32: 0>} : vector<16xi32>
              %add3A_281 = arith.constant 32 : i32
              %add3A_282 = vector.broadcast %add3A_281 : i32 to vector<16xi32>
              %add3A_283 = arith.addi %iota3A_280, %add3A_282 : vector<16xi32>
              %gather3A_284 = tpu.vector_load_idx %arg9[%add3A_283, %broadcast_in_dim3A] : memref<64x256xf32, #tpu.memory_space<vmem>>[vector<16xi32>, vector<16xi32>], vector<16xf32>,
              %swap3A_285 = arith.index_cast %select_n3A_264 : i32 to index
              %swap3A_286 = arith.constant 32 : index
              %swap3A_287 = tpu.vector_load %arg15[%swap3A_285, %swap3A_286] {strides = array<i32>} : memref<8x64xf32, #tpu.memory_space<vmem>>, vector<16xf32>,
              tpu.vector_store %arg15[%swap3A_285, %swap3A_286], %gather3A_284 {strides = array<i32>} : memref<8x64xf32, #tpu.memory_space<vmem>>, vector<16xf32>,
              %iota3A_288 = tpu.iota {dimensions = array<i32: 0>} : vector<16xi32>
              %add3A_289 = arith.constant 48 : i32
              %add3A_290 = vector.broadcast %add3A_289 : i32 to vector<16xi32>
              %add3A_291 = arith.addi %iota3A_288, %add3A_290 : vector<16xi32>
              %gather3A_292 = tpu.vector_load_idx %arg9[%add3A_291, %broadcast_in_dim3A] : memref<64x256xf32, #tpu.memory_space<vmem>>[vector<16xi32>, vector<16xi32>], vector<16xf32>,
              %swap3A_293 = arith.index_cast %select_n3A_264 : i32 to index
              %swap3A_294 = arith.constant 48 : index
              %swap3A_295 = tpu.vector_load %arg15[%swap3A_293, %swap3A_294] {strides = array<i32>} : memref<8x64xf32, #tpu.memory_space<vmem>>, vector<16xf32>,
              tpu.vector_store %arg15[%swap3A_293, %swap3A_294], %gather3A_292 {strides = array<i32>} : memref<8x64xf32, #tpu.memory_space<vmem>>, vector<16xf32>,
              %get3A_296 = arith.constant 0 : i32
              %get3A_297 = arith.index_cast %get3A_296 : i32 to index
              %get3A_298 = memref.load %arg19[%get3A_297] : memref<1xi32, #tpu.memory_space<smem>>
              %eq3A_299 = arith.constant 8 : i32
              %eq3A_300 = arith.cmpi eq, %get3A_298, %eq3A_299 : i32
              %jit3A_301 = arith.constant 0 : i32
              %select_n3A_302 = arith.select %eq3A_300, %jit3A_301, %get3A_298 : i32
              %dma_start3A_303 = arith.constant 0 : i32
              %dma_start3A_304 = tpu.memref_slice %arg15[%select_n3A_302, %dma_start3A_303] : memref<8x64xf32, #tpu.memory_space<vmem>> -> memref<1x64xf32, #tpu.memory_space<vmem>>
              %dma_start3A_305 = arith.constant 0 : i32
              %dma_start3A_306 = tpu.memref_slice %arg5[%squeeze3A_252, %dma_start3A_305] : memref<32768x64xf32, #tpu.memory_space<hbm>> -> memref<1x64xf32, #tpu.memory_space<hbm>>
              %dma_start3A_307 = arith.constant 0 : i32
              %dma_start3A_308 = tpu.memref_slice %arg5[%squeeze3A_252, %dma_start3A_307] : memref<32768x64xf32, #tpu.memory_space<hbm>> -> memref<1x64xf32, #tpu.memory_space<hbm>>
              %dma_start3A_309 = arith.constant 0 : i32
              %dma_start3A_310 = tpu.memref_slice %arg15[%select_n3A_302, %dma_start3A_309] : memref<8x64xf32, #tpu.memory_space<vmem>> -> memref<1x64xf32, #tpu.memory_space<vmem>>
              tpu.enqueue_dma source(%dma_start3A_310 : memref<1x64xf32, #tpu.memory_space<vmem>>) target(%dma_start3A_308 : memref<1x64xf32, #tpu.memory_space<hbm>>) target_semaphore(%arg24 : memref<!tpu.dma_semaphore, #tpu.memory_space<semaphore_mem>>)
              %eq3A_311 = arith.constant 8 : i32
              %eq3A_312 = arith.cmpi eq, %get3A_298, %eq3A_311 : i32
              %add3A_313 = arith.constant 1 : i32
              %add3A_314 = arith.addi %get3A_298, %add3A_313 : i32
              %jit3A_315 = arith.constant 1 : i32
              %select_n3A_316 = arith.select %eq3A_312, %jit3A_315, %add3A_314 : i32
              %swap3A_317 = arith.constant 0 : i32
              %swap3A_318 = arith.index_cast %swap3A_317 : i32 to index
              %swap3A_319 = memref.load %arg19[%swap3A_318] : memref<1xi32, #tpu.memory_space<smem>>
              memref.store %select_n3A_316, %arg19[%swap3A_318] : memref<1xi32, #tpu.memory_space<smem>>
            }
          } else {
          }
        }
        %scan3A_212 = arith.constant 16 : i32
      } else {
      }
      %add3A_145 = arith.constant 1 : i32
      %add3A_146 = arith.addi %while3A_132, %add3A_145 : i32
      %lt3A_147 = arith.cmpi slt, %add3A_146, %shift_right_logical3A_36 : i32
      %convert_element_type3A_148 = arith.extui %lt3A_147 : i1 to i32
      %cond3A_149 = arith.constant 0 : i32
      %cond3A_150 = arith.cmpi ne, %convert_element_type3A_148, %cond3A_149 : i32
      scf.if %cond3A_150 {
        %add3A_205 = arith.constant 4 : i32
        %add3A_206 = arith.addi %mul3A_134, %add3A_205 : i32
        %add3A_207 = arith.constant 0 : i32
        %add3A_208 = arith.addi %add3A_206, %add3A_207 : i32
        %lt3A_209 = arith.cmpi slt, %add3A_208, %add3A_28 : i32
        %jit3A_210 = arith.constant 0 : i32
        %select_n3A_211 = arith.select %lt3A_209, %add3A_208, %jit3A_210 : i32
        %mul3A_212 = arith.constant 32 : i32
        %mul3A_213 = arith.muli %select_n3A_211, %mul3A_212 : i32
        %add3A_214 = arith.addi %add3A, %mul3A_213 : i32
        %mul3A_215 = arith.constant 256 : i32
        %mul3A_216 = arith.muli %add3A_214, %mul3A_215 : i32
        %multiple_of3A_217 = tpu.assume_multiple %mul3A_216, 128 : i32
        %dma_start3A_218 = arith.constant 0 : i32
        %dma_start3A_219 = tpu.memref_slice %arg3[%dma_start3A_218, %multiple_of3A_217] : memref<64x1000000xf32, #tpu.memory_space<hbm>> -> memref<64x256xf32, #tpu.memory_space<hbm>>
        %dma_start3A_220 = arith.constant 0 : i32
        %dma_start3A_221 = tpu.memref_slice %arg3[%dma_start3A_220, %multiple_of3A_217] : memref<64x1000000xf32, #tpu.memory_space<hbm>> -> memref<64x256xf32, #tpu.memory_space<hbm>>
        tpu.enqueue_dma source(%dma_start3A_221 : memref<64x256xf32, #tpu.memory_space<hbm>>) target(%arg9 : memref<64x256xf32, #tpu.memory_space<vmem>>) target_semaphore(%arg20 : memref<!tpu.dma_semaphore, #tpu.memory_space<semaphore_mem>>)
      } else {
      }
      %dma_wait3A_151 = arith.constant 0 : i32
      %dma_wait3A_152 = arith.constant 0 : i32
      %dma_wait3A_153 = tpu.memref_slice %arg3[%dma_wait3A_151, %dma_wait3A_152] : memref<64x1000000xf32, #tpu.memory_space<hbm>> -> memref<64x256xf32, #tpu.memory_space<hbm>>
      %dma_wait3A_154 = arith.constant 0 : i32
      %dma_wait3A_155 = arith.constant 0 : i32
      %dma_wait3A_156 = tpu.memref_slice %arg3[%dma_wait3A_154, %dma_wait3A_155] : memref<64x1000000xf32, #tpu.memory_space<hbm>> -> memref<64x256xf32, #tpu.memory_space<hbm>>
      tpu.wait_dma2 semaphore(%arg21 : memref<!tpu.dma_semaphore, #tpu.memory_space<semaphore_mem>>) src(%dma_wait3A_156 : memref<64x256xf32, #tpu.memory_space<hbm>>) dst(%arg10 : memref<64x256xf32, #tpu.memory_space<vmem>>)
      %add3A_157 = arith.constant 1 : i32
      %add3A_158 = arith.addi %mul3A_134, %add3A_157 : i32
      %lt3A_159 = arith.cmpi slt, %add3A_158, %add3A_28 : i32
      %convert_element_type3A_160 = arith.extui %lt3A_159 : i1 to i32
      %cond3A_161 = arith.constant 0 : i32
      %cond3A_162 = arith.cmpi ne, %convert_element_type3A_160, %cond3A_161 : i32
      scf.if %cond3A_162 {
        %add3A_205 = arith.constant 1 : i32
        %add3A_206 = arith.addi %mul3A_134, %add3A_205 : i32
        %scan3A_207 = arith.constant 0 : i32
        %scan3A_208 = arith.constant 0 : i32
        %scan3A_209 = arith.constant 16 : i32
        %scan3A_210 = arith.addi %scan3A_208, %scan3A_209 : i32
        %scan3A_211 = arith.constant 1 : i32
        scf.for %scan3A_213 = %scan3A_208 to %scan3A_210 step %scan3A_211  : i32 {
          %shift_left3A = arith.constant 8 : i32
          %shift_left3A_214 = arith.shli %add3A_206, %shift_left3A : i32
          %mul3A_215 = arith.constant 16 : i32
          %mul3A_216 = arith.muli %scan3A_213, %mul3A_215 : i32
          %add3A_217 = arith.addi %shift_left3A_214, %mul3A_216 : i32
          %get3A = arith.index_cast %add3A_217 : i32 to index
          %get3A_218 = tpu.vector_load %arg7[%get3A] {strides = array<i32>} : memref<31504xi32, #tpu.memory_space<vmem>>, vector<16xi32>,
          %ge3A = arith.constant 0 : i32
          %ge3A_219 = vector.broadcast %ge3A : i32 to vector<16xi32>
          %ge3A_220 = arith.cmpi sge, %get3A_218, %ge3A_219 : vector<16xi32>
          %all_reduce_population_count3A = tpu.all_reduce %ge3A_220 {dim = 0 : i64, kind = #tpu.reduction_kind<sum>} : vector<16xi1> -> vector<16xi32>
          %slice3A = vector.extract_strided_slice %all_reduce_population_count3A {offsets = [0], sizes = [1], strides = [1]} : vector<16xi32> to vector<1xi32>
          %squeeze3A = vector.extract %slice3A[0] : i32 from vector<1xi32>
          %gt3A_221 = arith.constant 0 : i32
          %gt3A_222 = arith.cmpi sgt, %squeeze3A, %gt3A_221 : i32
          %convert_element_type3A_223 = arith.extui %gt3A_222 : i1 to i32
          %cond3A_224 = arith.constant 0 : i32
          %cond3A_225 = arith.cmpi ne, %convert_element_type3A_223, %cond3A_224 : i32
          scf.if %cond3A_225 {
            %iota3A = tpu.iota {dimensions = array<i32: 0>} : vector<16xi32>
            %mul3A_226 = arith.constant 16 : i32
            %mul3A_227 = arith.muli %scan3A_213, %mul3A_226 : i32
            %add3A_228 = vector.broadcast %mul3A_227 : i32 to vector<16xi32>
            %add3A_229 = arith.addi %iota3A, %add3A_228 : vector<16xi32>
            %swap3A_230 = arith.constant 0 : index
            %swap3A_231 = tpu.vector_load %arg13[%swap3A_230] masked %ge3A_220 {strides = array<i32>} : memref<32xi32, #tpu.memory_space<vmem>>, vector<16xi32>, vector<16xi1>
            tpu.vector_store %arg13[%swap3A_230], %add3A_229 masked %ge3A_220 {strides = array<i32>} : memref<32xi32, #tpu.memory_space<vmem>>, vector<16xi32>, vector<16xi1>
            %swap3A_232 = arith.constant 0 : index
            %swap3A_233 = tpu.vector_load %arg14[%swap3A_232] masked %ge3A_220 {strides = array<i32>} : memref<32xi32, #tpu.memory_space<vmem>>, vector<16xi32>, vector<16xi1>
            tpu.vector_store %arg14[%swap3A_232], %get3A_218 masked %ge3A_220 {strides = array<i32>} : memref<32xi32, #tpu.memory_space<vmem>>, vector<16xi32>, vector<16xi1>
            %while3A_234 = arith.constant 0 : i32
            %while3A_235 = arith.constant 0 : i32
            %while3A_236 = arith.subi %squeeze3A, %while3A_235 : i32
            %while3A_237 = arith.addi %while3A_235, %while3A_236 : i32
            %while3A_238 = arith.constant 1 : i32
            %while3A_239 = arith.divsi %while3A_236, %while3A_238 : i32
            %while3A_240 = arith.muli %while3A_239, %while3A_238 : i32
            %while3A_241 = arith.addi %while3A_235, %while3A_240 : i32
            %while3A_242 = arith.constant 1 : i32
            scf.for %while3A_244 = %while3A_235 to %while3A_241 step %while3A_242  : i32 {
              %get3A_245 = arith.index_cast %while3A_244 : i32 to index
              %get3A_246 = tpu.vector_load %arg13[%get3A_245] {strides = array<i32>} : memref<32xi32, #tpu.memory_space<vmem>>, vector<16xi32>,
              %slice3A_247 = vector.extract_strided_slice %get3A_246 {offsets = [0], sizes = [1], strides = [1]} : vector<16xi32> to vector<1xi32>
              %squeeze3A_248 = vector.extract %slice3A_247[0] : i32 from vector<1xi32>
              %get3A_249 = arith.index_cast %while3A_244 : i32 to index
              %get3A_250 = tpu.vector_load %arg14[%get3A_249] {strides = array<i32>} : memref<32xi32, #tpu.memory_space<vmem>>, vector<16xi32>,
              %slice3A_251 = vector.extract_strided_slice %get3A_250 {offsets = [0], sizes = [1], strides = [1]} : vector<16xi32> to vector<1xi32>
              %squeeze3A_252 = vector.extract %slice3A_251[0] : i32 from vector<1xi32>
              %get3A_253 = arith.constant 0 : i32
              %get3A_254 = arith.index_cast %get3A_253 : i32 to index
              %get3A_255 = memref.load %arg19[%get3A_254] : memref<1xi32, #tpu.memory_space<smem>>
              %eq3A_256 = arith.constant 8 : i32
              %eq3A_257 = arith.cmpi eq, %get3A_255, %eq3A_256 : i32
              %convert_element_type3A_258 = arith.extui %eq3A_257 : i1 to i32
              %cond3A_259 = arith.constant 0 : i32
              %cond3A_260 = arith.cmpi ne, %convert_element_type3A_258, %cond3A_259 : i32
              scf.if %cond3A_260 {
                %dma_wait3A_320 = arith.constant 0 : i32
                %dma_wait3A_321 = arith.constant 0 : i32
                %dma_wait3A_322 = tpu.memref_slice %arg5[%dma_wait3A_320, %dma_wait3A_321] : memref<32768x64xf32, #tpu.memory_space<hbm>> -> memref<8x64xf32, #tpu.memory_space<hbm>>
                %dma_wait3A_323 = arith.constant 0 : i32
                %dma_wait3A_324 = arith.constant 0 : i32
                %dma_wait3A_325 = tpu.memref_slice %arg5[%dma_wait3A_323, %dma_wait3A_324] : memref<32768x64xf32, #tpu.memory_space<hbm>> -> memref<8x64xf32, #tpu.memory_space<hbm>>
                tpu.wait_dma2 semaphore(%arg24 : memref<!tpu.dma_semaphore, #tpu.memory_space<semaphore_mem>>) src(%arg15 : memref<8x64xf32, #tpu.memory_space<vmem>>) dst(%dma_wait3A_325 : memref<8x64xf32, #tpu.memory_space<hbm>>)
              } else {
              }
              %eq3A_261 = arith.constant 8 : i32
              %eq3A_262 = arith.cmpi eq, %get3A_255, %eq3A_261 : i32
              %jit3A_263 = arith.constant 0 : i32
              %select_n3A_264 = arith.select %eq3A_262, %jit3A_263, %get3A_255 : i32
              %broadcast_in_dim3A = vector.broadcast %squeeze3A_248 : i32 to vector<16xi32>
              %iota3A_265 = tpu.iota {dimensions = array<i32: 0>} : vector<16xi32>
              %add3A_266 = arith.constant 0 : i32
              %add3A_267 = vector.broadcast %add3A_266 : i32 to vector<16xi32>
              %add3A_268 = arith.addi %iota3A_265, %add3A_267 : vector<16xi32>
              %gather3A = tpu.vector_load_idx %arg10[%add3A_268, %broadcast_in_dim3A] : memref<64x256xf32, #tpu.memory_space<vmem>>[vector<16xi32>, vector<16xi32>], vector<16xf32>,
              %swap3A_269 = arith.index_cast %select_n3A_264 : i32 to index
              %swap3A_270 = arith.constant 0 : index
              %swap3A_271 = tpu.vector_load %arg15[%swap3A_269, %swap3A_270] {strides = array<i32>} : memref<8x64xf32, #tpu.memory_space<vmem>>, vector<16xf32>,
              tpu.vector_store %arg15[%swap3A_269, %swap3A_270], %gather3A {strides = array<i32>} : memref<8x64xf32, #tpu.memory_space<vmem>>, vector<16xf32>,
              %iota3A_272 = tpu.iota {dimensions = array<i32: 0>} : vector<16xi32>
              %add3A_273 = arith.constant 16 : i32
              %add3A_274 = vector.broadcast %add3A_273 : i32 to vector<16xi32>
              %add3A_275 = arith.addi %iota3A_272, %add3A_274 : vector<16xi32>
              %gather3A_276 = tpu.vector_load_idx %arg10[%add3A_275, %broadcast_in_dim3A] : memref<64x256xf32, #tpu.memory_space<vmem>>[vector<16xi32>, vector<16xi32>], vector<16xf32>,
              %swap3A_277 = arith.index_cast %select_n3A_264 : i32 to index
              %swap3A_278 = arith.constant 16 : index
              %swap3A_279 = tpu.vector_load %arg15[%swap3A_277, %swap3A_278] {strides = array<i32>} : memref<8x64xf32, #tpu.memory_space<vmem>>, vector<16xf32>,
              tpu.vector_store %arg15[%swap3A_277, %swap3A_278], %gather3A_276 {strides = array<i32>} : memref<8x64xf32, #tpu.memory_space<vmem>>, vector<16xf32>,
              %iota3A_280 = tpu.iota {dimensions = array<i32: 0>} : vector<16xi32>
              %add3A_281 = arith.constant 32 : i32
              %add3A_282 = vector.broadcast %add3A_281 : i32 to vector<16xi32>
              %add3A_283 = arith.addi %iota3A_280, %add3A_282 : vector<16xi32>
              %gather3A_284 = tpu.vector_load_idx %arg10[%add3A_283, %broadcast_in_dim3A] : memref<64x256xf32, #tpu.memory_space<vmem>>[vector<16xi32>, vector<16xi32>], vector<16xf32>,
              %swap3A_285 = arith.index_cast %select_n3A_264 : i32 to index
              %swap3A_286 = arith.constant 32 : index
              %swap3A_287 = tpu.vector_load %arg15[%swap3A_285, %swap3A_286] {strides = array<i32>} : memref<8x64xf32, #tpu.memory_space<vmem>>, vector<16xf32>,
              tpu.vector_store %arg15[%swap3A_285, %swap3A_286], %gather3A_284 {strides = array<i32>} : memref<8x64xf32, #tpu.memory_space<vmem>>, vector<16xf32>,
              %iota3A_288 = tpu.iota {dimensions = array<i32: 0>} : vector<16xi32>
              %add3A_289 = arith.constant 48 : i32
              %add3A_290 = vector.broadcast %add3A_289 : i32 to vector<16xi32>
              %add3A_291 = arith.addi %iota3A_288, %add3A_290 : vector<16xi32>
              %gather3A_292 = tpu.vector_load_idx %arg10[%add3A_291, %broadcast_in_dim3A] : memref<64x256xf32, #tpu.memory_space<vmem>>[vector<16xi32>, vector<16xi32>], vector<16xf32>,
              %swap3A_293 = arith.index_cast %select_n3A_264 : i32 to index
              %swap3A_294 = arith.constant 48 : index
              %swap3A_295 = tpu.vector_load %arg15[%swap3A_293, %swap3A_294] {strides = array<i32>} : memref<8x64xf32, #tpu.memory_space<vmem>>, vector<16xf32>,
              tpu.vector_store %arg15[%swap3A_293, %swap3A_294], %gather3A_292 {strides = array<i32>} : memref<8x64xf32, #tpu.memory_space<vmem>>, vector<16xf32>,
              %get3A_296 = arith.constant 0 : i32
              %get3A_297 = arith.index_cast %get3A_296 : i32 to index
              %get3A_298 = memref.load %arg19[%get3A_297] : memref<1xi32, #tpu.memory_space<smem>>
              %eq3A_299 = arith.constant 8 : i32
              %eq3A_300 = arith.cmpi eq, %get3A_298, %eq3A_299 : i32
              %jit3A_301 = arith.constant 0 : i32
              %select_n3A_302 = arith.select %eq3A_300, %jit3A_301, %get3A_298 : i32
              %dma_start3A_303 = arith.constant 0 : i32
              %dma_start3A_304 = tpu.memref_slice %arg15[%select_n3A_302, %dma_start3A_303] : memref<8x64xf32, #tpu.memory_space<vmem>> -> memref<1x64xf32, #tpu.memory_space<vmem>>
              %dma_start3A_305 = arith.constant 0 : i32
              %dma_start3A_306 = tpu.memref_slice %arg5[%squeeze3A_252, %dma_start3A_305] : memref<32768x64xf32, #tpu.memory_space<hbm>> -> memref<1x64xf32, #tpu.memory_space<hbm>>
              %dma_start3A_307 = arith.constant 0 : i32
              %dma_start3A_308 = tpu.memref_slice %arg5[%squeeze3A_252, %dma_start3A_307] : memref<32768x64xf32, #tpu.memory_space<hbm>> -> memref<1x64xf32, #tpu.memory_space<hbm>>
              %dma_start3A_309 = arith.constant 0 : i32
              %dma_start3A_310 = tpu.memref_slice %arg15[%select_n3A_302, %dma_start3A_309] : memref<8x64xf32, #tpu.memory_space<vmem>> -> memref<1x64xf32, #tpu.memory_space<vmem>>
              tpu.enqueue_dma source(%dma_start3A_310 : memref<1x64xf32, #tpu.memory_space<vmem>>) target(%dma_start3A_308 : memref<1x64xf32, #tpu.memory_space<hbm>>) target_semaphore(%arg24 : memref<!tpu.dma_semaphore, #tpu.memory_space<semaphore_mem>>)
              %eq3A_311 = arith.constant 8 : i32
              %eq3A_312 = arith.cmpi eq, %get3A_298, %eq3A_311 : i32
              %add3A_313 = arith.constant 1 : i32
              %add3A_314 = arith.addi %get3A_298, %add3A_313 : i32
              %jit3A_315 = arith.constant 1 : i32
              %select_n3A_316 = arith.select %eq3A_312, %jit3A_315, %add3A_314 : i32
              %swap3A_317 = arith.constant 0 : i32
              %swap3A_318 = arith.index_cast %swap3A_317 : i32 to index
              %swap3A_319 = memref.load %arg19[%swap3A_318] : memref<1xi32, #tpu.memory_space<smem>>
              memref.store %select_n3A_316, %arg19[%swap3A_318] : memref<1xi32, #tpu.memory_space<smem>>
            }
            %while3A_243 = arith.constant 1 : i32
            scf.for %while3A_244 = %while3A_241 to %while3A_237 step %while3A_243  : i32 {
              %get3A_245 = arith.index_cast %while3A_244 : i32 to index
              %get3A_246 = tpu.vector_load %arg13[%get3A_245] {strides = array<i32>} : memref<32xi32, #tpu.memory_space<vmem>>, vector<16xi32>,
              %slice3A_247 = vector.extract_strided_slice %get3A_246 {offsets = [0], sizes = [1], strides = [1]} : vector<16xi32> to vector<1xi32>
              %squeeze3A_248 = vector.extract %slice3A_247[0] : i32 from vector<1xi32>
              %get3A_249 = arith.index_cast %while3A_244 : i32 to index
              %get3A_250 = tpu.vector_load %arg14[%get3A_249] {strides = array<i32>} : memref<32xi32, #tpu.memory_space<vmem>>, vector<16xi32>,
              %slice3A_251 = vector.extract_strided_slice %get3A_250 {offsets = [0], sizes = [1], strides = [1]} : vector<16xi32> to vector<1xi32>
              %squeeze3A_252 = vector.extract %slice3A_251[0] : i32 from vector<1xi32>
              %get3A_253 = arith.constant 0 : i32
              %get3A_254 = arith.index_cast %get3A_253 : i32 to index
              %get3A_255 = memref.load %arg19[%get3A_254] : memref<1xi32, #tpu.memory_space<smem>>
              %eq3A_256 = arith.constant 8 : i32
              %eq3A_257 = arith.cmpi eq, %get3A_255, %eq3A_256 : i32
              %convert_element_type3A_258 = arith.extui %eq3A_257 : i1 to i32
              %cond3A_259 = arith.constant 0 : i32
              %cond3A_260 = arith.cmpi ne, %convert_element_type3A_258, %cond3A_259 : i32
              scf.if %cond3A_260 {
                %dma_wait3A_320 = arith.constant 0 : i32
                %dma_wait3A_321 = arith.constant 0 : i32
                %dma_wait3A_322 = tpu.memref_slice %arg5[%dma_wait3A_320, %dma_wait3A_321] : memref<32768x64xf32, #tpu.memory_space<hbm>> -> memref<8x64xf32, #tpu.memory_space<hbm>>
                %dma_wait3A_323 = arith.constant 0 : i32
                %dma_wait3A_324 = arith.constant 0 : i32
                %dma_wait3A_325 = tpu.memref_slice %arg5[%dma_wait3A_323, %dma_wait3A_324] : memref<32768x64xf32, #tpu.memory_space<hbm>> -> memref<8x64xf32, #tpu.memory_space<hbm>>
                tpu.wait_dma2 semaphore(%arg24 : memref<!tpu.dma_semaphore, #tpu.memory_space<semaphore_mem>>) src(%arg15 : memref<8x64xf32, #tpu.memory_space<vmem>>) dst(%dma_wait3A_325 : memref<8x64xf32, #tpu.memory_space<hbm>>)
              } else {
              }
              %eq3A_261 = arith.constant 8 : i32
              %eq3A_262 = arith.cmpi eq, %get3A_255, %eq3A_261 : i32
              %jit3A_263 = arith.constant 0 : i32
              %select_n3A_264 = arith.select %eq3A_262, %jit3A_263, %get3A_255 : i32
              %broadcast_in_dim3A = vector.broadcast %squeeze3A_248 : i32 to vector<16xi32>
              %iota3A_265 = tpu.iota {dimensions = array<i32: 0>} : vector<16xi32>
              %add3A_266 = arith.constant 0 : i32
              %add3A_267 = vector.broadcast %add3A_266 : i32 to vector<16xi32>
              %add3A_268 = arith.addi %iota3A_265, %add3A_267 : vector<16xi32>
              %gather3A = tpu.vector_load_idx %arg10[%add3A_268, %broadcast_in_dim3A] : memref<64x256xf32, #tpu.memory_space<vmem>>[vector<16xi32>, vector<16xi32>], vector<16xf32>,
              %swap3A_269 = arith.index_cast %select_n3A_264 : i32 to index
              %swap3A_270 = arith.constant 0 : index
              %swap3A_271 = tpu.vector_load %arg15[%swap3A_269, %swap3A_270] {strides = array<i32>} : memref<8x64xf32, #tpu.memory_space<vmem>>, vector<16xf32>,
              tpu.vector_store %arg15[%swap3A_269, %swap3A_270], %gather3A {strides = array<i32>} : memref<8x64xf32, #tpu.memory_space<vmem>>, vector<16xf32>,
              %iota3A_272 = tpu.iota {dimensions = array<i32: 0>} : vector<16xi32>
              %add3A_273 = arith.constant 16 : i32
              %add3A_274 = vector.broadcast %add3A_273 : i32 to vector<16xi32>
              %add3A_275 = arith.addi %iota3A_272, %add3A_274 : vector<16xi32>
              %gather3A_276 = tpu.vector_load_idx %arg10[%add3A_275, %broadcast_in_dim3A] : memref<64x256xf32, #tpu.memory_space<vmem>>[vector<16xi32>, vector<16xi32>], vector<16xf32>,
              %swap3A_277 = arith.index_cast %select_n3A_264 : i32 to index
              %swap3A_278 = arith.constant 16 : index
              %swap3A_279 = tpu.vector_load %arg15[%swap3A_277, %swap3A_278] {strides = array<i32>} : memref<8x64xf32, #tpu.memory_space<vmem>>, vector<16xf32>,
              tpu.vector_store %arg15[%swap3A_277, %swap3A_278], %gather3A_276 {strides = array<i32>} : memref<8x64xf32, #tpu.memory_space<vmem>>, vector<16xf32>,
              %iota3A_280 = tpu.iota {dimensions = array<i32: 0>} : vector<16xi32>
              %add3A_281 = arith.constant 32 : i32
              %add3A_282 = vector.broadcast %add3A_281 : i32 to vector<16xi32>
              %add3A_283 = arith.addi %iota3A_280, %add3A_282 : vector<16xi32>
              %gather3A_284 = tpu.vector_load_idx %arg10[%add3A_283, %broadcast_in_dim3A] : memref<64x256xf32, #tpu.memory_space<vmem>>[vector<16xi32>, vector<16xi32>], vector<16xf32>,
              %swap3A_285 = arith.index_cast %select_n3A_264 : i32 to index
              %swap3A_286 = arith.constant 32 : index
              %swap3A_287 = tpu.vector_load %arg15[%swap3A_285, %swap3A_286] {strides = array<i32>} : memref<8x64xf32, #tpu.memory_space<vmem>>, vector<16xf32>,
              tpu.vector_store %arg15[%swap3A_285, %swap3A_286], %gather3A_284 {strides = array<i32>} : memref<8x64xf32, #tpu.memory_space<vmem>>, vector<16xf32>,
              %iota3A_288 = tpu.iota {dimensions = array<i32: 0>} : vector<16xi32>
              %add3A_289 = arith.constant 48 : i32
              %add3A_290 = vector.broadcast %add3A_289 : i32 to vector<16xi32>
              %add3A_291 = arith.addi %iota3A_288, %add3A_290 : vector<16xi32>
              %gather3A_292 = tpu.vector_load_idx %arg10[%add3A_291, %broadcast_in_dim3A] : memref<64x256xf32, #tpu.memory_space<vmem>>[vector<16xi32>, vector<16xi32>], vector<16xf32>,
              %swap3A_293 = arith.index_cast %select_n3A_264 : i32 to index
              %swap3A_294 = arith.constant 48 : index
              %swap3A_295 = tpu.vector_load %arg15[%swap3A_293, %swap3A_294] {strides = array<i32>} : memref<8x64xf32, #tpu.memory_space<vmem>>, vector<16xf32>,
              tpu.vector_store %arg15[%swap3A_293, %swap3A_294], %gather3A_292 {strides = array<i32>} : memref<8x64xf32, #tpu.memory_space<vmem>>, vector<16xf32>,
              %get3A_296 = arith.constant 0 : i32
              %get3A_297 = arith.index_cast %get3A_296 : i32 to index
              %get3A_298 = memref.load %arg19[%get3A_297] : memref<1xi32, #tpu.memory_space<smem>>
              %eq3A_299 = arith.constant 8 : i32
              %eq3A_300 = arith.cmpi eq, %get3A_298, %eq3A_299 : i32
              %jit3A_301 = arith.constant 0 : i32
              %select_n3A_302 = arith.select %eq3A_300, %jit3A_301, %get3A_298 : i32
              %dma_start3A_303 = arith.constant 0 : i32
              %dma_start3A_304 = tpu.memref_slice %arg15[%select_n3A_302, %dma_start3A_303] : memref<8x64xf32, #tpu.memory_space<vmem>> -> memref<1x64xf32, #tpu.memory_space<vmem>>
              %dma_start3A_305 = arith.constant 0 : i32
              %dma_start3A_306 = tpu.memref_slice %arg5[%squeeze3A_252, %dma_start3A_305] : memref<32768x64xf32, #tpu.memory_space<hbm>> -> memref<1x64xf32, #tpu.memory_space<hbm>>
              %dma_start3A_307 = arith.constant 0 : i32
              %dma_start3A_308 = tpu.memref_slice %arg5[%squeeze3A_252, %dma_start3A_307] : memref<32768x64xf32, #tpu.memory_space<hbm>> -> memref<1x64xf32, #tpu.memory_space<hbm>>
              %dma_start3A_309 = arith.constant 0 : i32
              %dma_start3A_310 = tpu.memref_slice %arg15[%select_n3A_302, %dma_start3A_309] : memref<8x64xf32, #tpu.memory_space<vmem>> -> memref<1x64xf32, #tpu.memory_space<vmem>>
              tpu.enqueue_dma source(%dma_start3A_310 : memref<1x64xf32, #tpu.memory_space<vmem>>) target(%dma_start3A_308 : memref<1x64xf32, #tpu.memory_space<hbm>>) target_semaphore(%arg24 : memref<!tpu.dma_semaphore, #tpu.memory_space<semaphore_mem>>)
              %eq3A_311 = arith.constant 8 : i32
              %eq3A_312 = arith.cmpi eq, %get3A_298, %eq3A_311 : i32
              %add3A_313 = arith.constant 1 : i32
              %add3A_314 = arith.addi %get3A_298, %add3A_313 : i32
              %jit3A_315 = arith.constant 1 : i32
              %select_n3A_316 = arith.select %eq3A_312, %jit3A_315, %add3A_314 : i32
              %swap3A_317 = arith.constant 0 : i32
              %swap3A_318 = arith.index_cast %swap3A_317 : i32 to index
              %swap3A_319 = memref.load %arg19[%swap3A_318] : memref<1xi32, #tpu.memory_space<smem>>
              memref.store %select_n3A_316, %arg19[%swap3A_318] : memref<1xi32, #tpu.memory_space<smem>>
            }
          } else {
          }
        }
        %scan3A_212 = arith.constant 16 : i32
      } else {
      }
      %add3A_163 = arith.constant 1 : i32
      %add3A_164 = arith.addi %while3A_132, %add3A_163 : i32
      %lt3A_165 = arith.cmpi slt, %add3A_164, %shift_right_logical3A_36 : i32
      %convert_element_type3A_166 = arith.extui %lt3A_165 : i1 to i32
      %cond3A_167 = arith.constant 0 : i32
      %cond3A_168 = arith.cmpi ne, %convert_element_type3A_166, %cond3A_167 : i32
      scf.if %cond3A_168 {
        %add3A_205 = arith.constant 4 : i32
        %add3A_206 = arith.addi %mul3A_134, %add3A_205 : i32
        %add3A_207 = arith.constant 1 : i32
        %add3A_208 = arith.addi %add3A_206, %add3A_207 : i32
        %lt3A_209 = arith.cmpi slt, %add3A_208, %add3A_28 : i32
        %jit3A_210 = arith.constant 0 : i32
        %select_n3A_211 = arith.select %lt3A_209, %add3A_208, %jit3A_210 : i32
        %mul3A_212 = arith.constant 32 : i32
        %mul3A_213 = arith.muli %select_n3A_211, %mul3A_212 : i32
        %add3A_214 = arith.addi %add3A, %mul3A_213 : i32
        %mul3A_215 = arith.constant 256 : i32
        %mul3A_216 = arith.muli %add3A_214, %mul3A_215 : i32
        %multiple_of3A_217 = tpu.assume_multiple %mul3A_216, 128 : i32
        %dma_start3A_218 = arith.constant 0 : i32
        %dma_start3A_219 = tpu.memref_slice %arg3[%dma_start3A_218, %multiple_of3A_217] : memref<64x1000000xf32, #tpu.memory_space<hbm>> -> memref<64x256xf32, #tpu.memory_space<hbm>>
        %dma_start3A_220 = arith.constant 0 : i32
        %dma_start3A_221 = tpu.memref_slice %arg3[%dma_start3A_220, %multiple_of3A_217] : memref<64x1000000xf32, #tpu.memory_space<hbm>> -> memref<64x256xf32, #tpu.memory_space<hbm>>
        tpu.enqueue_dma source(%dma_start3A_221 : memref<64x256xf32, #tpu.memory_space<hbm>>) target(%arg10 : memref<64x256xf32, #tpu.memory_space<vmem>>) target_semaphore(%arg21 : memref<!tpu.dma_semaphore, #tpu.memory_space<semaphore_mem>>)
      } else {
      }
      %dma_wait3A_169 = arith.constant 0 : i32
      %dma_wait3A_170 = arith.constant 0 : i32
      %dma_wait3A_171 = tpu.memref_slice %arg3[%dma_wait3A_169, %dma_wait3A_170] : memref<64x1000000xf32, #tpu.memory_space<hbm>> -> memref<64x256xf32, #tpu.memory_space<hbm>>
      %dma_wait3A_172 = arith.constant 0 : i32
      %dma_wait3A_173 = arith.constant 0 : i32
      %dma_wait3A_174 = tpu.memref_slice %arg3[%dma_wait3A_172, %dma_wait3A_173] : memref<64x1000000xf32, #tpu.memory_space<hbm>> -> memref<64x256xf32, #tpu.memory_space<hbm>>
      tpu.wait_dma2 semaphore(%arg22 : memref<!tpu.dma_semaphore, #tpu.memory_space<semaphore_mem>>) src(%dma_wait3A_174 : memref<64x256xf32, #tpu.memory_space<hbm>>) dst(%arg11 : memref<64x256xf32, #tpu.memory_space<vmem>>)
      %add3A_175 = arith.constant 2 : i32
      %add3A_176 = arith.addi %mul3A_134, %add3A_175 : i32
      %lt3A_177 = arith.cmpi slt, %add3A_176, %add3A_28 : i32
      %convert_element_type3A_178 = arith.extui %lt3A_177 : i1 to i32
      %cond3A_179 = arith.constant 0 : i32
      %cond3A_180 = arith.cmpi ne, %convert_element_type3A_178, %cond3A_179 : i32
      scf.if %cond3A_180 {
        %add3A_205 = arith.constant 2 : i32
        %add3A_206 = arith.addi %mul3A_134, %add3A_205 : i32
        %scan3A_207 = arith.constant 0 : i32
        %scan3A_208 = arith.constant 0 : i32
        %scan3A_209 = arith.constant 16 : i32
        %scan3A_210 = arith.addi %scan3A_208, %scan3A_209 : i32
        %scan3A_211 = arith.constant 1 : i32
        scf.for %scan3A_213 = %scan3A_208 to %scan3A_210 step %scan3A_211  : i32 {
          %shift_left3A = arith.constant 8 : i32
          %shift_left3A_214 = arith.shli %add3A_206, %shift_left3A : i32
          %mul3A_215 = arith.constant 16 : i32
          %mul3A_216 = arith.muli %scan3A_213, %mul3A_215 : i32
          %add3A_217 = arith.addi %shift_left3A_214, %mul3A_216 : i32
          %get3A = arith.index_cast %add3A_217 : i32 to index
          %get3A_218 = tpu.vector_load %arg7[%get3A] {strides = array<i32>} : memref<31504xi32, #tpu.memory_space<vmem>>, vector<16xi32>,
          %ge3A = arith.constant 0 : i32
          %ge3A_219 = vector.broadcast %ge3A : i32 to vector<16xi32>
          %ge3A_220 = arith.cmpi sge, %get3A_218, %ge3A_219 : vector<16xi32>
          %all_reduce_population_count3A = tpu.all_reduce %ge3A_220 {dim = 0 : i64, kind = #tpu.reduction_kind<sum>} : vector<16xi1> -> vector<16xi32>
          %slice3A = vector.extract_strided_slice %all_reduce_population_count3A {offsets = [0], sizes = [1], strides = [1]} : vector<16xi32> to vector<1xi32>
          %squeeze3A = vector.extract %slice3A[0] : i32 from vector<1xi32>
          %gt3A_221 = arith.constant 0 : i32
          %gt3A_222 = arith.cmpi sgt, %squeeze3A, %gt3A_221 : i32
          %convert_element_type3A_223 = arith.extui %gt3A_222 : i1 to i32
          %cond3A_224 = arith.constant 0 : i32
          %cond3A_225 = arith.cmpi ne, %convert_element_type3A_223, %cond3A_224 : i32
          scf.if %cond3A_225 {
            %iota3A = tpu.iota {dimensions = array<i32: 0>} : vector<16xi32>
            %mul3A_226 = arith.constant 16 : i32
            %mul3A_227 = arith.muli %scan3A_213, %mul3A_226 : i32
            %add3A_228 = vector.broadcast %mul3A_227 : i32 to vector<16xi32>
            %add3A_229 = arith.addi %iota3A, %add3A_228 : vector<16xi32>
            %swap3A_230 = arith.constant 0 : index
            %swap3A_231 = tpu.vector_load %arg13[%swap3A_230] masked %ge3A_220 {strides = array<i32>} : memref<32xi32, #tpu.memory_space<vmem>>, vector<16xi32>, vector<16xi1>
            tpu.vector_store %arg13[%swap3A_230], %add3A_229 masked %ge3A_220 {strides = array<i32>} : memref<32xi32, #tpu.memory_space<vmem>>, vector<16xi32>, vector<16xi1>
            %swap3A_232 = arith.constant 0 : index
            %swap3A_233 = tpu.vector_load %arg14[%swap3A_232] masked %ge3A_220 {strides = array<i32>} : memref<32xi32, #tpu.memory_space<vmem>>, vector<16xi32>, vector<16xi1>
            tpu.vector_store %arg14[%swap3A_232], %get3A_218 masked %ge3A_220 {strides = array<i32>} : memref<32xi32, #tpu.memory_space<vmem>>, vector<16xi32>, vector<16xi1>
            %while3A_234 = arith.constant 0 : i32
            %while3A_235 = arith.constant 0 : i32
            %while3A_236 = arith.subi %squeeze3A, %while3A_235 : i32
            %while3A_237 = arith.addi %while3A_235, %while3A_236 : i32
            %while3A_238 = arith.constant 1 : i32
            %while3A_239 = arith.divsi %while3A_236, %while3A_238 : i32
            %while3A_240 = arith.muli %while3A_239, %while3A_238 : i32
            %while3A_241 = arith.addi %while3A_235, %while3A_240 : i32
            %while3A_242 = arith.constant 1 : i32
            scf.for %while3A_244 = %while3A_235 to %while3A_241 step %while3A_242  : i32 {
              %get3A_245 = arith.index_cast %while3A_244 : i32 to index
              %get3A_246 = tpu.vector_load %arg13[%get3A_245] {strides = array<i32>} : memref<32xi32, #tpu.memory_space<vmem>>, vector<16xi32>,
              %slice3A_247 = vector.extract_strided_slice %get3A_246 {offsets = [0], sizes = [1], strides = [1]} : vector<16xi32> to vector<1xi32>
              %squeeze3A_248 = vector.extract %slice3A_247[0] : i32 from vector<1xi32>
              %get3A_249 = arith.index_cast %while3A_244 : i32 to index
              %get3A_250 = tpu.vector_load %arg14[%get3A_249] {strides = array<i32>} : memref<32xi32, #tpu.memory_space<vmem>>, vector<16xi32>,
              %slice3A_251 = vector.extract_strided_slice %get3A_250 {offsets = [0], sizes = [1], strides = [1]} : vector<16xi32> to vector<1xi32>
              %squeeze3A_252 = vector.extract %slice3A_251[0] : i32 from vector<1xi32>
              %get3A_253 = arith.constant 0 : i32
              %get3A_254 = arith.index_cast %get3A_253 : i32 to index
              %get3A_255 = memref.load %arg19[%get3A_254] : memref<1xi32, #tpu.memory_space<smem>>
              %eq3A_256 = arith.constant 8 : i32
              %eq3A_257 = arith.cmpi eq, %get3A_255, %eq3A_256 : i32
              %convert_element_type3A_258 = arith.extui %eq3A_257 : i1 to i32
              %cond3A_259 = arith.constant 0 : i32
              %cond3A_260 = arith.cmpi ne, %convert_element_type3A_258, %cond3A_259 : i32
              scf.if %cond3A_260 {
                %dma_wait3A_320 = arith.constant 0 : i32
                %dma_wait3A_321 = arith.constant 0 : i32
                %dma_wait3A_322 = tpu.memref_slice %arg5[%dma_wait3A_320, %dma_wait3A_321] : memref<32768x64xf32, #tpu.memory_space<hbm>> -> memref<8x64xf32, #tpu.memory_space<hbm>>
                %dma_wait3A_323 = arith.constant 0 : i32
                %dma_wait3A_324 = arith.constant 0 : i32
                %dma_wait3A_325 = tpu.memref_slice %arg5[%dma_wait3A_323, %dma_wait3A_324] : memref<32768x64xf32, #tpu.memory_space<hbm>> -> memref<8x64xf32, #tpu.memory_space<hbm>>
                tpu.wait_dma2 semaphore(%arg24 : memref<!tpu.dma_semaphore, #tpu.memory_space<semaphore_mem>>) src(%arg15 : memref<8x64xf32, #tpu.memory_space<vmem>>) dst(%dma_wait3A_325 : memref<8x64xf32, #tpu.memory_space<hbm>>)
              } else {
              }
              %eq3A_261 = arith.constant 8 : i32
              %eq3A_262 = arith.cmpi eq, %get3A_255, %eq3A_261 : i32
              %jit3A_263 = arith.constant 0 : i32
              %select_n3A_264 = arith.select %eq3A_262, %jit3A_263, %get3A_255 : i32
              %broadcast_in_dim3A = vector.broadcast %squeeze3A_248 : i32 to vector<16xi32>
              %iota3A_265 = tpu.iota {dimensions = array<i32: 0>} : vector<16xi32>
              %add3A_266 = arith.constant 0 : i32
              %add3A_267 = vector.broadcast %add3A_266 : i32 to vector<16xi32>
              %add3A_268 = arith.addi %iota3A_265, %add3A_267 : vector<16xi32>
              %gather3A = tpu.vector_load_idx %arg11[%add3A_268, %broadcast_in_dim3A] : memref<64x256xf32, #tpu.memory_space<vmem>>[vector<16xi32>, vector<16xi32>], vector<16xf32>,
              %swap3A_269 = arith.index_cast %select_n3A_264 : i32 to index
              %swap3A_270 = arith.constant 0 : index
              %swap3A_271 = tpu.vector_load %arg15[%swap3A_269, %swap3A_270] {strides = array<i32>} : memref<8x64xf32, #tpu.memory_space<vmem>>, vector<16xf32>,
              tpu.vector_store %arg15[%swap3A_269, %swap3A_270], %gather3A {strides = array<i32>} : memref<8x64xf32, #tpu.memory_space<vmem>>, vector<16xf32>,
              %iota3A_272 = tpu.iota {dimensions = array<i32: 0>} : vector<16xi32>
              %add3A_273 = arith.constant 16 : i32
              %add3A_274 = vector.broadcast %add3A_273 : i32 to vector<16xi32>
              %add3A_275 = arith.addi %iota3A_272, %add3A_274 : vector<16xi32>
              %gather3A_276 = tpu.vector_load_idx %arg11[%add3A_275, %broadcast_in_dim3A] : memref<64x256xf32, #tpu.memory_space<vmem>>[vector<16xi32>, vector<16xi32>], vector<16xf32>,
              %swap3A_277 = arith.index_cast %select_n3A_264 : i32 to index
              %swap3A_278 = arith.constant 16 : index
              %swap3A_279 = tpu.vector_load %arg15[%swap3A_277, %swap3A_278] {strides = array<i32>} : memref<8x64xf32, #tpu.memory_space<vmem>>, vector<16xf32>,
              tpu.vector_store %arg15[%swap3A_277, %swap3A_278], %gather3A_276 {strides = array<i32>} : memref<8x64xf32, #tpu.memory_space<vmem>>, vector<16xf32>,
              %iota3A_280 = tpu.iota {dimensions = array<i32: 0>} : vector<16xi32>
              %add3A_281 = arith.constant 32 : i32
              %add3A_282 = vector.broadcast %add3A_281 : i32 to vector<16xi32>
              %add3A_283 = arith.addi %iota3A_280, %add3A_282 : vector<16xi32>
              %gather3A_284 = tpu.vector_load_idx %arg11[%add3A_283, %broadcast_in_dim3A] : memref<64x256xf32, #tpu.memory_space<vmem>>[vector<16xi32>, vector<16xi32>], vector<16xf32>,
              %swap3A_285 = arith.index_cast %select_n3A_264 : i32 to index
              %swap3A_286 = arith.constant 32 : index
              %swap3A_287 = tpu.vector_load %arg15[%swap3A_285, %swap3A_286] {strides = array<i32>} : memref<8x64xf32, #tpu.memory_space<vmem>>, vector<16xf32>,
              tpu.vector_store %arg15[%swap3A_285, %swap3A_286], %gather3A_284 {strides = array<i32>} : memref<8x64xf32, #tpu.memory_space<vmem>>, vector<16xf32>,
              %iota3A_288 = tpu.iota {dimensions = array<i32: 0>} : vector<16xi32>
              %add3A_289 = arith.constant 48 : i32
              %add3A_290 = vector.broadcast %add3A_289 : i32 to vector<16xi32>
              %add3A_291 = arith.addi %iota3A_288, %add3A_290 : vector<16xi32>
              %gather3A_292 = tpu.vector_load_idx %arg11[%add3A_291, %broadcast_in_dim3A] : memref<64x256xf32, #tpu.memory_space<vmem>>[vector<16xi32>, vector<16xi32>], vector<16xf32>,
              %swap3A_293 = arith.index_cast %select_n3A_264 : i32 to index
              %swap3A_294 = arith.constant 48 : index
              %swap3A_295 = tpu.vector_load %arg15[%swap3A_293, %swap3A_294] {strides = array<i32>} : memref<8x64xf32, #tpu.memory_space<vmem>>, vector<16xf32>,
              tpu.vector_store %arg15[%swap3A_293, %swap3A_294], %gather3A_292 {strides = array<i32>} : memref<8x64xf32, #tpu.memory_space<vmem>>, vector<16xf32>,
              %get3A_296 = arith.constant 0 : i32
              %get3A_297 = arith.index_cast %get3A_296 : i32 to index
              %get3A_298 = memref.load %arg19[%get3A_297] : memref<1xi32, #tpu.memory_space<smem>>
              %eq3A_299 = arith.constant 8 : i32
              %eq3A_300 = arith.cmpi eq, %get3A_298, %eq3A_299 : i32
              %jit3A_301 = arith.constant 0 : i32
              %select_n3A_302 = arith.select %eq3A_300, %jit3A_301, %get3A_298 : i32
              %dma_start3A_303 = arith.constant 0 : i32
              %dma_start3A_304 = tpu.memref_slice %arg15[%select_n3A_302, %dma_start3A_303] : memref<8x64xf32, #tpu.memory_space<vmem>> -> memref<1x64xf32, #tpu.memory_space<vmem>>
              %dma_start3A_305 = arith.constant 0 : i32
              %dma_start3A_306 = tpu.memref_slice %arg5[%squeeze3A_252, %dma_start3A_305] : memref<32768x64xf32, #tpu.memory_space<hbm>> -> memref<1x64xf32, #tpu.memory_space<hbm>>
              %dma_start3A_307 = arith.constant 0 : i32
              %dma_start3A_308 = tpu.memref_slice %arg5[%squeeze3A_252, %dma_start3A_307] : memref<32768x64xf32, #tpu.memory_space<hbm>> -> memref<1x64xf32, #tpu.memory_space<hbm>>
              %dma_start3A_309 = arith.constant 0 : i32
              %dma_start3A_310 = tpu.memref_slice %arg15[%select_n3A_302, %dma_start3A_309] : memref<8x64xf32, #tpu.memory_space<vmem>> -> memref<1x64xf32, #tpu.memory_space<vmem>>
              tpu.enqueue_dma source(%dma_start3A_310 : memref<1x64xf32, #tpu.memory_space<vmem>>) target(%dma_start3A_308 : memref<1x64xf32, #tpu.memory_space<hbm>>) target_semaphore(%arg24 : memref<!tpu.dma_semaphore, #tpu.memory_space<semaphore_mem>>)
              %eq3A_311 = arith.constant 8 : i32
              %eq3A_312 = arith.cmpi eq, %get3A_298, %eq3A_311 : i32
              %add3A_313 = arith.constant 1 : i32
              %add3A_314 = arith.addi %get3A_298, %add3A_313 : i32
              %jit3A_315 = arith.constant 1 : i32
              %select_n3A_316 = arith.select %eq3A_312, %jit3A_315, %add3A_314 : i32
              %swap3A_317 = arith.constant 0 : i32
              %swap3A_318 = arith.index_cast %swap3A_317 : i32 to index
              %swap3A_319 = memref.load %arg19[%swap3A_318] : memref<1xi32, #tpu.memory_space<smem>>
              memref.store %select_n3A_316, %arg19[%swap3A_318] : memref<1xi32, #tpu.memory_space<smem>>
            }
            %while3A_243 = arith.constant 1 : i32
            scf.for %while3A_244 = %while3A_241 to %while3A_237 step %while3A_243  : i32 {
              %get3A_245 = arith.index_cast %while3A_244 : i32 to index
              %get3A_246 = tpu.vector_load %arg13[%get3A_245] {strides = array<i32>} : memref<32xi32, #tpu.memory_space<vmem>>, vector<16xi32>,
              %slice3A_247 = vector.extract_strided_slice %get3A_246 {offsets = [0], sizes = [1], strides = [1]} : vector<16xi32> to vector<1xi32>
              %squeeze3A_248 = vector.extract %slice3A_247[0] : i32 from vector<1xi32>
              %get3A_249 = arith.index_cast %while3A_244 : i32 to index
              %get3A_250 = tpu.vector_load %arg14[%get3A_249] {strides = array<i32>} : memref<32xi32, #tpu.memory_space<vmem>>, vector<16xi32>,
              %slice3A_251 = vector.extract_strided_slice %get3A_250 {offsets = [0], sizes = [1], strides = [1]} : vector<16xi32> to vector<1xi32>
              %squeeze3A_252 = vector.extract %slice3A_251[0] : i32 from vector<1xi32>
              %get3A_253 = arith.constant 0 : i32
              %get3A_254 = arith.index_cast %get3A_253 : i32 to index
              %get3A_255 = memref.load %arg19[%get3A_254] : memref<1xi32, #tpu.memory_space<smem>>
              %eq3A_256 = arith.constant 8 : i32
              %eq3A_257 = arith.cmpi eq, %get3A_255, %eq3A_256 : i32
              %convert_element_type3A_258 = arith.extui %eq3A_257 : i1 to i32
              %cond3A_259 = arith.constant 0 : i32
              %cond3A_260 = arith.cmpi ne, %convert_element_type3A_258, %cond3A_259 : i32
              scf.if %cond3A_260 {
                %dma_wait3A_320 = arith.constant 0 : i32
                %dma_wait3A_321 = arith.constant 0 : i32
                %dma_wait3A_322 = tpu.memref_slice %arg5[%dma_wait3A_320, %dma_wait3A_321] : memref<32768x64xf32, #tpu.memory_space<hbm>> -> memref<8x64xf32, #tpu.memory_space<hbm>>
                %dma_wait3A_323 = arith.constant 0 : i32
                %dma_wait3A_324 = arith.constant 0 : i32
                %dma_wait3A_325 = tpu.memref_slice %arg5[%dma_wait3A_323, %dma_wait3A_324] : memref<32768x64xf32, #tpu.memory_space<hbm>> -> memref<8x64xf32, #tpu.memory_space<hbm>>
                tpu.wait_dma2 semaphore(%arg24 : memref<!tpu.dma_semaphore, #tpu.memory_space<semaphore_mem>>) src(%arg15 : memref<8x64xf32, #tpu.memory_space<vmem>>) dst(%dma_wait3A_325 : memref<8x64xf32, #tpu.memory_space<hbm>>)
              } else {
              }
              %eq3A_261 = arith.constant 8 : i32
              %eq3A_262 = arith.cmpi eq, %get3A_255, %eq3A_261 : i32
              %jit3A_263 = arith.constant 0 : i32
              %select_n3A_264 = arith.select %eq3A_262, %jit3A_263, %get3A_255 : i32
              %broadcast_in_dim3A = vector.broadcast %squeeze3A_248 : i32 to vector<16xi32>
              %iota3A_265 = tpu.iota {dimensions = array<i32: 0>} : vector<16xi32>
              %add3A_266 = arith.constant 0 : i32
              %add3A_267 = vector.broadcast %add3A_266 : i32 to vector<16xi32>
              %add3A_268 = arith.addi %iota3A_265, %add3A_267 : vector<16xi32>
              %gather3A = tpu.vector_load_idx %arg11[%add3A_268, %broadcast_in_dim3A] : memref<64x256xf32, #tpu.memory_space<vmem>>[vector<16xi32>, vector<16xi32>], vector<16xf32>,
              %swap3A_269 = arith.index_cast %select_n3A_264 : i32 to index
              %swap3A_270 = arith.constant 0 : index
              %swap3A_271 = tpu.vector_load %arg15[%swap3A_269, %swap3A_270] {strides = array<i32>} : memref<8x64xf32, #tpu.memory_space<vmem>>, vector<16xf32>,
              tpu.vector_store %arg15[%swap3A_269, %swap3A_270], %gather3A {strides = array<i32>} : memref<8x64xf32, #tpu.memory_space<vmem>>, vector<16xf32>,
              %iota3A_272 = tpu.iota {dimensions = array<i32: 0>} : vector<16xi32>
              %add3A_273 = arith.constant 16 : i32
              %add3A_274 = vector.broadcast %add3A_273 : i32 to vector<16xi32>
              %add3A_275 = arith.addi %iota3A_272, %add3A_274 : vector<16xi32>
              %gather3A_276 = tpu.vector_load_idx %arg11[%add3A_275, %broadcast_in_dim3A] : memref<64x256xf32, #tpu.memory_space<vmem>>[vector<16xi32>, vector<16xi32>], vector<16xf32>,
              %swap3A_277 = arith.index_cast %select_n3A_264 : i32 to index
              %swap3A_278 = arith.constant 16 : index
              %swap3A_279 = tpu.vector_load %arg15[%swap3A_277, %swap3A_278] {strides = array<i32>} : memref<8x64xf32, #tpu.memory_space<vmem>>, vector<16xf32>,
              tpu.vector_store %arg15[%swap3A_277, %swap3A_278], %gather3A_276 {strides = array<i32>} : memref<8x64xf32, #tpu.memory_space<vmem>>, vector<16xf32>,
              %iota3A_280 = tpu.iota {dimensions = array<i32: 0>} : vector<16xi32>
              %add3A_281 = arith.constant 32 : i32
              %add3A_282 = vector.broadcast %add3A_281 : i32 to vector<16xi32>
              %add3A_283 = arith.addi %iota3A_280, %add3A_282 : vector<16xi32>
              %gather3A_284 = tpu.vector_load_idx %arg11[%add3A_283, %broadcast_in_dim3A] : memref<64x256xf32, #tpu.memory_space<vmem>>[vector<16xi32>, vector<16xi32>], vector<16xf32>,
              %swap3A_285 = arith.index_cast %select_n3A_264 : i32 to index
              %swap3A_286 = arith.constant 32 : index
              %swap3A_287 = tpu.vector_load %arg15[%swap3A_285, %swap3A_286] {strides = array<i32>} : memref<8x64xf32, #tpu.memory_space<vmem>>, vector<16xf32>,
              tpu.vector_store %arg15[%swap3A_285, %swap3A_286], %gather3A_284 {strides = array<i32>} : memref<8x64xf32, #tpu.memory_space<vmem>>, vector<16xf32>,
              %iota3A_288 = tpu.iota {dimensions = array<i32: 0>} : vector<16xi32>
              %add3A_289 = arith.constant 48 : i32
              %add3A_290 = vector.broadcast %add3A_289 : i32 to vector<16xi32>
              %add3A_291 = arith.addi %iota3A_288, %add3A_290 : vector<16xi32>
              %gather3A_292 = tpu.vector_load_idx %arg11[%add3A_291, %broadcast_in_dim3A] : memref<64x256xf32, #tpu.memory_space<vmem>>[vector<16xi32>, vector<16xi32>], vector<16xf32>,
              %swap3A_293 = arith.index_cast %select_n3A_264 : i32 to index
              %swap3A_294 = arith.constant 48 : index
              %swap3A_295 = tpu.vector_load %arg15[%swap3A_293, %swap3A_294] {strides = array<i32>} : memref<8x64xf32, #tpu.memory_space<vmem>>, vector<16xf32>,
              tpu.vector_store %arg15[%swap3A_293, %swap3A_294], %gather3A_292 {strides = array<i32>} : memref<8x64xf32, #tpu.memory_space<vmem>>, vector<16xf32>,
              %get3A_296 = arith.constant 0 : i32
              %get3A_297 = arith.index_cast %get3A_296 : i32 to index
              %get3A_298 = memref.load %arg19[%get3A_297] : memref<1xi32, #tpu.memory_space<smem>>
              %eq3A_299 = arith.constant 8 : i32
              %eq3A_300 = arith.cmpi eq, %get3A_298, %eq3A_299 : i32
              %jit3A_301 = arith.constant 0 : i32
              %select_n3A_302 = arith.select %eq3A_300, %jit3A_301, %get3A_298 : i32
              %dma_start3A_303 = arith.constant 0 : i32
              %dma_start3A_304 = tpu.memref_slice %arg15[%select_n3A_302, %dma_start3A_303] : memref<8x64xf32, #tpu.memory_space<vmem>> -> memref<1x64xf32, #tpu.memory_space<vmem>>
              %dma_start3A_305 = arith.constant 0 : i32
              %dma_start3A_306 = tpu.memref_slice %arg5[%squeeze3A_252, %dma_start3A_305] : memref<32768x64xf32, #tpu.memory_space<hbm>> -> memref<1x64xf32, #tpu.memory_space<hbm>>
              %dma_start3A_307 = arith.constant 0 : i32
              %dma_start3A_308 = tpu.memref_slice %arg5[%squeeze3A_252, %dma_start3A_307] : memref<32768x64xf32, #tpu.memory_space<hbm>> -> memref<1x64xf32, #tpu.memory_space<hbm>>
              %dma_start3A_309 = arith.constant 0 : i32
              %dma_start3A_310 = tpu.memref_slice %arg15[%select_n3A_302, %dma_start3A_309] : memref<8x64xf32, #tpu.memory_space<vmem>> -> memref<1x64xf32, #tpu.memory_space<vmem>>
              tpu.enqueue_dma source(%dma_start3A_310 : memref<1x64xf32, #tpu.memory_space<vmem>>) target(%dma_start3A_308 : memref<1x64xf32, #tpu.memory_space<hbm>>) target_semaphore(%arg24 : memref<!tpu.dma_semaphore, #tpu.memory_space<semaphore_mem>>)
              %eq3A_311 = arith.constant 8 : i32
              %eq3A_312 = arith.cmpi eq, %get3A_298, %eq3A_311 : i32
              %add3A_313 = arith.constant 1 : i32
              %add3A_314 = arith.addi %get3A_298, %add3A_313 : i32
              %jit3A_315 = arith.constant 1 : i32
              %select_n3A_316 = arith.select %eq3A_312, %jit3A_315, %add3A_314 : i32
              %swap3A_317 = arith.constant 0 : i32
              %swap3A_318 = arith.index_cast %swap3A_317 : i32 to index
              %swap3A_319 = memref.load %arg19[%swap3A_318] : memref<1xi32, #tpu.memory_space<smem>>
              memref.store %select_n3A_316, %arg19[%swap3A_318] : memref<1xi32, #tpu.memory_space<smem>>
            }
          } else {
          }
        }
        %scan3A_212 = arith.constant 16 : i32
      } else {
      }
      %add3A_181 = arith.constant 1 : i32
      %add3A_182 = arith.addi %while3A_132, %add3A_181 : i32
      %lt3A_183 = arith.cmpi slt, %add3A_182, %shift_right_logical3A_36 : i32
      %convert_element_type3A_184 = arith.extui %lt3A_183 : i1 to i32
      %cond3A_185 = arith.constant 0 : i32
      %cond3A_186 = arith.cmpi ne, %convert_element_type3A_184, %cond3A_185 : i32
      scf.if %cond3A_186 {
        %add3A_205 = arith.constant 4 : i32
        %add3A_206 = arith.addi %mul3A_134, %add3A_205 : i32
        %add3A_207 = arith.constant 2 : i32
        %add3A_208 = arith.addi %add3A_206, %add3A_207 : i32
        %lt3A_209 = arith.cmpi slt, %add3A_208, %add3A_28 : i32
        %jit3A_210 = arith.constant 0 : i32
        %select_n3A_211 = arith.select %lt3A_209, %add3A_208, %jit3A_210 : i32
        %mul3A_212 = arith.constant 32 : i32
        %mul3A_213 = arith.muli %select_n3A_211, %mul3A_212 : i32
        %add3A_214 = arith.addi %add3A, %mul3A_213 : i32
        %mul3A_215 = arith.constant 256 : i32
        %mul3A_216 = arith.muli %add3A_214, %mul3A_215 : i32
        %multiple_of3A_217 = tpu.assume_multiple %mul3A_216, 128 : i32
        %dma_start3A_218 = arith.constant 0 : i32
        %dma_start3A_219 = tpu.memref_slice %arg3[%dma_start3A_218, %multiple_of3A_217] : memref<64x1000000xf32, #tpu.memory_space<hbm>> -> memref<64x256xf32, #tpu.memory_space<hbm>>
        %dma_start3A_220 = arith.constant 0 : i32
        %dma_start3A_221 = tpu.memref_slice %arg3[%dma_start3A_220, %multiple_of3A_217] : memref<64x1000000xf32, #tpu.memory_space<hbm>> -> memref<64x256xf32, #tpu.memory_space<hbm>>
        tpu.enqueue_dma source(%dma_start3A_221 : memref<64x256xf32, #tpu.memory_space<hbm>>) target(%arg11 : memref<64x256xf32, #tpu.memory_space<vmem>>) target_semaphore(%arg22 : memref<!tpu.dma_semaphore, #tpu.memory_space<semaphore_mem>>)
      } else {
      }
      %dma_wait3A_187 = arith.constant 0 : i32
      %dma_wait3A_188 = arith.constant 0 : i32
      %dma_wait3A_189 = tpu.memref_slice %arg3[%dma_wait3A_187, %dma_wait3A_188] : memref<64x1000000xf32, #tpu.memory_space<hbm>> -> memref<64x256xf32, #tpu.memory_space<hbm>>
      %dma_wait3A_190 = arith.constant 0 : i32
      %dma_wait3A_191 = arith.constant 0 : i32
      %dma_wait3A_192 = tpu.memref_slice %arg3[%dma_wait3A_190, %dma_wait3A_191] : memref<64x1000000xf32, #tpu.memory_space<hbm>> -> memref<64x256xf32, #tpu.memory_space<hbm>>
      tpu.wait_dma2 semaphore(%arg23 : memref<!tpu.dma_semaphore, #tpu.memory_space<semaphore_mem>>) src(%dma_wait3A_192 : memref<64x256xf32, #tpu.memory_space<hbm>>) dst(%arg12 : memref<64x256xf32, #tpu.memory_space<vmem>>)
      %add3A_193 = arith.constant 3 : i32
      %add3A_194 = arith.addi %mul3A_134, %add3A_193 : i32
      %lt3A_195 = arith.cmpi slt, %add3A_194, %add3A_28 : i32
      %convert_element_type3A_196 = arith.extui %lt3A_195 : i1 to i32
      %cond3A_197 = arith.constant 0 : i32
      %cond3A_198 = arith.cmpi ne, %convert_element_type3A_196, %cond3A_197 : i32
      scf.if %cond3A_198 {
        %add3A_205 = arith.constant 3 : i32
        %add3A_206 = arith.addi %mul3A_134, %add3A_205 : i32
        %scan3A_207 = arith.constant 0 : i32
        %scan3A_208 = arith.constant 0 : i32
        %scan3A_209 = arith.constant 16 : i32
        %scan3A_210 = arith.addi %scan3A_208, %scan3A_209 : i32
        %scan3A_211 = arith.constant 1 : i32
        scf.for %scan3A_213 = %scan3A_208 to %scan3A_210 step %scan3A_211  : i32 {
          %shift_left3A = arith.constant 8 : i32
          %shift_left3A_214 = arith.shli %add3A_206, %shift_left3A : i32
          %mul3A_215 = arith.constant 16 : i32
          %mul3A_216 = arith.muli %scan3A_213, %mul3A_215 : i32
          %add3A_217 = arith.addi %shift_left3A_214, %mul3A_216 : i32
          %get3A = arith.index_cast %add3A_217 : i32 to index
          %get3A_218 = tpu.vector_load %arg7[%get3A] {strides = array<i32>} : memref<31504xi32, #tpu.memory_space<vmem>>, vector<16xi32>,
          %ge3A = arith.constant 0 : i32
          %ge3A_219 = vector.broadcast %ge3A : i32 to vector<16xi32>
          %ge3A_220 = arith.cmpi sge, %get3A_218, %ge3A_219 : vector<16xi32>
          %all_reduce_population_count3A = tpu.all_reduce %ge3A_220 {dim = 0 : i64, kind = #tpu.reduction_kind<sum>} : vector<16xi1> -> vector<16xi32>
          %slice3A = vector.extract_strided_slice %all_reduce_population_count3A {offsets = [0], sizes = [1], strides = [1]} : vector<16xi32> to vector<1xi32>
          %squeeze3A = vector.extract %slice3A[0] : i32 from vector<1xi32>
          %gt3A_221 = arith.constant 0 : i32
          %gt3A_222 = arith.cmpi sgt, %squeeze3A, %gt3A_221 : i32
          %convert_element_type3A_223 = arith.extui %gt3A_222 : i1 to i32
          %cond3A_224 = arith.constant 0 : i32
          %cond3A_225 = arith.cmpi ne, %convert_element_type3A_223, %cond3A_224 : i32
          scf.if %cond3A_225 {
            %iota3A = tpu.iota {dimensions = array<i32: 0>} : vector<16xi32>
            %mul3A_226 = arith.constant 16 : i32
            %mul3A_227 = arith.muli %scan3A_213, %mul3A_226 : i32
            %add3A_228 = vector.broadcast %mul3A_227 : i32 to vector<16xi32>
            %add3A_229 = arith.addi %iota3A, %add3A_228 : vector<16xi32>
            %swap3A_230 = arith.constant 0 : index
            %swap3A_231 = tpu.vector_load %arg13[%swap3A_230] masked %ge3A_220 {strides = array<i32>} : memref<32xi32, #tpu.memory_space<vmem>>, vector<16xi32>, vector<16xi1>
            tpu.vector_store %arg13[%swap3A_230], %add3A_229 masked %ge3A_220 {strides = array<i32>} : memref<32xi32, #tpu.memory_space<vmem>>, vector<16xi32>, vector<16xi1>
            %swap3A_232 = arith.constant 0 : index
            %swap3A_233 = tpu.vector_load %arg14[%swap3A_232] masked %ge3A_220 {strides = array<i32>} : memref<32xi32, #tpu.memory_space<vmem>>, vector<16xi32>, vector<16xi1>
            tpu.vector_store %arg14[%swap3A_232], %get3A_218 masked %ge3A_220 {strides = array<i32>} : memref<32xi32, #tpu.memory_space<vmem>>, vector<16xi32>, vector<16xi1>
            %while3A_234 = arith.constant 0 : i32
            %while3A_235 = arith.constant 0 : i32
            %while3A_236 = arith.subi %squeeze3A, %while3A_235 : i32
            %while3A_237 = arith.addi %while3A_235, %while3A_236 : i32
            %while3A_238 = arith.constant 1 : i32
            %while3A_239 = arith.divsi %while3A_236, %while3A_238 : i32
            %while3A_240 = arith.muli %while3A_239, %while3A_238 : i32
            %while3A_241 = arith.addi %while3A_235, %while3A_240 : i32
            %while3A_242 = arith.constant 1 : i32
            scf.for %while3A_244 = %while3A_235 to %while3A_241 step %while3A_242  : i32 {
              %get3A_245 = arith.index_cast %while3A_244 : i32 to index
              %get3A_246 = tpu.vector_load %arg13[%get3A_245] {strides = array<i32>} : memref<32xi32, #tpu.memory_space<vmem>>, vector<16xi32>,
              %slice3A_247 = vector.extract_strided_slice %get3A_246 {offsets = [0], sizes = [1], strides = [1]} : vector<16xi32> to vector<1xi32>
              %squeeze3A_248 = vector.extract %slice3A_247[0] : i32 from vector<1xi32>
              %get3A_249 = arith.index_cast %while3A_244 : i32 to index
              %get3A_250 = tpu.vector_load %arg14[%get3A_249] {strides = array<i32>} : memref<32xi32, #tpu.memory_space<vmem>>, vector<16xi32>,
              %slice3A_251 = vector.extract_strided_slice %get3A_250 {offsets = [0], sizes = [1], strides = [1]} : vector<16xi32> to vector<1xi32>
              %squeeze3A_252 = vector.extract %slice3A_251[0] : i32 from vector<1xi32>
              %get3A_253 = arith.constant 0 : i32
              %get3A_254 = arith.index_cast %get3A_253 : i32 to index
              %get3A_255 = memref.load %arg19[%get3A_254] : memref<1xi32, #tpu.memory_space<smem>>
              %eq3A_256 = arith.constant 8 : i32
              %eq3A_257 = arith.cmpi eq, %get3A_255, %eq3A_256 : i32
              %convert_element_type3A_258 = arith.extui %eq3A_257 : i1 to i32
              %cond3A_259 = arith.constant 0 : i32
              %cond3A_260 = arith.cmpi ne, %convert_element_type3A_258, %cond3A_259 : i32
              scf.if %cond3A_260 {
                %dma_wait3A_320 = arith.constant 0 : i32
                %dma_wait3A_321 = arith.constant 0 : i32
                %dma_wait3A_322 = tpu.memref_slice %arg5[%dma_wait3A_320, %dma_wait3A_321] : memref<32768x64xf32, #tpu.memory_space<hbm>> -> memref<8x64xf32, #tpu.memory_space<hbm>>
                %dma_wait3A_323 = arith.constant 0 : i32
                %dma_wait3A_324 = arith.constant 0 : i32
                %dma_wait3A_325 = tpu.memref_slice %arg5[%dma_wait3A_323, %dma_wait3A_324] : memref<32768x64xf32, #tpu.memory_space<hbm>> -> memref<8x64xf32, #tpu.memory_space<hbm>>
                tpu.wait_dma2 semaphore(%arg24 : memref<!tpu.dma_semaphore, #tpu.memory_space<semaphore_mem>>) src(%arg15 : memref<8x64xf32, #tpu.memory_space<vmem>>) dst(%dma_wait3A_325 : memref<8x64xf32, #tpu.memory_space<hbm>>)
              } else {
              }
              %eq3A_261 = arith.constant 8 : i32
              %eq3A_262 = arith.cmpi eq, %get3A_255, %eq3A_261 : i32
              %jit3A_263 = arith.constant 0 : i32
              %select_n3A_264 = arith.select %eq3A_262, %jit3A_263, %get3A_255 : i32
              %broadcast_in_dim3A = vector.broadcast %squeeze3A_248 : i32 to vector<16xi32>
              %iota3A_265 = tpu.iota {dimensions = array<i32: 0>} : vector<16xi32>
              %add3A_266 = arith.constant 0 : i32
              %add3A_267 = vector.broadcast %add3A_266 : i32 to vector<16xi32>
              %add3A_268 = arith.addi %iota3A_265, %add3A_267 : vector<16xi32>
              %gather3A = tpu.vector_load_idx %arg12[%add3A_268, %broadcast_in_dim3A] : memref<64x256xf32, #tpu.memory_space<vmem>>[vector<16xi32>, vector<16xi32>], vector<16xf32>,
              %swap3A_269 = arith.index_cast %select_n3A_264 : i32 to index
              %swap3A_270 = arith.constant 0 : index
              %swap3A_271 = tpu.vector_load %arg15[%swap3A_269, %swap3A_270] {strides = array<i32>} : memref<8x64xf32, #tpu.memory_space<vmem>>, vector<16xf32>,
              tpu.vector_store %arg15[%swap3A_269, %swap3A_270], %gather3A {strides = array<i32>} : memref<8x64xf32, #tpu.memory_space<vmem>>, vector<16xf32>,
              %iota3A_272 = tpu.iota {dimensions = array<i32: 0>} : vector<16xi32>
              %add3A_273 = arith.constant 16 : i32
              %add3A_274 = vector.broadcast %add3A_273 : i32 to vector<16xi32>
              %add3A_275 = arith.addi %iota3A_272, %add3A_274 : vector<16xi32>
              %gather3A_276 = tpu.vector_load_idx %arg12[%add3A_275, %broadcast_in_dim3A] : memref<64x256xf32, #tpu.memory_space<vmem>>[vector<16xi32>, vector<16xi32>], vector<16xf32>,
              %swap3A_277 = arith.index_cast %select_n3A_264 : i32 to index
              %swap3A_278 = arith.constant 16 : index
              %swap3A_279 = tpu.vector_load %arg15[%swap3A_277, %swap3A_278] {strides = array<i32>} : memref<8x64xf32, #tpu.memory_space<vmem>>, vector<16xf32>,
              tpu.vector_store %arg15[%swap3A_277, %swap3A_278], %gather3A_276 {strides = array<i32>} : memref<8x64xf32, #tpu.memory_space<vmem>>, vector<16xf32>,
              %iota3A_280 = tpu.iota {dimensions = array<i32: 0>} : vector<16xi32>
              %add3A_281 = arith.constant 32 : i32
              %add3A_282 = vector.broadcast %add3A_281 : i32 to vector<16xi32>
              %add3A_283 = arith.addi %iota3A_280, %add3A_282 : vector<16xi32>
              %gather3A_284 = tpu.vector_load_idx %arg12[%add3A_283, %broadcast_in_dim3A] : memref<64x256xf32, #tpu.memory_space<vmem>>[vector<16xi32>, vector<16xi32>], vector<16xf32>,
              %swap3A_285 = arith.index_cast %select_n3A_264 : i32 to index
              %swap3A_286 = arith.constant 32 : index
              %swap3A_287 = tpu.vector_load %arg15[%swap3A_285, %swap3A_286] {strides = array<i32>} : memref<8x64xf32, #tpu.memory_space<vmem>>, vector<16xf32>,
              tpu.vector_store %arg15[%swap3A_285, %swap3A_286], %gather3A_284 {strides = array<i32>} : memref<8x64xf32, #tpu.memory_space<vmem>>, vector<16xf32>,
              %iota3A_288 = tpu.iota {dimensions = array<i32: 0>} : vector<16xi32>
              %add3A_289 = arith.constant 48 : i32
              %add3A_290 = vector.broadcast %add3A_289 : i32 to vector<16xi32>
              %add3A_291 = arith.addi %iota3A_288, %add3A_290 : vector<16xi32>
              %gather3A_292 = tpu.vector_load_idx %arg12[%add3A_291, %broadcast_in_dim3A] : memref<64x256xf32, #tpu.memory_space<vmem>>[vector<16xi32>, vector<16xi32>], vector<16xf32>,
              %swap3A_293 = arith.index_cast %select_n3A_264 : i32 to index
              %swap3A_294 = arith.constant 48 : index
              %swap3A_295 = tpu.vector_load %arg15[%swap3A_293, %swap3A_294] {strides = array<i32>} : memref<8x64xf32, #tpu.memory_space<vmem>>, vector<16xf32>,
              tpu.vector_store %arg15[%swap3A_293, %swap3A_294], %gather3A_292 {strides = array<i32>} : memref<8x64xf32, #tpu.memory_space<vmem>>, vector<16xf32>,
              %get3A_296 = arith.constant 0 : i32
              %get3A_297 = arith.index_cast %get3A_296 : i32 to index
              %get3A_298 = memref.load %arg19[%get3A_297] : memref<1xi32, #tpu.memory_space<smem>>
              %eq3A_299 = arith.constant 8 : i32
              %eq3A_300 = arith.cmpi eq, %get3A_298, %eq3A_299 : i32
              %jit3A_301 = arith.constant 0 : i32
              %select_n3A_302 = arith.select %eq3A_300, %jit3A_301, %get3A_298 : i32
              %dma_start3A_303 = arith.constant 0 : i32
              %dma_start3A_304 = tpu.memref_slice %arg15[%select_n3A_302, %dma_start3A_303] : memref<8x64xf32, #tpu.memory_space<vmem>> -> memref<1x64xf32, #tpu.memory_space<vmem>>
              %dma_start3A_305 = arith.constant 0 : i32
              %dma_start3A_306 = tpu.memref_slice %arg5[%squeeze3A_252, %dma_start3A_305] : memref<32768x64xf32, #tpu.memory_space<hbm>> -> memref<1x64xf32, #tpu.memory_space<hbm>>
              %dma_start3A_307 = arith.constant 0 : i32
              %dma_start3A_308 = tpu.memref_slice %arg5[%squeeze3A_252, %dma_start3A_307] : memref<32768x64xf32, #tpu.memory_space<hbm>> -> memref<1x64xf32, #tpu.memory_space<hbm>>
              %dma_start3A_309 = arith.constant 0 : i32
              %dma_start3A_310 = tpu.memref_slice %arg15[%select_n3A_302, %dma_start3A_309] : memref<8x64xf32, #tpu.memory_space<vmem>> -> memref<1x64xf32, #tpu.memory_space<vmem>>
              tpu.enqueue_dma source(%dma_start3A_310 : memref<1x64xf32, #tpu.memory_space<vmem>>) target(%dma_start3A_308 : memref<1x64xf32, #tpu.memory_space<hbm>>) target_semaphore(%arg24 : memref<!tpu.dma_semaphore, #tpu.memory_space<semaphore_mem>>)
              %eq3A_311 = arith.constant 8 : i32
              %eq3A_312 = arith.cmpi eq, %get3A_298, %eq3A_311 : i32
              %add3A_313 = arith.constant 1 : i32
              %add3A_314 = arith.addi %get3A_298, %add3A_313 : i32
              %jit3A_315 = arith.constant 1 : i32
              %select_n3A_316 = arith.select %eq3A_312, %jit3A_315, %add3A_314 : i32
              %swap3A_317 = arith.constant 0 : i32
              %swap3A_318 = arith.index_cast %swap3A_317 : i32 to index
              %swap3A_319 = memref.load %arg19[%swap3A_318] : memref<1xi32, #tpu.memory_space<smem>>
              memref.store %select_n3A_316, %arg19[%swap3A_318] : memref<1xi32, #tpu.memory_space<smem>>
            }
            %while3A_243 = arith.constant 1 : i32
            scf.for %while3A_244 = %while3A_241 to %while3A_237 step %while3A_243  : i32 {
              %get3A_245 = arith.index_cast %while3A_244 : i32 to index
              %get3A_246 = tpu.vector_load %arg13[%get3A_245] {strides = array<i32>} : memref<32xi32, #tpu.memory_space<vmem>>, vector<16xi32>,
              %slice3A_247 = vector.extract_strided_slice %get3A_246 {offsets = [0], sizes = [1], strides = [1]} : vector<16xi32> to vector<1xi32>
              %squeeze3A_248 = vector.extract %slice3A_247[0] : i32 from vector<1xi32>
              %get3A_249 = arith.index_cast %while3A_244 : i32 to index
              %get3A_250 = tpu.vector_load %arg14[%get3A_249] {strides = array<i32>} : memref<32xi32, #tpu.memory_space<vmem>>, vector<16xi32>,
              %slice3A_251 = vector.extract_strided_slice %get3A_250 {offsets = [0], sizes = [1], strides = [1]} : vector<16xi32> to vector<1xi32>
              %squeeze3A_252 = vector.extract %slice3A_251[0] : i32 from vector<1xi32>
              %get3A_253 = arith.constant 0 : i32
              %get3A_254 = arith.index_cast %get3A_253 : i32 to index
              %get3A_255 = memref.load %arg19[%get3A_254] : memref<1xi32, #tpu.memory_space<smem>>
              %eq3A_256 = arith.constant 8 : i32
              %eq3A_257 = arith.cmpi eq, %get3A_255, %eq3A_256 : i32
              %convert_element_type3A_258 = arith.extui %eq3A_257 : i1 to i32
              %cond3A_259 = arith.constant 0 : i32
              %cond3A_260 = arith.cmpi ne, %convert_element_type3A_258, %cond3A_259 : i32
              scf.if %cond3A_260 {
                %dma_wait3A_320 = arith.constant 0 : i32
                %dma_wait3A_321 = arith.constant 0 : i32
                %dma_wait3A_322 = tpu.memref_slice %arg5[%dma_wait3A_320, %dma_wait3A_321] : memref<32768x64xf32, #tpu.memory_space<hbm>> -> memref<8x64xf32, #tpu.memory_space<hbm>>
                %dma_wait3A_323 = arith.constant 0 : i32
                %dma_wait3A_324 = arith.constant 0 : i32
                %dma_wait3A_325 = tpu.memref_slice %arg5[%dma_wait3A_323, %dma_wait3A_324] : memref<32768x64xf32, #tpu.memory_space<hbm>> -> memref<8x64xf32, #tpu.memory_space<hbm>>
                tpu.wait_dma2 semaphore(%arg24 : memref<!tpu.dma_semaphore, #tpu.memory_space<semaphore_mem>>) src(%arg15 : memref<8x64xf32, #tpu.memory_space<vmem>>) dst(%dma_wait3A_325 : memref<8x64xf32, #tpu.memory_space<hbm>>)
              } else {
              }
              %eq3A_261 = arith.constant 8 : i32
              %eq3A_262 = arith.cmpi eq, %get3A_255, %eq3A_261 : i32
              %jit3A_263 = arith.constant 0 : i32
              %select_n3A_264 = arith.select %eq3A_262, %jit3A_263, %get3A_255 : i32
              %broadcast_in_dim3A = vector.broadcast %squeeze3A_248 : i32 to vector<16xi32>
              %iota3A_265 = tpu.iota {dimensions = array<i32: 0>} : vector<16xi32>
              %add3A_266 = arith.constant 0 : i32
              %add3A_267 = vector.broadcast %add3A_266 : i32 to vector<16xi32>
              %add3A_268 = arith.addi %iota3A_265, %add3A_267 : vector<16xi32>
              %gather3A = tpu.vector_load_idx %arg12[%add3A_268, %broadcast_in_dim3A] : memref<64x256xf32, #tpu.memory_space<vmem>>[vector<16xi32>, vector<16xi32>], vector<16xf32>,
              %swap3A_269 = arith.index_cast %select_n3A_264 : i32 to index
              %swap3A_270 = arith.constant 0 : index
              %swap3A_271 = tpu.vector_load %arg15[%swap3A_269, %swap3A_270] {strides = array<i32>} : memref<8x64xf32, #tpu.memory_space<vmem>>, vector<16xf32>,
              tpu.vector_store %arg15[%swap3A_269, %swap3A_270], %gather3A {strides = array<i32>} : memref<8x64xf32, #tpu.memory_space<vmem>>, vector<16xf32>,
              %iota3A_272 = tpu.iota {dimensions = array<i32: 0>} : vector<16xi32>
              %add3A_273 = arith.constant 16 : i32
              %add3A_274 = vector.broadcast %add3A_273 : i32 to vector<16xi32>
              %add3A_275 = arith.addi %iota3A_272, %add3A_274 : vector<16xi32>
              %gather3A_276 = tpu.vector_load_idx %arg12[%add3A_275, %broadcast_in_dim3A] : memref<64x256xf32, #tpu.memory_space<vmem>>[vector<16xi32>, vector<16xi32>], vector<16xf32>,
              %swap3A_277 = arith.index_cast %select_n3A_264 : i32 to index
              %swap3A_278 = arith.constant 16 : index
              %swap3A_279 = tpu.vector_load %arg15[%swap3A_277, %swap3A_278] {strides = array<i32>} : memref<8x64xf32, #tpu.memory_space<vmem>>, vector<16xf32>,
              tpu.vector_store %arg15[%swap3A_277, %swap3A_278], %gather3A_276 {strides = array<i32>} : memref<8x64xf32, #tpu.memory_space<vmem>>, vector<16xf32>,
              %iota3A_280 = tpu.iota {dimensions = array<i32: 0>} : vector<16xi32>
              %add3A_281 = arith.constant 32 : i32
              %add3A_282 = vector.broadcast %add3A_281 : i32 to vector<16xi32>
              %add3A_283 = arith.addi %iota3A_280, %add3A_282 : vector<16xi32>
              %gather3A_284 = tpu.vector_load_idx %arg12[%add3A_283, %broadcast_in_dim3A] : memref<64x256xf32, #tpu.memory_space<vmem>>[vector<16xi32>, vector<16xi32>], vector<16xf32>,
              %swap3A_285 = arith.index_cast %select_n3A_264 : i32 to index
              %swap3A_286 = arith.constant 32 : index
              %swap3A_287 = tpu.vector_load %arg15[%swap3A_285, %swap3A_286] {strides = array<i32>} : memref<8x64xf32, #tpu.memory_space<vmem>>, vector<16xf32>,
              tpu.vector_store %arg15[%swap3A_285, %swap3A_286], %gather3A_284 {strides = array<i32>} : memref<8x64xf32, #tpu.memory_space<vmem>>, vector<16xf32>,
              %iota3A_288 = tpu.iota {dimensions = array<i32: 0>} : vector<16xi32>
              %add3A_289 = arith.constant 48 : i32
              %add3A_290 = vector.broadcast %add3A_289 : i32 to vector<16xi32>
              %add3A_291 = arith.addi %iota3A_288, %add3A_290 : vector<16xi32>
              %gather3A_292 = tpu.vector_load_idx %arg12[%add3A_291, %broadcast_in_dim3A] : memref<64x256xf32, #tpu.memory_space<vmem>>[vector<16xi32>, vector<16xi32>], vector<16xf32>,
              %swap3A_293 = arith.index_cast %select_n3A_264 : i32 to index
              %swap3A_294 = arith.constant 48 : index
              %swap3A_295 = tpu.vector_load %arg15[%swap3A_293, %swap3A_294] {strides = array<i32>} : memref<8x64xf32, #tpu.memory_space<vmem>>, vector<16xf32>,
              tpu.vector_store %arg15[%swap3A_293, %swap3A_294], %gather3A_292 {strides = array<i32>} : memref<8x64xf32, #tpu.memory_space<vmem>>, vector<16xf32>,
              %get3A_296 = arith.constant 0 : i32
              %get3A_297 = arith.index_cast %get3A_296 : i32 to index
              %get3A_298 = memref.load %arg19[%get3A_297] : memref<1xi32, #tpu.memory_space<smem>>
              %eq3A_299 = arith.constant 8 : i32
              %eq3A_300 = arith.cmpi eq, %get3A_298, %eq3A_299 : i32
              %jit3A_301 = arith.constant 0 : i32
              %select_n3A_302 = arith.select %eq3A_300, %jit3A_301, %get3A_298 : i32
              %dma_start3A_303 = arith.constant 0 : i32
              %dma_start3A_304 = tpu.memref_slice %arg15[%select_n3A_302, %dma_start3A_303] : memref<8x64xf32, #tpu.memory_space<vmem>> -> memref<1x64xf32, #tpu.memory_space<vmem>>
              %dma_start3A_305 = arith.constant 0 : i32
              %dma_start3A_306 = tpu.memref_slice %arg5[%squeeze3A_252, %dma_start3A_305] : memref<32768x64xf32, #tpu.memory_space<hbm>> -> memref<1x64xf32, #tpu.memory_space<hbm>>
              %dma_start3A_307 = arith.constant 0 : i32
              %dma_start3A_308 = tpu.memref_slice %arg5[%squeeze3A_252, %dma_start3A_307] : memref<32768x64xf32, #tpu.memory_space<hbm>> -> memref<1x64xf32, #tpu.memory_space<hbm>>
              %dma_start3A_309 = arith.constant 0 : i32
              %dma_start3A_310 = tpu.memref_slice %arg15[%select_n3A_302, %dma_start3A_309] : memref<8x64xf32, #tpu.memory_space<vmem>> -> memref<1x64xf32, #tpu.memory_space<vmem>>
              tpu.enqueue_dma source(%dma_start3A_310 : memref<1x64xf32, #tpu.memory_space<vmem>>) target(%dma_start3A_308 : memref<1x64xf32, #tpu.memory_space<hbm>>) target_semaphore(%arg24 : memref<!tpu.dma_semaphore, #tpu.memory_space<semaphore_mem>>)
              %eq3A_311 = arith.constant 8 : i32
              %eq3A_312 = arith.cmpi eq, %get3A_298, %eq3A_311 : i32
              %add3A_313 = arith.constant 1 : i32
              %add3A_314 = arith.addi %get3A_298, %add3A_313 : i32
              %jit3A_315 = arith.constant 1 : i32
              %select_n3A_316 = arith.select %eq3A_312, %jit3A_315, %add3A_314 : i32
              %swap3A_317 = arith.constant 0 : i32
              %swap3A_318 = arith.index_cast %swap3A_317 : i32 to index
              %swap3A_319 = memref.load %arg19[%swap3A_318] : memref<1xi32, #tpu.memory_space<smem>>
              memref.store %select_n3A_316, %arg19[%swap3A_318] : memref<1xi32, #tpu.memory_space<smem>>
            }
          } else {
          }
        }
        %scan3A_212 = arith.constant 16 : i32
      } else {
      }
      %add3A_199 = arith.constant 1 : i32
      %add3A_200 = arith.addi %while3A_132, %add3A_199 : i32
      %lt3A_201 = arith.cmpi slt, %add3A_200, %shift_right_logical3A_36 : i32
      %convert_element_type3A_202 = arith.extui %lt3A_201 : i1 to i32
      %cond3A_203 = arith.constant 0 : i32
      %cond3A_204 = arith.cmpi ne, %convert_element_type3A_202, %cond3A_203 : i32
      scf.if %cond3A_204 {
        %add3A_205 = arith.constant 4 : i32
        %add3A_206 = arith.addi %mul3A_134, %add3A_205 : i32
        %add3A_207 = arith.constant 3 : i32
        %add3A_208 = arith.addi %add3A_206, %add3A_207 : i32
        %lt3A_209 = arith.cmpi slt, %add3A_208, %add3A_28 : i32
        %jit3A_210 = arith.constant 0 : i32
        %select_n3A_211 = arith.select %lt3A_209, %add3A_208, %jit3A_210 : i32
        %mul3A_212 = arith.constant 32 : i32
        %mul3A_213 = arith.muli %select_n3A_211, %mul3A_212 : i32
        %add3A_214 = arith.addi %add3A, %mul3A_213 : i32
        %mul3A_215 = arith.constant 256 : i32
        %mul3A_216 = arith.muli %add3A_214, %mul3A_215 : i32
        %multiple_of3A_217 = tpu.assume_multiple %mul3A_216, 128 : i32
        %dma_start3A_218 = arith.constant 0 : i32
        %dma_start3A_219 = tpu.memref_slice %arg3[%dma_start3A_218, %multiple_of3A_217] : memref<64x1000000xf32, #tpu.memory_space<hbm>> -> memref<64x256xf32, #tpu.memory_space<hbm>>
        %dma_start3A_220 = arith.constant 0 : i32
        %dma_start3A_221 = tpu.memref_slice %arg3[%dma_start3A_220, %multiple_of3A_217] : memref<64x1000000xf32, #tpu.memory_space<hbm>> -> memref<64x256xf32, #tpu.memory_space<hbm>>
        tpu.enqueue_dma source(%dma_start3A_221 : memref<64x256xf32, #tpu.memory_space<hbm>>) target(%arg12 : memref<64x256xf32, #tpu.memory_space<vmem>>) target_semaphore(%arg23 : memref<!tpu.dma_semaphore, #tpu.memory_space<semaphore_mem>>)
      } else {
      }
    }
    %while3A_100 = arith.constant 1 : i32
    scf.for %while3A_132 = %while3A_98 to %while3A_94 step %while3A_100  : i32 {
      %mul3A_133 = arith.constant 4 : i32
      %mul3A_134 = arith.muli %mul3A_133, %while3A_132 : i32
      %dma_wait3A = arith.constant 0 : i32
      %dma_wait3A_135 = arith.constant 0 : i32
      %dma_wait3A_136 = tpu.memref_slice %arg3[%dma_wait3A, %dma_wait3A_135] : memref<64x1000000xf32, #tpu.memory_space<hbm>> -> memref<64x256xf32, #tpu.memory_space<hbm>>
      %dma_wait3A_137 = arith.constant 0 : i32
      %dma_wait3A_138 = arith.constant 0 : i32
      %dma_wait3A_139 = tpu.memref_slice %arg3[%dma_wait3A_137, %dma_wait3A_138] : memref<64x1000000xf32, #tpu.memory_space<hbm>> -> memref<64x256xf32, #tpu.memory_space<hbm>>
      tpu.wait_dma2 semaphore(%arg20 : memref<!tpu.dma_semaphore, #tpu.memory_space<semaphore_mem>>) src(%dma_wait3A_139 : memref<64x256xf32, #tpu.memory_space<hbm>>) dst(%arg9 : memref<64x256xf32, #tpu.memory_space<vmem>>)
      %add3A_140 = arith.constant 0 : i32
      %add3A_141 = arith.addi %mul3A_134, %add3A_140 : i32
      %lt3A = arith.cmpi slt, %add3A_141, %add3A_28 : i32
      %convert_element_type3A_142 = arith.extui %lt3A : i1 to i32
      %cond3A_143 = arith.constant 0 : i32
      %cond3A_144 = arith.cmpi ne, %convert_element_type3A_142, %cond3A_143 : i32
      scf.if %cond3A_144 {
        %add3A_205 = arith.constant 0 : i32
        %add3A_206 = arith.addi %mul3A_134, %add3A_205 : i32
        %scan3A_207 = arith.constant 0 : i32
        %scan3A_208 = arith.constant 0 : i32
        %scan3A_209 = arith.constant 16 : i32
        %scan3A_210 = arith.addi %scan3A_208, %scan3A_209 : i32
        %scan3A_211 = arith.constant 1 : i32
        scf.for %scan3A_213 = %scan3A_208 to %scan3A_210 step %scan3A_211  : i32 {
          %shift_left3A = arith.constant 8 : i32
          %shift_left3A_214 = arith.shli %add3A_206, %shift_left3A : i32
          %mul3A_215 = arith.constant 16 : i32
          %mul3A_216 = arith.muli %scan3A_213, %mul3A_215 : i32
          %add3A_217 = arith.addi %shift_left3A_214, %mul3A_216 : i32
          %get3A = arith.index_cast %add3A_217 : i32 to index
          %get3A_218 = tpu.vector_load %arg7[%get3A] {strides = array<i32>} : memref<31504xi32, #tpu.memory_space<vmem>>, vector<16xi32>,
          %ge3A = arith.constant 0 : i32
          %ge3A_219 = vector.broadcast %ge3A : i32 to vector<16xi32>
          %ge3A_220 = arith.cmpi sge, %get3A_218, %ge3A_219 : vector<16xi32>
          %all_reduce_population_count3A = tpu.all_reduce %ge3A_220 {dim = 0 : i64, kind = #tpu.reduction_kind<sum>} : vector<16xi1> -> vector<16xi32>
          %slice3A = vector.extract_strided_slice %all_reduce_population_count3A {offsets = [0], sizes = [1], strides = [1]} : vector<16xi32> to vector<1xi32>
          %squeeze3A = vector.extract %slice3A[0] : i32 from vector<1xi32>
          %gt3A_221 = arith.constant 0 : i32
          %gt3A_222 = arith.cmpi sgt, %squeeze3A, %gt3A_221 : i32
          %convert_element_type3A_223 = arith.extui %gt3A_222 : i1 to i32
          %cond3A_224 = arith.constant 0 : i32
          %cond3A_225 = arith.cmpi ne, %convert_element_type3A_223, %cond3A_224 : i32
          scf.if %cond3A_225 {
            %iota3A = tpu.iota {dimensions = array<i32: 0>} : vector<16xi32>
            %mul3A_226 = arith.constant 16 : i32
            %mul3A_227 = arith.muli %scan3A_213, %mul3A_226 : i32
            %add3A_228 = vector.broadcast %mul3A_227 : i32 to vector<16xi32>
            %add3A_229 = arith.addi %iota3A, %add3A_228 : vector<16xi32>
            %swap3A_230 = arith.constant 0 : index
            %swap3A_231 = tpu.vector_load %arg13[%swap3A_230] masked %ge3A_220 {strides = array<i32>} : memref<32xi32, #tpu.memory_space<vmem>>, vector<16xi32>, vector<16xi1>
            tpu.vector_store %arg13[%swap3A_230], %add3A_229 masked %ge3A_220 {strides = array<i32>} : memref<32xi32, #tpu.memory_space<vmem>>, vector<16xi32>, vector<16xi1>
            %swap3A_232 = arith.constant 0 : index
            %swap3A_233 = tpu.vector_load %arg14[%swap3A_232] masked %ge3A_220 {strides = array<i32>} : memref<32xi32, #tpu.memory_space<vmem>>, vector<16xi32>, vector<16xi1>
            tpu.vector_store %arg14[%swap3A_232], %get3A_218 masked %ge3A_220 {strides = array<i32>} : memref<32xi32, #tpu.memory_space<vmem>>, vector<16xi32>, vector<16xi1>
            %while3A_234 = arith.constant 0 : i32
            %while3A_235 = arith.constant 0 : i32
            %while3A_236 = arith.subi %squeeze3A, %while3A_235 : i32
            %while3A_237 = arith.addi %while3A_235, %while3A_236 : i32
            %while3A_238 = arith.constant 1 : i32
            %while3A_239 = arith.divsi %while3A_236, %while3A_238 : i32
            %while3A_240 = arith.muli %while3A_239, %while3A_238 : i32
            %while3A_241 = arith.addi %while3A_235, %while3A_240 : i32
            %while3A_242 = arith.constant 1 : i32
            scf.for %while3A_244 = %while3A_235 to %while3A_241 step %while3A_242  : i32 {
              %get3A_245 = arith.index_cast %while3A_244 : i32 to index
              %get3A_246 = tpu.vector_load %arg13[%get3A_245] {strides = array<i32>} : memref<32xi32, #tpu.memory_space<vmem>>, vector<16xi32>,
              %slice3A_247 = vector.extract_strided_slice %get3A_246 {offsets = [0], sizes = [1], strides = [1]} : vector<16xi32> to vector<1xi32>
              %squeeze3A_248 = vector.extract %slice3A_247[0] : i32 from vector<1xi32>
              %get3A_249 = arith.index_cast %while3A_244 : i32 to index
              %get3A_250 = tpu.vector_load %arg14[%get3A_249] {strides = array<i32>} : memref<32xi32, #tpu.memory_space<vmem>>, vector<16xi32>,
              %slice3A_251 = vector.extract_strided_slice %get3A_250 {offsets = [0], sizes = [1], strides = [1]} : vector<16xi32> to vector<1xi32>
              %squeeze3A_252 = vector.extract %slice3A_251[0] : i32 from vector<1xi32>
              %get3A_253 = arith.constant 0 : i32
              %get3A_254 = arith.index_cast %get3A_253 : i32 to index
              %get3A_255 = memref.load %arg19[%get3A_254] : memref<1xi32, #tpu.memory_space<smem>>
              %eq3A_256 = arith.constant 8 : i32
              %eq3A_257 = arith.cmpi eq, %get3A_255, %eq3A_256 : i32
              %convert_element_type3A_258 = arith.extui %eq3A_257 : i1 to i32
              %cond3A_259 = arith.constant 0 : i32
              %cond3A_260 = arith.cmpi ne, %convert_element_type3A_258, %cond3A_259 : i32
              scf.if %cond3A_260 {
                %dma_wait3A_320 = arith.constant 0 : i32
                %dma_wait3A_321 = arith.constant 0 : i32
                %dma_wait3A_322 = tpu.memref_slice %arg5[%dma_wait3A_320, %dma_wait3A_321] : memref<32768x64xf32, #tpu.memory_space<hbm>> -> memref<8x64xf32, #tpu.memory_space<hbm>>
                %dma_wait3A_323 = arith.constant 0 : i32
                %dma_wait3A_324 = arith.constant 0 : i32
                %dma_wait3A_325 = tpu.memref_slice %arg5[%dma_wait3A_323, %dma_wait3A_324] : memref<32768x64xf32, #tpu.memory_space<hbm>> -> memref<8x64xf32, #tpu.memory_space<hbm>>
                tpu.wait_dma2 semaphore(%arg24 : memref<!tpu.dma_semaphore, #tpu.memory_space<semaphore_mem>>) src(%arg15 : memref<8x64xf32, #tpu.memory_space<vmem>>) dst(%dma_wait3A_325 : memref<8x64xf32, #tpu.memory_space<hbm>>)
              } else {
              }
              %eq3A_261 = arith.constant 8 : i32
              %eq3A_262 = arith.cmpi eq, %get3A_255, %eq3A_261 : i32
              %jit3A_263 = arith.constant 0 : i32
              %select_n3A_264 = arith.select %eq3A_262, %jit3A_263, %get3A_255 : i32
              %broadcast_in_dim3A = vector.broadcast %squeeze3A_248 : i32 to vector<16xi32>
              %iota3A_265 = tpu.iota {dimensions = array<i32: 0>} : vector<16xi32>
              %add3A_266 = arith.constant 0 : i32
              %add3A_267 = vector.broadcast %add3A_266 : i32 to vector<16xi32>
              %add3A_268 = arith.addi %iota3A_265, %add3A_267 : vector<16xi32>
              %gather3A = tpu.vector_load_idx %arg9[%add3A_268, %broadcast_in_dim3A] : memref<64x256xf32, #tpu.memory_space<vmem>>[vector<16xi32>, vector<16xi32>], vector<16xf32>,
              %swap3A_269 = arith.index_cast %select_n3A_264 : i32 to index
              %swap3A_270 = arith.constant 0 : index
              %swap3A_271 = tpu.vector_load %arg15[%swap3A_269, %swap3A_270] {strides = array<i32>} : memref<8x64xf32, #tpu.memory_space<vmem>>, vector<16xf32>,
              tpu.vector_store %arg15[%swap3A_269, %swap3A_270], %gather3A {strides = array<i32>} : memref<8x64xf32, #tpu.memory_space<vmem>>, vector<16xf32>,
              %iota3A_272 = tpu.iota {dimensions = array<i32: 0>} : vector<16xi32>
              %add3A_273 = arith.constant 16 : i32
              %add3A_274 = vector.broadcast %add3A_273 : i32 to vector<16xi32>
              %add3A_275 = arith.addi %iota3A_272, %add3A_274 : vector<16xi32>
              %gather3A_276 = tpu.vector_load_idx %arg9[%add3A_275, %broadcast_in_dim3A] : memref<64x256xf32, #tpu.memory_space<vmem>>[vector<16xi32>, vector<16xi32>], vector<16xf32>,
              %swap3A_277 = arith.index_cast %select_n3A_264 : i32 to index
              %swap3A_278 = arith.constant 16 : index
              %swap3A_279 = tpu.vector_load %arg15[%swap3A_277, %swap3A_278] {strides = array<i32>} : memref<8x64xf32, #tpu.memory_space<vmem>>, vector<16xf32>,
              tpu.vector_store %arg15[%swap3A_277, %swap3A_278], %gather3A_276 {strides = array<i32>} : memref<8x64xf32, #tpu.memory_space<vmem>>, vector<16xf32>,
              %iota3A_280 = tpu.iota {dimensions = array<i32: 0>} : vector<16xi32>
              %add3A_281 = arith.constant 32 : i32
              %add3A_282 = vector.broadcast %add3A_281 : i32 to vector<16xi32>
              %add3A_283 = arith.addi %iota3A_280, %add3A_282 : vector<16xi32>
              %gather3A_284 = tpu.vector_load_idx %arg9[%add3A_283, %broadcast_in_dim3A] : memref<64x256xf32, #tpu.memory_space<vmem>>[vector<16xi32>, vector<16xi32>], vector<16xf32>,
              %swap3A_285 = arith.index_cast %select_n3A_264 : i32 to index
              %swap3A_286 = arith.constant 32 : index
              %swap3A_287 = tpu.vector_load %arg15[%swap3A_285, %swap3A_286] {strides = array<i32>} : memref<8x64xf32, #tpu.memory_space<vmem>>, vector<16xf32>,
              tpu.vector_store %arg15[%swap3A_285, %swap3A_286], %gather3A_284 {strides = array<i32>} : memref<8x64xf32, #tpu.memory_space<vmem>>, vector<16xf32>,
              %iota3A_288 = tpu.iota {dimensions = array<i32: 0>} : vector<16xi32>
              %add3A_289 = arith.constant 48 : i32
              %add3A_290 = vector.broadcast %add3A_289 : i32 to vector<16xi32>
              %add3A_291 = arith.addi %iota3A_288, %add3A_290 : vector<16xi32>
              %gather3A_292 = tpu.vector_load_idx %arg9[%add3A_291, %broadcast_in_dim3A] : memref<64x256xf32, #tpu.memory_space<vmem>>[vector<16xi32>, vector<16xi32>], vector<16xf32>,
              %swap3A_293 = arith.index_cast %select_n3A_264 : i32 to index
              %swap3A_294 = arith.constant 48 : index
              %swap3A_295 = tpu.vector_load %arg15[%swap3A_293, %swap3A_294] {strides = array<i32>} : memref<8x64xf32, #tpu.memory_space<vmem>>, vector<16xf32>,
              tpu.vector_store %arg15[%swap3A_293, %swap3A_294], %gather3A_292 {strides = array<i32>} : memref<8x64xf32, #tpu.memory_space<vmem>>, vector<16xf32>,
              %get3A_296 = arith.constant 0 : i32
              %get3A_297 = arith.index_cast %get3A_296 : i32 to index
              %get3A_298 = memref.load %arg19[%get3A_297] : memref<1xi32, #tpu.memory_space<smem>>
              %eq3A_299 = arith.constant 8 : i32
              %eq3A_300 = arith.cmpi eq, %get3A_298, %eq3A_299 : i32
              %jit3A_301 = arith.constant 0 : i32
              %select_n3A_302 = arith.select %eq3A_300, %jit3A_301, %get3A_298 : i32
              %dma_start3A_303 = arith.constant 0 : i32
              %dma_start3A_304 = tpu.memref_slice %arg15[%select_n3A_302, %dma_start3A_303] : memref<8x64xf32, #tpu.memory_space<vmem>> -> memref<1x64xf32, #tpu.memory_space<vmem>>
              %dma_start3A_305 = arith.constant 0 : i32
              %dma_start3A_306 = tpu.memref_slice %arg5[%squeeze3A_252, %dma_start3A_305] : memref<32768x64xf32, #tpu.memory_space<hbm>> -> memref<1x64xf32, #tpu.memory_space<hbm>>
              %dma_start3A_307 = arith.constant 0 : i32
              %dma_start3A_308 = tpu.memref_slice %arg5[%squeeze3A_252, %dma_start3A_307] : memref<32768x64xf32, #tpu.memory_space<hbm>> -> memref<1x64xf32, #tpu.memory_space<hbm>>
              %dma_start3A_309 = arith.constant 0 : i32
              %dma_start3A_310 = tpu.memref_slice %arg15[%select_n3A_302, %dma_start3A_309] : memref<8x64xf32, #tpu.memory_space<vmem>> -> memref<1x64xf32, #tpu.memory_space<vmem>>
              tpu.enqueue_dma source(%dma_start3A_310 : memref<1x64xf32, #tpu.memory_space<vmem>>) target(%dma_start3A_308 : memref<1x64xf32, #tpu.memory_space<hbm>>) target_semaphore(%arg24 : memref<!tpu.dma_semaphore, #tpu.memory_space<semaphore_mem>>)
              %eq3A_311 = arith.constant 8 : i32
              %eq3A_312 = arith.cmpi eq, %get3A_298, %eq3A_311 : i32
              %add3A_313 = arith.constant 1 : i32
              %add3A_314 = arith.addi %get3A_298, %add3A_313 : i32
              %jit3A_315 = arith.constant 1 : i32
              %select_n3A_316 = arith.select %eq3A_312, %jit3A_315, %add3A_314 : i32
              %swap3A_317 = arith.constant 0 : i32
              %swap3A_318 = arith.index_cast %swap3A_317 : i32 to index
              %swap3A_319 = memref.load %arg19[%swap3A_318] : memref<1xi32, #tpu.memory_space<smem>>
              memref.store %select_n3A_316, %arg19[%swap3A_318] : memref<1xi32, #tpu.memory_space<smem>>
            }
            %while3A_243 = arith.constant 1 : i32
            scf.for %while3A_244 = %while3A_241 to %while3A_237 step %while3A_243  : i32 {
              %get3A_245 = arith.index_cast %while3A_244 : i32 to index
              %get3A_246 = tpu.vector_load %arg13[%get3A_245] {strides = array<i32>} : memref<32xi32, #tpu.memory_space<vmem>>, vector<16xi32>,
              %slice3A_247 = vector.extract_strided_slice %get3A_246 {offsets = [0], sizes = [1], strides = [1]} : vector<16xi32> to vector<1xi32>
              %squeeze3A_248 = vector.extract %slice3A_247[0] : i32 from vector<1xi32>
              %get3A_249 = arith.index_cast %while3A_244 : i32 to index
              %get3A_250 = tpu.vector_load %arg14[%get3A_249] {strides = array<i32>} : memref<32xi32, #tpu.memory_space<vmem>>, vector<16xi32>,
              %slice3A_251 = vector.extract_strided_slice %get3A_250 {offsets = [0], sizes = [1], strides = [1]} : vector<16xi32> to vector<1xi32>
              %squeeze3A_252 = vector.extract %slice3A_251[0] : i32 from vector<1xi32>
              %get3A_253 = arith.constant 0 : i32
              %get3A_254 = arith.index_cast %get3A_253 : i32 to index
              %get3A_255 = memref.load %arg19[%get3A_254] : memref<1xi32, #tpu.memory_space<smem>>
              %eq3A_256 = arith.constant 8 : i32
              %eq3A_257 = arith.cmpi eq, %get3A_255, %eq3A_256 : i32
              %convert_element_type3A_258 = arith.extui %eq3A_257 : i1 to i32
              %cond3A_259 = arith.constant 0 : i32
              %cond3A_260 = arith.cmpi ne, %convert_element_type3A_258, %cond3A_259 : i32
              scf.if %cond3A_260 {
                %dma_wait3A_320 = arith.constant 0 : i32
                %dma_wait3A_321 = arith.constant 0 : i32
                %dma_wait3A_322 = tpu.memref_slice %arg5[%dma_wait3A_320, %dma_wait3A_321] : memref<32768x64xf32, #tpu.memory_space<hbm>> -> memref<8x64xf32, #tpu.memory_space<hbm>>
                %dma_wait3A_323 = arith.constant 0 : i32
                %dma_wait3A_324 = arith.constant 0 : i32
                %dma_wait3A_325 = tpu.memref_slice %arg5[%dma_wait3A_323, %dma_wait3A_324] : memref<32768x64xf32, #tpu.memory_space<hbm>> -> memref<8x64xf32, #tpu.memory_space<hbm>>
                tpu.wait_dma2 semaphore(%arg24 : memref<!tpu.dma_semaphore, #tpu.memory_space<semaphore_mem>>) src(%arg15 : memref<8x64xf32, #tpu.memory_space<vmem>>) dst(%dma_wait3A_325 : memref<8x64xf32, #tpu.memory_space<hbm>>)
              } else {
              }
              %eq3A_261 = arith.constant 8 : i32
              %eq3A_262 = arith.cmpi eq, %get3A_255, %eq3A_261 : i32
              %jit3A_263 = arith.constant 0 : i32
              %select_n3A_264 = arith.select %eq3A_262, %jit3A_263, %get3A_255 : i32
              %broadcast_in_dim3A = vector.broadcast %squeeze3A_248 : i32 to vector<16xi32>
              %iota3A_265 = tpu.iota {dimensions = array<i32: 0>} : vector<16xi32>
              %add3A_266 = arith.constant 0 : i32
              %add3A_267 = vector.broadcast %add3A_266 : i32 to vector<16xi32>
              %add3A_268 = arith.addi %iota3A_265, %add3A_267 : vector<16xi32>
              %gather3A = tpu.vector_load_idx %arg9[%add3A_268, %broadcast_in_dim3A] : memref<64x256xf32, #tpu.memory_space<vmem>>[vector<16xi32>, vector<16xi32>], vector<16xf32>,
              %swap3A_269 = arith.index_cast %select_n3A_264 : i32 to index
              %swap3A_270 = arith.constant 0 : index
              %swap3A_271 = tpu.vector_load %arg15[%swap3A_269, %swap3A_270] {strides = array<i32>} : memref<8x64xf32, #tpu.memory_space<vmem>>, vector<16xf32>,
              tpu.vector_store %arg15[%swap3A_269, %swap3A_270], %gather3A {strides = array<i32>} : memref<8x64xf32, #tpu.memory_space<vmem>>, vector<16xf32>,
              %iota3A_272 = tpu.iota {dimensions = array<i32: 0>} : vector<16xi32>
              %add3A_273 = arith.constant 16 : i32
              %add3A_274 = vector.broadcast %add3A_273 : i32 to vector<16xi32>
              %add3A_275 = arith.addi %iota3A_272, %add3A_274 : vector<16xi32>
              %gather3A_276 = tpu.vector_load_idx %arg9[%add3A_275, %broadcast_in_dim3A] : memref<64x256xf32, #tpu.memory_space<vmem>>[vector<16xi32>, vector<16xi32>], vector<16xf32>,
              %swap3A_277 = arith.index_cast %select_n3A_264 : i32 to index
              %swap3A_278 = arith.constant 16 : index
              %swap3A_279 = tpu.vector_load %arg15[%swap3A_277, %swap3A_278] {strides = array<i32>} : memref<8x64xf32, #tpu.memory_space<vmem>>, vector<16xf32>,
              tpu.vector_store %arg15[%swap3A_277, %swap3A_278], %gather3A_276 {strides = array<i32>} : memref<8x64xf32, #tpu.memory_space<vmem>>, vector<16xf32>,
              %iota3A_280 = tpu.iota {dimensions = array<i32: 0>} : vector<16xi32>
              %add3A_281 = arith.constant 32 : i32
              %add3A_282 = vector.broadcast %add3A_281 : i32 to vector<16xi32>
              %add3A_283 = arith.addi %iota3A_280, %add3A_282 : vector<16xi32>
              %gather3A_284 = tpu.vector_load_idx %arg9[%add3A_283, %broadcast_in_dim3A] : memref<64x256xf32, #tpu.memory_space<vmem>>[vector<16xi32>, vector<16xi32>], vector<16xf32>,
              %swap3A_285 = arith.index_cast %select_n3A_264 : i32 to index
              %swap3A_286 = arith.constant 32 : index
              %swap3A_287 = tpu.vector_load %arg15[%swap3A_285, %swap3A_286] {strides = array<i32>} : memref<8x64xf32, #tpu.memory_space<vmem>>, vector<16xf32>,
              tpu.vector_store %arg15[%swap3A_285, %swap3A_286], %gather3A_284 {strides = array<i32>} : memref<8x64xf32, #tpu.memory_space<vmem>>, vector<16xf32>,
              %iota3A_288 = tpu.iota {dimensions = array<i32: 0>} : vector<16xi32>
              %add3A_289 = arith.constant 48 : i32
              %add3A_290 = vector.broadcast %add3A_289 : i32 to vector<16xi32>
              %add3A_291 = arith.addi %iota3A_288, %add3A_290 : vector<16xi32>
              %gather3A_292 = tpu.vector_load_idx %arg9[%add3A_291, %broadcast_in_dim3A] : memref<64x256xf32, #tpu.memory_space<vmem>>[vector<16xi32>, vector<16xi32>], vector<16xf32>,
              %swap3A_293 = arith.index_cast %select_n3A_264 : i32 to index
              %swap3A_294 = arith.constant 48 : index
              %swap3A_295 = tpu.vector_load %arg15[%swap3A_293, %swap3A_294] {strides = array<i32>} : memref<8x64xf32, #tpu.memory_space<vmem>>, vector<16xf32>,
              tpu.vector_store %arg15[%swap3A_293, %swap3A_294], %gather3A_292 {strides = array<i32>} : memref<8x64xf32, #tpu.memory_space<vmem>>, vector<16xf32>,
              %get3A_296 = arith.constant 0 : i32
              %get3A_297 = arith.index_cast %get3A_296 : i32 to index
              %get3A_298 = memref.load %arg19[%get3A_297] : memref<1xi32, #tpu.memory_space<smem>>
              %eq3A_299 = arith.constant 8 : i32
              %eq3A_300 = arith.cmpi eq, %get3A_298, %eq3A_299 : i32
              %jit3A_301 = arith.constant 0 : i32
              %select_n3A_302 = arith.select %eq3A_300, %jit3A_301, %get3A_298 : i32
              %dma_start3A_303 = arith.constant 0 : i32
              %dma_start3A_304 = tpu.memref_slice %arg15[%select_n3A_302, %dma_start3A_303] : memref<8x64xf32, #tpu.memory_space<vmem>> -> memref<1x64xf32, #tpu.memory_space<vmem>>
              %dma_start3A_305 = arith.constant 0 : i32
              %dma_start3A_306 = tpu.memref_slice %arg5[%squeeze3A_252, %dma_start3A_305] : memref<32768x64xf32, #tpu.memory_space<hbm>> -> memref<1x64xf32, #tpu.memory_space<hbm>>
              %dma_start3A_307 = arith.constant 0 : i32
              %dma_start3A_308 = tpu.memref_slice %arg5[%squeeze3A_252, %dma_start3A_307] : memref<32768x64xf32, #tpu.memory_space<hbm>> -> memref<1x64xf32, #tpu.memory_space<hbm>>
              %dma_start3A_309 = arith.constant 0 : i32
              %dma_start3A_310 = tpu.memref_slice %arg15[%select_n3A_302, %dma_start3A_309] : memref<8x64xf32, #tpu.memory_space<vmem>> -> memref<1x64xf32, #tpu.memory_space<vmem>>
              tpu.enqueue_dma source(%dma_start3A_310 : memref<1x64xf32, #tpu.memory_space<vmem>>) target(%dma_start3A_308 : memref<1x64xf32, #tpu.memory_space<hbm>>) target_semaphore(%arg24 : memref<!tpu.dma_semaphore, #tpu.memory_space<semaphore_mem>>)
              %eq3A_311 = arith.constant 8 : i32
              %eq3A_312 = arith.cmpi eq, %get3A_298, %eq3A_311 : i32
              %add3A_313 = arith.constant 1 : i32
              %add3A_314 = arith.addi %get3A_298, %add3A_313 : i32
              %jit3A_315 = arith.constant 1 : i32
              %select_n3A_316 = arith.select %eq3A_312, %jit3A_315, %add3A_314 : i32
              %swap3A_317 = arith.constant 0 : i32
              %swap3A_318 = arith.index_cast %swap3A_317 : i32 to index
              %swap3A_319 = memref.load %arg19[%swap3A_318] : memref<1xi32, #tpu.memory_space<smem>>
              memref.store %select_n3A_316, %arg19[%swap3A_318] : memref<1xi32, #tpu.memory_space<smem>>
            }
          } else {
          }
        }
        %scan3A_212 = arith.constant 16 : i32
      } else {
      }
      %add3A_145 = arith.constant 1 : i32
      %add3A_146 = arith.addi %while3A_132, %add3A_145 : i32
      %lt3A_147 = arith.cmpi slt, %add3A_146, %shift_right_logical3A_36 : i32
      %convert_element_type3A_148 = arith.extui %lt3A_147 : i1 to i32
      %cond3A_149 = arith.constant 0 : i32
      %cond3A_150 = arith.cmpi ne, %convert_element_type3A_148, %cond3A_149 : i32
      scf.if %cond3A_150 {
        %add3A_205 = arith.constant 4 : i32
        %add3A_206 = arith.addi %mul3A_134, %add3A_205 : i32
        %add3A_207 = arith.constant 0 : i32
        %add3A_208 = arith.addi %add3A_206, %add3A_207 : i32
        %lt3A_209 = arith.cmpi slt, %add3A_208, %add3A_28 : i32
        %jit3A_210 = arith.constant 0 : i32
        %select_n3A_211 = arith.select %lt3A_209, %add3A_208, %jit3A_210 : i32
        %mul3A_212 = arith.constant 32 : i32
        %mul3A_213 = arith.muli %select_n3A_211, %mul3A_212 : i32
        %add3A_214 = arith.addi %add3A, %mul3A_213 : i32
        %mul3A_215 = arith.constant 256 : i32
        %mul3A_216 = arith.muli %add3A_214, %mul3A_215 : i32
        %multiple_of3A_217 = tpu.assume_multiple %mul3A_216, 128 : i32
        %dma_start3A_218 = arith.constant 0 : i32
        %dma_start3A_219 = tpu.memref_slice %arg3[%dma_start3A_218, %multiple_of3A_217] : memref<64x1000000xf32, #tpu.memory_space<hbm>> -> memref<64x256xf32, #tpu.memory_space<hbm>>
        %dma_start3A_220 = arith.constant 0 : i32
        %dma_start3A_221 = tpu.memref_slice %arg3[%dma_start3A_220, %multiple_of3A_217] : memref<64x1000000xf32, #tpu.memory_space<hbm>> -> memref<64x256xf32, #tpu.memory_space<hbm>>
        tpu.enqueue_dma source(%dma_start3A_221 : memref<64x256xf32, #tpu.memory_space<hbm>>) target(%arg9 : memref<64x256xf32, #tpu.memory_space<vmem>>) target_semaphore(%arg20 : memref<!tpu.dma_semaphore, #tpu.memory_space<semaphore_mem>>)
      } else {
      }
      %dma_wait3A_151 = arith.constant 0 : i32
      %dma_wait3A_152 = arith.constant 0 : i32
      %dma_wait3A_153 = tpu.memref_slice %arg3[%dma_wait3A_151, %dma_wait3A_152] : memref<64x1000000xf32, #tpu.memory_space<hbm>> -> memref<64x256xf32, #tpu.memory_space<hbm>>
      %dma_wait3A_154 = arith.constant 0 : i32
      %dma_wait3A_155 = arith.constant 0 : i32
      %dma_wait3A_156 = tpu.memref_slice %arg3[%dma_wait3A_154, %dma_wait3A_155] : memref<64x1000000xf32, #tpu.memory_space<hbm>> -> memref<64x256xf32, #tpu.memory_space<hbm>>
      tpu.wait_dma2 semaphore(%arg21 : memref<!tpu.dma_semaphore, #tpu.memory_space<semaphore_mem>>) src(%dma_wait3A_156 : memref<64x256xf32, #tpu.memory_space<hbm>>) dst(%arg10 : memref<64x256xf32, #tpu.memory_space<vmem>>)
      %add3A_157 = arith.constant 1 : i32
      %add3A_158 = arith.addi %mul3A_134, %add3A_157 : i32
      %lt3A_159 = arith.cmpi slt, %add3A_158, %add3A_28 : i32
      %convert_element_type3A_160 = arith.extui %lt3A_159 : i1 to i32
      %cond3A_161 = arith.constant 0 : i32
      %cond3A_162 = arith.cmpi ne, %convert_element_type3A_160, %cond3A_161 : i32
      scf.if %cond3A_162 {
        %add3A_205 = arith.constant 1 : i32
        %add3A_206 = arith.addi %mul3A_134, %add3A_205 : i32
        %scan3A_207 = arith.constant 0 : i32
        %scan3A_208 = arith.constant 0 : i32
        %scan3A_209 = arith.constant 16 : i32
        %scan3A_210 = arith.addi %scan3A_208, %scan3A_209 : i32
        %scan3A_211 = arith.constant 1 : i32
        scf.for %scan3A_213 = %scan3A_208 to %scan3A_210 step %scan3A_211  : i32 {
          %shift_left3A = arith.constant 8 : i32
          %shift_left3A_214 = arith.shli %add3A_206, %shift_left3A : i32
          %mul3A_215 = arith.constant 16 : i32
          %mul3A_216 = arith.muli %scan3A_213, %mul3A_215 : i32
          %add3A_217 = arith.addi %shift_left3A_214, %mul3A_216 : i32
          %get3A = arith.index_cast %add3A_217 : i32 to index
          %get3A_218 = tpu.vector_load %arg7[%get3A] {strides = array<i32>} : memref<31504xi32, #tpu.memory_space<vmem>>, vector<16xi32>,
          %ge3A = arith.constant 0 : i32
          %ge3A_219 = vector.broadcast %ge3A : i32 to vector<16xi32>
          %ge3A_220 = arith.cmpi sge, %get3A_218, %ge3A_219 : vector<16xi32>
          %all_reduce_population_count3A = tpu.all_reduce %ge3A_220 {dim = 0 : i64, kind = #tpu.reduction_kind<sum>} : vector<16xi1> -> vector<16xi32>
          %slice3A = vector.extract_strided_slice %all_reduce_population_count3A {offsets = [0], sizes = [1], strides = [1]} : vector<16xi32> to vector<1xi32>
          %squeeze3A = vector.extract %slice3A[0] : i32 from vector<1xi32>
          %gt3A_221 = arith.constant 0 : i32
          %gt3A_222 = arith.cmpi sgt, %squeeze3A, %gt3A_221 : i32
          %convert_element_type3A_223 = arith.extui %gt3A_222 : i1 to i32
          %cond3A_224 = arith.constant 0 : i32
          %cond3A_225 = arith.cmpi ne, %convert_element_type3A_223, %cond3A_224 : i32
          scf.if %cond3A_225 {
            %iota3A = tpu.iota {dimensions = array<i32: 0>} : vector<16xi32>
            %mul3A_226 = arith.constant 16 : i32
            %mul3A_227 = arith.muli %scan3A_213, %mul3A_226 : i32
            %add3A_228 = vector.broadcast %mul3A_227 : i32 to vector<16xi32>
            %add3A_229 = arith.addi %iota3A, %add3A_228 : vector<16xi32>
            %swap3A_230 = arith.constant 0 : index
            %swap3A_231 = tpu.vector_load %arg13[%swap3A_230] masked %ge3A_220 {strides = array<i32>} : memref<32xi32, #tpu.memory_space<vmem>>, vector<16xi32>, vector<16xi1>
            tpu.vector_store %arg13[%swap3A_230], %add3A_229 masked %ge3A_220 {strides = array<i32>} : memref<32xi32, #tpu.memory_space<vmem>>, vector<16xi32>, vector<16xi1>
            %swap3A_232 = arith.constant 0 : index
            %swap3A_233 = tpu.vector_load %arg14[%swap3A_232] masked %ge3A_220 {strides = array<i32>} : memref<32xi32, #tpu.memory_space<vmem>>, vector<16xi32>, vector<16xi1>
            tpu.vector_store %arg14[%swap3A_232], %get3A_218 masked %ge3A_220 {strides = array<i32>} : memref<32xi32, #tpu.memory_space<vmem>>, vector<16xi32>, vector<16xi1>
            %while3A_234 = arith.constant 0 : i32
            %while3A_235 = arith.constant 0 : i32
            %while3A_236 = arith.subi %squeeze3A, %while3A_235 : i32
            %while3A_237 = arith.addi %while3A_235, %while3A_236 : i32
            %while3A_238 = arith.constant 1 : i32
            %while3A_239 = arith.divsi %while3A_236, %while3A_238 : i32
            %while3A_240 = arith.muli %while3A_239, %while3A_238 : i32
            %while3A_241 = arith.addi %while3A_235, %while3A_240 : i32
            %while3A_242 = arith.constant 1 : i32
            scf.for %while3A_244 = %while3A_235 to %while3A_241 step %while3A_242  : i32 {
              %get3A_245 = arith.index_cast %while3A_244 : i32 to index
              %get3A_246 = tpu.vector_load %arg13[%get3A_245] {strides = array<i32>} : memref<32xi32, #tpu.memory_space<vmem>>, vector<16xi32>,
              %slice3A_247 = vector.extract_strided_slice %get3A_246 {offsets = [0], sizes = [1], strides = [1]} : vector<16xi32> to vector<1xi32>
              %squeeze3A_248 = vector.extract %slice3A_247[0] : i32 from vector<1xi32>
              %get3A_249 = arith.index_cast %while3A_244 : i32 to index
              %get3A_250 = tpu.vector_load %arg14[%get3A_249] {strides = array<i32>} : memref<32xi32, #tpu.memory_space<vmem>>, vector<16xi32>,
              %slice3A_251 = vector.extract_strided_slice %get3A_250 {offsets = [0], sizes = [1], strides = [1]} : vector<16xi32> to vector<1xi32>
              %squeeze3A_252 = vector.extract %slice3A_251[0] : i32 from vector<1xi32>
              %get3A_253 = arith.constant 0 : i32
              %get3A_254 = arith.index_cast %get3A_253 : i32 to index
              %get3A_255 = memref.load %arg19[%get3A_254] : memref<1xi32, #tpu.memory_space<smem>>
              %eq3A_256 = arith.constant 8 : i32
              %eq3A_257 = arith.cmpi eq, %get3A_255, %eq3A_256 : i32
              %convert_element_type3A_258 = arith.extui %eq3A_257 : i1 to i32
              %cond3A_259 = arith.constant 0 : i32
              %cond3A_260 = arith.cmpi ne, %convert_element_type3A_258, %cond3A_259 : i32
              scf.if %cond3A_260 {
                %dma_wait3A_320 = arith.constant 0 : i32
                %dma_wait3A_321 = arith.constant 0 : i32
                %dma_wait3A_322 = tpu.memref_slice %arg5[%dma_wait3A_320, %dma_wait3A_321] : memref<32768x64xf32, #tpu.memory_space<hbm>> -> memref<8x64xf32, #tpu.memory_space<hbm>>
                %dma_wait3A_323 = arith.constant 0 : i32
                %dma_wait3A_324 = arith.constant 0 : i32
                %dma_wait3A_325 = tpu.memref_slice %arg5[%dma_wait3A_323, %dma_wait3A_324] : memref<32768x64xf32, #tpu.memory_space<hbm>> -> memref<8x64xf32, #tpu.memory_space<hbm>>
                tpu.wait_dma2 semaphore(%arg24 : memref<!tpu.dma_semaphore, #tpu.memory_space<semaphore_mem>>) src(%arg15 : memref<8x64xf32, #tpu.memory_space<vmem>>) dst(%dma_wait3A_325 : memref<8x64xf32, #tpu.memory_space<hbm>>)
              } else {
              }
              %eq3A_261 = arith.constant 8 : i32
              %eq3A_262 = arith.cmpi eq, %get3A_255, %eq3A_261 : i32
              %jit3A_263 = arith.constant 0 : i32
              %select_n3A_264 = arith.select %eq3A_262, %jit3A_263, %get3A_255 : i32
              %broadcast_in_dim3A = vector.broadcast %squeeze3A_248 : i32 to vector<16xi32>
              %iota3A_265 = tpu.iota {dimensions = array<i32: 0>} : vector<16xi32>
              %add3A_266 = arith.constant 0 : i32
              %add3A_267 = vector.broadcast %add3A_266 : i32 to vector<16xi32>
              %add3A_268 = arith.addi %iota3A_265, %add3A_267 : vector<16xi32>
              %gather3A = tpu.vector_load_idx %arg10[%add3A_268, %broadcast_in_dim3A] : memref<64x256xf32, #tpu.memory_space<vmem>>[vector<16xi32>, vector<16xi32>], vector<16xf32>,
              %swap3A_269 = arith.index_cast %select_n3A_264 : i32 to index
              %swap3A_270 = arith.constant 0 : index
              %swap3A_271 = tpu.vector_load %arg15[%swap3A_269, %swap3A_270] {strides = array<i32>} : memref<8x64xf32, #tpu.memory_space<vmem>>, vector<16xf32>,
              tpu.vector_store %arg15[%swap3A_269, %swap3A_270], %gather3A {strides = array<i32>} : memref<8x64xf32, #tpu.memory_space<vmem>>, vector<16xf32>,
              %iota3A_272 = tpu.iota {dimensions = array<i32: 0>} : vector<16xi32>
              %add3A_273 = arith.constant 16 : i32
              %add3A_274 = vector.broadcast %add3A_273 : i32 to vector<16xi32>
              %add3A_275 = arith.addi %iota3A_272, %add3A_274 : vector<16xi32>
              %gather3A_276 = tpu.vector_load_idx %arg10[%add3A_275, %broadcast_in_dim3A] : memref<64x256xf32, #tpu.memory_space<vmem>>[vector<16xi32>, vector<16xi32>], vector<16xf32>,
              %swap3A_277 = arith.index_cast %select_n3A_264 : i32 to index
              %swap3A_278 = arith.constant 16 : index
              %swap3A_279 = tpu.vector_load %arg15[%swap3A_277, %swap3A_278] {strides = array<i32>} : memref<8x64xf32, #tpu.memory_space<vmem>>, vector<16xf32>,
              tpu.vector_store %arg15[%swap3A_277, %swap3A_278], %gather3A_276 {strides = array<i32>} : memref<8x64xf32, #tpu.memory_space<vmem>>, vector<16xf32>,
              %iota3A_280 = tpu.iota {dimensions = array<i32: 0>} : vector<16xi32>
              %add3A_281 = arith.constant 32 : i32
              %add3A_282 = vector.broadcast %add3A_281 : i32 to vector<16xi32>
              %add3A_283 = arith.addi %iota3A_280, %add3A_282 : vector<16xi32>
              %gather3A_284 = tpu.vector_load_idx %arg10[%add3A_283, %broadcast_in_dim3A] : memref<64x256xf32, #tpu.memory_space<vmem>>[vector<16xi32>, vector<16xi32>], vector<16xf32>,
              %swap3A_285 = arith.index_cast %select_n3A_264 : i32 to index
              %swap3A_286 = arith.constant 32 : index
              %swap3A_287 = tpu.vector_load %arg15[%swap3A_285, %swap3A_286] {strides = array<i32>} : memref<8x64xf32, #tpu.memory_space<vmem>>, vector<16xf32>,
              tpu.vector_store %arg15[%swap3A_285, %swap3A_286], %gather3A_284 {strides = array<i32>} : memref<8x64xf32, #tpu.memory_space<vmem>>, vector<16xf32>,
              %iota3A_288 = tpu.iota {dimensions = array<i32: 0>} : vector<16xi32>
              %add3A_289 = arith.constant 48 : i32
              %add3A_290 = vector.broadcast %add3A_289 : i32 to vector<16xi32>
              %add3A_291 = arith.addi %iota3A_288, %add3A_290 : vector<16xi32>
              %gather3A_292 = tpu.vector_load_idx %arg10[%add3A_291, %broadcast_in_dim3A] : memref<64x256xf32, #tpu.memory_space<vmem>>[vector<16xi32>, vector<16xi32>], vector<16xf32>,
              %swap3A_293 = arith.index_cast %select_n3A_264 : i32 to index
              %swap3A_294 = arith.constant 48 : index
              %swap3A_295 = tpu.vector_load %arg15[%swap3A_293, %swap3A_294] {strides = array<i32>} : memref<8x64xf32, #tpu.memory_space<vmem>>, vector<16xf32>,
              tpu.vector_store %arg15[%swap3A_293, %swap3A_294], %gather3A_292 {strides = array<i32>} : memref<8x64xf32, #tpu.memory_space<vmem>>, vector<16xf32>,
              %get3A_296 = arith.constant 0 : i32
              %get3A_297 = arith.index_cast %get3A_296 : i32 to index
              %get3A_298 = memref.load %arg19[%get3A_297] : memref<1xi32, #tpu.memory_space<smem>>
              %eq3A_299 = arith.constant 8 : i32
              %eq3A_300 = arith.cmpi eq, %get3A_298, %eq3A_299 : i32
              %jit3A_301 = arith.constant 0 : i32
              %select_n3A_302 = arith.select %eq3A_300, %jit3A_301, %get3A_298 : i32
              %dma_start3A_303 = arith.constant 0 : i32
              %dma_start3A_304 = tpu.memref_slice %arg15[%select_n3A_302, %dma_start3A_303] : memref<8x64xf32, #tpu.memory_space<vmem>> -> memref<1x64xf32, #tpu.memory_space<vmem>>
              %dma_start3A_305 = arith.constant 0 : i32
              %dma_start3A_306 = tpu.memref_slice %arg5[%squeeze3A_252, %dma_start3A_305] : memref<32768x64xf32, #tpu.memory_space<hbm>> -> memref<1x64xf32, #tpu.memory_space<hbm>>
              %dma_start3A_307 = arith.constant 0 : i32
              %dma_start3A_308 = tpu.memref_slice %arg5[%squeeze3A_252, %dma_start3A_307] : memref<32768x64xf32, #tpu.memory_space<hbm>> -> memref<1x64xf32, #tpu.memory_space<hbm>>
              %dma_start3A_309 = arith.constant 0 : i32
              %dma_start3A_310 = tpu.memref_slice %arg15[%select_n3A_302, %dma_start3A_309] : memref<8x64xf32, #tpu.memory_space<vmem>> -> memref<1x64xf32, #tpu.memory_space<vmem>>
              tpu.enqueue_dma source(%dma_start3A_310 : memref<1x64xf32, #tpu.memory_space<vmem>>) target(%dma_start3A_308 : memref<1x64xf32, #tpu.memory_space<hbm>>) target_semaphore(%arg24 : memref<!tpu.dma_semaphore, #tpu.memory_space<semaphore_mem>>)
              %eq3A_311 = arith.constant 8 : i32
              %eq3A_312 = arith.cmpi eq, %get3A_298, %eq3A_311 : i32
              %add3A_313 = arith.constant 1 : i32
              %add3A_314 = arith.addi %get3A_298, %add3A_313 : i32
              %jit3A_315 = arith.constant 1 : i32
              %select_n3A_316 = arith.select %eq3A_312, %jit3A_315, %add3A_314 : i32
              %swap3A_317 = arith.constant 0 : i32
              %swap3A_318 = arith.index_cast %swap3A_317 : i32 to index
              %swap3A_319 = memref.load %arg19[%swap3A_318] : memref<1xi32, #tpu.memory_space<smem>>
              memref.store %select_n3A_316, %arg19[%swap3A_318] : memref<1xi32, #tpu.memory_space<smem>>
            }
            %while3A_243 = arith.constant 1 : i32
            scf.for %while3A_244 = %while3A_241 to %while3A_237 step %while3A_243  : i32 {
              %get3A_245 = arith.index_cast %while3A_244 : i32 to index
              %get3A_246 = tpu.vector_load %arg13[%get3A_245] {strides = array<i32>} : memref<32xi32, #tpu.memory_space<vmem>>, vector<16xi32>,
              %slice3A_247 = vector.extract_strided_slice %get3A_246 {offsets = [0], sizes = [1], strides = [1]} : vector<16xi32> to vector<1xi32>
              %squeeze3A_248 = vector.extract %slice3A_247[0] : i32 from vector<1xi32>
              %get3A_249 = arith.index_cast %while3A_244 : i32 to index
              %get3A_250 = tpu.vector_load %arg14[%get3A_249] {strides = array<i32>} : memref<32xi32, #tpu.memory_space<vmem>>, vector<16xi32>,
              %slice3A_251 = vector.extract_strided_slice %get3A_250 {offsets = [0], sizes = [1], strides = [1]} : vector<16xi32> to vector<1xi32>
              %squeeze3A_252 = vector.extract %slice3A_251[0] : i32 from vector<1xi32>
              %get3A_253 = arith.constant 0 : i32
              %get3A_254 = arith.index_cast %get3A_253 : i32 to index
              %get3A_255 = memref.load %arg19[%get3A_254] : memref<1xi32, #tpu.memory_space<smem>>
              %eq3A_256 = arith.constant 8 : i32
              %eq3A_257 = arith.cmpi eq, %get3A_255, %eq3A_256 : i32
              %convert_element_type3A_258 = arith.extui %eq3A_257 : i1 to i32
              %cond3A_259 = arith.constant 0 : i32
              %cond3A_260 = arith.cmpi ne, %convert_element_type3A_258, %cond3A_259 : i32
              scf.if %cond3A_260 {
                %dma_wait3A_320 = arith.constant 0 : i32
                %dma_wait3A_321 = arith.constant 0 : i32
                %dma_wait3A_322 = tpu.memref_slice %arg5[%dma_wait3A_320, %dma_wait3A_321] : memref<32768x64xf32, #tpu.memory_space<hbm>> -> memref<8x64xf32, #tpu.memory_space<hbm>>
                %dma_wait3A_323 = arith.constant 0 : i32
                %dma_wait3A_324 = arith.constant 0 : i32
                %dma_wait3A_325 = tpu.memref_slice %arg5[%dma_wait3A_323, %dma_wait3A_324] : memref<32768x64xf32, #tpu.memory_space<hbm>> -> memref<8x64xf32, #tpu.memory_space<hbm>>
                tpu.wait_dma2 semaphore(%arg24 : memref<!tpu.dma_semaphore, #tpu.memory_space<semaphore_mem>>) src(%arg15 : memref<8x64xf32, #tpu.memory_space<vmem>>) dst(%dma_wait3A_325 : memref<8x64xf32, #tpu.memory_space<hbm>>)
              } else {
              }
              %eq3A_261 = arith.constant 8 : i32
              %eq3A_262 = arith.cmpi eq, %get3A_255, %eq3A_261 : i32
              %jit3A_263 = arith.constant 0 : i32
              %select_n3A_264 = arith.select %eq3A_262, %jit3A_263, %get3A_255 : i32
              %broadcast_in_dim3A = vector.broadcast %squeeze3A_248 : i32 to vector<16xi32>
              %iota3A_265 = tpu.iota {dimensions = array<i32: 0>} : vector<16xi32>
              %add3A_266 = arith.constant 0 : i32
              %add3A_267 = vector.broadcast %add3A_266 : i32 to vector<16xi32>
              %add3A_268 = arith.addi %iota3A_265, %add3A_267 : vector<16xi32>
              %gather3A = tpu.vector_load_idx %arg10[%add3A_268, %broadcast_in_dim3A] : memref<64x256xf32, #tpu.memory_space<vmem>>[vector<16xi32>, vector<16xi32>], vector<16xf32>,
              %swap3A_269 = arith.index_cast %select_n3A_264 : i32 to index
              %swap3A_270 = arith.constant 0 : index
              %swap3A_271 = tpu.vector_load %arg15[%swap3A_269, %swap3A_270] {strides = array<i32>} : memref<8x64xf32, #tpu.memory_space<vmem>>, vector<16xf32>,
              tpu.vector_store %arg15[%swap3A_269, %swap3A_270], %gather3A {strides = array<i32>} : memref<8x64xf32, #tpu.memory_space<vmem>>, vector<16xf32>,
              %iota3A_272 = tpu.iota {dimensions = array<i32: 0>} : vector<16xi32>
              %add3A_273 = arith.constant 16 : i32
              %add3A_274 = vector.broadcast %add3A_273 : i32 to vector<16xi32>
              %add3A_275 = arith.addi %iota3A_272, %add3A_274 : vector<16xi32>
              %gather3A_276 = tpu.vector_load_idx %arg10[%add3A_275, %broadcast_in_dim3A] : memref<64x256xf32, #tpu.memory_space<vmem>>[vector<16xi32>, vector<16xi32>], vector<16xf32>,
              %swap3A_277 = arith.index_cast %select_n3A_264 : i32 to index
              %swap3A_278 = arith.constant 16 : index
              %swap3A_279 = tpu.vector_load %arg15[%swap3A_277, %swap3A_278] {strides = array<i32>} : memref<8x64xf32, #tpu.memory_space<vmem>>, vector<16xf32>,
              tpu.vector_store %arg15[%swap3A_277, %swap3A_278], %gather3A_276 {strides = array<i32>} : memref<8x64xf32, #tpu.memory_space<vmem>>, vector<16xf32>,
              %iota3A_280 = tpu.iota {dimensions = array<i32: 0>} : vector<16xi32>
              %add3A_281 = arith.constant 32 : i32
              %add3A_282 = vector.broadcast %add3A_281 : i32 to vector<16xi32>
              %add3A_283 = arith.addi %iota3A_280, %add3A_282 : vector<16xi32>
              %gather3A_284 = tpu.vector_load_idx %arg10[%add3A_283, %broadcast_in_dim3A] : memref<64x256xf32, #tpu.memory_space<vmem>>[vector<16xi32>, vector<16xi32>], vector<16xf32>,
              %swap3A_285 = arith.index_cast %select_n3A_264 : i32 to index
              %swap3A_286 = arith.constant 32 : index
              %swap3A_287 = tpu.vector_load %arg15[%swap3A_285, %swap3A_286] {strides = array<i32>} : memref<8x64xf32, #tpu.memory_space<vmem>>, vector<16xf32>,
              tpu.vector_store %arg15[%swap3A_285, %swap3A_286], %gather3A_284 {strides = array<i32>} : memref<8x64xf32, #tpu.memory_space<vmem>>, vector<16xf32>,
              %iota3A_288 = tpu.iota {dimensions = array<i32: 0>} : vector<16xi32>
              %add3A_289 = arith.constant 48 : i32
              %add3A_290 = vector.broadcast %add3A_289 : i32 to vector<16xi32>
              %add3A_291 = arith.addi %iota3A_288, %add3A_290 : vector<16xi32>
              %gather3A_292 = tpu.vector_load_idx %arg10[%add3A_291, %broadcast_in_dim3A] : memref<64x256xf32, #tpu.memory_space<vmem>>[vector<16xi32>, vector<16xi32>], vector<16xf32>,
              %swap3A_293 = arith.index_cast %select_n3A_264 : i32 to index
              %swap3A_294 = arith.constant 48 : index
              %swap3A_295 = tpu.vector_load %arg15[%swap3A_293, %swap3A_294] {strides = array<i32>} : memref<8x64xf32, #tpu.memory_space<vmem>>, vector<16xf32>,
              tpu.vector_store %arg15[%swap3A_293, %swap3A_294], %gather3A_292 {strides = array<i32>} : memref<8x64xf32, #tpu.memory_space<vmem>>, vector<16xf32>,
              %get3A_296 = arith.constant 0 : i32
              %get3A_297 = arith.index_cast %get3A_296 : i32 to index
              %get3A_298 = memref.load %arg19[%get3A_297] : memref<1xi32, #tpu.memory_space<smem>>
              %eq3A_299 = arith.constant 8 : i32
              %eq3A_300 = arith.cmpi eq, %get3A_298, %eq3A_299 : i32
              %jit3A_301 = arith.constant 0 : i32
              %select_n3A_302 = arith.select %eq3A_300, %jit3A_301, %get3A_298 : i32
              %dma_start3A_303 = arith.constant 0 : i32
              %dma_start3A_304 = tpu.memref_slice %arg15[%select_n3A_302, %dma_start3A_303] : memref<8x64xf32, #tpu.memory_space<vmem>> -> memref<1x64xf32, #tpu.memory_space<vmem>>
              %dma_start3A_305 = arith.constant 0 : i32
              %dma_start3A_306 = tpu.memref_slice %arg5[%squeeze3A_252, %dma_start3A_305] : memref<32768x64xf32, #tpu.memory_space<hbm>> -> memref<1x64xf32, #tpu.memory_space<hbm>>
              %dma_start3A_307 = arith.constant 0 : i32
              %dma_start3A_308 = tpu.memref_slice %arg5[%squeeze3A_252, %dma_start3A_307] : memref<32768x64xf32, #tpu.memory_space<hbm>> -> memref<1x64xf32, #tpu.memory_space<hbm>>
              %dma_start3A_309 = arith.constant 0 : i32
              %dma_start3A_310 = tpu.memref_slice %arg15[%select_n3A_302, %dma_start3A_309] : memref<8x64xf32, #tpu.memory_space<vmem>> -> memref<1x64xf32, #tpu.memory_space<vmem>>
              tpu.enqueue_dma source(%dma_start3A_310 : memref<1x64xf32, #tpu.memory_space<vmem>>) target(%dma_start3A_308 : memref<1x64xf32, #tpu.memory_space<hbm>>) target_semaphore(%arg24 : memref<!tpu.dma_semaphore, #tpu.memory_space<semaphore_mem>>)
              %eq3A_311 = arith.constant 8 : i32
              %eq3A_312 = arith.cmpi eq, %get3A_298, %eq3A_311 : i32
              %add3A_313 = arith.constant 1 : i32
              %add3A_314 = arith.addi %get3A_298, %add3A_313 : i32
              %jit3A_315 = arith.constant 1 : i32
              %select_n3A_316 = arith.select %eq3A_312, %jit3A_315, %add3A_314 : i32
              %swap3A_317 = arith.constant 0 : i32
              %swap3A_318 = arith.index_cast %swap3A_317 : i32 to index
              %swap3A_319 = memref.load %arg19[%swap3A_318] : memref<1xi32, #tpu.memory_space<smem>>
              memref.store %select_n3A_316, %arg19[%swap3A_318] : memref<1xi32, #tpu.memory_space<smem>>
            }
          } else {
          }
        }
        %scan3A_212 = arith.constant 16 : i32
      } else {
      }
      %add3A_163 = arith.constant 1 : i32
      %add3A_164 = arith.addi %while3A_132, %add3A_163 : i32
      %lt3A_165 = arith.cmpi slt, %add3A_164, %shift_right_logical3A_36 : i32
      %convert_element_type3A_166 = arith.extui %lt3A_165 : i1 to i32
      %cond3A_167 = arith.constant 0 : i32
      %cond3A_168 = arith.cmpi ne, %convert_element_type3A_166, %cond3A_167 : i32
      scf.if %cond3A_168 {
        %add3A_205 = arith.constant 4 : i32
        %add3A_206 = arith.addi %mul3A_134, %add3A_205 : i32
        %add3A_207 = arith.constant 1 : i32
        %add3A_208 = arith.addi %add3A_206, %add3A_207 : i32
        %lt3A_209 = arith.cmpi slt, %add3A_208, %add3A_28 : i32
        %jit3A_210 = arith.constant 0 : i32
        %select_n3A_211 = arith.select %lt3A_209, %add3A_208, %jit3A_210 : i32
        %mul3A_212 = arith.constant 32 : i32
        %mul3A_213 = arith.muli %select_n3A_211, %mul3A_212 : i32
        %add3A_214 = arith.addi %add3A, %mul3A_213 : i32
        %mul3A_215 = arith.constant 256 : i32
        %mul3A_216 = arith.muli %add3A_214, %mul3A_215 : i32
        %multiple_of3A_217 = tpu.assume_multiple %mul3A_216, 128 : i32
        %dma_start3A_218 = arith.constant 0 : i32
        %dma_start3A_219 = tpu.memref_slice %arg3[%dma_start3A_218, %multiple_of3A_217] : memref<64x1000000xf32, #tpu.memory_space<hbm>> -> memref<64x256xf32, #tpu.memory_space<hbm>>
        %dma_start3A_220 = arith.constant 0 : i32
        %dma_start3A_221 = tpu.memref_slice %arg3[%dma_start3A_220, %multiple_of3A_217] : memref<64x1000000xf32, #tpu.memory_space<hbm>> -> memref<64x256xf32, #tpu.memory_space<hbm>>
        tpu.enqueue_dma source(%dma_start3A_221 : memref<64x256xf32, #tpu.memory_space<hbm>>) target(%arg10 : memref<64x256xf32, #tpu.memory_space<vmem>>) target_semaphore(%arg21 : memref<!tpu.dma_semaphore, #tpu.memory_space<semaphore_mem>>)
      } else {
      }
      %dma_wait3A_169 = arith.constant 0 : i32
      %dma_wait3A_170 = arith.constant 0 : i32
      %dma_wait3A_171 = tpu.memref_slice %arg3[%dma_wait3A_169, %dma_wait3A_170] : memref<64x1000000xf32, #tpu.memory_space<hbm>> -> memref<64x256xf32, #tpu.memory_space<hbm>>
      %dma_wait3A_172 = arith.constant 0 : i32
      %dma_wait3A_173 = arith.constant 0 : i32
      %dma_wait3A_174 = tpu.memref_slice %arg3[%dma_wait3A_172, %dma_wait3A_173] : memref<64x1000000xf32, #tpu.memory_space<hbm>> -> memref<64x256xf32, #tpu.memory_space<hbm>>
      tpu.wait_dma2 semaphore(%arg22 : memref<!tpu.dma_semaphore, #tpu.memory_space<semaphore_mem>>) src(%dma_wait3A_174 : memref<64x256xf32, #tpu.memory_space<hbm>>) dst(%arg11 : memref<64x256xf32, #tpu.memory_space<vmem>>)
      %add3A_175 = arith.constant 2 : i32
      %add3A_176 = arith.addi %mul3A_134, %add3A_175 : i32
      %lt3A_177 = arith.cmpi slt, %add3A_176, %add3A_28 : i32
      %convert_element_type3A_178 = arith.extui %lt3A_177 : i1 to i32
      %cond3A_179 = arith.constant 0 : i32
      %cond3A_180 = arith.cmpi ne, %convert_element_type3A_178, %cond3A_179 : i32
      scf.if %cond3A_180 {
        %add3A_205 = arith.constant 2 : i32
        %add3A_206 = arith.addi %mul3A_134, %add3A_205 : i32
        %scan3A_207 = arith.constant 0 : i32
        %scan3A_208 = arith.constant 0 : i32
        %scan3A_209 = arith.constant 16 : i32
        %scan3A_210 = arith.addi %scan3A_208, %scan3A_209 : i32
        %scan3A_211 = arith.constant 1 : i32
        scf.for %scan3A_213 = %scan3A_208 to %scan3A_210 step %scan3A_211  : i32 {
          %shift_left3A = arith.constant 8 : i32
          %shift_left3A_214 = arith.shli %add3A_206, %shift_left3A : i32
          %mul3A_215 = arith.constant 16 : i32
          %mul3A_216 = arith.muli %scan3A_213, %mul3A_215 : i32
          %add3A_217 = arith.addi %shift_left3A_214, %mul3A_216 : i32
          %get3A = arith.index_cast %add3A_217 : i32 to index
          %get3A_218 = tpu.vector_load %arg7[%get3A] {strides = array<i32>} : memref<31504xi32, #tpu.memory_space<vmem>>, vector<16xi32>,
          %ge3A = arith.constant 0 : i32
          %ge3A_219 = vector.broadcast %ge3A : i32 to vector<16xi32>
          %ge3A_220 = arith.cmpi sge, %get3A_218, %ge3A_219 : vector<16xi32>
          %all_reduce_population_count3A = tpu.all_reduce %ge3A_220 {dim = 0 : i64, kind = #tpu.reduction_kind<sum>} : vector<16xi1> -> vector<16xi32>
          %slice3A = vector.extract_strided_slice %all_reduce_population_count3A {offsets = [0], sizes = [1], strides = [1]} : vector<16xi32> to vector<1xi32>
          %squeeze3A = vector.extract %slice3A[0] : i32 from vector<1xi32>
          %gt3A_221 = arith.constant 0 : i32
          %gt3A_222 = arith.cmpi sgt, %squeeze3A, %gt3A_221 : i32
          %convert_element_type3A_223 = arith.extui %gt3A_222 : i1 to i32
          %cond3A_224 = arith.constant 0 : i32
          %cond3A_225 = arith.cmpi ne, %convert_element_type3A_223, %cond3A_224 : i32
          scf.if %cond3A_225 {
            %iota3A = tpu.iota {dimensions = array<i32: 0>} : vector<16xi32>
            %mul3A_226 = arith.constant 16 : i32
            %mul3A_227 = arith.muli %scan3A_213, %mul3A_226 : i32
            %add3A_228 = vector.broadcast %mul3A_227 : i32 to vector<16xi32>
            %add3A_229 = arith.addi %iota3A, %add3A_228 : vector<16xi32>
            %swap3A_230 = arith.constant 0 : index
            %swap3A_231 = tpu.vector_load %arg13[%swap3A_230] masked %ge3A_220 {strides = array<i32>} : memref<32xi32, #tpu.memory_space<vmem>>, vector<16xi32>, vector<16xi1>
            tpu.vector_store %arg13[%swap3A_230], %add3A_229 masked %ge3A_220 {strides = array<i32>} : memref<32xi32, #tpu.memory_space<vmem>>, vector<16xi32>, vector<16xi1>
            %swap3A_232 = arith.constant 0 : index
            %swap3A_233 = tpu.vector_load %arg14[%swap3A_232] masked %ge3A_220 {strides = array<i32>} : memref<32xi32, #tpu.memory_space<vmem>>, vector<16xi32>, vector<16xi1>
            tpu.vector_store %arg14[%swap3A_232], %get3A_218 masked %ge3A_220 {strides = array<i32>} : memref<32xi32, #tpu.memory_space<vmem>>, vector<16xi32>, vector<16xi1>
            %while3A_234 = arith.constant 0 : i32
            %while3A_235 = arith.constant 0 : i32
            %while3A_236 = arith.subi %squeeze3A, %while3A_235 : i32
            %while3A_237 = arith.addi %while3A_235, %while3A_236 : i32
            %while3A_238 = arith.constant 1 : i32
            %while3A_239 = arith.divsi %while3A_236, %while3A_238 : i32
            %while3A_240 = arith.muli %while3A_239, %while3A_238 : i32
            %while3A_241 = arith.addi %while3A_235, %while3A_240 : i32
            %while3A_242 = arith.constant 1 : i32
            scf.for %while3A_244 = %while3A_235 to %while3A_241 step %while3A_242  : i32 {
              %get3A_245 = arith.index_cast %while3A_244 : i32 to index
              %get3A_246 = tpu.vector_load %arg13[%get3A_245] {strides = array<i32>} : memref<32xi32, #tpu.memory_space<vmem>>, vector<16xi32>,
              %slice3A_247 = vector.extract_strided_slice %get3A_246 {offsets = [0], sizes = [1], strides = [1]} : vector<16xi32> to vector<1xi32>
              %squeeze3A_248 = vector.extract %slice3A_247[0] : i32 from vector<1xi32>
              %get3A_249 = arith.index_cast %while3A_244 : i32 to index
              %get3A_250 = tpu.vector_load %arg14[%get3A_249] {strides = array<i32>} : memref<32xi32, #tpu.memory_space<vmem>>, vector<16xi32>,
              %slice3A_251 = vector.extract_strided_slice %get3A_250 {offsets = [0], sizes = [1], strides = [1]} : vector<16xi32> to vector<1xi32>
              %squeeze3A_252 = vector.extract %slice3A_251[0] : i32 from vector<1xi32>
              %get3A_253 = arith.constant 0 : i32
              %get3A_254 = arith.index_cast %get3A_253 : i32 to index
              %get3A_255 = memref.load %arg19[%get3A_254] : memref<1xi32, #tpu.memory_space<smem>>
              %eq3A_256 = arith.constant 8 : i32
              %eq3A_257 = arith.cmpi eq, %get3A_255, %eq3A_256 : i32
              %convert_element_type3A_258 = arith.extui %eq3A_257 : i1 to i32
              %cond3A_259 = arith.constant 0 : i32
              %cond3A_260 = arith.cmpi ne, %convert_element_type3A_258, %cond3A_259 : i32
              scf.if %cond3A_260 {
                %dma_wait3A_320 = arith.constant 0 : i32
                %dma_wait3A_321 = arith.constant 0 : i32
                %dma_wait3A_322 = tpu.memref_slice %arg5[%dma_wait3A_320, %dma_wait3A_321] : memref<32768x64xf32, #tpu.memory_space<hbm>> -> memref<8x64xf32, #tpu.memory_space<hbm>>
                %dma_wait3A_323 = arith.constant 0 : i32
                %dma_wait3A_324 = arith.constant 0 : i32
                %dma_wait3A_325 = tpu.memref_slice %arg5[%dma_wait3A_323, %dma_wait3A_324] : memref<32768x64xf32, #tpu.memory_space<hbm>> -> memref<8x64xf32, #tpu.memory_space<hbm>>
                tpu.wait_dma2 semaphore(%arg24 : memref<!tpu.dma_semaphore, #tpu.memory_space<semaphore_mem>>) src(%arg15 : memref<8x64xf32, #tpu.memory_space<vmem>>) dst(%dma_wait3A_325 : memref<8x64xf32, #tpu.memory_space<hbm>>)
              } else {
              }
              %eq3A_261 = arith.constant 8 : i32
              %eq3A_262 = arith.cmpi eq, %get3A_255, %eq3A_261 : i32
              %jit3A_263 = arith.constant 0 : i32
              %select_n3A_264 = arith.select %eq3A_262, %jit3A_263, %get3A_255 : i32
              %broadcast_in_dim3A = vector.broadcast %squeeze3A_248 : i32 to vector<16xi32>
              %iota3A_265 = tpu.iota {dimensions = array<i32: 0>} : vector<16xi32>
              %add3A_266 = arith.constant 0 : i32
              %add3A_267 = vector.broadcast %add3A_266 : i32 to vector<16xi32>
              %add3A_268 = arith.addi %iota3A_265, %add3A_267 : vector<16xi32>
              %gather3A = tpu.vector_load_idx %arg11[%add3A_268, %broadcast_in_dim3A] : memref<64x256xf32, #tpu.memory_space<vmem>>[vector<16xi32>, vector<16xi32>], vector<16xf32>,
              %swap3A_269 = arith.index_cast %select_n3A_264 : i32 to index
              %swap3A_270 = arith.constant 0 : index
              %swap3A_271 = tpu.vector_load %arg15[%swap3A_269, %swap3A_270] {strides = array<i32>} : memref<8x64xf32, #tpu.memory_space<vmem>>, vector<16xf32>,
              tpu.vector_store %arg15[%swap3A_269, %swap3A_270], %gather3A {strides = array<i32>} : memref<8x64xf32, #tpu.memory_space<vmem>>, vector<16xf32>,
              %iota3A_272 = tpu.iota {dimensions = array<i32: 0>} : vector<16xi32>
              %add3A_273 = arith.constant 16 : i32
              %add3A_274 = vector.broadcast %add3A_273 : i32 to vector<16xi32>
              %add3A_275 = arith.addi %iota3A_272, %add3A_274 : vector<16xi32>
              %gather3A_276 = tpu.vector_load_idx %arg11[%add3A_275, %broadcast_in_dim3A] : memref<64x256xf32, #tpu.memory_space<vmem>>[vector<16xi32>, vector<16xi32>], vector<16xf32>,
              %swap3A_277 = arith.index_cast %select_n3A_264 : i32 to index
              %swap3A_278 = arith.constant 16 : index
              %swap3A_279 = tpu.vector_load %arg15[%swap3A_277, %swap3A_278] {strides = array<i32>} : memref<8x64xf32, #tpu.memory_space<vmem>>, vector<16xf32>,
              tpu.vector_store %arg15[%swap3A_277, %swap3A_278], %gather3A_276 {strides = array<i32>} : memref<8x64xf32, #tpu.memory_space<vmem>>, vector<16xf32>,
              %iota3A_280 = tpu.iota {dimensions = array<i32: 0>} : vector<16xi32>
              %add3A_281 = arith.constant 32 : i32
              %add3A_282 = vector.broadcast %add3A_281 : i32 to vector<16xi32>
              %add3A_283 = arith.addi %iota3A_280, %add3A_282 : vector<16xi32>
              %gather3A_284 = tpu.vector_load_idx %arg11[%add3A_283, %broadcast_in_dim3A] : memref<64x256xf32, #tpu.memory_space<vmem>>[vector<16xi32>, vector<16xi32>], vector<16xf32>,
              %swap3A_285 = arith.index_cast %select_n3A_264 : i32 to index
              %swap3A_286 = arith.constant 32 : index
              %swap3A_287 = tpu.vector_load %arg15[%swap3A_285, %swap3A_286] {strides = array<i32>} : memref<8x64xf32, #tpu.memory_space<vmem>>, vector<16xf32>,
              tpu.vector_store %arg15[%swap3A_285, %swap3A_286], %gather3A_284 {strides = array<i32>} : memref<8x64xf32, #tpu.memory_space<vmem>>, vector<16xf32>,
              %iota3A_288 = tpu.iota {dimensions = array<i32: 0>} : vector<16xi32>
              %add3A_289 = arith.constant 48 : i32
              %add3A_290 = vector.broadcast %add3A_289 : i32 to vector<16xi32>
              %add3A_291 = arith.addi %iota3A_288, %add3A_290 : vector<16xi32>
              %gather3A_292 = tpu.vector_load_idx %arg11[%add3A_291, %broadcast_in_dim3A] : memref<64x256xf32, #tpu.memory_space<vmem>>[vector<16xi32>, vector<16xi32>], vector<16xf32>,
              %swap3A_293 = arith.index_cast %select_n3A_264 : i32 to index
              %swap3A_294 = arith.constant 48 : index
              %swap3A_295 = tpu.vector_load %arg15[%swap3A_293, %swap3A_294] {strides = array<i32>} : memref<8x64xf32, #tpu.memory_space<vmem>>, vector<16xf32>,
              tpu.vector_store %arg15[%swap3A_293, %swap3A_294], %gather3A_292 {strides = array<i32>} : memref<8x64xf32, #tpu.memory_space<vmem>>, vector<16xf32>,
              %get3A_296 = arith.constant 0 : i32
              %get3A_297 = arith.index_cast %get3A_296 : i32 to index
              %get3A_298 = memref.load %arg19[%get3A_297] : memref<1xi32, #tpu.memory_space<smem>>
              %eq3A_299 = arith.constant 8 : i32
              %eq3A_300 = arith.cmpi eq, %get3A_298, %eq3A_299 : i32
              %jit3A_301 = arith.constant 0 : i32
              %select_n3A_302 = arith.select %eq3A_300, %jit3A_301, %get3A_298 : i32
              %dma_start3A_303 = arith.constant 0 : i32
              %dma_start3A_304 = tpu.memref_slice %arg15[%select_n3A_302, %dma_start3A_303] : memref<8x64xf32, #tpu.memory_space<vmem>> -> memref<1x64xf32, #tpu.memory_space<vmem>>
              %dma_start3A_305 = arith.constant 0 : i32
              %dma_start3A_306 = tpu.memref_slice %arg5[%squeeze3A_252, %dma_start3A_305] : memref<32768x64xf32, #tpu.memory_space<hbm>> -> memref<1x64xf32, #tpu.memory_space<hbm>>
              %dma_start3A_307 = arith.constant 0 : i32
              %dma_start3A_308 = tpu.memref_slice %arg5[%squeeze3A_252, %dma_start3A_307] : memref<32768x64xf32, #tpu.memory_space<hbm>> -> memref<1x64xf32, #tpu.memory_space<hbm>>
              %dma_start3A_309 = arith.constant 0 : i32
              %dma_start3A_310 = tpu.memref_slice %arg15[%select_n3A_302, %dma_start3A_309] : memref<8x64xf32, #tpu.memory_space<vmem>> -> memref<1x64xf32, #tpu.memory_space<vmem>>
              tpu.enqueue_dma source(%dma_start3A_310 : memref<1x64xf32, #tpu.memory_space<vmem>>) target(%dma_start3A_308 : memref<1x64xf32, #tpu.memory_space<hbm>>) target_semaphore(%arg24 : memref<!tpu.dma_semaphore, #tpu.memory_space<semaphore_mem>>)
              %eq3A_311 = arith.constant 8 : i32
              %eq3A_312 = arith.cmpi eq, %get3A_298, %eq3A_311 : i32
              %add3A_313 = arith.constant 1 : i32
              %add3A_314 = arith.addi %get3A_298, %add3A_313 : i32
              %jit3A_315 = arith.constant 1 : i32
              %select_n3A_316 = arith.select %eq3A_312, %jit3A_315, %add3A_314 : i32
              %swap3A_317 = arith.constant 0 : i32
              %swap3A_318 = arith.index_cast %swap3A_317 : i32 to index
              %swap3A_319 = memref.load %arg19[%swap3A_318] : memref<1xi32, #tpu.memory_space<smem>>
              memref.store %select_n3A_316, %arg19[%swap3A_318] : memref<1xi32, #tpu.memory_space<smem>>
            }
            %while3A_243 = arith.constant 1 : i32
            scf.for %while3A_244 = %while3A_241 to %while3A_237 step %while3A_243  : i32 {
              %get3A_245 = arith.index_cast %while3A_244 : i32 to index
              %get3A_246 = tpu.vector_load %arg13[%get3A_245] {strides = array<i32>} : memref<32xi32, #tpu.memory_space<vmem>>, vector<16xi32>,
              %slice3A_247 = vector.extract_strided_slice %get3A_246 {offsets = [0], sizes = [1], strides = [1]} : vector<16xi32> to vector<1xi32>
              %squeeze3A_248 = vector.extract %slice3A_247[0] : i32 from vector<1xi32>
              %get3A_249 = arith.index_cast %while3A_244 : i32 to index
              %get3A_250 = tpu.vector_load %arg14[%get3A_249] {strides = array<i32>} : memref<32xi32, #tpu.memory_space<vmem>>, vector<16xi32>,
              %slice3A_251 = vector.extract_strided_slice %get3A_250 {offsets = [0], sizes = [1], strides = [1]} : vector<16xi32> to vector<1xi32>
              %squeeze3A_252 = vector.extract %slice3A_251[0] : i32 from vector<1xi32>
              %get3A_253 = arith.constant 0 : i32
              %get3A_254 = arith.index_cast %get3A_253 : i32 to index
              %get3A_255 = memref.load %arg19[%get3A_254] : memref<1xi32, #tpu.memory_space<smem>>
              %eq3A_256 = arith.constant 8 : i32
              %eq3A_257 = arith.cmpi eq, %get3A_255, %eq3A_256 : i32
              %convert_element_type3A_258 = arith.extui %eq3A_257 : i1 to i32
              %cond3A_259 = arith.constant 0 : i32
              %cond3A_260 = arith.cmpi ne, %convert_element_type3A_258, %cond3A_259 : i32
              scf.if %cond3A_260 {
                %dma_wait3A_320 = arith.constant 0 : i32
                %dma_wait3A_321 = arith.constant 0 : i32
                %dma_wait3A_322 = tpu.memref_slice %arg5[%dma_wait3A_320, %dma_wait3A_321] : memref<32768x64xf32, #tpu.memory_space<hbm>> -> memref<8x64xf32, #tpu.memory_space<hbm>>
                %dma_wait3A_323 = arith.constant 0 : i32
                %dma_wait3A_324 = arith.constant 0 : i32
                %dma_wait3A_325 = tpu.memref_slice %arg5[%dma_wait3A_323, %dma_wait3A_324] : memref<32768x64xf32, #tpu.memory_space<hbm>> -> memref<8x64xf32, #tpu.memory_space<hbm>>
                tpu.wait_dma2 semaphore(%arg24 : memref<!tpu.dma_semaphore, #tpu.memory_space<semaphore_mem>>) src(%arg15 : memref<8x64xf32, #tpu.memory_space<vmem>>) dst(%dma_wait3A_325 : memref<8x64xf32, #tpu.memory_space<hbm>>)
              } else {
              }
              %eq3A_261 = arith.constant 8 : i32
              %eq3A_262 = arith.cmpi eq, %get3A_255, %eq3A_261 : i32
              %jit3A_263 = arith.constant 0 : i32
              %select_n3A_264 = arith.select %eq3A_262, %jit3A_263, %get3A_255 : i32
              %broadcast_in_dim3A = vector.broadcast %squeeze3A_248 : i32 to vector<16xi32>
              %iota3A_265 = tpu.iota {dimensions = array<i32: 0>} : vector<16xi32>
              %add3A_266 = arith.constant 0 : i32
              %add3A_267 = vector.broadcast %add3A_266 : i32 to vector<16xi32>
              %add3A_268 = arith.addi %iota3A_265, %add3A_267 : vector<16xi32>
              %gather3A = tpu.vector_load_idx %arg11[%add3A_268, %broadcast_in_dim3A] : memref<64x256xf32, #tpu.memory_space<vmem>>[vector<16xi32>, vector<16xi32>], vector<16xf32>,
              %swap3A_269 = arith.index_cast %select_n3A_264 : i32 to index
              %swap3A_270 = arith.constant 0 : index
              %swap3A_271 = tpu.vector_load %arg15[%swap3A_269, %swap3A_270] {strides = array<i32>} : memref<8x64xf32, #tpu.memory_space<vmem>>, vector<16xf32>,
              tpu.vector_store %arg15[%swap3A_269, %swap3A_270], %gather3A {strides = array<i32>} : memref<8x64xf32, #tpu.memory_space<vmem>>, vector<16xf32>,
              %iota3A_272 = tpu.iota {dimensions = array<i32: 0>} : vector<16xi32>
              %add3A_273 = arith.constant 16 : i32
              %add3A_274 = vector.broadcast %add3A_273 : i32 to vector<16xi32>
              %add3A_275 = arith.addi %iota3A_272, %add3A_274 : vector<16xi32>
              %gather3A_276 = tpu.vector_load_idx %arg11[%add3A_275, %broadcast_in_dim3A] : memref<64x256xf32, #tpu.memory_space<vmem>>[vector<16xi32>, vector<16xi32>], vector<16xf32>,
              %swap3A_277 = arith.index_cast %select_n3A_264 : i32 to index
              %swap3A_278 = arith.constant 16 : index
              %swap3A_279 = tpu.vector_load %arg15[%swap3A_277, %swap3A_278] {strides = array<i32>} : memref<8x64xf32, #tpu.memory_space<vmem>>, vector<16xf32>,
              tpu.vector_store %arg15[%swap3A_277, %swap3A_278], %gather3A_276 {strides = array<i32>} : memref<8x64xf32, #tpu.memory_space<vmem>>, vector<16xf32>,
              %iota3A_280 = tpu.iota {dimensions = array<i32: 0>} : vector<16xi32>
              %add3A_281 = arith.constant 32 : i32
              %add3A_282 = vector.broadcast %add3A_281 : i32 to vector<16xi32>
              %add3A_283 = arith.addi %iota3A_280, %add3A_282 : vector<16xi32>
              %gather3A_284 = tpu.vector_load_idx %arg11[%add3A_283, %broadcast_in_dim3A] : memref<64x256xf32, #tpu.memory_space<vmem>>[vector<16xi32>, vector<16xi32>], vector<16xf32>,
              %swap3A_285 = arith.index_cast %select_n3A_264 : i32 to index
              %swap3A_286 = arith.constant 32 : index
              %swap3A_287 = tpu.vector_load %arg15[%swap3A_285, %swap3A_286] {strides = array<i32>} : memref<8x64xf32, #tpu.memory_space<vmem>>, vector<16xf32>,
              tpu.vector_store %arg15[%swap3A_285, %swap3A_286], %gather3A_284 {strides = array<i32>} : memref<8x64xf32, #tpu.memory_space<vmem>>, vector<16xf32>,
              %iota3A_288 = tpu.iota {dimensions = array<i32: 0>} : vector<16xi32>
              %add3A_289 = arith.constant 48 : i32
              %add3A_290 = vector.broadcast %add3A_289 : i32 to vector<16xi32>
              %add3A_291 = arith.addi %iota3A_288, %add3A_290 : vector<16xi32>
              %gather3A_292 = tpu.vector_load_idx %arg11[%add3A_291, %broadcast_in_dim3A] : memref<64x256xf32, #tpu.memory_space<vmem>>[vector<16xi32>, vector<16xi32>], vector<16xf32>,
              %swap3A_293 = arith.index_cast %select_n3A_264 : i32 to index
              %swap3A_294 = arith.constant 48 : index
              %swap3A_295 = tpu.vector_load %arg15[%swap3A_293, %swap3A_294] {strides = array<i32>} : memref<8x64xf32, #tpu.memory_space<vmem>>, vector<16xf32>,
              tpu.vector_store %arg15[%swap3A_293, %swap3A_294], %gather3A_292 {strides = array<i32>} : memref<8x64xf32, #tpu.memory_space<vmem>>, vector<16xf32>,
              %get3A_296 = arith.constant 0 : i32
              %get3A_297 = arith.index_cast %get3A_296 : i32 to index
              %get3A_298 = memref.load %arg19[%get3A_297] : memref<1xi32, #tpu.memory_space<smem>>
              %eq3A_299 = arith.constant 8 : i32
              %eq3A_300 = arith.cmpi eq, %get3A_298, %eq3A_299 : i32
              %jit3A_301 = arith.constant 0 : i32
              %select_n3A_302 = arith.select %eq3A_300, %jit3A_301, %get3A_298 : i32
              %dma_start3A_303 = arith.constant 0 : i32
              %dma_start3A_304 = tpu.memref_slice %arg15[%select_n3A_302, %dma_start3A_303] : memref<8x64xf32, #tpu.memory_space<vmem>> -> memref<1x64xf32, #tpu.memory_space<vmem>>
              %dma_start3A_305 = arith.constant 0 : i32
              %dma_start3A_306 = tpu.memref_slice %arg5[%squeeze3A_252, %dma_start3A_305] : memref<32768x64xf32, #tpu.memory_space<hbm>> -> memref<1x64xf32, #tpu.memory_space<hbm>>
              %dma_start3A_307 = arith.constant 0 : i32
              %dma_start3A_308 = tpu.memref_slice %arg5[%squeeze3A_252, %dma_start3A_307] : memref<32768x64xf32, #tpu.memory_space<hbm>> -> memref<1x64xf32, #tpu.memory_space<hbm>>
              %dma_start3A_309 = arith.constant 0 : i32
              %dma_start3A_310 = tpu.memref_slice %arg15[%select_n3A_302, %dma_start3A_309] : memref<8x64xf32, #tpu.memory_space<vmem>> -> memref<1x64xf32, #tpu.memory_space<vmem>>
              tpu.enqueue_dma source(%dma_start3A_310 : memref<1x64xf32, #tpu.memory_space<vmem>>) target(%dma_start3A_308 : memref<1x64xf32, #tpu.memory_space<hbm>>) target_semaphore(%arg24 : memref<!tpu.dma_semaphore, #tpu.memory_space<semaphore_mem>>)
              %eq3A_311 = arith.constant 8 : i32
              %eq3A_312 = arith.cmpi eq, %get3A_298, %eq3A_311 : i32
              %add3A_313 = arith.constant 1 : i32
              %add3A_314 = arith.addi %get3A_298, %add3A_313 : i32
              %jit3A_315 = arith.constant 1 : i32
              %select_n3A_316 = arith.select %eq3A_312, %jit3A_315, %add3A_314 : i32
              %swap3A_317 = arith.constant 0 : i32
              %swap3A_318 = arith.index_cast %swap3A_317 : i32 to index
              %swap3A_319 = memref.load %arg19[%swap3A_318] : memref<1xi32, #tpu.memory_space<smem>>
              memref.store %select_n3A_316, %arg19[%swap3A_318] : memref<1xi32, #tpu.memory_space<smem>>
            }
          } else {
          }
        }
        %scan3A_212 = arith.constant 16 : i32
      } else {
      }
      %add3A_181 = arith.constant 1 : i32
      %add3A_182 = arith.addi %while3A_132, %add3A_181 : i32
      %lt3A_183 = arith.cmpi slt, %add3A_182, %shift_right_logical3A_36 : i32
      %convert_element_type3A_184 = arith.extui %lt3A_183 : i1 to i32
      %cond3A_185 = arith.constant 0 : i32
      %cond3A_186 = arith.cmpi ne, %convert_element_type3A_184, %cond3A_185 : i32
      scf.if %cond3A_186 {
        %add3A_205 = arith.constant 4 : i32
        %add3A_206 = arith.addi %mul3A_134, %add3A_205 : i32
        %add3A_207 = arith.constant 2 : i32
        %add3A_208 = arith.addi %add3A_206, %add3A_207 : i32
        %lt3A_209 = arith.cmpi slt, %add3A_208, %add3A_28 : i32
        %jit3A_210 = arith.constant 0 : i32
        %select_n3A_211 = arith.select %lt3A_209, %add3A_208, %jit3A_210 : i32
        %mul3A_212 = arith.constant 32 : i32
        %mul3A_213 = arith.muli %select_n3A_211, %mul3A_212 : i32
        %add3A_214 = arith.addi %add3A, %mul3A_213 : i32
        %mul3A_215 = arith.constant 256 : i32
        %mul3A_216 = arith.muli %add3A_214, %mul3A_215 : i32
        %multiple_of3A_217 = tpu.assume_multiple %mul3A_216, 128 : i32
        %dma_start3A_218 = arith.constant 0 : i32
        %dma_start3A_219 = tpu.memref_slice %arg3[%dma_start3A_218, %multiple_of3A_217] : memref<64x1000000xf32, #tpu.memory_space<hbm>> -> memref<64x256xf32, #tpu.memory_space<hbm>>
        %dma_start3A_220 = arith.constant 0 : i32
        %dma_start3A_221 = tpu.memref_slice %arg3[%dma_start3A_220, %multiple_of3A_217] : memref<64x1000000xf32, #tpu.memory_space<hbm>> -> memref<64x256xf32, #tpu.memory_space<hbm>>
        tpu.enqueue_dma source(%dma_start3A_221 : memref<64x256xf32, #tpu.memory_space<hbm>>) target(%arg11 : memref<64x256xf32, #tpu.memory_space<vmem>>) target_semaphore(%arg22 : memref<!tpu.dma_semaphore, #tpu.memory_space<semaphore_mem>>)
      } else {
      }
      %dma_wait3A_187 = arith.constant 0 : i32
      %dma_wait3A_188 = arith.constant 0 : i32
      %dma_wait3A_189 = tpu.memref_slice %arg3[%dma_wait3A_187, %dma_wait3A_188] : memref<64x1000000xf32, #tpu.memory_space<hbm>> -> memref<64x256xf32, #tpu.memory_space<hbm>>
      %dma_wait3A_190 = arith.constant 0 : i32
      %dma_wait3A_191 = arith.constant 0 : i32
      %dma_wait3A_192 = tpu.memref_slice %arg3[%dma_wait3A_190, %dma_wait3A_191] : memref<64x1000000xf32, #tpu.memory_space<hbm>> -> memref<64x256xf32, #tpu.memory_space<hbm>>
      tpu.wait_dma2 semaphore(%arg23 : memref<!tpu.dma_semaphore, #tpu.memory_space<semaphore_mem>>) src(%dma_wait3A_192 : memref<64x256xf32, #tpu.memory_space<hbm>>) dst(%arg12 : memref<64x256xf32, #tpu.memory_space<vmem>>)
      %add3A_193 = arith.constant 3 : i32
      %add3A_194 = arith.addi %mul3A_134, %add3A_193 : i32
      %lt3A_195 = arith.cmpi slt, %add3A_194, %add3A_28 : i32
      %convert_element_type3A_196 = arith.extui %lt3A_195 : i1 to i32
      %cond3A_197 = arith.constant 0 : i32
      %cond3A_198 = arith.cmpi ne, %convert_element_type3A_196, %cond3A_197 : i32
      scf.if %cond3A_198 {
        %add3A_205 = arith.constant 3 : i32
        %add3A_206 = arith.addi %mul3A_134, %add3A_205 : i32
        %scan3A_207 = arith.constant 0 : i32
        %scan3A_208 = arith.constant 0 : i32
        %scan3A_209 = arith.constant 16 : i32
        %scan3A_210 = arith.addi %scan3A_208, %scan3A_209 : i32
        %scan3A_211 = arith.constant 1 : i32
        scf.for %scan3A_213 = %scan3A_208 to %scan3A_210 step %scan3A_211  : i32 {
          %shift_left3A = arith.constant 8 : i32
          %shift_left3A_214 = arith.shli %add3A_206, %shift_left3A : i32
          %mul3A_215 = arith.constant 16 : i32
          %mul3A_216 = arith.muli %scan3A_213, %mul3A_215 : i32
          %add3A_217 = arith.addi %shift_left3A_214, %mul3A_216 : i32
          %get3A = arith.index_cast %add3A_217 : i32 to index
          %get3A_218 = tpu.vector_load %arg7[%get3A] {strides = array<i32>} : memref<31504xi32, #tpu.memory_space<vmem>>, vector<16xi32>,
          %ge3A = arith.constant 0 : i32
          %ge3A_219 = vector.broadcast %ge3A : i32 to vector<16xi32>
          %ge3A_220 = arith.cmpi sge, %get3A_218, %ge3A_219 : vector<16xi32>
          %all_reduce_population_count3A = tpu.all_reduce %ge3A_220 {dim = 0 : i64, kind = #tpu.reduction_kind<sum>} : vector<16xi1> -> vector<16xi32>
          %slice3A = vector.extract_strided_slice %all_reduce_population_count3A {offsets = [0], sizes = [1], strides = [1]} : vector<16xi32> to vector<1xi32>
          %squeeze3A = vector.extract %slice3A[0] : i32 from vector<1xi32>
          %gt3A_221 = arith.constant 0 : i32
          %gt3A_222 = arith.cmpi sgt, %squeeze3A, %gt3A_221 : i32
          %convert_element_type3A_223 = arith.extui %gt3A_222 : i1 to i32
          %cond3A_224 = arith.constant 0 : i32
          %cond3A_225 = arith.cmpi ne, %convert_element_type3A_223, %cond3A_224 : i32
          scf.if %cond3A_225 {
            %iota3A = tpu.iota {dimensions = array<i32: 0>} : vector<16xi32>
            %mul3A_226 = arith.constant 16 : i32
            %mul3A_227 = arith.muli %scan3A_213, %mul3A_226 : i32
            %add3A_228 = vector.broadcast %mul3A_227 : i32 to vector<16xi32>
            %add3A_229 = arith.addi %iota3A, %add3A_228 : vector<16xi32>
            %swap3A_230 = arith.constant 0 : index
            %swap3A_231 = tpu.vector_load %arg13[%swap3A_230] masked %ge3A_220 {strides = array<i32>} : memref<32xi32, #tpu.memory_space<vmem>>, vector<16xi32>, vector<16xi1>
            tpu.vector_store %arg13[%swap3A_230], %add3A_229 masked %ge3A_220 {strides = array<i32>} : memref<32xi32, #tpu.memory_space<vmem>>, vector<16xi32>, vector<16xi1>
            %swap3A_232 = arith.constant 0 : index
            %swap3A_233 = tpu.vector_load %arg14[%swap3A_232] masked %ge3A_220 {strides = array<i32>} : memref<32xi32, #tpu.memory_space<vmem>>, vector<16xi32>, vector<16xi1>
            tpu.vector_store %arg14[%swap3A_232], %get3A_218 masked %ge3A_220 {strides = array<i32>} : memref<32xi32, #tpu.memory_space<vmem>>, vector<16xi32>, vector<16xi1>
            %while3A_234 = arith.constant 0 : i32
            %while3A_235 = arith.constant 0 : i32
            %while3A_236 = arith.subi %squeeze3A, %while3A_235 : i32
            %while3A_237 = arith.addi %while3A_235, %while3A_236 : i32
            %while3A_238 = arith.constant 1 : i32
            %while3A_239 = arith.divsi %while3A_236, %while3A_238 : i32
            %while3A_240 = arith.muli %while3A_239, %while3A_238 : i32
            %while3A_241 = arith.addi %while3A_235, %while3A_240 : i32
            %while3A_242 = arith.constant 1 : i32
            scf.for %while3A_244 = %while3A_235 to %while3A_241 step %while3A_242  : i32 {
              %get3A_245 = arith.index_cast %while3A_244 : i32 to index
              %get3A_246 = tpu.vector_load %arg13[%get3A_245] {strides = array<i32>} : memref<32xi32, #tpu.memory_space<vmem>>, vector<16xi32>,
              %slice3A_247 = vector.extract_strided_slice %get3A_246 {offsets = [0], sizes = [1], strides = [1]} : vector<16xi32> to vector<1xi32>
              %squeeze3A_248 = vector.extract %slice3A_247[0] : i32 from vector<1xi32>
              %get3A_249 = arith.index_cast %while3A_244 : i32 to index
              %get3A_250 = tpu.vector_load %arg14[%get3A_249] {strides = array<i32>} : memref<32xi32, #tpu.memory_space<vmem>>, vector<16xi32>,
              %slice3A_251 = vector.extract_strided_slice %get3A_250 {offsets = [0], sizes = [1], strides = [1]} : vector<16xi32> to vector<1xi32>
              %squeeze3A_252 = vector.extract %slice3A_251[0] : i32 from vector<1xi32>
              %get3A_253 = arith.constant 0 : i32
              %get3A_254 = arith.index_cast %get3A_253 : i32 to index
              %get3A_255 = memref.load %arg19[%get3A_254] : memref<1xi32, #tpu.memory_space<smem>>
              %eq3A_256 = arith.constant 8 : i32
              %eq3A_257 = arith.cmpi eq, %get3A_255, %eq3A_256 : i32
              %convert_element_type3A_258 = arith.extui %eq3A_257 : i1 to i32
              %cond3A_259 = arith.constant 0 : i32
              %cond3A_260 = arith.cmpi ne, %convert_element_type3A_258, %cond3A_259 : i32
              scf.if %cond3A_260 {
                %dma_wait3A_320 = arith.constant 0 : i32
                %dma_wait3A_321 = arith.constant 0 : i32
                %dma_wait3A_322 = tpu.memref_slice %arg5[%dma_wait3A_320, %dma_wait3A_321] : memref<32768x64xf32, #tpu.memory_space<hbm>> -> memref<8x64xf32, #tpu.memory_space<hbm>>
                %dma_wait3A_323 = arith.constant 0 : i32
                %dma_wait3A_324 = arith.constant 0 : i32
                %dma_wait3A_325 = tpu.memref_slice %arg5[%dma_wait3A_323, %dma_wait3A_324] : memref<32768x64xf32, #tpu.memory_space<hbm>> -> memref<8x64xf32, #tpu.memory_space<hbm>>
                tpu.wait_dma2 semaphore(%arg24 : memref<!tpu.dma_semaphore, #tpu.memory_space<semaphore_mem>>) src(%arg15 : memref<8x64xf32, #tpu.memory_space<vmem>>) dst(%dma_wait3A_325 : memref<8x64xf32, #tpu.memory_space<hbm>>)
              } else {
              }
              %eq3A_261 = arith.constant 8 : i32
              %eq3A_262 = arith.cmpi eq, %get3A_255, %eq3A_261 : i32
              %jit3A_263 = arith.constant 0 : i32
              %select_n3A_264 = arith.select %eq3A_262, %jit3A_263, %get3A_255 : i32
              %broadcast_in_dim3A = vector.broadcast %squeeze3A_248 : i32 to vector<16xi32>
              %iota3A_265 = tpu.iota {dimensions = array<i32: 0>} : vector<16xi32>
              %add3A_266 = arith.constant 0 : i32
              %add3A_267 = vector.broadcast %add3A_266 : i32 to vector<16xi32>
              %add3A_268 = arith.addi %iota3A_265, %add3A_267 : vector<16xi32>
              %gather3A = tpu.vector_load_idx %arg12[%add3A_268, %broadcast_in_dim3A] : memref<64x256xf32, #tpu.memory_space<vmem>>[vector<16xi32>, vector<16xi32>], vector<16xf32>,
              %swap3A_269 = arith.index_cast %select_n3A_264 : i32 to index
              %swap3A_270 = arith.constant 0 : index
              %swap3A_271 = tpu.vector_load %arg15[%swap3A_269, %swap3A_270] {strides = array<i32>} : memref<8x64xf32, #tpu.memory_space<vmem>>, vector<16xf32>,
              tpu.vector_store %arg15[%swap3A_269, %swap3A_270], %gather3A {strides = array<i32>} : memref<8x64xf32, #tpu.memory_space<vmem>>, vector<16xf32>,
              %iota3A_272 = tpu.iota {dimensions = array<i32: 0>} : vector<16xi32>
              %add3A_273 = arith.constant 16 : i32
              %add3A_274 = vector.broadcast %add3A_273 : i32 to vector<16xi32>
              %add3A_275 = arith.addi %iota3A_272, %add3A_274 : vector<16xi32>
              %gather3A_276 = tpu.vector_load_idx %arg12[%add3A_275, %broadcast_in_dim3A] : memref<64x256xf32, #tpu.memory_space<vmem>>[vector<16xi32>, vector<16xi32>], vector<16xf32>,
              %swap3A_277 = arith.index_cast %select_n3A_264 : i32 to index
              %swap3A_278 = arith.constant 16 : index
              %swap3A_279 = tpu.vector_load %arg15[%swap3A_277, %swap3A_278] {strides = array<i32>} : memref<8x64xf32, #tpu.memory_space<vmem>>, vector<16xf32>,
              tpu.vector_store %arg15[%swap3A_277, %swap3A_278], %gather3A_276 {strides = array<i32>} : memref<8x64xf32, #tpu.memory_space<vmem>>, vector<16xf32>,
              %iota3A_280 = tpu.iota {dimensions = array<i32: 0>} : vector<16xi32>
              %add3A_281 = arith.constant 32 : i32
              %add3A_282 = vector.broadcast %add3A_281 : i32 to vector<16xi32>
              %add3A_283 = arith.addi %iota3A_280, %add3A_282 : vector<16xi32>
              %gather3A_284 = tpu.vector_load_idx %arg12[%add3A_283, %broadcast_in_dim3A] : memref<64x256xf32, #tpu.memory_space<vmem>>[vector<16xi32>, vector<16xi32>], vector<16xf32>,
              %swap3A_285 = arith.index_cast %select_n3A_264 : i32 to index
              %swap3A_286 = arith.constant 32 : index
              %swap3A_287 = tpu.vector_load %arg15[%swap3A_285, %swap3A_286] {strides = array<i32>} : memref<8x64xf32, #tpu.memory_space<vmem>>, vector<16xf32>,
              tpu.vector_store %arg15[%swap3A_285, %swap3A_286], %gather3A_284 {strides = array<i32>} : memref<8x64xf32, #tpu.memory_space<vmem>>, vector<16xf32>,
              %iota3A_288 = tpu.iota {dimensions = array<i32: 0>} : vector<16xi32>
              %add3A_289 = arith.constant 48 : i32
              %add3A_290 = vector.broadcast %add3A_289 : i32 to vector<16xi32>
              %add3A_291 = arith.addi %iota3A_288, %add3A_290 : vector<16xi32>
              %gather3A_292 = tpu.vector_load_idx %arg12[%add3A_291, %broadcast_in_dim3A] : memref<64x256xf32, #tpu.memory_space<vmem>>[vector<16xi32>, vector<16xi32>], vector<16xf32>,
              %swap3A_293 = arith.index_cast %select_n3A_264 : i32 to index
              %swap3A_294 = arith.constant 48 : index
              %swap3A_295 = tpu.vector_load %arg15[%swap3A_293, %swap3A_294] {strides = array<i32>} : memref<8x64xf32, #tpu.memory_space<vmem>>, vector<16xf32>,
              tpu.vector_store %arg15[%swap3A_293, %swap3A_294], %gather3A_292 {strides = array<i32>} : memref<8x64xf32, #tpu.memory_space<vmem>>, vector<16xf32>,
              %get3A_296 = arith.constant 0 : i32
              %get3A_297 = arith.index_cast %get3A_296 : i32 to index
              %get3A_298 = memref.load %arg19[%get3A_297] : memref<1xi32, #tpu.memory_space<smem>>
              %eq3A_299 = arith.constant 8 : i32
              %eq3A_300 = arith.cmpi eq, %get3A_298, %eq3A_299 : i32
              %jit3A_301 = arith.constant 0 : i32
              %select_n3A_302 = arith.select %eq3A_300, %jit3A_301, %get3A_298 : i32
              %dma_start3A_303 = arith.constant 0 : i32
              %dma_start3A_304 = tpu.memref_slice %arg15[%select_n3A_302, %dma_start3A_303] : memref<8x64xf32, #tpu.memory_space<vmem>> -> memref<1x64xf32, #tpu.memory_space<vmem>>
              %dma_start3A_305 = arith.constant 0 : i32
              %dma_start3A_306 = tpu.memref_slice %arg5[%squeeze3A_252, %dma_start3A_305] : memref<32768x64xf32, #tpu.memory_space<hbm>> -> memref<1x64xf32, #tpu.memory_space<hbm>>
              %dma_start3A_307 = arith.constant 0 : i32
              %dma_start3A_308 = tpu.memref_slice %arg5[%squeeze3A_252, %dma_start3A_307] : memref<32768x64xf32, #tpu.memory_space<hbm>> -> memref<1x64xf32, #tpu.memory_space<hbm>>
              %dma_start3A_309 = arith.constant 0 : i32
              %dma_start3A_310 = tpu.memref_slice %arg15[%select_n3A_302, %dma_start3A_309] : memref<8x64xf32, #tpu.memory_space<vmem>> -> memref<1x64xf32, #tpu.memory_space<vmem>>
              tpu.enqueue_dma source(%dma_start3A_310 : memref<1x64xf32, #tpu.memory_space<vmem>>) target(%dma_start3A_308 : memref<1x64xf32, #tpu.memory_space<hbm>>) target_semaphore(%arg24 : memref<!tpu.dma_semaphore, #tpu.memory_space<semaphore_mem>>)
              %eq3A_311 = arith.constant 8 : i32
              %eq3A_312 = arith.cmpi eq, %get3A_298, %eq3A_311 : i32
              %add3A_313 = arith.constant 1 : i32
              %add3A_314 = arith.addi %get3A_298, %add3A_313 : i32
              %jit3A_315 = arith.constant 1 : i32
              %select_n3A_316 = arith.select %eq3A_312, %jit3A_315, %add3A_314 : i32
              %swap3A_317 = arith.constant 0 : i32
              %swap3A_318 = arith.index_cast %swap3A_317 : i32 to index
              %swap3A_319 = memref.load %arg19[%swap3A_318] : memref<1xi32, #tpu.memory_space<smem>>
              memref.store %select_n3A_316, %arg19[%swap3A_318] : memref<1xi32, #tpu.memory_space<smem>>
            }
            %while3A_243 = arith.constant 1 : i32
            scf.for %while3A_244 = %while3A_241 to %while3A_237 step %while3A_243  : i32 {
              %get3A_245 = arith.index_cast %while3A_244 : i32 to index
              %get3A_246 = tpu.vector_load %arg13[%get3A_245] {strides = array<i32>} : memref<32xi32, #tpu.memory_space<vmem>>, vector<16xi32>,
              %slice3A_247 = vector.extract_strided_slice %get3A_246 {offsets = [0], sizes = [1], strides = [1]} : vector<16xi32> to vector<1xi32>
              %squeeze3A_248 = vector.extract %slice3A_247[0] : i32 from vector<1xi32>
              %get3A_249 = arith.index_cast %while3A_244 : i32 to index
              %get3A_250 = tpu.vector_load %arg14[%get3A_249] {strides = array<i32>} : memref<32xi32, #tpu.memory_space<vmem>>, vector<16xi32>,
              %slice3A_251 = vector.extract_strided_slice %get3A_250 {offsets = [0], sizes = [1], strides = [1]} : vector<16xi32> to vector<1xi32>
              %squeeze3A_252 = vector.extract %slice3A_251[0] : i32 from vector<1xi32>
              %get3A_253 = arith.constant 0 : i32
              %get3A_254 = arith.index_cast %get3A_253 : i32 to index
              %get3A_255 = memref.load %arg19[%get3A_254] : memref<1xi32, #tpu.memory_space<smem>>
              %eq3A_256 = arith.constant 8 : i32
              %eq3A_257 = arith.cmpi eq, %get3A_255, %eq3A_256 : i32
              %convert_element_type3A_258 = arith.extui %eq3A_257 : i1 to i32
              %cond3A_259 = arith.constant 0 : i32
              %cond3A_260 = arith.cmpi ne, %convert_element_type3A_258, %cond3A_259 : i32
              scf.if %cond3A_260 {
                %dma_wait3A_320 = arith.constant 0 : i32
                %dma_wait3A_321 = arith.constant 0 : i32
                %dma_wait3A_322 = tpu.memref_slice %arg5[%dma_wait3A_320, %dma_wait3A_321] : memref<32768x64xf32, #tpu.memory_space<hbm>> -> memref<8x64xf32, #tpu.memory_space<hbm>>
                %dma_wait3A_323 = arith.constant 0 : i32
                %dma_wait3A_324 = arith.constant 0 : i32
                %dma_wait3A_325 = tpu.memref_slice %arg5[%dma_wait3A_323, %dma_wait3A_324] : memref<32768x64xf32, #tpu.memory_space<hbm>> -> memref<8x64xf32, #tpu.memory_space<hbm>>
                tpu.wait_dma2 semaphore(%arg24 : memref<!tpu.dma_semaphore, #tpu.memory_space<semaphore_mem>>) src(%arg15 : memref<8x64xf32, #tpu.memory_space<vmem>>) dst(%dma_wait3A_325 : memref<8x64xf32, #tpu.memory_space<hbm>>)
              } else {
              }
              %eq3A_261 = arith.constant 8 : i32
              %eq3A_262 = arith.cmpi eq, %get3A_255, %eq3A_261 : i32
              %jit3A_263 = arith.constant 0 : i32
              %select_n3A_264 = arith.select %eq3A_262, %jit3A_263, %get3A_255 : i32
              %broadcast_in_dim3A = vector.broadcast %squeeze3A_248 : i32 to vector<16xi32>
              %iota3A_265 = tpu.iota {dimensions = array<i32: 0>} : vector<16xi32>
              %add3A_266 = arith.constant 0 : i32
              %add3A_267 = vector.broadcast %add3A_266 : i32 to vector<16xi32>
              %add3A_268 = arith.addi %iota3A_265, %add3A_267 : vector<16xi32>
              %gather3A = tpu.vector_load_idx %arg12[%add3A_268, %broadcast_in_dim3A] : memref<64x256xf32, #tpu.memory_space<vmem>>[vector<16xi32>, vector<16xi32>], vector<16xf32>,
              %swap3A_269 = arith.index_cast %select_n3A_264 : i32 to index
              %swap3A_270 = arith.constant 0 : index
              %swap3A_271 = tpu.vector_load %arg15[%swap3A_269, %swap3A_270] {strides = array<i32>} : memref<8x64xf32, #tpu.memory_space<vmem>>, vector<16xf32>,
              tpu.vector_store %arg15[%swap3A_269, %swap3A_270], %gather3A {strides = array<i32>} : memref<8x64xf32, #tpu.memory_space<vmem>>, vector<16xf32>,
              %iota3A_272 = tpu.iota {dimensions = array<i32: 0>} : vector<16xi32>
              %add3A_273 = arith.constant 16 : i32
              %add3A_274 = vector.broadcast %add3A_273 : i32 to vector<16xi32>
              %add3A_275 = arith.addi %iota3A_272, %add3A_274 : vector<16xi32>
              %gather3A_276 = tpu.vector_load_idx %arg12[%add3A_275, %broadcast_in_dim3A] : memref<64x256xf32, #tpu.memory_space<vmem>>[vector<16xi32>, vector<16xi32>], vector<16xf32>,
              %swap3A_277 = arith.index_cast %select_n3A_264 : i32 to index
              %swap3A_278 = arith.constant 16 : index
              %swap3A_279 = tpu.vector_load %arg15[%swap3A_277, %swap3A_278] {strides = array<i32>} : memref<8x64xf32, #tpu.memory_space<vmem>>, vector<16xf32>,
              tpu.vector_store %arg15[%swap3A_277, %swap3A_278], %gather3A_276 {strides = array<i32>} : memref<8x64xf32, #tpu.memory_space<vmem>>, vector<16xf32>,
              %iota3A_280 = tpu.iota {dimensions = array<i32: 0>} : vector<16xi32>
              %add3A_281 = arith.constant 32 : i32
              %add3A_282 = vector.broadcast %add3A_281 : i32 to vector<16xi32>
              %add3A_283 = arith.addi %iota3A_280, %add3A_282 : vector<16xi32>
              %gather3A_284 = tpu.vector_load_idx %arg12[%add3A_283, %broadcast_in_dim3A] : memref<64x256xf32, #tpu.memory_space<vmem>>[vector<16xi32>, vector<16xi32>], vector<16xf32>,
              %swap3A_285 = arith.index_cast %select_n3A_264 : i32 to index
              %swap3A_286 = arith.constant 32 : index
              %swap3A_287 = tpu.vector_load %arg15[%swap3A_285, %swap3A_286] {strides = array<i32>} : memref<8x64xf32, #tpu.memory_space<vmem>>, vector<16xf32>,
              tpu.vector_store %arg15[%swap3A_285, %swap3A_286], %gather3A_284 {strides = array<i32>} : memref<8x64xf32, #tpu.memory_space<vmem>>, vector<16xf32>,
              %iota3A_288 = tpu.iota {dimensions = array<i32: 0>} : vector<16xi32>
              %add3A_289 = arith.constant 48 : i32
              %add3A_290 = vector.broadcast %add3A_289 : i32 to vector<16xi32>
              %add3A_291 = arith.addi %iota3A_288, %add3A_290 : vector<16xi32>
              %gather3A_292 = tpu.vector_load_idx %arg12[%add3A_291, %broadcast_in_dim3A] : memref<64x256xf32, #tpu.memory_space<vmem>>[vector<16xi32>, vector<16xi32>], vector<16xf32>,
              %swap3A_293 = arith.index_cast %select_n3A_264 : i32 to index
              %swap3A_294 = arith.constant 48 : index
              %swap3A_295 = tpu.vector_load %arg15[%swap3A_293, %swap3A_294] {strides = array<i32>} : memref<8x64xf32, #tpu.memory_space<vmem>>, vector<16xf32>,
              tpu.vector_store %arg15[%swap3A_293, %swap3A_294], %gather3A_292 {strides = array<i32>} : memref<8x64xf32, #tpu.memory_space<vmem>>, vector<16xf32>,
              %get3A_296 = arith.constant 0 : i32
              %get3A_297 = arith.index_cast %get3A_296 : i32 to index
              %get3A_298 = memref.load %arg19[%get3A_297] : memref<1xi32, #tpu.memory_space<smem>>
              %eq3A_299 = arith.constant 8 : i32
              %eq3A_300 = arith.cmpi eq, %get3A_298, %eq3A_299 : i32
              %jit3A_301 = arith.constant 0 : i32
              %select_n3A_302 = arith.select %eq3A_300, %jit3A_301, %get3A_298 : i32
              %dma_start3A_303 = arith.constant 0 : i32
              %dma_start3A_304 = tpu.memref_slice %arg15[%select_n3A_302, %dma_start3A_303] : memref<8x64xf32, #tpu.memory_space<vmem>> -> memref<1x64xf32, #tpu.memory_space<vmem>>
              %dma_start3A_305 = arith.constant 0 : i32
              %dma_start3A_306 = tpu.memref_slice %arg5[%squeeze3A_252, %dma_start3A_305] : memref<32768x64xf32, #tpu.memory_space<hbm>> -> memref<1x64xf32, #tpu.memory_space<hbm>>
              %dma_start3A_307 = arith.constant 0 : i32
              %dma_start3A_308 = tpu.memref_slice %arg5[%squeeze3A_252, %dma_start3A_307] : memref<32768x64xf32, #tpu.memory_space<hbm>> -> memref<1x64xf32, #tpu.memory_space<hbm>>
              %dma_start3A_309 = arith.constant 0 : i32
              %dma_start3A_310 = tpu.memref_slice %arg15[%select_n3A_302, %dma_start3A_309] : memref<8x64xf32, #tpu.memory_space<vmem>> -> memref<1x64xf32, #tpu.memory_space<vmem>>
              tpu.enqueue_dma source(%dma_start3A_310 : memref<1x64xf32, #tpu.memory_space<vmem>>) target(%dma_start3A_308 : memref<1x64xf32, #tpu.memory_space<hbm>>) target_semaphore(%arg24 : memref<!tpu.dma_semaphore, #tpu.memory_space<semaphore_mem>>)
              %eq3A_311 = arith.constant 8 : i32
              %eq3A_312 = arith.cmpi eq, %get3A_298, %eq3A_311 : i32
              %add3A_313 = arith.constant 1 : i32
              %add3A_314 = arith.addi %get3A_298, %add3A_313 : i32
              %jit3A_315 = arith.constant 1 : i32
              %select_n3A_316 = arith.select %eq3A_312, %jit3A_315, %add3A_314 : i32
              %swap3A_317 = arith.constant 0 : i32
              %swap3A_318 = arith.index_cast %swap3A_317 : i32 to index
              %swap3A_319 = memref.load %arg19[%swap3A_318] : memref<1xi32, #tpu.memory_space<smem>>
              memref.store %select_n3A_316, %arg19[%swap3A_318] : memref<1xi32, #tpu.memory_space<smem>>
            }
          } else {
          }
        }
        %scan3A_212 = arith.constant 16 : i32
      } else {
      }
      %add3A_199 = arith.constant 1 : i32
      %add3A_200 = arith.addi %while3A_132, %add3A_199 : i32
      %lt3A_201 = arith.cmpi slt, %add3A_200, %shift_right_logical3A_36 : i32
      %convert_element_type3A_202 = arith.extui %lt3A_201 : i1 to i32
      %cond3A_203 = arith.constant 0 : i32
      %cond3A_204 = arith.cmpi ne, %convert_element_type3A_202, %cond3A_203 : i32
      scf.if %cond3A_204 {
        %add3A_205 = arith.constant 4 : i32
        %add3A_206 = arith.addi %mul3A_134, %add3A_205 : i32
        %add3A_207 = arith.constant 3 : i32
        %add3A_208 = arith.addi %add3A_206, %add3A_207 : i32
        %lt3A_209 = arith.cmpi slt, %add3A_208, %add3A_28 : i32
        %jit3A_210 = arith.constant 0 : i32
        %select_n3A_211 = arith.select %lt3A_209, %add3A_208, %jit3A_210 : i32
        %mul3A_212 = arith.constant 32 : i32
        %mul3A_213 = arith.muli %select_n3A_211, %mul3A_212 : i32
        %add3A_214 = arith.addi %add3A, %mul3A_213 : i32
        %mul3A_215 = arith.constant 256 : i32
        %mul3A_216 = arith.muli %add3A_214, %mul3A_215 : i32
        %multiple_of3A_217 = tpu.assume_multiple %mul3A_216, 128 : i32
        %dma_start3A_218 = arith.constant 0 : i32
        %dma_start3A_219 = tpu.memref_slice %arg3[%dma_start3A_218, %multiple_of3A_217] : memref<64x1000000xf32, #tpu.memory_space<hbm>> -> memref<64x256xf32, #tpu.memory_space<hbm>>
        %dma_start3A_220 = arith.constant 0 : i32
        %dma_start3A_221 = tpu.memref_slice %arg3[%dma_start3A_220, %multiple_of3A_217] : memref<64x1000000xf32, #tpu.memory_space<hbm>> -> memref<64x256xf32, #tpu.memory_space<hbm>>
        tpu.enqueue_dma source(%dma_start3A_221 : memref<64x256xf32, #tpu.memory_space<hbm>>) target(%arg12 : memref<64x256xf32, #tpu.memory_space<vmem>>) target_semaphore(%arg23 : memref<!tpu.dma_semaphore, #tpu.memory_space<semaphore_mem>>)
      } else {
      }
    }
    %eq3A_101 = arith.constant 2 : i32
    %eq3A_102 = arith.cmpi eq, %add3A, %eq3A_101 : i32
    %convert_element_type3A_103 = arith.extui %eq3A_102 : i1 to i32
    %cond3A_104 = arith.constant 0 : i32
    %cond3A_105 = arith.cmpi ne, %convert_element_type3A_103, %cond3A_104 : i32
    scf.if %cond3A_105 {
      %scan3A_132 = arith.constant 0 : i32
      %scan3A_133 = arith.constant 0 : i32
      %scan3A_134 = arith.constant 16 : i32
      %scan3A_135 = arith.addi %scan3A_133, %scan3A_134 : i32
      %scan3A_136 = arith.constant 1 : i32
      scf.for %scan3A_138 = %scan3A_133 to %scan3A_135 step %scan3A_136  : i32 {
        %shift_left3A = arith.constant 122 : i32
        %shift_left3A_139 = arith.constant 8 : i32
        %shift_left3A_140 = arith.shli %shift_left3A, %shift_left3A_139 : i32
        %mul3A_141 = arith.constant 16 : i32
        %mul3A_142 = arith.muli %scan3A_138, %mul3A_141 : i32
        %add3A_143 = arith.addi %shift_left3A_140, %mul3A_142 : i32
        %get3A = arith.index_cast %add3A_143 : i32 to index
        %get3A_144 = tpu.vector_load %arg7[%get3A] {strides = array<i32>} : memref<31504xi32, #tpu.memory_space<vmem>>, vector<16xi32>,
        %ge3A = arith.constant 0 : i32
        %ge3A_145 = vector.broadcast %ge3A : i32 to vector<16xi32>
        %ge3A_146 = arith.cmpi sge, %get3A_144, %ge3A_145 : vector<16xi32>
        %all_reduce_population_count3A = tpu.all_reduce %ge3A_146 {dim = 0 : i64, kind = #tpu.reduction_kind<sum>} : vector<16xi1> -> vector<16xi32>
        %slice3A = vector.extract_strided_slice %all_reduce_population_count3A {offsets = [0], sizes = [1], strides = [1]} : vector<16xi32> to vector<1xi32>
        %squeeze3A = vector.extract %slice3A[0] : i32 from vector<1xi32>
        %gt3A_147 = arith.constant 0 : i32
        %gt3A_148 = arith.cmpi sgt, %squeeze3A, %gt3A_147 : i32
        %convert_element_type3A_149 = arith.extui %gt3A_148 : i1 to i32
        %cond3A_150 = arith.constant 0 : i32
        %cond3A_151 = arith.cmpi ne, %convert_element_type3A_149, %cond3A_150 : i32
        scf.if %cond3A_151 {
          %iota3A = tpu.iota {dimensions = array<i32: 0>} : vector<16xi32>
          %mul3A_152 = arith.constant 16 : i32
          %mul3A_153 = arith.muli %scan3A_138, %mul3A_152 : i32
          %add3A_154 = vector.broadcast %mul3A_153 : i32 to vector<16xi32>
          %add3A_155 = arith.addi %iota3A, %add3A_154 : vector<16xi32>
          %swap3A_156 = arith.constant 0 : index
          %swap3A_157 = tpu.vector_load %arg13[%swap3A_156] masked %ge3A_146 {strides = array<i32>} : memref<32xi32, #tpu.memory_space<vmem>>, vector<16xi32>, vector<16xi1>
          tpu.vector_store %arg13[%swap3A_156], %add3A_155 masked %ge3A_146 {strides = array<i32>} : memref<32xi32, #tpu.memory_space<vmem>>, vector<16xi32>, vector<16xi1>
          %swap3A_158 = arith.constant 0 : index
          %swap3A_159 = tpu.vector_load %arg14[%swap3A_158] masked %ge3A_146 {strides = array<i32>} : memref<32xi32, #tpu.memory_space<vmem>>, vector<16xi32>, vector<16xi1>
          tpu.vector_store %arg14[%swap3A_158], %get3A_144 masked %ge3A_146 {strides = array<i32>} : memref<32xi32, #tpu.memory_space<vmem>>, vector<16xi32>, vector<16xi1>
          %while3A_160 = arith.constant 0 : i32
          %while3A_161 = arith.constant 0 : i32
          %while3A_162 = arith.subi %squeeze3A, %while3A_161 : i32
          %while3A_163 = arith.addi %while3A_161, %while3A_162 : i32
          %while3A_164 = arith.constant 1 : i32
          %while3A_165 = arith.divsi %while3A_162, %while3A_164 : i32
          %while3A_166 = arith.muli %while3A_165, %while3A_164 : i32
          %while3A_167 = arith.addi %while3A_161, %while3A_166 : i32
          %while3A_168 = arith.constant 1 : i32
          scf.for %while3A_170 = %while3A_161 to %while3A_167 step %while3A_168  : i32 {
            %get3A_171 = arith.index_cast %while3A_170 : i32 to index
            %get3A_172 = tpu.vector_load %arg13[%get3A_171] {strides = array<i32>} : memref<32xi32, #tpu.memory_space<vmem>>, vector<16xi32>,
            %slice3A_173 = vector.extract_strided_slice %get3A_172 {offsets = [0], sizes = [1], strides = [1]} : vector<16xi32> to vector<1xi32>
            %squeeze3A_174 = vector.extract %slice3A_173[0] : i32 from vector<1xi32>
            %get3A_175 = arith.index_cast %while3A_170 : i32 to index
            %get3A_176 = tpu.vector_load %arg14[%get3A_175] {strides = array<i32>} : memref<32xi32, #tpu.memory_space<vmem>>, vector<16xi32>,
            %slice3A_177 = vector.extract_strided_slice %get3A_176 {offsets = [0], sizes = [1], strides = [1]} : vector<16xi32> to vector<1xi32>
            %squeeze3A_178 = vector.extract %slice3A_177[0] : i32 from vector<1xi32>
            %get3A_179 = arith.constant 0 : i32
            %get3A_180 = arith.index_cast %get3A_179 : i32 to index
            %get3A_181 = memref.load %arg19[%get3A_180] : memref<1xi32, #tpu.memory_space<smem>>
            %eq3A_182 = arith.constant 8 : i32
            %eq3A_183 = arith.cmpi eq, %get3A_181, %eq3A_182 : i32
            %convert_element_type3A_184 = arith.extui %eq3A_183 : i1 to i32
            %cond3A_185 = arith.constant 0 : i32
            %cond3A_186 = arith.cmpi ne, %convert_element_type3A_184, %cond3A_185 : i32
            scf.if %cond3A_186 {
              %dma_wait3A = arith.constant 0 : i32
              %dma_wait3A_239 = arith.constant 0 : i32
              %dma_wait3A_240 = tpu.memref_slice %arg5[%dma_wait3A, %dma_wait3A_239] : memref<32768x64xf32, #tpu.memory_space<hbm>> -> memref<8x64xf32, #tpu.memory_space<hbm>>
              %dma_wait3A_241 = arith.constant 0 : i32
              %dma_wait3A_242 = arith.constant 0 : i32
              %dma_wait3A_243 = tpu.memref_slice %arg5[%dma_wait3A_241, %dma_wait3A_242] : memref<32768x64xf32, #tpu.memory_space<hbm>> -> memref<8x64xf32, #tpu.memory_space<hbm>>
              tpu.wait_dma2 semaphore(%arg24 : memref<!tpu.dma_semaphore, #tpu.memory_space<semaphore_mem>>) src(%arg15 : memref<8x64xf32, #tpu.memory_space<vmem>>) dst(%dma_wait3A_243 : memref<8x64xf32, #tpu.memory_space<hbm>>)
            } else {
            }
            %eq3A_187 = arith.constant 8 : i32
            %eq3A_188 = arith.cmpi eq, %get3A_181, %eq3A_187 : i32
            %jit3A_189 = arith.constant 0 : i32
            %select_n3A_190 = arith.select %eq3A_188, %jit3A_189, %get3A_181 : i32
            %get3A_191 = arith.index_cast %squeeze3A_174 : i32 to index
            %get3A_192 = arith.constant 0 : index
            %get3A_193 = tpu.vector_load %arg16[%get3A_191, %get3A_192] {strides = array<i32>} : memref<64x64xf32, #tpu.memory_space<vmem>>, vector<16xf32>,
            %swap3A_194 = arith.index_cast %select_n3A_190 : i32 to index
            %swap3A_195 = arith.constant 0 : index
            %swap3A_196 = tpu.vector_load %arg15[%swap3A_194, %swap3A_195] {strides = array<i32>} : memref<8x64xf32, #tpu.memory_space<vmem>>, vector<16xf32>,
            tpu.vector_store %arg15[%swap3A_194, %swap3A_195], %get3A_193 {strides = array<i32>} : memref<8x64xf32, #tpu.memory_space<vmem>>, vector<16xf32>,
            %get3A_197 = arith.index_cast %squeeze3A_174 : i32 to index
            %get3A_198 = arith.constant 16 : index
            %get3A_199 = tpu.vector_load %arg16[%get3A_197, %get3A_198] {strides = array<i32>} : memref<64x64xf32, #tpu.memory_space<vmem>>, vector<16xf32>,
            %swap3A_200 = arith.index_cast %select_n3A_190 : i32 to index
            %swap3A_201 = arith.constant 16 : index
            %swap3A_202 = tpu.vector_load %arg15[%swap3A_200, %swap3A_201] {strides = array<i32>} : memref<8x64xf32, #tpu.memory_space<vmem>>, vector<16xf32>,
            tpu.vector_store %arg15[%swap3A_200, %swap3A_201], %get3A_199 {strides = array<i32>} : memref<8x64xf32, #tpu.memory_space<vmem>>, vector<16xf32>,
            %get3A_203 = arith.index_cast %squeeze3A_174 : i32 to index
            %get3A_204 = arith.constant 32 : index
            %get3A_205 = tpu.vector_load %arg16[%get3A_203, %get3A_204] {strides = array<i32>} : memref<64x64xf32, #tpu.memory_space<vmem>>, vector<16xf32>,
            %swap3A_206 = arith.index_cast %select_n3A_190 : i32 to index
            %swap3A_207 = arith.constant 32 : index
            %swap3A_208 = tpu.vector_load %arg15[%swap3A_206, %swap3A_207] {strides = array<i32>} : memref<8x64xf32, #tpu.memory_space<vmem>>, vector<16xf32>,
            tpu.vector_store %arg15[%swap3A_206, %swap3A_207], %get3A_205 {strides = array<i32>} : memref<8x64xf32, #tpu.memory_space<vmem>>, vector<16xf32>,
            %get3A_209 = arith.index_cast %squeeze3A_174 : i32 to index
            %get3A_210 = arith.constant 48 : index
            %get3A_211 = tpu.vector_load %arg16[%get3A_209, %get3A_210] {strides = array<i32>} : memref<64x64xf32, #tpu.memory_space<vmem>>, vector<16xf32>,
            %swap3A_212 = arith.index_cast %select_n3A_190 : i32 to index
            %swap3A_213 = arith.constant 48 : index
            %swap3A_214 = tpu.vector_load %arg15[%swap3A_212, %swap3A_213] {strides = array<i32>} : memref<8x64xf32, #tpu.memory_space<vmem>>, vector<16xf32>,
            tpu.vector_store %arg15[%swap3A_212, %swap3A_213], %get3A_211 {strides = array<i32>} : memref<8x64xf32, #tpu.memory_space<vmem>>, vector<16xf32>,
            %get3A_215 = arith.constant 0 : i32
            %get3A_216 = arith.index_cast %get3A_215 : i32 to index
            %get3A_217 = memref.load %arg19[%get3A_216] : memref<1xi32, #tpu.memory_space<smem>>
            %eq3A_218 = arith.constant 8 : i32
            %eq3A_219 = arith.cmpi eq, %get3A_217, %eq3A_218 : i32
            %jit3A_220 = arith.constant 0 : i32
            %select_n3A_221 = arith.select %eq3A_219, %jit3A_220, %get3A_217 : i32
            %dma_start3A_222 = arith.constant 0 : i32
            %dma_start3A_223 = tpu.memref_slice %arg15[%select_n3A_221, %dma_start3A_222] : memref<8x64xf32, #tpu.memory_space<vmem>> -> memref<1x64xf32, #tpu.memory_space<vmem>>
            %dma_start3A_224 = arith.constant 0 : i32
            %dma_start3A_225 = tpu.memref_slice %arg5[%squeeze3A_178, %dma_start3A_224] : memref<32768x64xf32, #tpu.memory_space<hbm>> -> memref<1x64xf32, #tpu.memory_space<hbm>>
            %dma_start3A_226 = arith.constant 0 : i32
            %dma_start3A_227 = tpu.memref_slice %arg5[%squeeze3A_178, %dma_start3A_226] : memref<32768x64xf32, #tpu.memory_space<hbm>> -> memref<1x64xf32, #tpu.memory_space<hbm>>
            %dma_start3A_228 = arith.constant 0 : i32
            %dma_start3A_229 = tpu.memref_slice %arg15[%select_n3A_221, %dma_start3A_228] : memref<8x64xf32, #tpu.memory_space<vmem>> -> memref<1x64xf32, #tpu.memory_space<vmem>>
            tpu.enqueue_dma source(%dma_start3A_229 : memref<1x64xf32, #tpu.memory_space<vmem>>) target(%dma_start3A_227 : memref<1x64xf32, #tpu.memory_space<hbm>>) target_semaphore(%arg24 : memref<!tpu.dma_semaphore, #tpu.memory_space<semaphore_mem>>)
            %eq3A_230 = arith.constant 8 : i32
            %eq3A_231 = arith.cmpi eq, %get3A_217, %eq3A_230 : i32
            %add3A_232 = arith.constant 1 : i32
            %add3A_233 = arith.addi %get3A_217, %add3A_232 : i32
            %jit3A_234 = arith.constant 1 : i32
            %select_n3A_235 = arith.select %eq3A_231, %jit3A_234, %add3A_233 : i32
            %swap3A_236 = arith.constant 0 : i32
            %swap3A_237 = arith.index_cast %swap3A_236 : i32 to index
            %swap3A_238 = memref.load %arg19[%swap3A_237] : memref<1xi32, #tpu.memory_space<smem>>
            memref.store %select_n3A_235, %arg19[%swap3A_237] : memref<1xi32, #tpu.memory_space<smem>>
          }
          %while3A_169 = arith.constant 1 : i32
          scf.for %while3A_170 = %while3A_167 to %while3A_163 step %while3A_169  : i32 {
            %get3A_171 = arith.index_cast %while3A_170 : i32 to index
            %get3A_172 = tpu.vector_load %arg13[%get3A_171] {strides = array<i32>} : memref<32xi32, #tpu.memory_space<vmem>>, vector<16xi32>,
            %slice3A_173 = vector.extract_strided_slice %get3A_172 {offsets = [0], sizes = [1], strides = [1]} : vector<16xi32> to vector<1xi32>
            %squeeze3A_174 = vector.extract %slice3A_173[0] : i32 from vector<1xi32>
            %get3A_175 = arith.index_cast %while3A_170 : i32 to index
            %get3A_176 = tpu.vector_load %arg14[%get3A_175] {strides = array<i32>} : memref<32xi32, #tpu.memory_space<vmem>>, vector<16xi32>,
            %slice3A_177 = vector.extract_strided_slice %get3A_176 {offsets = [0], sizes = [1], strides = [1]} : vector<16xi32> to vector<1xi32>
            %squeeze3A_178 = vector.extract %slice3A_177[0] : i32 from vector<1xi32>
            %get3A_179 = arith.constant 0 : i32
            %get3A_180 = arith.index_cast %get3A_179 : i32 to index
            %get3A_181 = memref.load %arg19[%get3A_180] : memref<1xi32, #tpu.memory_space<smem>>
            %eq3A_182 = arith.constant 8 : i32
            %eq3A_183 = arith.cmpi eq, %get3A_181, %eq3A_182 : i32
            %convert_element_type3A_184 = arith.extui %eq3A_183 : i1 to i32
            %cond3A_185 = arith.constant 0 : i32
            %cond3A_186 = arith.cmpi ne, %convert_element_type3A_184, %cond3A_185 : i32
            scf.if %cond3A_186 {
              %dma_wait3A = arith.constant 0 : i32
              %dma_wait3A_239 = arith.constant 0 : i32
              %dma_wait3A_240 = tpu.memref_slice %arg5[%dma_wait3A, %dma_wait3A_239] : memref<32768x64xf32, #tpu.memory_space<hbm>> -> memref<8x64xf32, #tpu.memory_space<hbm>>
              %dma_wait3A_241 = arith.constant 0 : i32
              %dma_wait3A_242 = arith.constant 0 : i32
              %dma_wait3A_243 = tpu.memref_slice %arg5[%dma_wait3A_241, %dma_wait3A_242] : memref<32768x64xf32, #tpu.memory_space<hbm>> -> memref<8x64xf32, #tpu.memory_space<hbm>>
              tpu.wait_dma2 semaphore(%arg24 : memref<!tpu.dma_semaphore, #tpu.memory_space<semaphore_mem>>) src(%arg15 : memref<8x64xf32, #tpu.memory_space<vmem>>) dst(%dma_wait3A_243 : memref<8x64xf32, #tpu.memory_space<hbm>>)
            } else {
            }
            %eq3A_187 = arith.constant 8 : i32
            %eq3A_188 = arith.cmpi eq, %get3A_181, %eq3A_187 : i32
            %jit3A_189 = arith.constant 0 : i32
            %select_n3A_190 = arith.select %eq3A_188, %jit3A_189, %get3A_181 : i32
            %get3A_191 = arith.index_cast %squeeze3A_174 : i32 to index
            %get3A_192 = arith.constant 0 : index
            %get3A_193 = tpu.vector_load %arg16[%get3A_191, %get3A_192] {strides = array<i32>} : memref<64x64xf32, #tpu.memory_space<vmem>>, vector<16xf32>,
            %swap3A_194 = arith.index_cast %select_n3A_190 : i32 to index
            %swap3A_195 = arith.constant 0 : index
            %swap3A_196 = tpu.vector_load %arg15[%swap3A_194, %swap3A_195] {strides = array<i32>} : memref<8x64xf32, #tpu.memory_space<vmem>>, vector<16xf32>,
            tpu.vector_store %arg15[%swap3A_194, %swap3A_195], %get3A_193 {strides = array<i32>} : memref<8x64xf32, #tpu.memory_space<vmem>>, vector<16xf32>,
            %get3A_197 = arith.index_cast %squeeze3A_174 : i32 to index
            %get3A_198 = arith.constant 16 : index
            %get3A_199 = tpu.vector_load %arg16[%get3A_197, %get3A_198] {strides = array<i32>} : memref<64x64xf32, #tpu.memory_space<vmem>>, vector<16xf32>,
            %swap3A_200 = arith.index_cast %select_n3A_190 : i32 to index
            %swap3A_201 = arith.constant 16 : index
            %swap3A_202 = tpu.vector_load %arg15[%swap3A_200, %swap3A_201] {strides = array<i32>} : memref<8x64xf32, #tpu.memory_space<vmem>>, vector<16xf32>,
            tpu.vector_store %arg15[%swap3A_200, %swap3A_201], %get3A_199 {strides = array<i32>} : memref<8x64xf32, #tpu.memory_space<vmem>>, vector<16xf32>,
            %get3A_203 = arith.index_cast %squeeze3A_174 : i32 to index
            %get3A_204 = arith.constant 32 : index
            %get3A_205 = tpu.vector_load %arg16[%get3A_203, %get3A_204] {strides = array<i32>} : memref<64x64xf32, #tpu.memory_space<vmem>>, vector<16xf32>,
            %swap3A_206 = arith.index_cast %select_n3A_190 : i32 to index
            %swap3A_207 = arith.constant 32 : index
            %swap3A_208 = tpu.vector_load %arg15[%swap3A_206, %swap3A_207] {strides = array<i32>} : memref<8x64xf32, #tpu.memory_space<vmem>>, vector<16xf32>,
            tpu.vector_store %arg15[%swap3A_206, %swap3A_207], %get3A_205 {strides = array<i32>} : memref<8x64xf32, #tpu.memory_space<vmem>>, vector<16xf32>,
            %get3A_209 = arith.index_cast %squeeze3A_174 : i32 to index
            %get3A_210 = arith.constant 48 : index
            %get3A_211 = tpu.vector_load %arg16[%get3A_209, %get3A_210] {strides = array<i32>} : memref<64x64xf32, #tpu.memory_space<vmem>>, vector<16xf32>,
            %swap3A_212 = arith.index_cast %select_n3A_190 : i32 to index
            %swap3A_213 = arith.constant 48 : index
            %swap3A_214 = tpu.vector_load %arg15[%swap3A_212, %swap3A_213] {strides = array<i32>} : memref<8x64xf32, #tpu.memory_space<vmem>>, vector<16xf32>,
            tpu.vector_store %arg15[%swap3A_212, %swap3A_213], %get3A_211 {strides = array<i32>} : memref<8x64xf32, #tpu.memory_space<vmem>>, vector<16xf32>,
            %get3A_215 = arith.constant 0 : i32
            %get3A_216 = arith.index_cast %get3A_215 : i32 to index
            %get3A_217 = memref.load %arg19[%get3A_216] : memref<1xi32, #tpu.memory_space<smem>>
            %eq3A_218 = arith.constant 8 : i32
            %eq3A_219 = arith.cmpi eq, %get3A_217, %eq3A_218 : i32
            %jit3A_220 = arith.constant 0 : i32
            %select_n3A_221 = arith.select %eq3A_219, %jit3A_220, %get3A_217 : i32
            %dma_start3A_222 = arith.constant 0 : i32
            %dma_start3A_223 = tpu.memref_slice %arg15[%select_n3A_221, %dma_start3A_222] : memref<8x64xf32, #tpu.memory_space<vmem>> -> memref<1x64xf32, #tpu.memory_space<vmem>>
            %dma_start3A_224 = arith.constant 0 : i32
            %dma_start3A_225 = tpu.memref_slice %arg5[%squeeze3A_178, %dma_start3A_224] : memref<32768x64xf32, #tpu.memory_space<hbm>> -> memref<1x64xf32, #tpu.memory_space<hbm>>
            %dma_start3A_226 = arith.constant 0 : i32
            %dma_start3A_227 = tpu.memref_slice %arg5[%squeeze3A_178, %dma_start3A_226] : memref<32768x64xf32, #tpu.memory_space<hbm>> -> memref<1x64xf32, #tpu.memory_space<hbm>>
            %dma_start3A_228 = arith.constant 0 : i32
            %dma_start3A_229 = tpu.memref_slice %arg15[%select_n3A_221, %dma_start3A_228] : memref<8x64xf32, #tpu.memory_space<vmem>> -> memref<1x64xf32, #tpu.memory_space<vmem>>
            tpu.enqueue_dma source(%dma_start3A_229 : memref<1x64xf32, #tpu.memory_space<vmem>>) target(%dma_start3A_227 : memref<1x64xf32, #tpu.memory_space<hbm>>) target_semaphore(%arg24 : memref<!tpu.dma_semaphore, #tpu.memory_space<semaphore_mem>>)
            %eq3A_230 = arith.constant 8 : i32
            %eq3A_231 = arith.cmpi eq, %get3A_217, %eq3A_230 : i32
            %add3A_232 = arith.constant 1 : i32
            %add3A_233 = arith.addi %get3A_217, %add3A_232 : i32
            %jit3A_234 = arith.constant 1 : i32
            %select_n3A_235 = arith.select %eq3A_231, %jit3A_234, %add3A_233 : i32
            %swap3A_236 = arith.constant 0 : i32
            %swap3A_237 = arith.index_cast %swap3A_236 : i32 to index
            %swap3A_238 = memref.load %arg19[%swap3A_237] : memref<1xi32, #tpu.memory_space<smem>>
            memref.store %select_n3A_235, %arg19[%swap3A_237] : memref<1xi32, #tpu.memory_space<smem>>
          }
        } else {
        }
      }
      %scan3A_137 = arith.constant 16 : i32
    } else {
    }
    %scan3A_106 = arith.constant 0 : i32
    %scan3A_107 = arith.constant 0 : i32
    %scan3A_108 = arith.constant 8 : i32
    %scan3A_109 = arith.addi %scan3A_107, %scan3A_108 : i32
    %scan3A_110 = arith.constant 1 : i32
    scf.for %scan3A_132 = %scan3A_107 to %scan3A_109 step %scan3A_110  : i32 {
      %get3A = arith.constant 0 : i32
      %get3A_133 = arith.index_cast %get3A : i32 to index
      %get3A_134 = memref.load %arg19[%get3A_133] : memref<1xi32, #tpu.memory_space<smem>>
      %lt3A = arith.cmpi slt, %scan3A_132, %get3A_134 : i32
      %convert_element_type3A_135 = arith.extui %lt3A : i1 to i32
      %cond3A_136 = arith.constant 0 : i32
      %cond3A_137 = arith.cmpi ne, %convert_element_type3A_135, %cond3A_136 : i32
      scf.if %cond3A_137 {
        %dma_wait3A = arith.constant 0 : i32
        %dma_wait3A_138 = arith.constant 0 : i32
        %dma_wait3A_139 = tpu.memref_slice %arg15[%dma_wait3A, %dma_wait3A_138] : memref<8x64xf32, #tpu.memory_space<vmem>> -> memref<1x64xf32, #tpu.memory_space<vmem>>
        %dma_wait3A_140 = arith.constant 0 : i32
        %dma_wait3A_141 = arith.constant 0 : i32
        %dma_wait3A_142 = tpu.memref_slice %arg5[%dma_wait3A_140, %dma_wait3A_141] : memref<32768x64xf32, #tpu.memory_space<hbm>> -> memref<1x64xf32, #tpu.memory_space<hbm>>
        %dma_wait3A_143 = arith.constant 0 : i32
        %dma_wait3A_144 = arith.constant 0 : i32
        %dma_wait3A_145 = tpu.memref_slice %arg5[%dma_wait3A_143, %dma_wait3A_144] : memref<32768x64xf32, #tpu.memory_space<hbm>> -> memref<1x64xf32, #tpu.memory_space<hbm>>
        %dma_wait3A_146 = arith.constant 0 : i32
        %dma_wait3A_147 = arith.constant 0 : i32
        %dma_wait3A_148 = tpu.memref_slice %arg15[%dma_wait3A_146, %dma_wait3A_147] : memref<8x64xf32, #tpu.memory_space<vmem>> -> memref<1x64xf32, #tpu.memory_space<vmem>>
        tpu.wait_dma2 semaphore(%arg24 : memref<!tpu.dma_semaphore, #tpu.memory_space<semaphore_mem>>) src(%dma_wait3A_148 : memref<1x64xf32, #tpu.memory_space<vmem>>) dst(%dma_wait3A_145 : memref<1x64xf32, #tpu.memory_space<hbm>>)
      } else {
      }
    }
    %scan3A_111 = arith.constant 8 : i32
    %while3A_112 = arith.constant 0 : i32
    %while3A_113 = arith.constant 0 : i32
    %while3A_114 = arith.subi %scan3A_23#1, %while3A_113 : i32
    %while3A_115 = arith.addi %while3A_113, %while3A_114 : i32
    %while3A_116 = arith.constant 1 : i32
    %while3A_117 = arith.divsi %while3A_114, %while3A_116 : i32
    %while3A_118 = arith.muli %while3A_117, %while3A_116 : i32
    %while3A_119 = arith.addi %while3A_113, %while3A_118 : i32
    %while3A_120 = arith.constant 1 : i32
    scf.for %while3A_132 = %while3A_113 to %while3A_119 step %while3A_120  : i32 {
      %mul3A_133 = arith.constant 2048 : i32
      %mul3A_134 = arith.muli %while3A_132, %mul3A_133 : i32
      %run_scoped3A = arith.constant 0 : i32
      "tpu.region"() ({
        %run_scoped3A_144 = tpu.sem_alloc : memref<!tpu.dma_semaphore, #tpu.memory_space<semaphore_mem>>
        %dma_start3A_145 = arith.constant 0 : i32
        %dma_start3A_146 = tpu.memref_slice %arg17[%dma_start3A_145] : memref<2064xi32, #tpu.memory_space<vmem>> -> memref<2048xi32, #tpu.memory_space<vmem>>
        %dma_start3A_147 = tpu.memref_slice %arg6[%run_scoped3A, %mul3A_134] : memref<2x32768xi32, #tpu.memory_space<hbm>> -> memref<1x2048xi32, #tpu.memory_space<hbm>>
        %dma_start3A_148 = tpu.memref_squeeze %dma_start3A_147 : memref<1x2048xi32, #tpu.memory_space<hbm>> -> memref<2048xi32, #tpu.memory_space<hbm>>
        %dma_start3A_149 = arith.constant 0 : i32
        %dma_start3A_150 = tpu.memref_slice %arg17[%dma_start3A_149] : memref<2064xi32, #tpu.memory_space<vmem>> -> memref<2048xi32, #tpu.memory_space<vmem>>
        %dma_start3A_151 = tpu.memref_slice %arg6[%run_scoped3A, %mul3A_134] : memref<2x32768xi32, #tpu.memory_space<hbm>> -> memref<1x2048xi32, #tpu.memory_space<hbm>>
        %dma_start3A_152 = tpu.memref_squeeze %dma_start3A_151 : memref<1x2048xi32, #tpu.memory_space<hbm>> -> memref<2048xi32, #tpu.memory_space<hbm>>
        tpu.enqueue_dma source(%dma_start3A_152 : memref<2048xi32, #tpu.memory_space<hbm>>) target(%dma_start3A_150 : memref<2048xi32, #tpu.memory_space<vmem>>) target_semaphore(%run_scoped3A_144 : memref<!tpu.dma_semaphore, #tpu.memory_space<semaphore_mem>>)
        %dma_wait3A = arith.constant 0 : i32
        %dma_wait3A_153 = tpu.memref_slice %arg17[%dma_wait3A] : memref<2064xi32, #tpu.memory_space<vmem>> -> memref<2048xi32, #tpu.memory_space<vmem>>
        %dma_wait3A_154 = tpu.memref_slice %arg6[%run_scoped3A, %mul3A_134] : memref<2x32768xi32, #tpu.memory_space<hbm>> -> memref<1x2048xi32, #tpu.memory_space<hbm>>
        %dma_wait3A_155 = tpu.memref_squeeze %dma_wait3A_154 : memref<1x2048xi32, #tpu.memory_space<hbm>> -> memref<2048xi32, #tpu.memory_space<hbm>>
        %dma_wait3A_156 = arith.constant 0 : i32
        %dma_wait3A_157 = tpu.memref_slice %arg17[%dma_wait3A_156] : memref<2064xi32, #tpu.memory_space<vmem>> -> memref<2048xi32, #tpu.memory_space<vmem>>
        %dma_wait3A_158 = tpu.memref_slice %arg6[%run_scoped3A, %mul3A_134] : memref<2x32768xi32, #tpu.memory_space<hbm>> -> memref<1x2048xi32, #tpu.memory_space<hbm>>
        %dma_wait3A_159 = tpu.memref_squeeze %dma_wait3A_158 : memref<1x2048xi32, #tpu.memory_space<hbm>> -> memref<2048xi32, #tpu.memory_space<hbm>>
        tpu.wait_dma2 semaphore(%run_scoped3A_144 : memref<!tpu.dma_semaphore, #tpu.memory_space<semaphore_mem>>) src(%dma_wait3A_159 : memref<2048xi32, #tpu.memory_space<hbm>>) dst(%dma_wait3A_157 : memref<2048xi32, #tpu.memory_space<vmem>>)
        tpu.yield
      }) : () -> ()
      %mul3A_135 = arith.constant 2048 : i32
      %mul3A_136 = arith.muli %while3A_132, %mul3A_135 : i32
      %run_scoped3A_137 = arith.constant 1 : i32
      "tpu.region"() ({
        %run_scoped3A_144 = tpu.sem_alloc : memref<!tpu.dma_semaphore, #tpu.memory_space<semaphore_mem>>
        %dma_start3A_145 = arith.constant 0 : i32
        %dma_start3A_146 = tpu.memref_slice %arg18[%dma_start3A_145] : memref<2064xi32, #tpu.memory_space<vmem>> -> memref<2048xi32, #tpu.memory_space<vmem>>
        %dma_start3A_147 = tpu.memref_slice %arg6[%run_scoped3A_137, %mul3A_136] : memref<2x32768xi32, #tpu.memory_space<hbm>> -> memref<1x2048xi32, #tpu.memory_space<hbm>>
        %dma_start3A_148 = tpu.memref_squeeze %dma_start3A_147 : memref<1x2048xi32, #tpu.memory_space<hbm>> -> memref<2048xi32, #tpu.memory_space<hbm>>
        %dma_start3A_149 = arith.constant 0 : i32
        %dma_start3A_150 = tpu.memref_slice %arg18[%dma_start3A_149] : memref<2064xi32, #tpu.memory_space<vmem>> -> memref<2048xi32, #tpu.memory_space<vmem>>
        %dma_start3A_151 = tpu.memref_slice %arg6[%run_scoped3A_137, %mul3A_136] : memref<2x32768xi32, #tpu.memory_space<hbm>> -> memref<1x2048xi32, #tpu.memory_space<hbm>>
        %dma_start3A_152 = tpu.memref_squeeze %dma_start3A_151 : memref<1x2048xi32, #tpu.memory_space<hbm>> -> memref<2048xi32, #tpu.memory_space<hbm>>
        tpu.enqueue_dma source(%dma_start3A_152 : memref<2048xi32, #tpu.memory_space<hbm>>) target(%dma_start3A_150 : memref<2048xi32, #tpu.memory_space<vmem>>) target_semaphore(%run_scoped3A_144 : memref<!tpu.dma_semaphore, #tpu.memory_space<semaphore_mem>>)
        %dma_wait3A = arith.constant 0 : i32
        %dma_wait3A_153 = tpu.memref_slice %arg18[%dma_wait3A] : memref<2064xi32, #tpu.memory_space<vmem>> -> memref<2048xi32, #tpu.memory_space<vmem>>
        %dma_wait3A_154 = tpu.memref_slice %arg6[%run_scoped3A_137, %mul3A_136] : memref<2x32768xi32, #tpu.memory_space<hbm>> -> memref<1x2048xi32, #tpu.memory_space<hbm>>
        %dma_wait3A_155 = tpu.memref_squeeze %dma_wait3A_154 : memref<1x2048xi32, #tpu.memory_space<hbm>> -> memref<2048xi32, #tpu.memory_space<hbm>>
        %dma_wait3A_156 = arith.constant 0 : i32
        %dma_wait3A_157 = tpu.memref_slice %arg18[%dma_wait3A_156] : memref<2064xi32, #tpu.memory_space<vmem>> -> memref<2048xi32, #tpu.memory_space<vmem>>
        %dma_wait3A_158 = tpu.memref_slice %arg6[%run_scoped3A_137, %mul3A_136] : memref<2x32768xi32, #tpu.memory_space<hbm>> -> memref<1x2048xi32, #tpu.memory_space<hbm>>
        %dma_wait3A_159 = tpu.memref_squeeze %dma_wait3A_158 : memref<1x2048xi32, #tpu.memory_space<hbm>> -> memref<2048xi32, #tpu.memory_space<hbm>>
        tpu.wait_dma2 semaphore(%run_scoped3A_144 : memref<!tpu.dma_semaphore, #tpu.memory_space<semaphore_mem>>) src(%dma_wait3A_159 : memref<2048xi32, #tpu.memory_space<hbm>>) dst(%dma_wait3A_157 : memref<2048xi32, #tpu.memory_space<vmem>>)
        tpu.yield
      }) : () -> ()
      %scan3A_138 = arith.constant 0 : i32
      %scan3A_139 = arith.constant 0 : i32
      %scan3A_140 = arith.constant 2048 : i32
      %scan3A_141 = arith.addi %scan3A_139, %scan3A_140 : i32
      %scan3A_142 = arith.constant 1 : i32
      scf.for %scan3A_144 = %scan3A_139 to %scan3A_141 step %scan3A_142  : i32 {
        %get3A = arith.index_cast %scan3A_144 : i32 to index
        %get3A_145 = tpu.vector_load %arg17[%get3A] {strides = array<i32>} : memref<2064xi32, #tpu.memory_space<vmem>>, vector<16xi32>,
        %slice3A = vector.extract_strided_slice %get3A_145 {offsets = [0], sizes = [1], strides = [1]} : vector<16xi32> to vector<1xi32>
        %squeeze3A = vector.extract %slice3A[0] : i32 from vector<1xi32>
        %get3A_146 = arith.index_cast %scan3A_144 : i32 to index
        %get3A_147 = tpu.vector_load %arg18[%get3A_146] {strides = array<i32>} : memref<2064xi32, #tpu.memory_space<vmem>>, vector<16xi32>,
        %slice3A_148 = vector.extract_strided_slice %get3A_147 {offsets = [0], sizes = [1], strides = [1]} : vector<16xi32> to vector<1xi32>
        %squeeze3A_149 = vector.extract %slice3A_148[0] : i32 from vector<1xi32>
        %dma_start3A_150 = arith.constant 0 : i32
        %dma_start3A_151 = tpu.memref_slice %arg5[%squeeze3A_149, %dma_start3A_150] : memref<32768x64xf32, #tpu.memory_space<hbm>> -> memref<1x64xf32, #tpu.memory_space<hbm>>
        %dma_start3A_152 = arith.constant 0 : i32
        %dma_start3A_153 = tpu.memref_slice %arg5[%squeeze3A, %dma_start3A_152] : memref<32768x64xf32, #tpu.memory_space<hbm>> -> memref<1x64xf32, #tpu.memory_space<hbm>>
        tpu.enqueue_dma source(%dma_start3A_153 : memref<1x64xf32, #tpu.memory_space<hbm>>) target(%dma_start3A_151 : memref<1x64xf32, #tpu.memory_space<hbm>>) target_semaphore(%arg25 : memref<!tpu.dma_semaphore, #tpu.memory_space<semaphore_mem>>)
        %dma_wait3A = arith.constant 0 : i32
        %dma_wait3A_154 = arith.constant 0 : i32
        %dma_wait3A_155 = tpu.memref_slice %arg5[%dma_wait3A, %dma_wait3A_154] : memref<32768x64xf32, #tpu.memory_space<hbm>> -> memref<1x64xf32, #tpu.memory_space<hbm>>
        %dma_wait3A_156 = arith.constant 0 : i32
        %dma_wait3A_157 = arith.constant 0 : i32
        %dma_wait3A_158 = tpu.memref_slice %arg5[%dma_wait3A_156, %dma_wait3A_157] : memref<32768x64xf32, #tpu.memory_space<hbm>> -> memref<1x64xf32, #tpu.memory_space<hbm>>
        tpu.wait_dma2 semaphore(%arg25 : memref<!tpu.dma_semaphore, #tpu.memory_space<semaphore_mem>>) src(%dma_wait3A_158 : memref<1x64xf32, #tpu.memory_space<hbm>>) dst(%dma_wait3A_155 : memref<1x64xf32, #tpu.memory_space<hbm>>)
      }
      %scan3A_143 = arith.constant 2048 : i32
    }
    %while3A_121 = arith.constant 1 : i32
    scf.for %while3A_132 = %while3A_119 to %while3A_115 step %while3A_121  : i32 {
      %mul3A_133 = arith.constant 2048 : i32
      %mul3A_134 = arith.muli %while3A_132, %mul3A_133 : i32
      %run_scoped3A = arith.constant 0 : i32
      "tpu.region"() ({
        %run_scoped3A_144 = tpu.sem_alloc : memref<!tpu.dma_semaphore, #tpu.memory_space<semaphore_mem>>
        %dma_start3A_145 = arith.constant 0 : i32
        %dma_start3A_146 = tpu.memref_slice %arg17[%dma_start3A_145] : memref<2064xi32, #tpu.memory_space<vmem>> -> memref<2048xi32, #tpu.memory_space<vmem>>
        %dma_start3A_147 = tpu.memref_slice %arg6[%run_scoped3A, %mul3A_134] : memref<2x32768xi32, #tpu.memory_space<hbm>> -> memref<1x2048xi32, #tpu.memory_space<hbm>>
        %dma_start3A_148 = tpu.memref_squeeze %dma_start3A_147 : memref<1x2048xi32, #tpu.memory_space<hbm>> -> memref<2048xi32, #tpu.memory_space<hbm>>
        %dma_start3A_149 = arith.constant 0 : i32
        %dma_start3A_150 = tpu.memref_slice %arg17[%dma_start3A_149] : memref<2064xi32, #tpu.memory_space<vmem>> -> memref<2048xi32, #tpu.memory_space<vmem>>
        %dma_start3A_151 = tpu.memref_slice %arg6[%run_scoped3A, %mul3A_134] : memref<2x32768xi32, #tpu.memory_space<hbm>> -> memref<1x2048xi32, #tpu.memory_space<hbm>>
        %dma_start3A_152 = tpu.memref_squeeze %dma_start3A_151 : memref<1x2048xi32, #tpu.memory_space<hbm>> -> memref<2048xi32, #tpu.memory_space<hbm>>
        tpu.enqueue_dma source(%dma_start3A_152 : memref<2048xi32, #tpu.memory_space<hbm>>) target(%dma_start3A_150 : memref<2048xi32, #tpu.memory_space<vmem>>) target_semaphore(%run_scoped3A_144 : memref<!tpu.dma_semaphore, #tpu.memory_space<semaphore_mem>>)
        %dma_wait3A = arith.constant 0 : i32
        %dma_wait3A_153 = tpu.memref_slice %arg17[%dma_wait3A] : memref<2064xi32, #tpu.memory_space<vmem>> -> memref<2048xi32, #tpu.memory_space<vmem>>
        %dma_wait3A_154 = tpu.memref_slice %arg6[%run_scoped3A, %mul3A_134] : memref<2x32768xi32, #tpu.memory_space<hbm>> -> memref<1x2048xi32, #tpu.memory_space<hbm>>
        %dma_wait3A_155 = tpu.memref_squeeze %dma_wait3A_154 : memref<1x2048xi32, #tpu.memory_space<hbm>> -> memref<2048xi32, #tpu.memory_space<hbm>>
        %dma_wait3A_156 = arith.constant 0 : i32
        %dma_wait3A_157 = tpu.memref_slice %arg17[%dma_wait3A_156] : memref<2064xi32, #tpu.memory_space<vmem>> -> memref<2048xi32, #tpu.memory_space<vmem>>
        %dma_wait3A_158 = tpu.memref_slice %arg6[%run_scoped3A, %mul3A_134] : memref<2x32768xi32, #tpu.memory_space<hbm>> -> memref<1x2048xi32, #tpu.memory_space<hbm>>
        %dma_wait3A_159 = tpu.memref_squeeze %dma_wait3A_158 : memref<1x2048xi32, #tpu.memory_space<hbm>> -> memref<2048xi32, #tpu.memory_space<hbm>>
        tpu.wait_dma2 semaphore(%run_scoped3A_144 : memref<!tpu.dma_semaphore, #tpu.memory_space<semaphore_mem>>) src(%dma_wait3A_159 : memref<2048xi32, #tpu.memory_space<hbm>>) dst(%dma_wait3A_157 : memref<2048xi32, #tpu.memory_space<vmem>>)
        tpu.yield
      }) : () -> ()
      %mul3A_135 = arith.constant 2048 : i32
      %mul3A_136 = arith.muli %while3A_132, %mul3A_135 : i32
      %run_scoped3A_137 = arith.constant 1 : i32
      "tpu.region"() ({
        %run_scoped3A_144 = tpu.sem_alloc : memref<!tpu.dma_semaphore, #tpu.memory_space<semaphore_mem>>
        %dma_start3A_145 = arith.constant 0 : i32
        %dma_start3A_146 = tpu.memref_slice %arg18[%dma_start3A_145] : memref<2064xi32, #tpu.memory_space<vmem>> -> memref<2048xi32, #tpu.memory_space<vmem>>
        %dma_start3A_147 = tpu.memref_slice %arg6[%run_scoped3A_137, %mul3A_136] : memref<2x32768xi32, #tpu.memory_space<hbm>> -> memref<1x2048xi32, #tpu.memory_space<hbm>>
        %dma_start3A_148 = tpu.memref_squeeze %dma_start3A_147 : memref<1x2048xi32, #tpu.memory_space<hbm>> -> memref<2048xi32, #tpu.memory_space<hbm>>
        %dma_start3A_149 = arith.constant 0 : i32
        %dma_start3A_150 = tpu.memref_slice %arg18[%dma_start3A_149] : memref<2064xi32, #tpu.memory_space<vmem>> -> memref<2048xi32, #tpu.memory_space<vmem>>
        %dma_start3A_151 = tpu.memref_slice %arg6[%run_scoped3A_137, %mul3A_136] : memref<2x32768xi32, #tpu.memory_space<hbm>> -> memref<1x2048xi32, #tpu.memory_space<hbm>>
        %dma_start3A_152 = tpu.memref_squeeze %dma_start3A_151 : memref<1x2048xi32, #tpu.memory_space<hbm>> -> memref<2048xi32, #tpu.memory_space<hbm>>
        tpu.enqueue_dma source(%dma_start3A_152 : memref<2048xi32, #tpu.memory_space<hbm>>) target(%dma_start3A_150 : memref<2048xi32, #tpu.memory_space<vmem>>) target_semaphore(%run_scoped3A_144 : memref<!tpu.dma_semaphore, #tpu.memory_space<semaphore_mem>>)
        %dma_wait3A = arith.constant 0 : i32
        %dma_wait3A_153 = tpu.memref_slice %arg18[%dma_wait3A] : memref<2064xi32, #tpu.memory_space<vmem>> -> memref<2048xi32, #tpu.memory_space<vmem>>
        %dma_wait3A_154 = tpu.memref_slice %arg6[%run_scoped3A_137, %mul3A_136] : memref<2x32768xi32, #tpu.memory_space<hbm>> -> memref<1x2048xi32, #tpu.memory_space<hbm>>
        %dma_wait3A_155 = tpu.memref_squeeze %dma_wait3A_154 : memref<1x2048xi32, #tpu.memory_space<hbm>> -> memref<2048xi32, #tpu.memory_space<hbm>>
        %dma_wait3A_156 = arith.constant 0 : i32
        %dma_wait3A_157 = tpu.memref_slice %arg18[%dma_wait3A_156] : memref<2064xi32, #tpu.memory_space<vmem>> -> memref<2048xi32, #tpu.memory_space<vmem>>
        %dma_wait3A_158 = tpu.memref_slice %arg6[%run_scoped3A_137, %mul3A_136] : memref<2x32768xi32, #tpu.memory_space<hbm>> -> memref<1x2048xi32, #tpu.memory_space<hbm>>
        %dma_wait3A_159 = tpu.memref_squeeze %dma_wait3A_158 : memref<1x2048xi32, #tpu.memory_space<hbm>> -> memref<2048xi32, #tpu.memory_space<hbm>>
        tpu.wait_dma2 semaphore(%run_scoped3A_144 : memref<!tpu.dma_semaphore, #tpu.memory_space<semaphore_mem>>) src(%dma_wait3A_159 : memref<2048xi32, #tpu.memory_space<hbm>>) dst(%dma_wait3A_157 : memref<2048xi32, #tpu.memory_space<vmem>>)
        tpu.yield
      }) : () -> ()
      %scan3A_138 = arith.constant 0 : i32
      %scan3A_139 = arith.constant 0 : i32
      %scan3A_140 = arith.constant 2048 : i32
      %scan3A_141 = arith.addi %scan3A_139, %scan3A_140 : i32
      %scan3A_142 = arith.constant 1 : i32
      scf.for %scan3A_144 = %scan3A_139 to %scan3A_141 step %scan3A_142  : i32 {
        %get3A = arith.index_cast %scan3A_144 : i32 to index
        %get3A_145 = tpu.vector_load %arg17[%get3A] {strides = array<i32>} : memref<2064xi32, #tpu.memory_space<vmem>>, vector<16xi32>,
        %slice3A = vector.extract_strided_slice %get3A_145 {offsets = [0], sizes = [1], strides = [1]} : vector<16xi32> to vector<1xi32>
        %squeeze3A = vector.extract %slice3A[0] : i32 from vector<1xi32>
        %get3A_146 = arith.index_cast %scan3A_144 : i32 to index
        %get3A_147 = tpu.vector_load %arg18[%get3A_146] {strides = array<i32>} : memref<2064xi32, #tpu.memory_space<vmem>>, vector<16xi32>,
        %slice3A_148 = vector.extract_strided_slice %get3A_147 {offsets = [0], sizes = [1], strides = [1]} : vector<16xi32> to vector<1xi32>
        %squeeze3A_149 = vector.extract %slice3A_148[0] : i32 from vector<1xi32>
        %dma_start3A_150 = arith.constant 0 : i32
        %dma_start3A_151 = tpu.memref_slice %arg5[%squeeze3A_149, %dma_start3A_150] : memref<32768x64xf32, #tpu.memory_space<hbm>> -> memref<1x64xf32, #tpu.memory_space<hbm>>
        %dma_start3A_152 = arith.constant 0 : i32
        %dma_start3A_153 = tpu.memref_slice %arg5[%squeeze3A, %dma_start3A_152] : memref<32768x64xf32, #tpu.memory_space<hbm>> -> memref<1x64xf32, #tpu.memory_space<hbm>>
        tpu.enqueue_dma source(%dma_start3A_153 : memref<1x64xf32, #tpu.memory_space<hbm>>) target(%dma_start3A_151 : memref<1x64xf32, #tpu.memory_space<hbm>>) target_semaphore(%arg25 : memref<!tpu.dma_semaphore, #tpu.memory_space<semaphore_mem>>)
        %dma_wait3A = arith.constant 0 : i32
        %dma_wait3A_154 = arith.constant 0 : i32
        %dma_wait3A_155 = tpu.memref_slice %arg5[%dma_wait3A, %dma_wait3A_154] : memref<32768x64xf32, #tpu.memory_space<hbm>> -> memref<1x64xf32, #tpu.memory_space<hbm>>
        %dma_wait3A_156 = arith.constant 0 : i32
        %dma_wait3A_157 = arith.constant 0 : i32
        %dma_wait3A_158 = tpu.memref_slice %arg5[%dma_wait3A_156, %dma_wait3A_157] : memref<32768x64xf32, #tpu.memory_space<hbm>> -> memref<1x64xf32, #tpu.memory_space<hbm>>
        tpu.wait_dma2 semaphore(%arg25 : memref<!tpu.dma_semaphore, #tpu.memory_space<semaphore_mem>>) src(%dma_wait3A_158 : memref<1x64xf32, #tpu.memory_space<hbm>>) dst(%dma_wait3A_155 : memref<1x64xf32, #tpu.memory_space<hbm>>)
      }
      %scan3A_143 = arith.constant 2048 : i32
    }
    %while3A_122 = arith.constant 0 : i32
    %while3A_123 = arith.constant 0 : i32
    %while3A_124 = arith.subi %scan3A_23#0, %while3A_123 : i32
    %while3A_125 = arith.addi %while3A_123, %while3A_124 : i32
    %while3A_126 = arith.constant 1 : i32
    %while3A_127 = arith.divsi %while3A_124, %while3A_126 : i32
    %while3A_128 = arith.muli %while3A_127, %while3A_126 : i32
    %while3A_129 = arith.addi %while3A_123, %while3A_128 : i32
    %while3A_130 = arith.constant 1 : i32
    scf.for %while3A_132 = %while3A_123 to %while3A_129 step %while3A_130  : i32 {
      %get3A = arith.index_cast %while3A_132 : i32 to index
      %get3A_133 = tpu.vector_load %arg17[%get3A] {strides = array<i32>} : memref<2064xi32, #tpu.memory_space<vmem>>, vector<16xi32>,
      %slice3A = vector.extract_strided_slice %get3A_133 {offsets = [0], sizes = [1], strides = [1]} : vector<16xi32> to vector<1xi32>
      %squeeze3A = vector.extract %slice3A[0] : i32 from vector<1xi32>
      %get3A_134 = arith.index_cast %while3A_132 : i32 to index
      %get3A_135 = tpu.vector_load %arg18[%get3A_134] {strides = array<i32>} : memref<2064xi32, #tpu.memory_space<vmem>>, vector<16xi32>,
      %slice3A_136 = vector.extract_strided_slice %get3A_135 {offsets = [0], sizes = [1], strides = [1]} : vector<16xi32> to vector<1xi32>
      %squeeze3A_137 = vector.extract %slice3A_136[0] : i32 from vector<1xi32>
      %dma_start3A_138 = arith.constant 0 : i32
      %dma_start3A_139 = tpu.memref_slice %arg5[%squeeze3A_137, %dma_start3A_138] : memref<32768x64xf32, #tpu.memory_space<hbm>> -> memref<1x64xf32, #tpu.memory_space<hbm>>
      %dma_start3A_140 = arith.constant 0 : i32
      %dma_start3A_141 = tpu.memref_slice %arg5[%squeeze3A, %dma_start3A_140] : memref<32768x64xf32, #tpu.memory_space<hbm>> -> memref<1x64xf32, #tpu.memory_space<hbm>>
      tpu.enqueue_dma source(%dma_start3A_141 : memref<1x64xf32, #tpu.memory_space<hbm>>) target(%dma_start3A_139 : memref<1x64xf32, #tpu.memory_space<hbm>>) target_semaphore(%arg25 : memref<!tpu.dma_semaphore, #tpu.memory_space<semaphore_mem>>)
      %dma_wait3A = arith.constant 0 : i32
      %dma_wait3A_142 = arith.constant 0 : i32
      %dma_wait3A_143 = tpu.memref_slice %arg5[%dma_wait3A, %dma_wait3A_142] : memref<32768x64xf32, #tpu.memory_space<hbm>> -> memref<1x64xf32, #tpu.memory_space<hbm>>
      %dma_wait3A_144 = arith.constant 0 : i32
      %dma_wait3A_145 = arith.constant 0 : i32
      %dma_wait3A_146 = tpu.memref_slice %arg5[%dma_wait3A_144, %dma_wait3A_145] : memref<32768x64xf32, #tpu.memory_space<hbm>> -> memref<1x64xf32, #tpu.memory_space<hbm>>
      tpu.wait_dma2 semaphore(%arg25 : memref<!tpu.dma_semaphore, #tpu.memory_space<semaphore_mem>>) src(%dma_wait3A_146 : memref<1x64xf32, #tpu.memory_space<hbm>>) dst(%dma_wait3A_143 : memref<1x64xf32, #tpu.memory_space<hbm>>)
    }
    %while3A_131 = arith.constant 1 : i32
    scf.for %while3A_132 = %while3A_129 to %while3A_125 step %while3A_131  : i32 {
      %get3A = arith.index_cast %while3A_132 : i32 to index
      %get3A_133 = tpu.vector_load %arg17[%get3A] {strides = array<i32>} : memref<2064xi32, #tpu.memory_space<vmem>>, vector<16xi32>,
      %slice3A = vector.extract_strided_slice %get3A_133 {offsets = [0], sizes = [1], strides = [1]} : vector<16xi32> to vector<1xi32>
      %squeeze3A = vector.extract %slice3A[0] : i32 from vector<1xi32>
      %get3A_134 = arith.index_cast %while3A_132 : i32 to index
      %get3A_135 = tpu.vector_load %arg18[%get3A_134] {strides = array<i32>} : memref<2064xi32, #tpu.memory_space<vmem>>, vector<16xi32>,
      %slice3A_136 = vector.extract_strided_slice %get3A_135 {offsets = [0], sizes = [1], strides = [1]} : vector<16xi32> to vector<1xi32>
      %squeeze3A_137 = vector.extract %slice3A_136[0] : i32 from vector<1xi32>
      %dma_start3A_138 = arith.constant 0 : i32
      %dma_start3A_139 = tpu.memref_slice %arg5[%squeeze3A_137, %dma_start3A_138] : memref<32768x64xf32, #tpu.memory_space<hbm>> -> memref<1x64xf32, #tpu.memory_space<hbm>>
      %dma_start3A_140 = arith.constant 0 : i32
      %dma_start3A_141 = tpu.memref_slice %arg5[%squeeze3A, %dma_start3A_140] : memref<32768x64xf32, #tpu.memory_space<hbm>> -> memref<1x64xf32, #tpu.memory_space<hbm>>
      tpu.enqueue_dma source(%dma_start3A_141 : memref<1x64xf32, #tpu.memory_space<hbm>>) target(%dma_start3A_139 : memref<1x64xf32, #tpu.memory_space<hbm>>) target_semaphore(%arg25 : memref<!tpu.dma_semaphore, #tpu.memory_space<semaphore_mem>>)
      %dma_wait3A = arith.constant 0 : i32
      %dma_wait3A_142 = arith.constant 0 : i32
      %dma_wait3A_143 = tpu.memref_slice %arg5[%dma_wait3A, %dma_wait3A_142] : memref<32768x64xf32, #tpu.memory_space<hbm>> -> memref<1x64xf32, #tpu.memory_space<hbm>>
      %dma_wait3A_144 = arith.constant 0 : i32
      %dma_wait3A_145 = arith.constant 0 : i32
      %dma_wait3A_146 = tpu.memref_slice %arg5[%dma_wait3A_144, %dma_wait3A_145] : memref<32768x64xf32, #tpu.memory_space<hbm>> -> memref<1x64xf32, #tpu.memory_space<hbm>>
      tpu.wait_dma2 semaphore(%arg25 : memref<!tpu.dma_semaphore, #tpu.memory_space<semaphore_mem>>) src(%dma_wait3A_146 : memref<1x64xf32, #tpu.memory_space<hbm>>) dst(%dma_wait3A_143 : memref<1x64xf32, #tpu.memory_space<hbm>>)
    }
    return
  }
}

#map = affine_map<(d0, d1) -> (0, 0)>
module attributes {stable_mosaic.version = 14 : i64} {
  func.func @_add_body(%arg0: i32, %arg1: i32, %arg2: memref<32768x64xf32, #tpu.memory_space<hbm>>, %arg3: memref<8192x64xf32, #tpu.memory_space<hbm>>, %arg4: memref<32768x64xf32, #tpu.memory_space<hbm>>, %arg5: memref<256x64xf32, #tpu.memory_space<vmem>>, %arg6: memref<256x64xf32, #tpu.memory_space<vmem>>) attributes {dimension_semantics = [#tpu.dimension_semantics<core_parallel>, #tpu.dimension_semantics<subcore_parallel>], iteration_bounds = array<i64: 2, 16>, scalar_prefetch = 0 : i64, scratch_operands = 2 : i64, tpu.core_type = #tpu.core_type<sc_vector_subcore>, window_params = [{transform_indices = #map}, {transform_indices = #map}, {transform_indices = #map}]} {
    %mul3A = arith.constant 2 : i32
    %mul3A_0 = arith.muli %arg1, %mul3A : i32
    %add3A = arith.addi %mul3A_0, %arg0 : i32
    %mul3A_1 = arith.constant 1024 : i32
    %mul3A_2 = arith.muli %add3A, %mul3A_1 : i32
    %jit3A = arith.constant 8 : i32
    %eq3A = arith.constant 0 : i32
    %eq3A_3 = arith.cmpi eq, %jit3A, %eq3A : i32
    %jit3A_4 = arith.constant 1 : i32
    %select_n3A = arith.select %eq3A_3, %jit3A_4, %jit3A : i32
    %rem3A = arith.remsi %add3A, %select_n3A : i32
    %ne3A = arith.constant 0 : i32
    %ne3A_5 = arith.cmpi ne, %rem3A, %ne3A : i32
    %lt3A = arith.constant 0 : i32
    %lt3A_6 = arith.cmpi slt, %rem3A, %lt3A : i32
    %lt3A_7 = arith.constant 0 : i32
    %lt3A_8 = arith.cmpi slt, %select_n3A, %lt3A_7 : i32
    %ne3A_9 = arith.xori %lt3A_6, %lt3A_8 : i1
    %and3A = arith.andi %ne3A_9, %ne3A_5 : i1
    %add3A_10 = arith.addi %rem3A, %select_n3A : i32
    %select_n3A_11 = arith.select %and3A, %add3A_10, %rem3A : i32
    %mul3A_12 = arith.constant 1024 : i32
    %mul3A_13 = arith.muli %select_n3A_11, %mul3A_12 : i32
    %add3A_14 = arith.constant 0 : i32
    %add3A_15 = arith.addi %mul3A_2, %add3A_14 : i32
    "tpu.region"() ({
      %run_scoped3A = tpu.sem_alloc : memref<!tpu.dma_semaphore, #tpu.memory_space<semaphore_mem>>
      %dma_start3A = arith.constant 0 : i32
      %dma_start3A_61 = tpu.memref_slice %arg2[%add3A_15, %dma_start3A] : memref<32768x64xf32, #tpu.memory_space<hbm>> -> memref<256x64xf32, #tpu.memory_space<hbm>>
      %dma_start3A_62 = arith.constant 0 : i32
      %dma_start3A_63 = tpu.memref_slice %arg2[%add3A_15, %dma_start3A_62] : memref<32768x64xf32, #tpu.memory_space<hbm>> -> memref<256x64xf32, #tpu.memory_space<hbm>>
      tpu.enqueue_dma source(%dma_start3A_63 : memref<256x64xf32, #tpu.memory_space<hbm>>) target(%arg5 : memref<256x64xf32, #tpu.memory_space<vmem>>) target_semaphore(%run_scoped3A : memref<!tpu.dma_semaphore, #tpu.memory_space<semaphore_mem>>)
      %dma_wait3A = arith.constant 0 : i32
      %dma_wait3A_64 = tpu.memref_slice %arg2[%add3A_15, %dma_wait3A] : memref<32768x64xf32, #tpu.memory_space<hbm>> -> memref<256x64xf32, #tpu.memory_space<hbm>>
      %dma_wait3A_65 = arith.constant 0 : i32
      %dma_wait3A_66 = tpu.memref_slice %arg2[%add3A_15, %dma_wait3A_65] : memref<32768x64xf32, #tpu.memory_space<hbm>> -> memref<256x64xf32, #tpu.memory_space<hbm>>
      tpu.wait_dma2 semaphore(%run_scoped3A : memref<!tpu.dma_semaphore, #tpu.memory_space<semaphore_mem>>) src(%dma_wait3A_66 : memref<256x64xf32, #tpu.memory_space<hbm>>) dst(%arg5 : memref<256x64xf32, #tpu.memory_space<vmem>>)
      tpu.yield
    }) : () -> ()
    %add3A_16 = arith.constant 0 : i32
    %add3A_17 = arith.addi %mul3A_13, %add3A_16 : i32
    "tpu.region"() ({
      %run_scoped3A = tpu.sem_alloc : memref<!tpu.dma_semaphore, #tpu.memory_space<semaphore_mem>>
      %dma_start3A = arith.constant 0 : i32
      %dma_start3A_61 = tpu.memref_slice %arg3[%add3A_17, %dma_start3A] : memref<8192x64xf32, #tpu.memory_space<hbm>> -> memref<256x64xf32, #tpu.memory_space<hbm>>
      %dma_start3A_62 = arith.constant 0 : i32
      %dma_start3A_63 = tpu.memref_slice %arg3[%add3A_17, %dma_start3A_62] : memref<8192x64xf32, #tpu.memory_space<hbm>> -> memref<256x64xf32, #tpu.memory_space<hbm>>
      tpu.enqueue_dma source(%dma_start3A_63 : memref<256x64xf32, #tpu.memory_space<hbm>>) target(%arg6 : memref<256x64xf32, #tpu.memory_space<vmem>>) target_semaphore(%run_scoped3A : memref<!tpu.dma_semaphore, #tpu.memory_space<semaphore_mem>>)
      %dma_wait3A = arith.constant 0 : i32
      %dma_wait3A_64 = tpu.memref_slice %arg3[%add3A_17, %dma_wait3A] : memref<8192x64xf32, #tpu.memory_space<hbm>> -> memref<256x64xf32, #tpu.memory_space<hbm>>
      %dma_wait3A_65 = arith.constant 0 : i32
      %dma_wait3A_66 = tpu.memref_slice %arg3[%add3A_17, %dma_wait3A_65] : memref<8192x64xf32, #tpu.memory_space<hbm>> -> memref<256x64xf32, #tpu.memory_space<hbm>>
      tpu.wait_dma2 semaphore(%run_scoped3A : memref<!tpu.dma_semaphore, #tpu.memory_space<semaphore_mem>>) src(%dma_wait3A_66 : memref<256x64xf32, #tpu.memory_space<hbm>>) dst(%arg6 : memref<256x64xf32, #tpu.memory_space<vmem>>)
      tpu.yield
    }) : () -> ()
    %scan3A = arith.constant 0 : i32
    %scan3A_18 = arith.constant 0 : i32
    %scan3A_19 = arith.constant 256 : i32
    %scan3A_20 = arith.addi %scan3A_18, %scan3A_19 : i32
    %scan3A_21 = arith.constant 1 : i32
    scf.for %scan3A_61 = %scan3A_18 to %scan3A_20 step %scan3A_21  : i32 {
      %get3A = arith.index_cast %scan3A_61 : i32 to index
      %get3A_62 = arith.constant 0 : index
      %get3A_63 = tpu.vector_load %arg5[%get3A, %get3A_62] {strides = array<i32>} : memref<256x64xf32, #tpu.memory_space<vmem>>, vector<16xf32>,
      %get3A_64 = arith.index_cast %scan3A_61 : i32 to index
      %get3A_65 = arith.constant 0 : index
      %get3A_66 = tpu.vector_load %arg6[%get3A_64, %get3A_65] {strides = array<i32>} : memref<256x64xf32, #tpu.memory_space<vmem>>, vector<16xf32>,
      %add3A_67 = arith.addf %get3A_63, %get3A_66 : vector<16xf32>
      %swap3A = arith.index_cast %scan3A_61 : i32 to index
      %swap3A_68 = arith.constant 0 : index
      %swap3A_69 = tpu.vector_load %arg5[%swap3A, %swap3A_68] {strides = array<i32>} : memref<256x64xf32, #tpu.memory_space<vmem>>, vector<16xf32>,
      tpu.vector_store %arg5[%swap3A, %swap3A_68], %add3A_67 {strides = array<i32>} : memref<256x64xf32, #tpu.memory_space<vmem>>, vector<16xf32>,
      %get3A_70 = arith.index_cast %scan3A_61 : i32 to index
      %get3A_71 = arith.constant 16 : index
      %get3A_72 = tpu.vector_load %arg5[%get3A_70, %get3A_71] {strides = array<i32>} : memref<256x64xf32, #tpu.memory_space<vmem>>, vector<16xf32>,
      %get3A_73 = arith.index_cast %scan3A_61 : i32 to index
      %get3A_74 = arith.constant 16 : index
      %get3A_75 = tpu.vector_load %arg6[%get3A_73, %get3A_74] {strides = array<i32>} : memref<256x64xf32, #tpu.memory_space<vmem>>, vector<16xf32>,
      %add3A_76 = arith.addf %get3A_72, %get3A_75 : vector<16xf32>
      %swap3A_77 = arith.index_cast %scan3A_61 : i32 to index
      %swap3A_78 = arith.constant 16 : index
      %swap3A_79 = tpu.vector_load %arg5[%swap3A_77, %swap3A_78] {strides = array<i32>} : memref<256x64xf32, #tpu.memory_space<vmem>>, vector<16xf32>,
      tpu.vector_store %arg5[%swap3A_77, %swap3A_78], %add3A_76 {strides = array<i32>} : memref<256x64xf32, #tpu.memory_space<vmem>>, vector<16xf32>,
      %get3A_80 = arith.index_cast %scan3A_61 : i32 to index
      %get3A_81 = arith.constant 32 : index
      %get3A_82 = tpu.vector_load %arg5[%get3A_80, %get3A_81] {strides = array<i32>} : memref<256x64xf32, #tpu.memory_space<vmem>>, vector<16xf32>,
      %get3A_83 = arith.index_cast %scan3A_61 : i32 to index
      %get3A_84 = arith.constant 32 : index
      %get3A_85 = tpu.vector_load %arg6[%get3A_83, %get3A_84] {strides = array<i32>} : memref<256x64xf32, #tpu.memory_space<vmem>>, vector<16xf32>,
      %add3A_86 = arith.addf %get3A_82, %get3A_85 : vector<16xf32>
      %swap3A_87 = arith.index_cast %scan3A_61 : i32 to index
      %swap3A_88 = arith.constant 32 : index
      %swap3A_89 = tpu.vector_load %arg5[%swap3A_87, %swap3A_88] {strides = array<i32>} : memref<256x64xf32, #tpu.memory_space<vmem>>, vector<16xf32>,
      tpu.vector_store %arg5[%swap3A_87, %swap3A_88], %add3A_86 {strides = array<i32>} : memref<256x64xf32, #tpu.memory_space<vmem>>, vector<16xf32>,
      %get3A_90 = arith.index_cast %scan3A_61 : i32 to index
      %get3A_91 = arith.constant 48 : index
      %get3A_92 = tpu.vector_load %arg5[%get3A_90, %get3A_91] {strides = array<i32>} : memref<256x64xf32, #tpu.memory_space<vmem>>, vector<16xf32>,
      %get3A_93 = arith.index_cast %scan3A_61 : i32 to index
      %get3A_94 = arith.constant 48 : index
      %get3A_95 = tpu.vector_load %arg6[%get3A_93, %get3A_94] {strides = array<i32>} : memref<256x64xf32, #tpu.memory_space<vmem>>, vector<16xf32>,
      %add3A_96 = arith.addf %get3A_92, %get3A_95 : vector<16xf32>
      %swap3A_97 = arith.index_cast %scan3A_61 : i32 to index
      %swap3A_98 = arith.constant 48 : index
      %swap3A_99 = tpu.vector_load %arg5[%swap3A_97, %swap3A_98] {strides = array<i32>} : memref<256x64xf32, #tpu.memory_space<vmem>>, vector<16xf32>,
      tpu.vector_store %arg5[%swap3A_97, %swap3A_98], %add3A_96 {strides = array<i32>} : memref<256x64xf32, #tpu.memory_space<vmem>>, vector<16xf32>,
    }
    %scan3A_22 = arith.constant 256 : i32
    %add3A_23 = arith.constant 0 : i32
    %add3A_24 = arith.addi %mul3A_2, %add3A_23 : i32
    "tpu.region"() ({
      %run_scoped3A = tpu.sem_alloc : memref<!tpu.dma_semaphore, #tpu.memory_space<semaphore_mem>>
      %dma_start3A = arith.constant 0 : i32
      %dma_start3A_61 = tpu.memref_slice %arg4[%add3A_24, %dma_start3A] : memref<32768x64xf32, #tpu.memory_space<hbm>> -> memref<256x64xf32, #tpu.memory_space<hbm>>
      %dma_start3A_62 = arith.constant 0 : i32
      %dma_start3A_63 = tpu.memref_slice %arg4[%add3A_24, %dma_start3A_62] : memref<32768x64xf32, #tpu.memory_space<hbm>> -> memref<256x64xf32, #tpu.memory_space<hbm>>
      tpu.enqueue_dma source(%arg5 : memref<256x64xf32, #tpu.memory_space<vmem>>) target(%dma_start3A_63 : memref<256x64xf32, #tpu.memory_space<hbm>>) target_semaphore(%run_scoped3A : memref<!tpu.dma_semaphore, #tpu.memory_space<semaphore_mem>>)
      %dma_wait3A = arith.constant 0 : i32
      %dma_wait3A_64 = tpu.memref_slice %arg4[%add3A_24, %dma_wait3A] : memref<32768x64xf32, #tpu.memory_space<hbm>> -> memref<256x64xf32, #tpu.memory_space<hbm>>
      %dma_wait3A_65 = arith.constant 0 : i32
      %dma_wait3A_66 = tpu.memref_slice %arg4[%add3A_24, %dma_wait3A_65] : memref<32768x64xf32, #tpu.memory_space<hbm>> -> memref<256x64xf32, #tpu.memory_space<hbm>>
      tpu.wait_dma2 semaphore(%run_scoped3A : memref<!tpu.dma_semaphore, #tpu.memory_space<semaphore_mem>>) src(%arg5 : memref<256x64xf32, #tpu.memory_space<vmem>>) dst(%dma_wait3A_66 : memref<256x64xf32, #tpu.memory_space<hbm>>)
      tpu.yield
    }) : () -> ()
    %add3A_25 = arith.constant 256 : i32
    %add3A_26 = arith.addi %mul3A_2, %add3A_25 : i32
    "tpu.region"() ({
      %run_scoped3A = tpu.sem_alloc : memref<!tpu.dma_semaphore, #tpu.memory_space<semaphore_mem>>
      %dma_start3A = arith.constant 0 : i32
      %dma_start3A_61 = tpu.memref_slice %arg2[%add3A_26, %dma_start3A] : memref<32768x64xf32, #tpu.memory_space<hbm>> -> memref<256x64xf32, #tpu.memory_space<hbm>>
      %dma_start3A_62 = arith.constant 0 : i32
      %dma_start3A_63 = tpu.memref_slice %arg2[%add3A_26, %dma_start3A_62] : memref<32768x64xf32, #tpu.memory_space<hbm>> -> memref<256x64xf32, #tpu.memory_space<hbm>>
      tpu.enqueue_dma source(%dma_start3A_63 : memref<256x64xf32, #tpu.memory_space<hbm>>) target(%arg5 : memref<256x64xf32, #tpu.memory_space<vmem>>) target_semaphore(%run_scoped3A : memref<!tpu.dma_semaphore, #tpu.memory_space<semaphore_mem>>)
      %dma_wait3A = arith.constant 0 : i32
      %dma_wait3A_64 = tpu.memref_slice %arg2[%add3A_26, %dma_wait3A] : memref<32768x64xf32, #tpu.memory_space<hbm>> -> memref<256x64xf32, #tpu.memory_space<hbm>>
      %dma_wait3A_65 = arith.constant 0 : i32
      %dma_wait3A_66 = tpu.memref_slice %arg2[%add3A_26, %dma_wait3A_65] : memref<32768x64xf32, #tpu.memory_space<hbm>> -> memref<256x64xf32, #tpu.memory_space<hbm>>
      tpu.wait_dma2 semaphore(%run_scoped3A : memref<!tpu.dma_semaphore, #tpu.memory_space<semaphore_mem>>) src(%dma_wait3A_66 : memref<256x64xf32, #tpu.memory_space<hbm>>) dst(%arg5 : memref<256x64xf32, #tpu.memory_space<vmem>>)
      tpu.yield
    }) : () -> ()
    %add3A_27 = arith.constant 256 : i32
    %add3A_28 = arith.addi %mul3A_13, %add3A_27 : i32
    "tpu.region"() ({
      %run_scoped3A = tpu.sem_alloc : memref<!tpu.dma_semaphore, #tpu.memory_space<semaphore_mem>>
      %dma_start3A = arith.constant 0 : i32
      %dma_start3A_61 = tpu.memref_slice %arg3[%add3A_28, %dma_start3A] : memref<8192x64xf32, #tpu.memory_space<hbm>> -> memref<256x64xf32, #tpu.memory_space<hbm>>
      %dma_start3A_62 = arith.constant 0 : i32
      %dma_start3A_63 = tpu.memref_slice %arg3[%add3A_28, %dma_start3A_62] : memref<8192x64xf32, #tpu.memory_space<hbm>> -> memref<256x64xf32, #tpu.memory_space<hbm>>
      tpu.enqueue_dma source(%dma_start3A_63 : memref<256x64xf32, #tpu.memory_space<hbm>>) target(%arg6 : memref<256x64xf32, #tpu.memory_space<vmem>>) target_semaphore(%run_scoped3A : memref<!tpu.dma_semaphore, #tpu.memory_space<semaphore_mem>>)
      %dma_wait3A = arith.constant 0 : i32
      %dma_wait3A_64 = tpu.memref_slice %arg3[%add3A_28, %dma_wait3A] : memref<8192x64xf32, #tpu.memory_space<hbm>> -> memref<256x64xf32, #tpu.memory_space<hbm>>
      %dma_wait3A_65 = arith.constant 0 : i32
      %dma_wait3A_66 = tpu.memref_slice %arg3[%add3A_28, %dma_wait3A_65] : memref<8192x64xf32, #tpu.memory_space<hbm>> -> memref<256x64xf32, #tpu.memory_space<hbm>>
      tpu.wait_dma2 semaphore(%run_scoped3A : memref<!tpu.dma_semaphore, #tpu.memory_space<semaphore_mem>>) src(%dma_wait3A_66 : memref<256x64xf32, #tpu.memory_space<hbm>>) dst(%arg6 : memref<256x64xf32, #tpu.memory_space<vmem>>)
      tpu.yield
    }) : () -> ()
    %scan3A_29 = arith.constant 0 : i32
    %scan3A_30 = arith.constant 0 : i32
    %scan3A_31 = arith.constant 256 : i32
    %scan3A_32 = arith.addi %scan3A_30, %scan3A_31 : i32
    %scan3A_33 = arith.constant 1 : i32
    scf.for %scan3A_61 = %scan3A_30 to %scan3A_32 step %scan3A_33  : i32 {
      %get3A = arith.index_cast %scan3A_61 : i32 to index
      %get3A_62 = arith.constant 0 : index
      %get3A_63 = tpu.vector_load %arg5[%get3A, %get3A_62] {strides = array<i32>} : memref<256x64xf32, #tpu.memory_space<vmem>>, vector<16xf32>,
      %get3A_64 = arith.index_cast %scan3A_61 : i32 to index
      %get3A_65 = arith.constant 0 : index
      %get3A_66 = tpu.vector_load %arg6[%get3A_64, %get3A_65] {strides = array<i32>} : memref<256x64xf32, #tpu.memory_space<vmem>>, vector<16xf32>,
      %add3A_67 = arith.addf %get3A_63, %get3A_66 : vector<16xf32>
      %swap3A = arith.index_cast %scan3A_61 : i32 to index
      %swap3A_68 = arith.constant 0 : index
      %swap3A_69 = tpu.vector_load %arg5[%swap3A, %swap3A_68] {strides = array<i32>} : memref<256x64xf32, #tpu.memory_space<vmem>>, vector<16xf32>,
      tpu.vector_store %arg5[%swap3A, %swap3A_68], %add3A_67 {strides = array<i32>} : memref<256x64xf32, #tpu.memory_space<vmem>>, vector<16xf32>,
      %get3A_70 = arith.index_cast %scan3A_61 : i32 to index
      %get3A_71 = arith.constant 16 : index
      %get3A_72 = tpu.vector_load %arg5[%get3A_70, %get3A_71] {strides = array<i32>} : memref<256x64xf32, #tpu.memory_space<vmem>>, vector<16xf32>,
      %get3A_73 = arith.index_cast %scan3A_61 : i32 to index
      %get3A_74 = arith.constant 16 : index
      %get3A_75 = tpu.vector_load %arg6[%get3A_73, %get3A_74] {strides = array<i32>} : memref<256x64xf32, #tpu.memory_space<vmem>>, vector<16xf32>,
      %add3A_76 = arith.addf %get3A_72, %get3A_75 : vector<16xf32>
      %swap3A_77 = arith.index_cast %scan3A_61 : i32 to index
      %swap3A_78 = arith.constant 16 : index
      %swap3A_79 = tpu.vector_load %arg5[%swap3A_77, %swap3A_78] {strides = array<i32>} : memref<256x64xf32, #tpu.memory_space<vmem>>, vector<16xf32>,
      tpu.vector_store %arg5[%swap3A_77, %swap3A_78], %add3A_76 {strides = array<i32>} : memref<256x64xf32, #tpu.memory_space<vmem>>, vector<16xf32>,
      %get3A_80 = arith.index_cast %scan3A_61 : i32 to index
      %get3A_81 = arith.constant 32 : index
      %get3A_82 = tpu.vector_load %arg5[%get3A_80, %get3A_81] {strides = array<i32>} : memref<256x64xf32, #tpu.memory_space<vmem>>, vector<16xf32>,
      %get3A_83 = arith.index_cast %scan3A_61 : i32 to index
      %get3A_84 = arith.constant 32 : index
      %get3A_85 = tpu.vector_load %arg6[%get3A_83, %get3A_84] {strides = array<i32>} : memref<256x64xf32, #tpu.memory_space<vmem>>, vector<16xf32>,
      %add3A_86 = arith.addf %get3A_82, %get3A_85 : vector<16xf32>
      %swap3A_87 = arith.index_cast %scan3A_61 : i32 to index
      %swap3A_88 = arith.constant 32 : index
      %swap3A_89 = tpu.vector_load %arg5[%swap3A_87, %swap3A_88] {strides = array<i32>} : memref<256x64xf32, #tpu.memory_space<vmem>>, vector<16xf32>,
      tpu.vector_store %arg5[%swap3A_87, %swap3A_88], %add3A_86 {strides = array<i32>} : memref<256x64xf32, #tpu.memory_space<vmem>>, vector<16xf32>,
      %get3A_90 = arith.index_cast %scan3A_61 : i32 to index
      %get3A_91 = arith.constant 48 : index
      %get3A_92 = tpu.vector_load %arg5[%get3A_90, %get3A_91] {strides = array<i32>} : memref<256x64xf32, #tpu.memory_space<vmem>>, vector<16xf32>,
      %get3A_93 = arith.index_cast %scan3A_61 : i32 to index
      %get3A_94 = arith.constant 48 : index
      %get3A_95 = tpu.vector_load %arg6[%get3A_93, %get3A_94] {strides = array<i32>} : memref<256x64xf32, #tpu.memory_space<vmem>>, vector<16xf32>,
      %add3A_96 = arith.addf %get3A_92, %get3A_95 : vector<16xf32>
      %swap3A_97 = arith.index_cast %scan3A_61 : i32 to index
      %swap3A_98 = arith.constant 48 : index
      %swap3A_99 = tpu.vector_load %arg5[%swap3A_97, %swap3A_98] {strides = array<i32>} : memref<256x64xf32, #tpu.memory_space<vmem>>, vector<16xf32>,
      tpu.vector_store %arg5[%swap3A_97, %swap3A_98], %add3A_96 {strides = array<i32>} : memref<256x64xf32, #tpu.memory_space<vmem>>, vector<16xf32>,
    }
    %scan3A_34 = arith.constant 256 : i32
    %add3A_35 = arith.constant 256 : i32
    %add3A_36 = arith.addi %mul3A_2, %add3A_35 : i32
    "tpu.region"() ({
      %run_scoped3A = tpu.sem_alloc : memref<!tpu.dma_semaphore, #tpu.memory_space<semaphore_mem>>
      %dma_start3A = arith.constant 0 : i32
      %dma_start3A_61 = tpu.memref_slice %arg4[%add3A_36, %dma_start3A] : memref<32768x64xf32, #tpu.memory_space<hbm>> -> memref<256x64xf32, #tpu.memory_space<hbm>>
      %dma_start3A_62 = arith.constant 0 : i32
      %dma_start3A_63 = tpu.memref_slice %arg4[%add3A_36, %dma_start3A_62] : memref<32768x64xf32, #tpu.memory_space<hbm>> -> memref<256x64xf32, #tpu.memory_space<hbm>>
      tpu.enqueue_dma source(%arg5 : memref<256x64xf32, #tpu.memory_space<vmem>>) target(%dma_start3A_63 : memref<256x64xf32, #tpu.memory_space<hbm>>) target_semaphore(%run_scoped3A : memref<!tpu.dma_semaphore, #tpu.memory_space<semaphore_mem>>)
      %dma_wait3A = arith.constant 0 : i32
      %dma_wait3A_64 = tpu.memref_slice %arg4[%add3A_36, %dma_wait3A] : memref<32768x64xf32, #tpu.memory_space<hbm>> -> memref<256x64xf32, #tpu.memory_space<hbm>>
      %dma_wait3A_65 = arith.constant 0 : i32
      %dma_wait3A_66 = tpu.memref_slice %arg4[%add3A_36, %dma_wait3A_65] : memref<32768x64xf32, #tpu.memory_space<hbm>> -> memref<256x64xf32, #tpu.memory_space<hbm>>
      tpu.wait_dma2 semaphore(%run_scoped3A : memref<!tpu.dma_semaphore, #tpu.memory_space<semaphore_mem>>) src(%arg5 : memref<256x64xf32, #tpu.memory_space<vmem>>) dst(%dma_wait3A_66 : memref<256x64xf32, #tpu.memory_space<hbm>>)
      tpu.yield
    }) : () -> ()
    %add3A_37 = arith.constant 512 : i32
    %add3A_38 = arith.addi %mul3A_2, %add3A_37 : i32
    "tpu.region"() ({
      %run_scoped3A = tpu.sem_alloc : memref<!tpu.dma_semaphore, #tpu.memory_space<semaphore_mem>>
      %dma_start3A = arith.constant 0 : i32
      %dma_start3A_61 = tpu.memref_slice %arg2[%add3A_38, %dma_start3A] : memref<32768x64xf32, #tpu.memory_space<hbm>> -> memref<256x64xf32, #tpu.memory_space<hbm>>
      %dma_start3A_62 = arith.constant 0 : i32
      %dma_start3A_63 = tpu.memref_slice %arg2[%add3A_38, %dma_start3A_62] : memref<32768x64xf32, #tpu.memory_space<hbm>> -> memref<256x64xf32, #tpu.memory_space<hbm>>
      tpu.enqueue_dma source(%dma_start3A_63 : memref<256x64xf32, #tpu.memory_space<hbm>>) target(%arg5 : memref<256x64xf32, #tpu.memory_space<vmem>>) target_semaphore(%run_scoped3A : memref<!tpu.dma_semaphore, #tpu.memory_space<semaphore_mem>>)
      %dma_wait3A = arith.constant 0 : i32
      %dma_wait3A_64 = tpu.memref_slice %arg2[%add3A_38, %dma_wait3A] : memref<32768x64xf32, #tpu.memory_space<hbm>> -> memref<256x64xf32, #tpu.memory_space<hbm>>
      %dma_wait3A_65 = arith.constant 0 : i32
      %dma_wait3A_66 = tpu.memref_slice %arg2[%add3A_38, %dma_wait3A_65] : memref<32768x64xf32, #tpu.memory_space<hbm>> -> memref<256x64xf32, #tpu.memory_space<hbm>>
      tpu.wait_dma2 semaphore(%run_scoped3A : memref<!tpu.dma_semaphore, #tpu.memory_space<semaphore_mem>>) src(%dma_wait3A_66 : memref<256x64xf32, #tpu.memory_space<hbm>>) dst(%arg5 : memref<256x64xf32, #tpu.memory_space<vmem>>)
      tpu.yield
    }) : () -> ()
    %add3A_39 = arith.constant 512 : i32
    %add3A_40 = arith.addi %mul3A_13, %add3A_39 : i32
    "tpu.region"() ({
      %run_scoped3A = tpu.sem_alloc : memref<!tpu.dma_semaphore, #tpu.memory_space<semaphore_mem>>
      %dma_start3A = arith.constant 0 : i32
      %dma_start3A_61 = tpu.memref_slice %arg3[%add3A_40, %dma_start3A] : memref<8192x64xf32, #tpu.memory_space<hbm>> -> memref<256x64xf32, #tpu.memory_space<hbm>>
      %dma_start3A_62 = arith.constant 0 : i32
      %dma_start3A_63 = tpu.memref_slice %arg3[%add3A_40, %dma_start3A_62] : memref<8192x64xf32, #tpu.memory_space<hbm>> -> memref<256x64xf32, #tpu.memory_space<hbm>>
      tpu.enqueue_dma source(%dma_start3A_63 : memref<256x64xf32, #tpu.memory_space<hbm>>) target(%arg6 : memref<256x64xf32, #tpu.memory_space<vmem>>) target_semaphore(%run_scoped3A : memref<!tpu.dma_semaphore, #tpu.memory_space<semaphore_mem>>)
      %dma_wait3A = arith.constant 0 : i32
      %dma_wait3A_64 = tpu.memref_slice %arg3[%add3A_40, %dma_wait3A] : memref<8192x64xf32, #tpu.memory_space<hbm>> -> memref<256x64xf32, #tpu.memory_space<hbm>>
      %dma_wait3A_65 = arith.constant 0 : i32
      %dma_wait3A_66 = tpu.memref_slice %arg3[%add3A_40, %dma_wait3A_65] : memref<8192x64xf32, #tpu.memory_space<hbm>> -> memref<256x64xf32, #tpu.memory_space<hbm>>
      tpu.wait_dma2 semaphore(%run_scoped3A : memref<!tpu.dma_semaphore, #tpu.memory_space<semaphore_mem>>) src(%dma_wait3A_66 : memref<256x64xf32, #tpu.memory_space<hbm>>) dst(%arg6 : memref<256x64xf32, #tpu.memory_space<vmem>>)
      tpu.yield
    }) : () -> ()
    %scan3A_41 = arith.constant 0 : i32
    %scan3A_42 = arith.constant 0 : i32
    %scan3A_43 = arith.constant 256 : i32
    %scan3A_44 = arith.addi %scan3A_42, %scan3A_43 : i32
    %scan3A_45 = arith.constant 1 : i32
    scf.for %scan3A_61 = %scan3A_42 to %scan3A_44 step %scan3A_45  : i32 {
      %get3A = arith.index_cast %scan3A_61 : i32 to index
      %get3A_62 = arith.constant 0 : index
      %get3A_63 = tpu.vector_load %arg5[%get3A, %get3A_62] {strides = array<i32>} : memref<256x64xf32, #tpu.memory_space<vmem>>, vector<16xf32>,
      %get3A_64 = arith.index_cast %scan3A_61 : i32 to index
      %get3A_65 = arith.constant 0 : index
      %get3A_66 = tpu.vector_load %arg6[%get3A_64, %get3A_65] {strides = array<i32>} : memref<256x64xf32, #tpu.memory_space<vmem>>, vector<16xf32>,
      %add3A_67 = arith.addf %get3A_63, %get3A_66 : vector<16xf32>
      %swap3A = arith.index_cast %scan3A_61 : i32 to index
      %swap3A_68 = arith.constant 0 : index
      %swap3A_69 = tpu.vector_load %arg5[%swap3A, %swap3A_68] {strides = array<i32>} : memref<256x64xf32, #tpu.memory_space<vmem>>, vector<16xf32>,
      tpu.vector_store %arg5[%swap3A, %swap3A_68], %add3A_67 {strides = array<i32>} : memref<256x64xf32, #tpu.memory_space<vmem>>, vector<16xf32>,
      %get3A_70 = arith.index_cast %scan3A_61 : i32 to index
      %get3A_71 = arith.constant 16 : index
      %get3A_72 = tpu.vector_load %arg5[%get3A_70, %get3A_71] {strides = array<i32>} : memref<256x64xf32, #tpu.memory_space<vmem>>, vector<16xf32>,
      %get3A_73 = arith.index_cast %scan3A_61 : i32 to index
      %get3A_74 = arith.constant 16 : index
      %get3A_75 = tpu.vector_load %arg6[%get3A_73, %get3A_74] {strides = array<i32>} : memref<256x64xf32, #tpu.memory_space<vmem>>, vector<16xf32>,
      %add3A_76 = arith.addf %get3A_72, %get3A_75 : vector<16xf32>
      %swap3A_77 = arith.index_cast %scan3A_61 : i32 to index
      %swap3A_78 = arith.constant 16 : index
      %swap3A_79 = tpu.vector_load %arg5[%swap3A_77, %swap3A_78] {strides = array<i32>} : memref<256x64xf32, #tpu.memory_space<vmem>>, vector<16xf32>,
      tpu.vector_store %arg5[%swap3A_77, %swap3A_78], %add3A_76 {strides = array<i32>} : memref<256x64xf32, #tpu.memory_space<vmem>>, vector<16xf32>,
      %get3A_80 = arith.index_cast %scan3A_61 : i32 to index
      %get3A_81 = arith.constant 32 : index
      %get3A_82 = tpu.vector_load %arg5[%get3A_80, %get3A_81] {strides = array<i32>} : memref<256x64xf32, #tpu.memory_space<vmem>>, vector<16xf32>,
      %get3A_83 = arith.index_cast %scan3A_61 : i32 to index
      %get3A_84 = arith.constant 32 : index
      %get3A_85 = tpu.vector_load %arg6[%get3A_83, %get3A_84] {strides = array<i32>} : memref<256x64xf32, #tpu.memory_space<vmem>>, vector<16xf32>,
      %add3A_86 = arith.addf %get3A_82, %get3A_85 : vector<16xf32>
      %swap3A_87 = arith.index_cast %scan3A_61 : i32 to index
      %swap3A_88 = arith.constant 32 : index
      %swap3A_89 = tpu.vector_load %arg5[%swap3A_87, %swap3A_88] {strides = array<i32>} : memref<256x64xf32, #tpu.memory_space<vmem>>, vector<16xf32>,
      tpu.vector_store %arg5[%swap3A_87, %swap3A_88], %add3A_86 {strides = array<i32>} : memref<256x64xf32, #tpu.memory_space<vmem>>, vector<16xf32>,
      %get3A_90 = arith.index_cast %scan3A_61 : i32 to index
      %get3A_91 = arith.constant 48 : index
      %get3A_92 = tpu.vector_load %arg5[%get3A_90, %get3A_91] {strides = array<i32>} : memref<256x64xf32, #tpu.memory_space<vmem>>, vector<16xf32>,
      %get3A_93 = arith.index_cast %scan3A_61 : i32 to index
      %get3A_94 = arith.constant 48 : index
      %get3A_95 = tpu.vector_load %arg6[%get3A_93, %get3A_94] {strides = array<i32>} : memref<256x64xf32, #tpu.memory_space<vmem>>, vector<16xf32>,
      %add3A_96 = arith.addf %get3A_92, %get3A_95 : vector<16xf32>
      %swap3A_97 = arith.index_cast %scan3A_61 : i32 to index
      %swap3A_98 = arith.constant 48 : index
      %swap3A_99 = tpu.vector_load %arg5[%swap3A_97, %swap3A_98] {strides = array<i32>} : memref<256x64xf32, #tpu.memory_space<vmem>>, vector<16xf32>,
      tpu.vector_store %arg5[%swap3A_97, %swap3A_98], %add3A_96 {strides = array<i32>} : memref<256x64xf32, #tpu.memory_space<vmem>>, vector<16xf32>,
    }
    %scan3A_46 = arith.constant 256 : i32
    %add3A_47 = arith.constant 512 : i32
    %add3A_48 = arith.addi %mul3A_2, %add3A_47 : i32
    "tpu.region"() ({
      %run_scoped3A = tpu.sem_alloc : memref<!tpu.dma_semaphore, #tpu.memory_space<semaphore_mem>>
      %dma_start3A = arith.constant 0 : i32
      %dma_start3A_61 = tpu.memref_slice %arg4[%add3A_48, %dma_start3A] : memref<32768x64xf32, #tpu.memory_space<hbm>> -> memref<256x64xf32, #tpu.memory_space<hbm>>
      %dma_start3A_62 = arith.constant 0 : i32
      %dma_start3A_63 = tpu.memref_slice %arg4[%add3A_48, %dma_start3A_62] : memref<32768x64xf32, #tpu.memory_space<hbm>> -> memref<256x64xf32, #tpu.memory_space<hbm>>
      tpu.enqueue_dma source(%arg5 : memref<256x64xf32, #tpu.memory_space<vmem>>) target(%dma_start3A_63 : memref<256x64xf32, #tpu.memory_space<hbm>>) target_semaphore(%run_scoped3A : memref<!tpu.dma_semaphore, #tpu.memory_space<semaphore_mem>>)
      %dma_wait3A = arith.constant 0 : i32
      %dma_wait3A_64 = tpu.memref_slice %arg4[%add3A_48, %dma_wait3A] : memref<32768x64xf32, #tpu.memory_space<hbm>> -> memref<256x64xf32, #tpu.memory_space<hbm>>
      %dma_wait3A_65 = arith.constant 0 : i32
      %dma_wait3A_66 = tpu.memref_slice %arg4[%add3A_48, %dma_wait3A_65] : memref<32768x64xf32, #tpu.memory_space<hbm>> -> memref<256x64xf32, #tpu.memory_space<hbm>>
      tpu.wait_dma2 semaphore(%run_scoped3A : memref<!tpu.dma_semaphore, #tpu.memory_space<semaphore_mem>>) src(%arg5 : memref<256x64xf32, #tpu.memory_space<vmem>>) dst(%dma_wait3A_66 : memref<256x64xf32, #tpu.memory_space<hbm>>)
      tpu.yield
    }) : () -> ()
    %add3A_49 = arith.constant 768 : i32
    %add3A_50 = arith.addi %mul3A_2, %add3A_49 : i32
    "tpu.region"() ({
      %run_scoped3A = tpu.sem_alloc : memref<!tpu.dma_semaphore, #tpu.memory_space<semaphore_mem>>
      %dma_start3A = arith.constant 0 : i32
      %dma_start3A_61 = tpu.memref_slice %arg2[%add3A_50, %dma_start3A] : memref<32768x64xf32, #tpu.memory_space<hbm>> -> memref<256x64xf32, #tpu.memory_space<hbm>>
      %dma_start3A_62 = arith.constant 0 : i32
      %dma_start3A_63 = tpu.memref_slice %arg2[%add3A_50, %dma_start3A_62] : memref<32768x64xf32, #tpu.memory_space<hbm>> -> memref<256x64xf32, #tpu.memory_space<hbm>>
      tpu.enqueue_dma source(%dma_start3A_63 : memref<256x64xf32, #tpu.memory_space<hbm>>) target(%arg5 : memref<256x64xf32, #tpu.memory_space<vmem>>) target_semaphore(%run_scoped3A : memref<!tpu.dma_semaphore, #tpu.memory_space<semaphore_mem>>)
      %dma_wait3A = arith.constant 0 : i32
      %dma_wait3A_64 = tpu.memref_slice %arg2[%add3A_50, %dma_wait3A] : memref<32768x64xf32, #tpu.memory_space<hbm>> -> memref<256x64xf32, #tpu.memory_space<hbm>>
      %dma_wait3A_65 = arith.constant 0 : i32
      %dma_wait3A_66 = tpu.memref_slice %arg2[%add3A_50, %dma_wait3A_65] : memref<32768x64xf32, #tpu.memory_space<hbm>> -> memref<256x64xf32, #tpu.memory_space<hbm>>
      tpu.wait_dma2 semaphore(%run_scoped3A : memref<!tpu.dma_semaphore, #tpu.memory_space<semaphore_mem>>) src(%dma_wait3A_66 : memref<256x64xf32, #tpu.memory_space<hbm>>) dst(%arg5 : memref<256x64xf32, #tpu.memory_space<vmem>>)
      tpu.yield
    }) : () -> ()
    %add3A_51 = arith.constant 768 : i32
    %add3A_52 = arith.addi %mul3A_13, %add3A_51 : i32
    "tpu.region"() ({
      %run_scoped3A = tpu.sem_alloc : memref<!tpu.dma_semaphore, #tpu.memory_space<semaphore_mem>>
      %dma_start3A = arith.constant 0 : i32
      %dma_start3A_61 = tpu.memref_slice %arg3[%add3A_52, %dma_start3A] : memref<8192x64xf32, #tpu.memory_space<hbm>> -> memref<256x64xf32, #tpu.memory_space<hbm>>
      %dma_start3A_62 = arith.constant 0 : i32
      %dma_start3A_63 = tpu.memref_slice %arg3[%add3A_52, %dma_start3A_62] : memref<8192x64xf32, #tpu.memory_space<hbm>> -> memref<256x64xf32, #tpu.memory_space<hbm>>
      tpu.enqueue_dma source(%dma_start3A_63 : memref<256x64xf32, #tpu.memory_space<hbm>>) target(%arg6 : memref<256x64xf32, #tpu.memory_space<vmem>>) target_semaphore(%run_scoped3A : memref<!tpu.dma_semaphore, #tpu.memory_space<semaphore_mem>>)
      %dma_wait3A = arith.constant 0 : i32
      %dma_wait3A_64 = tpu.memref_slice %arg3[%add3A_52, %dma_wait3A] : memref<8192x64xf32, #tpu.memory_space<hbm>> -> memref<256x64xf32, #tpu.memory_space<hbm>>
      %dma_wait3A_65 = arith.constant 0 : i32
      %dma_wait3A_66 = tpu.memref_slice %arg3[%add3A_52, %dma_wait3A_65] : memref<8192x64xf32, #tpu.memory_space<hbm>> -> memref<256x64xf32, #tpu.memory_space<hbm>>
      tpu.wait_dma2 semaphore(%run_scoped3A : memref<!tpu.dma_semaphore, #tpu.memory_space<semaphore_mem>>) src(%dma_wait3A_66 : memref<256x64xf32, #tpu.memory_space<hbm>>) dst(%arg6 : memref<256x64xf32, #tpu.memory_space<vmem>>)
      tpu.yield
    }) : () -> ()
    %scan3A_53 = arith.constant 0 : i32
    %scan3A_54 = arith.constant 0 : i32
    %scan3A_55 = arith.constant 256 : i32
    %scan3A_56 = arith.addi %scan3A_54, %scan3A_55 : i32
    %scan3A_57 = arith.constant 1 : i32
    scf.for %scan3A_61 = %scan3A_54 to %scan3A_56 step %scan3A_57  : i32 {
      %get3A = arith.index_cast %scan3A_61 : i32 to index
      %get3A_62 = arith.constant 0 : index
      %get3A_63 = tpu.vector_load %arg5[%get3A, %get3A_62] {strides = array<i32>} : memref<256x64xf32, #tpu.memory_space<vmem>>, vector<16xf32>,
      %get3A_64 = arith.index_cast %scan3A_61 : i32 to index
      %get3A_65 = arith.constant 0 : index
      %get3A_66 = tpu.vector_load %arg6[%get3A_64, %get3A_65] {strides = array<i32>} : memref<256x64xf32, #tpu.memory_space<vmem>>, vector<16xf32>,
      %add3A_67 = arith.addf %get3A_63, %get3A_66 : vector<16xf32>
      %swap3A = arith.index_cast %scan3A_61 : i32 to index
      %swap3A_68 = arith.constant 0 : index
      %swap3A_69 = tpu.vector_load %arg5[%swap3A, %swap3A_68] {strides = array<i32>} : memref<256x64xf32, #tpu.memory_space<vmem>>, vector<16xf32>,
      tpu.vector_store %arg5[%swap3A, %swap3A_68], %add3A_67 {strides = array<i32>} : memref<256x64xf32, #tpu.memory_space<vmem>>, vector<16xf32>,
      %get3A_70 = arith.index_cast %scan3A_61 : i32 to index
      %get3A_71 = arith.constant 16 : index
      %get3A_72 = tpu.vector_load %arg5[%get3A_70, %get3A_71] {strides = array<i32>} : memref<256x64xf32, #tpu.memory_space<vmem>>, vector<16xf32>,
      %get3A_73 = arith.index_cast %scan3A_61 : i32 to index
      %get3A_74 = arith.constant 16 : index
      %get3A_75 = tpu.vector_load %arg6[%get3A_73, %get3A_74] {strides = array<i32>} : memref<256x64xf32, #tpu.memory_space<vmem>>, vector<16xf32>,
      %add3A_76 = arith.addf %get3A_72, %get3A_75 : vector<16xf32>
      %swap3A_77 = arith.index_cast %scan3A_61 : i32 to index
      %swap3A_78 = arith.constant 16 : index
      %swap3A_79 = tpu.vector_load %arg5[%swap3A_77, %swap3A_78] {strides = array<i32>} : memref<256x64xf32, #tpu.memory_space<vmem>>, vector<16xf32>,
      tpu.vector_store %arg5[%swap3A_77, %swap3A_78], %add3A_76 {strides = array<i32>} : memref<256x64xf32, #tpu.memory_space<vmem>>, vector<16xf32>,
      %get3A_80 = arith.index_cast %scan3A_61 : i32 to index
      %get3A_81 = arith.constant 32 : index
      %get3A_82 = tpu.vector_load %arg5[%get3A_80, %get3A_81] {strides = array<i32>} : memref<256x64xf32, #tpu.memory_space<vmem>>, vector<16xf32>,
      %get3A_83 = arith.index_cast %scan3A_61 : i32 to index
      %get3A_84 = arith.constant 32 : index
      %get3A_85 = tpu.vector_load %arg6[%get3A_83, %get3A_84] {strides = array<i32>} : memref<256x64xf32, #tpu.memory_space<vmem>>, vector<16xf32>,
      %add3A_86 = arith.addf %get3A_82, %get3A_85 : vector<16xf32>
      %swap3A_87 = arith.index_cast %scan3A_61 : i32 to index
      %swap3A_88 = arith.constant 32 : index
      %swap3A_89 = tpu.vector_load %arg5[%swap3A_87, %swap3A_88] {strides = array<i32>} : memref<256x64xf32, #tpu.memory_space<vmem>>, vector<16xf32>,
      tpu.vector_store %arg5[%swap3A_87, %swap3A_88], %add3A_86 {strides = array<i32>} : memref<256x64xf32, #tpu.memory_space<vmem>>, vector<16xf32>,
      %get3A_90 = arith.index_cast %scan3A_61 : i32 to index
      %get3A_91 = arith.constant 48 : index
      %get3A_92 = tpu.vector_load %arg5[%get3A_90, %get3A_91] {strides = array<i32>} : memref<256x64xf32, #tpu.memory_space<vmem>>, vector<16xf32>,
      %get3A_93 = arith.index_cast %scan3A_61 : i32 to index
      %get3A_94 = arith.constant 48 : index
      %get3A_95 = tpu.vector_load %arg6[%get3A_93, %get3A_94] {strides = array<i32>} : memref<256x64xf32, #tpu.memory_space<vmem>>, vector<16xf32>,
      %add3A_96 = arith.addf %get3A_92, %get3A_95 : vector<16xf32>
      %swap3A_97 = arith.index_cast %scan3A_61 : i32 to index
      %swap3A_98 = arith.constant 48 : index
      %swap3A_99 = tpu.vector_load %arg5[%swap3A_97, %swap3A_98] {strides = array<i32>} : memref<256x64xf32, #tpu.memory_space<vmem>>, vector<16xf32>,
      tpu.vector_store %arg5[%swap3A_97, %swap3A_98], %add3A_96 {strides = array<i32>} : memref<256x64xf32, #tpu.memory_space<vmem>>, vector<16xf32>,
    }
    %scan3A_58 = arith.constant 256 : i32
    %add3A_59 = arith.constant 768 : i32
    %add3A_60 = arith.addi %mul3A_2, %add3A_59 : i32
    "tpu.region"() ({
      %run_scoped3A = tpu.sem_alloc : memref<!tpu.dma_semaphore, #tpu.memory_space<semaphore_mem>>
      %dma_start3A = arith.constant 0 : i32
      %dma_start3A_61 = tpu.memref_slice %arg4[%add3A_60, %dma_start3A] : memref<32768x64xf32, #tpu.memory_space<hbm>> -> memref<256x64xf32, #tpu.memory_space<hbm>>
      %dma_start3A_62 = arith.constant 0 : i32
      %dma_start3A_63 = tpu.memref_slice %arg4[%add3A_60, %dma_start3A_62] : memref<32768x64xf32, #tpu.memory_space<hbm>> -> memref<256x64xf32, #tpu.memory_space<hbm>>
      tpu.enqueue_dma source(%arg5 : memref<256x64xf32, #tpu.memory_space<vmem>>) target(%dma_start3A_63 : memref<256x64xf32, #tpu.memory_space<hbm>>) target_semaphore(%run_scoped3A : memref<!tpu.dma_semaphore, #tpu.memory_space<semaphore_mem>>)
      %dma_wait3A = arith.constant 0 : i32
      %dma_wait3A_64 = tpu.memref_slice %arg4[%add3A_60, %dma_wait3A] : memref<32768x64xf32, #tpu.memory_space<hbm>> -> memref<256x64xf32, #tpu.memory_space<hbm>>
      %dma_wait3A_65 = arith.constant 0 : i32
      %dma_wait3A_66 = tpu.memref_slice %arg4[%add3A_60, %dma_wait3A_65] : memref<32768x64xf32, #tpu.memory_space<hbm>> -> memref<256x64xf32, #tpu.memory_space<hbm>>
      tpu.wait_dma2 semaphore(%run_scoped3A : memref<!tpu.dma_semaphore, #tpu.memory_space<semaphore_mem>>) src(%arg5 : memref<256x64xf32, #tpu.memory_space<vmem>>) dst(%dma_wait3A_66 : memref<256x64xf32, #tpu.memory_space<hbm>>)
      tpu.yield
    }) : () -> ()
    return
  }
}

</mosaic_0001>

<sc_bundles>
// kernel: _conditioner.4.cloned.1.call-start
scs
__scs_entry_jumppad:
0x0: {  	(pc) =	sbr.rel $0x88, $3  }
0x1: {  	(tag) =	ssettag $0x0;
	lr =	simm.s32 $0x1  }
0x2: {  	[smem:$0x3F9D] =	sst lr;
	_ =	strace $0xD0000000  }
0x3: {  	_ = 	snop  }
0x4: {  	_ = 	snop  }
0x5: {  	_ = 	snop  }
0x6: {  	_ = 	snop  }
0x7: {  	_ = 	snop  }
__scs_overlays_trampoline_lowered:
0x8: {  	[smem:$0x3FAC] =	sst s0  }
0x9: {  	[smem:$0x3FAD] =	sst s1  }
0xa: {  	[smem:$0x3FAE] =	sst s2  }
0xb: {  	[smem:$0x3FAF] =	sst s3  }
0xc: {  	[smem:$0x3FB0] =	sst s4  }
0xd: {  	[smem:$0x3FB1] =	sst s5  }
0xe: {  	[smem:$0x3FB2] =	sst s6  }
0xf: {  	[smem:$0x3FB3] =	sst s7  }
0x10: {  	[smem:$0x3FB4] =	sst s8  }
0x11: {  	[smem:$0x3FB5] =	sst s9;
	s0 =	simm.s32 @!p0 $0x0  }
0x12: {  	s1 =	sld [smem:$0x3F9B];
	s0 =	simm.s32 @p0 $0x1  }
0x13: {  	[smem:$0x3FB6] =	sst s0;
	s0 =	simm.s32 @!p1 $0x0  }
0x14: {  	s2 =	sld [smem:$0x3F9A];
	s0 =	simm.s32 @p1 $0x1  }
0x15: {  	[smem:$0x3FB7] =	sst s0;
	s0 =	simm.s32 @!p2 $0x0  }
0x16: {  	s3 =	sld [smem:$0x3FDB];
	s0 =	simm.s32 @p2 $0x1  }
0x17: {  	s4 =	simm.s32 $0x1BF5;
	[smem:$0x3FB9] =	sst s0  }
0x18: {  	s0 =	sld [smem:$0x3F9C];
	_ =	swait.ge [sflag:s4], $0x0  }
0x19: {  	s7 =	sld [smem:$0x3F9D]  }
0x1a: {  	s8 =	sadd.s32 $0xFFFFE003, lr  }
0x1b: {  	s9 =	sadd.s32 $0xFFFFFEF7, lr;
	s5 =	simm.s32 $0xFFFFFFFF;
	p2 =	slt.u32 s8, $0xFFFFF086  }
0x1c: {  	p1 =	slt.u32 s9, $0xF7A;
	s5 =	simm.s32 @!p2 $0x0  }
0x1d: {  	s5 =	simm.s32 @p1 $0x1;
	p0 =	seq.s32 s7, s2  }
0x1e: {  	s7 =	smul.u32 @!p0 $0xF7A, s2;
	p2 =	seq.s32 @!p0 s5, $0x0  }
0x1f: {  	s9 =	smul.u32 $0xF7A, s1;
	s8 =	simm.s32 @!p0 $0x1BF5;
	p2 =	por !p2, p0  }
0x20: {  	[sflag:s8] =	ssyncset.s32 @!p0 $0xFFFFF086;
	s6 =	sadd.s32 @!p0 s3, s7;
	s7 =	simm.s32 @!p0 $0x108  }
0x21: {  	s3 =	sadd.s32 s3, s9;
	s6 =	sadd.s32 @!p0 $0x88, s6;
	s7 =	simm.s32 @p2 $0x1082  }
0x22: {  	[simem:s7], [sflag:s8] =	dma.local @!p0 [hbm:s6], $0xF7A  }
0x23: {  	s9 =	sor.u32 $0xD0000000, s2;
	s6 =	simm.s32 $0x108;
	_ =	swait.ge @!p0 [sflag:s8], $0x0  }
0x24: {  	s3 =	sadd.s32 $0x88, s3;
	s6 =	simm.s32 @!p1 $0x1082;
	[sflag:s4] =	ssyncset.s32 $0xFFFFF086  }
0x25: {  	[simem:s6], [sflag:s4] =	dma.local [hbm:s3], $0xF7A  }
0x26: {  	[smem:$0x3F9D] =	sst s1;
	(tag) =	ssettag s2;
	_ =	strace s9  }
0x27: {  	s1 =	sld [smem:$0x3FAD]  }
0x28: {  	s2 =	sld [smem:$0x3FAE]  }
0x29: {  	s4 =	sld [smem:$0x3FB0]  }
0x2a: {  	p0 =	seq.s32 s5, $0x0;
	s5 =	sld [smem:$0x3FB1]  }
0x2b: {  	s6 =	sld [smem:$0x3FB2]  }
0x2c: {  	s7 =	sld [smem:$0x3FB3]  }
0x2d: {  	s3 =	simm.s32 $0x108;
	s8 =	sld [smem:$0x3FB4]  }
0x2e: {  	s3 =	simm.s32 @!p0 $0x1082;
	s9 =	sld [smem:$0x3FB5]  }
0x2f: {  	lr =	sadd.s32 s0, s3;
	s0 =	sld [smem:$0x3FAC]  }
0x30: {  	s3 =	sld [smem:$0x3FAF]  }
0x31: {  	[smem:$0x3FB8] =	sst s10  }
0x32: {  	s10 =	sld [smem:$0x3FB6];
	_ =	sdelay $0x3  }
0x33: {  	p0 =	seq.s32 s10, $0x1;
	s10 =	sld [smem:$0x3FB8];
	_ =	sdelay $0x3  }
0x34: {  	[smem:$0x3FB8] =	sst s10  }
0x35: {  	s10 =	sld [smem:$0x3FB7];
	_ =	sdelay $0x3  }
0x36: {  	p1 =	seq.s32 s10, $0x1;
	s10 =	sld [smem:$0x3FB8];
	_ =	sdelay $0x3  }
0x37: {  	[smem:$0x3FB8] =	sst s10  }
0x38: {  	s10 =	sld [smem:$0x3FB9]  }
0x39: {  	_ = 	snop;
	(pc) =	sbr.ind lr, $3  }
0x3a: {  	_ = 	snop  }
0x3b: {  	_ = 	snop  }
0x3c: {  	p2 =	seq.s32 s10, $0x1;
	s10 =	sld [smem:$0x3FB8]  }
0x3d: {  	_ =	shalt  }
0x3e: {  	_ =	shalt  }
0x3f: {  	_ =	shalt  }
0x40: {  	_ =	shalt  }
0x41: {  	_ =	shalt  }
0x42: {  	_ =	shalt  }
0x43: {  	_ =	shalt  }
0x44: {  	_ =	shalt  }
0x45: {  	_ =	shalt  }
0x46: {  	_ =	shalt  }
0x47: {  	_ =	shalt  }
0x48: {  	_ =	shalt  }
0x49: {  	_ =	shalt  }
0x4a: {  	_ =	shalt  }
0x4b: {  	_ =	shalt  }
0x4c: {  	_ =	shalt  }
0x4d: {  	_ =	shalt  }
0x4e: {  	_ =	shalt  }
0x4f: {  	_ =	shalt  }
0x50: {  	_ =	shalt  }
0x51: {  	_ =	shalt  }
0x52: {  	_ =	shalt  }
0x53: {  	_ =	shalt  }
0x54: {  	_ =	shalt  }
0x55: {  	_ =	shalt  }
0x56: {  	_ =	shalt  }
0x57: {  	_ =	shalt  }
0x58: {  	_ =	shalt  }
0x59: {  	_ =	shalt  }
0x5a: {  	_ =	shalt  }
0x5b: {  	_ =	shalt  }
0x5c: {  	_ =	shalt  }
0x5d: {  	_ =	shalt  }
0x5e: {  	_ =	shalt  }
0x5f: {  	_ =	shalt  }
0x60: {  	_ =	shalt  }
0x61: {  	_ =	shalt  }
0x62: {  	_ =	shalt  }
0x63: {  	_ =	shalt  }
0x64: {  	_ =	shalt  }
0x65: {  	_ =	shalt  }
0x66: {  	_ =	shalt  }
0x67: {  	_ =	shalt  }
0x68: {  	_ =	shalt  }
0x69: {  	_ =	shalt  }
0x6a: {  	_ =	shalt  }
0x6b: {  	_ =	shalt  }
0x6c: {  	_ =	shalt  }
0x6d: {  	_ =	shalt  }
0x6e: {  	_ =	shalt  }
0x6f: {  	_ =	shalt  }
0x70: {  	_ =	shalt  }
0x71: {  	_ =	shalt  }
0x72: {  	_ =	shalt  }
0x73: {  	_ =	shalt  }
0x74: {  	_ =	shalt  }
0x75: {  	_ =	shalt  }
0x76: {  	_ =	shalt  }
0x77: {  	_ =	shalt  }
0x78: {  	_ =	shalt  }
0x79: {  	_ =	shalt  }
0x7a: {  	_ =	shalt  }
0x7b: {  	_ =	shalt  }
0x7c: {  	_ =	shalt  }
0x7d: {  	_ =	shalt  }
0x7e: {  	_ =	shalt  }
0x7f: {  	_ =	shalt  }
0x80: {  	_ =	shalt  }
0x81: {  	_ =	shalt  }
0x82: {  	_ =	shalt  }
0x83: {  	_ =	shalt  }
0x84: {  	_ =	shalt  }
0x85: {  	_ =	shalt  }
0x86: {  	_ =	shalt  }
0x87: {  	_ =	shalt  }
.Lfunc_end0:
.L_simem_size_0:
called_computation_lowered:
.L_overlay_start_0:
0x88: {  	s2 =	sld [smem:$0x3FD9]  }
0x89: {  	s3 =	sld [smem:$0x3FFE];
	_ =	sdelay $0x1  }
0x8a: {  	s1 =	srdreg.scid  }
0x8b: {  	s0 =	sand.u32 $0x1, s1  }
0x8c: {  	s17 =	sshll.u32 s0, $0xA;
	s2 =	sadd.s32 s3, s2  }
0x8d: {  	s2 =	sadd.s32 s2, s17  }
0x8e: {  	[smem:$0x3FC4] =	sst s2  }
0x8f: {  	_ = 	snop  }
0x90: {  	s2 =	sld [smem:$0x3FC9]  }
0x91: {  	s18 =	sld [smem:$0x3FC8]  }
0x92: {  	s4 =	sld [smem:$0x3FC7];
	(tm) =	ssettm $0x1  }
0x93: {  	s5 =	sld [smem:$0x3FFB];
	_ =	sdelay $0x3  }
0x94: {  	_ =	strace s5  }
0x95: {  	s5 =	sld [smem:$0x3FFC];
	_ =	sdelay $0x3  }
0x96: {  	_ =	strace s5  }
0x97: {  	s5 =	sld [smem:$0x3FFD];
	_ =	sdelay $0x3  }
0x98: {  	_ =	strace s5  }
0x99: {  	_ =	strace $0x8FFFFFFF  }
0x9a: {  	s19 =	sld [smem:$0x3FDB];
	_ =	sdelay $0x1  }
0x9b: {  	s6 =	simm.s32 $_scs_section_size  }
0x9c: {  	s7 =	simm.s32 $_size__tile_overlayer_lowered;
	s8 =	simm.s32 $_tile_overlayer_lowered  }
0x9d: {  	s22 =	simm.s32 $0x1BFF;
	s21 =	sshll.u32 s8, $0x1;
	s5 =	sadd.s32 s6, s19  }
0x9e: {  	s9 =	simm.s32 $0x0;
	s20 =	sshll.u32 s7, $0x1;
	s7 =	sadd.s32 s21, s5  }
0x9f: {  	[timem:s9], [sflag:s22] =	dma.local [hbm:s7], s20  }
0xa0: {  	_ =	swait.ge [sflag:s22], s20  }
0xa1: {  	s6 =	ssub.s32 $0x0, s20;
	[sflag:s22] =	ssyncset.done $0x0  }
0xa2: {  	[sflag:s22] =	ssyncadd.s32 s6;
	_ =	sdelay $0x1  }
0xa3: {  	s23 =	simm.s32 $0x1B8B  }
0xa4: {  	_ =	swait.ge [sflag:s23], $0x1  }
0xa5: {  	[sflag:s23] =	ssyncset.done $0x0  }
0xa6: {  	s25 =	simm.s32 $0x1B8E;
	s24 =	sld [smem:$0x3FFE];
	[sflag:s23] =	ssyncadd.s32 $0xFFFFFFFF  }
0xa7: {  	s26 =	simm.s32 $execute0_lowered;
	[smem:$0x3FD2] =	sst s25  }
0xa8: {  	s7 =	sshll.u32 s26, $0x1;
	_ =	strace $0x80000046;
	[dreg:$0x1] =	wrdreg $0xFFFFFFFF  }
0xa9: {  	s28 =	simm.s32 $_size_execute0_lowered;
	s5 =	sadd.s32 s5, s7;
	[dreg:$0x0] =	wrdreg $0x0  }
0xaa: {  	s7 =	sshll.u32 s28, $0x1;
	[dreg:$0x2] =	wrdreg s5  }
0xab: {  	[dreg:$0x3] =	wrdreg s7  }
0xac: {  	[dreg:$0x4] =	wrdreg $0xC0  }
0xad: {  	_ =	task [dreg:s9], $0x5FFFF  }
0xae: {  	[dreg:$0x1] =	wrdreg $0xFFFFFFFF  }
0xaf: {  	[dreg:$0x0] =	wrdreg $0x60  }
0xb0: {  	[dreg:$0x2] =	wrdreg s2  }
0xb1: {  	[dreg:$0x3] =	wrdreg s18  }
0xb2: {  	[dreg:$0x4] =	wrdreg s4  }
0xb3: {  	[dreg:$0x5] =	wrdreg s24  }
0xb4: {  	[dreg:$0x6] =	wrdreg $0x9  }
0xb5: {  	_ =	task.clear_ibuf [dreg:s9], $0x7FFFF;
	_ =	strace $0x90000046  }
0xb6: {  	s29 =	simm.s32 $0x9;
	_ =	strace $0x80000048  }
0xb7: {  	_ =	swait.ge [sflag:s29], $0x1  }
0xb8: {  	[sflag:s29] =	ssyncadd.s32 $0xFFFFFFFF  }
0xb9: {  	_ =	strace $0x90000048  }
0xba: {  	_ =	sfence  }
0xbb: {  	s30 =	sld [smem:$0x0];
	_ =	sdelay $0x2  }
0xbc: {  	s31 =	sshll.u32 s1, $0xD;
	s1 =	sshrl.u32 s1, $0x2  }
0xbd: {  	s3 =	sand.u32 $0x4000, s31;
	s1 =	sadd.s32 s1, s30  }
0xbe: {  	s0 =	sor.u32 s3, s0;
	s1 =	sshll.u32 s1, $0x11  }
0xbf: {  	s0 =	sor.u32 s1, s0  }
0xc0: {  	s0 =	sadd.s32 $0x8F2B, s0  }
0xc1: {  	[sflag:s0] =	ssyncadd.remote.s32 $0x1  }
0xc2: {  	_ =	sfence.sel $0xFFFF  }
0xc3: {  	[dreg:$0x0] =	wrdreg $0xFFFFFFFF;
	(pc) =	sbr.abs _section_cstart, $3  }
0xc4: {  	[dreg:$0x1] =	wrdreg $0xFFFFFFFF  }
0xc5: {  	_ =	task.clear_ibuf [dreg:s9], $0x2FFFF;
	_ =	strace $0x9FFFFFFF  }
0xc6: {  	(tm) =	ssettm $0x7FFFFFFF  }
0xc7: {  	_ =	shalt  }
tec
execute0_lowered:
.L_overlay_start_1:
0x0: {  	(tag) =	ssettag $0x1  }
0x1: {  	v0 =	vimm.s32 $0xB80;
	vm2 =	vcmask $0x300  }
0x2: {  	vm3 =	vcmask $0x704;
	vm0 =	vcmask $0xB08;
	vm5 =	vcmask $0xF0C  }
0x3: {  	vm6 =	vcmask $0x1310;
	vm7 =	vcmask $0x1714;
	vm8 =	vcmask $0x1B18  }
0x4: {  	vm9 =	vcmask $0x1F1C;
	vm10 =	vcmask $0x2320;
	vm12 =	vcmask $0x2724  }
0x5: {  	vm13 =	vcmask $0x2B28;
	vm14 =	vcmask $0x2F2C;
	vm11 =	vmmov $0x1  }
0x6: {  	vm15 =	vcmask $0x3330;
	vm4 =	vcmask $0x3734;
	vm1 =	vcmask $0x3B38  }
0x7: {  	v5 =	vimm.s32 $0x1B80;
	v6 =	vimm.s32 $0x2B80;
	v7 =	vimm.s32 $0x3B80  }
0x8: {  	v0 =	vsel vm2, $0x0, v0;
	v5 =	vsel vm2, $0x1000, v5;
	v6 =	vsel vm2, $0x2000, v6  }
0x9: {  	v7 =	vsel vm2, $0x3000, v7;
	vm2 =	vmmov vm1;
	v0 =	vsel vm3, $0x80, v0  }
0xa: {  	v5 =	vsel vm3, $0x1080, v5;
	v6 =	vsel vm3, $0x2080, v6;
	v7 =	vsel vm3, $0x3080, v7  }
0xb: {  	vm3 =	vmmov vm0;
	v0 =	vsel vm0, $0x100, v0;
	v5 =	vsel vm0, $0x1100, v5  }
0xc: {  	v6 =	vsel vm0, $0x2100, v6;
	v7 =	vsel vm0, $0x3100, v7;
	vm0 =	vcmask $0x3734  }
0xd: {  	v0 =	vsel vm5, $0x180, v0;
	v5 =	vsel vm5, $0x1180, v5;
	v6 =	vsel vm5, $0x2180, v6  }
0xe: {  	s0 =	srdreg.scid;
	s1 =	stileid.u32;
	v7 =	vsel vm5, $0x3180, v7;
	v0 =	vsel vm6, $0x200, v0;
	v5 =	vsel vm6, $0x1200, v5  }
0xf: {  	s0 =	sand.u32 $0x1, s0;
	s1 =	sshll.u32 s1, $0x1;
	v6 =	vsel vm6, $0x2200, v6;
	v7 =	vsel vm6, $0x3200, v7;
	v0 =	vsel vm7, $0x280, v0  }
0x10: {  	s1 =	sor.u32 s0, s1;
	v5 =	vsel vm7, $0x1280, v5;
	v6 =	vsel vm7, $0x2280, v6;
	v7 =	vsel vm7, $0x3280, v7  }
0x11: {  	v1 =	vsel vm8, $0x300, v0;
	v0 =	vmov s1;
	v5 =	vsel vm8, $0x1300, v5  }
0x12: {  	v6 =	vsel vm8, $0x2300, v6;
	v7 =	vsel vm8, $0x3300, v7;
	v2 =	vsel vm9, $0x380, v1  }
0x13: {  	v1 =	vimm.s32 $0xFFFFFFFF;
	v5 =	vsel vm9, $0x1380, v5;
	v6 =	vsel vm9, $0x2380, v6  }
0x14: {  	s3 =	rddreg [dreg:$0x1];
	v7 =	vsel vm9, $0x3380, v7;
	v3 =	vsel vm10, $0x800, v2;
	v2 =	vlaneseq.u32  }
0x15: {  	s2 =	rddreg [dreg:$0x3];
	s6 =	simm.s32 $0x0;
	v5 =	vsel vm10, $0x1800, v5;
	v6 =	vsel vm10, $0x2800, v6;
	v7 =	vsel vm10, $0x3800, v7  }
0x16: {  	s17 =	simm.s32 $0x1A880;
	s18 =	simm.s32 $0x1B100;
	s20 =	simm.s32 $0x7;
	v4 =	vsel vm12, $0x880, v3;
	v3 =	vimm.s32 $0x0;
	v5 =	vsel vm12, $0x1880, v5  }
0x17: {  	s22 =	simm.s32 $0x8380;
	s23 =	simm.s32 $0xC380;
	s24 =	simm.s32 $0x10380;
	v6 =	vsel vm12, $0x2880, v6;
	v7 =	vsel vm12, $0x3880, v7;
	v4 =	vsel vm13, $0x900, v4  }
0x18: {  	s30 =	simm.s32 $0x4;
	s31 =	simm.s32 $0x6;
	[smem:$0x7FF] =	sst s6;
	v5 =	vsel vm13, $0x1900, v5;
	v6 =	vsel vm13, $0x2900, v6;
	v7 =	vsel vm13, $0x3900, v7  }
0x19: {  	s7 =	sadd.s32 $0x2E00, s2;
	s8 =	sadd.s32 $0xE00, s2;
	s9 =	sadd.s32 $0xE10, s2;
	v4 =	vsel vm14, $0x980, v4;
	v5 =	vsel vm14, $0x1980, v5;
	v6 =	vsel vm14, $0x2980, v6  }
0x1a: {  	_ =	strace $0x80000047;
	s0 =	ssub.s32 $0x2, s0;
	s5 =	sshll.u32 s1, $0x8;
	v7 =	vsel vm14, $0x3980, v7;
	v4 =	vsel vm15, $0xA00, v4;
	v5 =	vsel vm15, $0x1A00, v5  }
0x1b: {  	s4 =	sshrl.u32 s0, $0x1;
	s25 =	ssub.s32 $0xF41, s1;
	s26 =	sadd.s32 s3, s5;
	v6 =	vsel vm15, $0x2A00, v6;
	v7 =	vsel vm15, $0x3A00, v7;
	v4 =	vsel vm4, $0xA80, v4  }
0x1c: {  	s0 =	ssub.s32 s0, s4;
	s28 =	sadd.s32 $0x2000, s26;
	[dreg:$0x5] =	wrdreg s26;
	vm4 =	vmmov vm5;
	vm5 =	vmmov vm6;
	vm6 =	vmmov vm7  }
.Ltmp0:
0x1d: {  	s29 =	sadd.s32 $0x4000, s26;
	[dreg:$0x6] =	wrdreg s28;
	vm7 =	vmmov vm8;
	vm8 =	vmmov vm9;
	vm9 =	vmmov vm10;
	(pc) =	sbr.rel .LBB2_1-.Ltmp0, $4  }
0x1e: {  	p5 =	sne.s32 s1, $0x2;
	s0 =	smax.u32 s0, $0x1;
	[dreg:$0x7] =	wrdreg s29;
	vm10 =	vmmov vm12;
	vm12 =	vmmov vm13;
	vm13 =	vmmov vm14  }
0x1f: {  	s2 =	sadd.s32 $0x6000, s26;
	[dreg:$0x9] =	wrdreg s0;
	s0 =	simm.s32 @!p5 $0x0;
	vm14 =	vmmov vm15;
	v5 =	vsel vm0, $0x1A80, v5;
	v6 =	vsel vm0, $0x2A80, v6  }
0x20: {  	s10 =	sshrl.u32 s25, $0x5;
	[dreg:$0x8] =	wrdreg s2;
	s0 =	simm.s32 @p5 $0x1;
	vm15 =	vmmov vm0;
	v7 =	vsel vm0, $0x3A80, v7;
	v4 =	vsel vm1, $0xB00, v4  }
0x21: {  	s25 =	simm.s32 $0x14380;
	s2 =	simm.s32 $0x0;
	[smem:$0x7FD] =	sst s0;
	v5 =	vsel vm1, $0x1B00, v5;
	v6 =	vsel vm1, $0x2B00, v6;
	v7 =	vsel vm1, $0x3B00, v7  }
.LBB2_54:
0x22: {  	[sflag:s31] =	ssyncadd.s32 $0xFFFFFFF0;
	s2 =	rddreg [dreg:$0xa]  }
.LBB2_55:
0x23: {  	s2 =	sadd.s32 $0x1, s2;
	s0 =	rddreg [dreg:$0x9]  }
0x24: {  	p0 =	sne.s32 s2, s0  }
.Ltmp1:
0x25: {  	_ = 	snop;
	(pc) =	sbr.rel @!p0 .LBB2_56-.Ltmp1, $1  }
0x26: {  	_ =	sdelay $0x3  }
.LBB2_1:
0x27: {  	[dreg:$0xa] =	wrdreg s2  }
0x28: {  	s0 =	simm.s32 @!p5 $0x0;
	s2 =	simm.s32 @!p5 $0x18880;
	s4 =	rddreg [dreg:$0x2]  }
0x29: {  	[tilespmem:s2], [sflag:$0x7] =	stream.linear.gather @!p5 [hbm4b:s4+s0], $0x2000, $0x38;
	[tilespmem:$0x1B980] =	vst v63  }
0x2a: {  	s0 =	simm.s32 @!p5 $0x7  }
0x2b: {  	_ =	swait.ge @!p5 [sflag:s0], $0x2000  }
0x2c: {  	[sflag:s0] =	ssyncset.done @!p5 $0x0  }
0x2d: {  	s2 =	simm.s32 $0x0;
	[sflag:s0] =	ssyncadd.s32 @!p5 $0xFFFFE000;
	s0 =	simm.s32 $0x40  }
.LBB2_2:
0x2e: {  	p1 =	sne.s32 s0, $0x1EC00;
	[tilespmem:s2+$0x0] =	vst v1;
	s2 =	smov.u32 s0;
	s0 =	sadd.s32 $0x40, s0  }
.Ltmp2:
0x2f: {  	(pc) =	sbr.rel @p1 .LBB2_2-.Ltmp2, $2  }
0x30: {  	_ =	sdelay $0x2  }
0x31: {  	s2 =	sshra.s32 s2, $0x2  }
0x32: {  	s0 =	simm.s32 $0x0  }
0x33: {  	[tilespmem:s2+$0x0] =	vst v1;
	s2 =	simm.s32 $0x0;
	s4 =	simm.s32 $0x0;
	[smem:$0x0] =	sst s0  }
.LBB2_4:
0x34: {  	s5 =	sshll.u32 s4, $0x8;
	s11 =	rddreg [dreg:$0x0]  }
0x35: {  	s28 =	simm.s32 $0x7B80;
	s5 =	sadd.s32 s11, s5  }
0x36: {  	[tilespmem:s28], [sflag:$0x7] =	stream.linear.gather [hbm4b:s5+s0], $0x800, $0x38;
	[tilespmem:$0x1B980] =	vst v63  }
0x37: {  	_ =	swait.ge [sflag:s20], $0x800  }
0x38: {  	[sflag:s20] =	ssyncset.done $0x0  }
0x39: {  	s29 =	simm.s32 $0x0;
	[sflag:s20] =	ssyncadd.s32 $0xFFFFF800  }
0x3a: {  	v8 =	vld [tilespmem:s29+$0x7B80];
	_ =	sdelay $0x4  }
0x3b: {  	v9 =	vshrl.u32 v8, $0x8;
	v10 =	vshrl.u32 v8, $0x5  }
0x3c: {  	v8 =	vand.u32 $0xFF, v8;
	v9 =	vand.u32 $0x1F, v9;
	v10 =	vand.u32 $0x7FFFF00, v10  }
0x3d: {  	vm0 =	veq.s32 v9, v0;
	v8 =	vor.u32 v8, v10  }
0x3e: {  	v8 =	vnsel vm0, $0x7B00, v8;
	_ =	sdelay $0x3  }
0x3f: {  	v63 =	vor.u32 s2, v2  }
0x40: {  	s12 =	simm.s32 $0x10;
	s11 =	simm.s32 $0x80;
	s5 =	smov.u32 s2;
	[tilespmem:v8+s6+$0x0] =	vst.idx.msk $0xffff, v63  }
.LBB2_5:
0x41: {  	p1 =	sne.s32 s11, $0x1FC0;
	v8 =	vld [tilespmem:s12+$0x7B80];
	_ =	sdelay $0x4  }
0x42: {  	v9 =	vshrl.u32 v8, $0x8;
	v10 =	vshrl.u32 v8, $0x5  }
0x43: {  	v8 =	vand.u32 $0xFF, v8;
	v9 =	vand.u32 $0x1F, v9;
	v10 =	vand.u32 $0x7FFFF00, v10  }
0x44: {  	vm0 =	veq.s32 v9, v0;
	v8 =	vor.u32 v8, v10  }
0x45: {  	v8 =	vnsel vm0, $0x7B00, v8  }
.Ltmp3:
0x46: {  	(pc) =	sbr.rel @p1 .LBB2_5-.Ltmp3, $4  }
0x47: {  	_ = 	snop  }
0x48: {  	s5 =	sadd.s32 $0x10, s5  }
0x49: {  	v9 =	vor.u32 s5, v2  }
0x4a: {  	s12 =	sshra.s32 s11, $0x2;
	s11 =	sadd.s32 $0x40, s11;
	[tilespmem:v8+s6+$0x0] =	vst.idx.msk $0xffff, v9  }
0x4b: {  	v8 =	vld [tilespmem:s12+$0x7B80];
	_ =	sdelay $0x4  }
0x4c: {  	v9 =	vshrl.u32 v8, $0x8;
	v10 =	vshrl.u32 v8, $0x5  }
0x4d: {  	v8 =	vand.u32 $0xFF, v8;
	v9 =	vand.u32 $0x1F, v9;
	v10 =	vand.u32 $0x7FFFF00, v10  }
0x4e: {  	s4 =	sadd.s32 $0x1, s4;
	vm0 =	veq.s32 v9, v0;
	v8 =	vor.u32 v8, v10  }
0x4f: {  	p1 =	sne.s32 s4, $0x10;
	v8 =	vnsel vm0, $0x7B00, v8  }
.Ltmp4:
0x50: {  	_ = 	snop;
	(pc) =	sbr.rel @p1 .LBB2_4-.Ltmp4, $4  }
0x51: {  	_ = 	snop  }
0x52: {  	s5 =	sadd.s32 $0x10, s5  }
0x53: {  	v63 =	vor.u32 s5, v2  }
0x54: {  	s2 =	sadd.s32 $0x800, s2;
	s11 =	simm.s32 $0x0;
	[tilespmem:v8+s6+$0x0] =	vst.idx.msk $0xffff, v63  }
.Ltmp5:
0x55: {  	(pc) =	sbr.rel .LBB2_8-.Ltmp5, $3  }
0x56: {  	_ =	sdelay $0x1  }
0x57: {  	s12 =	simm.s32 $0x0  }
0x58: {  	s13 =	simm.s32 $0x0;
	s15 =	simm.s32 $0x0;
	s14 =	simm.s32 $0x0  }
.LBB2_12:
0x59: {  	s14 =	sadd.s32 $0x1, s14  }
0x5a: {  	p1 =	sne.s32 s14, $0x10  }
.Ltmp6:
0x5b: {  	_ = 	snop;
	(pc) =	sbr.rel @!p1 .LBB2_13-.Ltmp6, $2  }
0x5c: {  	_ =	sdelay $0x2  }
0x5d: {  	s12 =	sadd.s32 $0x800, s12  }
.LBB2_8:
0x5e: {  	s0 =	sshll.u32 s14, $0x8;
	s2 =	rddreg [dreg:$0x0]  }
.Ltmp7:
0x5f: {  	s29 =	simm.s32 $0x7B80;
	s0 =	sadd.s32 s2, s0;
	(pc) =	sbr.rel .LBB2_9-.Ltmp7, $4  }
0x60: {  	[tilespmem:s29], [sflag:$0x7] =	stream.linear.gather [hbm4b:s0+s11], $0x800, $0x38;
	[tilespmem:$0x1B980] =	vst v63  }
0x61: {  	_ =	swait.ge [sflag:s20], $0x800  }
0x62: {  	[sflag:s20] =	ssyncset.done $0x0  }
0x63: {  	s19 =	simm.s32 $0x0;
	s0 =	smov.u32 s12;
	[sflag:s20] =	ssyncadd.s32 $0xFFFFF800  }
.LBB2_11:
0x64: {  	s19 =	sadd.s32 $0x40, s19  }
0x65: {  	p1 =	sne.s32 s19, $0x2000  }
.Ltmp8:
0x66: {  	_ = 	snop;
	(pc) =	sbr.rel @!p1 .LBB2_12-.Ltmp8, $2  }
0x67: {  	_ =	sdelay $0x2  }
0x68: {  	s0 =	sadd.s32 $0x10, s0  }
.LBB2_9:
0x69: {  	s2 =	sshra.s32 s19, $0x2  }
0x6a: {  	v8 =	vld [tilespmem:s2+$0x7B80];
	_ =	sdelay $0x4  }
0x6b: {  	v9 =	vshrl.u32 v8, $0x8;
	v10 =	vshrl.u32 v8, $0x5  }
0x6c: {  	v8 =	vand.u32 $0xFF, v8;
	v9 =	vand.u32 $0x1F, v9;
	v10 =	vand.u32 $0x7FFFF00, v10  }
0x6d: {  	vm0 =	veq.s32 v9, v0;
	v8 =	vor.u32 v8, v10  }
0x6e: {  	v8 =	vnsel vm0, $0x7B00, v8;
	_ =	sdelay $0x4  }
0x6f: {  	v9 =	vld.idx.msk [tilespmem:v8+s6+$0x0], $0xffff;
	_ =	sdelay $0x3  }
0x70: {  	v8 =	vor.u32 s0, v2  }
0x71: {  	vm1 =	vne.s32 v9, v8  }
0x72: {  	vm0 =	vmand vm1, vm0  }
0x73: {  	v10 =	vmpcnt.ones.xlane vm0;
	_ =	sdelay $0x1  }
0x74: {  	(v2sf) =	vpush v10, $0x0;
	_ =	sdelay $0xe  }
0x75: {  	s29 =	spop (v2sf)  }
0x76: {  	p1 =	slt.s32 s29, $0x1  }
.Ltmp9:
0x77: {  	_ = 	snop;
	(pc) =	sbr.rel @p1 .LBB2_11-.Ltmp9, $1  }
0x78: {  	_ =	sdelay $0x3  }
0x79: {  	v10 =	vsel vm0, $0x1, v3  }
0x7a: {  	(v2sf) =	vpush v10, $0x0;
	_ =	sdelay $0x1  }
0x7b: {  	(v2sf) =	vpush v10, $0x1;
	_ =	sdelay $0x1  }
0x7c: {  	(v2sf) =	vpush v10, $0x2;
	_ =	sdelay $0x1  }
0x7d: {  	(v2sf) =	vpush v10, $0x3;
	_ =	sdelay $0x1  }
0x7e: {  	(v2sf) =	vpush v10, $0x4;
	_ =	sdelay $0x1  }
0x7f: {  	(v2sf) =	vpush v10, $0x5;
	_ =	sdelay $0x1  }
0x80: {  	(v2sf) =	vpush v10, $0x6;
	_ =	sdelay $0x1  }
0x81: {  	(v2sf) =	vpush v10, $0x7  }
0x82: {  	vm1 =	vmand vm0, vm11;
	v11 =	vmov s15;
	s2 =	spop (v2sf)  }
0x83: {  	v11 =	vnsel vm1, $0x800, v11;
	vm1 =	vcmask $0x704;
	(v2sf) =	vpush v10, $0x8;
	s2 =	sadd.s32 s15, s2  }
0x84: {  	vm1 =	vmand vm0, vm1;
	s4 =	spop (v2sf);
	v12 =	vmov s2  }
0x85: {  	(v2sf) =	vpush v10, $0x9;
	s2 =	sadd.s32 s4, s2;
	v12 =	vnsel vm1, $0x800, v12  }
0x86: {  	s5 =	spop (v2sf);
	vm1 =	vmand vm0, vm3;
	v13 =	vmov s2  }
0x87: {  	(v2sf) =	vpush v10, $0xA;
	s2 =	sadd.s32 s5, s2;
	v13 =	vnsel vm1, $0x800, v13  }
0x88: {  	[tilespmem:v11+s17+$0x0] =	vst.idx.msk $0xffff, v9;
	s15 =	spop (v2sf);
	vm1 =	vmand vm0, vm4;
	v14 =	vmov s2  }
0x89: {  	[tilespmem:v11+s18+$0x0] =	vst.idx.msk $0xffff, v8;
	(v2sf) =	vpush v10, $0xB;
	s2 =	sadd.s32 s15, s2;
	v42 =	vnsel vm1, $0x800, v14  }
0x8a: {  	s16 =	spop (v2sf);
	vm1 =	vmand vm0, vm5;
	v43 =	vmov s2;
	[tilespmem:v12+s17+$0x0] =	vst.idx.msk $0xffff, v9  }
0x8b: {  	(v2sf) =	vpush v10, $0xC;
	s2 =	sadd.s32 s16, s2;
	v44 =	vnsel vm1, $0x800, v43;
	[tilespmem:v12+s18+$0x0] =	vst.idx.msk $0xffff, v8  }
0x8c: {  	s21 =	spop (v2sf);
	vm1 =	vmand vm0, vm6;
	v45 =	vmov s2;
	[tilespmem:v13+s17+$0x0] =	vst.idx.msk $0xffff, v9  }
0x8d: {  	(v2sf) =	vpush v10, $0xD;
	s2 =	sadd.s32 s21, s2;
	v46 =	vnsel vm1, $0x800, v45;
	[tilespmem:v13+s18+$0x0] =	vst.idx.msk $0xffff, v8  }
0x8e: {  	s26 =	spop (v2sf);
	vm1 =	vmand vm0, vm7;
	v47 =	vmov s2;
	[tilespmem:v42+s17+$0x0] =	vst.idx.msk $0xffff, v9  }
0x8f: {  	(v2sf) =	vpush v10, $0xE;
	s2 =	sadd.s32 s26, s2;
	v48 =	vnsel vm1, $0x800, v47;
	[tilespmem:v42+s18+$0x0] =	vst.idx.msk $0xffff, v8  }
0x90: {  	s28 =	spop (v2sf);
	vm1 =	vmand vm0, vm8;
	v49 =	vmov s2;
	[tilespmem:v44+s17+$0x0] =	vst.idx.msk $0xffff, v9  }
0x91: {  	s2 =	sadd.s32 s28, s2;
	v50 =	vnsel vm1, $0x800, v49;
	[tilespmem:v44+s18+$0x0] =	vst.idx.msk $0xffff, v8  }
0x92: {  	vm1 =	vmand vm0, vm9;
	v51 =	vmov s2;
	s29 =	spop (v2sf);
	[tilespmem:v46+s17+$0x0] =	vst.idx.msk $0xffff, v9  }
0x93: {  	(v2sf) =	vpush v10, $0xF;
	v10 =	vnsel vm1, $0x800, v51;
	s2 =	sadd.s32 s29, s2;
	[tilespmem:v46+s18+$0x0] =	vst.idx.msk $0xffff, v8  }
0x94: {  	vm1 =	vmand vm0, vm10;
	s5 =	spop (v2sf);
	v52 =	vmov s2;
	[tilespmem:v48+s17+$0x0] =	vst.idx.msk $0xffff, v9  }
0x95: {  	s2 =	sadd.s32 s5, s2;
	v53 =	vnsel vm1, $0x800, v52;
	[tilespmem:v48+s18+$0x0] =	vst.idx.msk $0xffff, v8  }
0x96: {  	s15 =	spop (v2sf);
	vm1 =	vmand vm0, vm12;
	v54 =	vmov s2;
	[tilespmem:v50+s17+$0x0] =	vst.idx.msk $0xffff, v9  }
0x97: {  	s2 =	sadd.s32 s15, s2;
	v55 =	vnsel vm1, $0x800, v54;
	[tilespmem:v50+s18+$0x0] =	vst.idx.msk $0xffff, v8  }
0x98: {  	s16 =	spop (v2sf);
	vm1 =	vmand vm0, vm13;
	v56 =	vmov s2;
	[tilespmem:v10+s17+$0x0] =	vst.idx.msk $0xffff, v9  }
0x99: {  	s2 =	sadd.s32 s16, s2;
	v57 =	vnsel vm1, $0x800, v56;
	[tilespmem:v10+s18+$0x0] =	vst.idx.msk $0xffff, v8  }
0x9a: {  	s21 =	spop (v2sf);
	vm1 =	vmand vm0, vm14;
	v58 =	vmov s2;
	[tilespmem:v53+s17+$0x0] =	vst.idx.msk $0xffff, v9  }
0x9b: {  	s2 =	sadd.s32 s21, s2;
	v59 =	vnsel vm1, $0x800, v58;
	[tilespmem:v53+s18+$0x0] =	vst.idx.msk $0xffff, v8  }
0x9c: {  	s26 =	spop (v2sf);
	vm1 =	vmand vm0, vm15;
	v60 =	vmov s2;
	[tilespmem:v55+s17+$0x0] =	vst.idx.msk $0xffff, v9  }
0x9d: {  	s2 =	sadd.s32 s26, s2;
	v61 =	vnsel vm1, $0x800, v60;
	[tilespmem:v55+s18+$0x0] =	vst.idx.msk $0xffff, v8  }
0x9e: {  	s28 =	spop (v2sf);
	vm1 =	vmand vm0, vm2;
	v62 =	vmov s2;
	[tilespmem:v57+s17+$0x0] =	vst.idx.msk $0xffff, v9  }
0x9f: {  	s2 =	sadd.s32 s28, s2;
	v13 =	vnsel vm1, $0x800, v62;
	vm1 =	vcmask $0x3F3C;
	[tilespmem:v57+s18+$0x0] =	vst.idx.msk $0xffff, v8  }
0xa0: {  	v63 =	vmov s2;
	vm0 =	vmand vm0, vm1;
	[tilespmem:v59+s17+$0x0] =	vst.idx.msk $0xffff, v9  }
0xa1: {  	v10 =	vnsel vm0, $0x800, v63;
	[tilespmem:v59+s18+$0x0] =	vst.idx.msk $0xffff, v8  }
0xa2: {  	s29 =	spop (v2sf);
	[tilespmem:v61+s17+$0x0] =	vst.idx.msk $0xffff, v9  }
0xa3: {  	s15 =	sadd.s32 s29, s2;
	[tilespmem:v61+s18+$0x0] =	vst.idx.msk $0xffff, v8  }
0xa4: {  	p1 =	slt.s32 s15, $0x800;
	[tilespmem:v13+s17+$0x0] =	vst.idx.msk $0xffff, v9  }
0xa5: {  	s2 =	sshll.u32 @!p1 s13, $0x9;
	[tilespmem:v13+s18+$0x0] =	vst.idx.msk $0xffff, v8  }
0xa6: {  	s5 =	simm.s32 @!p1 $0x80;
	s2 =	sand.u32 @!p1 $0x1FFFFE00, s2;
	[tilespmem:v10+s17+$0x0] =	vst.idx.msk $0xffff, v9  }
0xa7: {  	s16 =	simm.s32 @!p1 $0x100;
	s21 =	simm.s32 @!p1 $0x1A880;
	s4 =	sadd.s32 @!p1 s8, s2;
	[tilespmem:v10+s18+$0x0] =	vst.idx.msk $0xffff, v8  }
0xa8: {  	[hbm4b:s4+s5] =	stream.strided.scatter @!p1 [tilespmem:s21], [sflag:$0x7], $0x800, s16, s5, $0x38;
	[tilespmem:$0x1B980] =	vst v63  }
0xa9: {  	s4 =	simm.s32 @!p1 $0x7  }
0xaa: {  	_ =	swait.ge @!p1 [sflag:s4], $0x800  }
0xab: {  	s2 =	sadd.s32 @!p1 s2, s9;
	[sflag:s4] =	ssyncset.done @!p1 $0x0  }
.Ltmp10:
0xac: {  	s21 =	simm.s32 @!p1 $0x1B100;
	[sflag:s4] =	ssyncadd.s32 @!p1 $0xFFFFF800;
	(pc) =	sbr.rel .LBB2_11-.Ltmp10, $4  }
0xad: {  	[hbm4b:s2+s5] =	stream.strided.scatter @!p1 [tilespmem:s21], [sflag:$0x7], $0x800, s16, s5, $0x38;
	[tilespmem:$0x1B980] =	vst v63  }
0xae: {  	s2 =	sadd.s32 @!p1 $0x1, s13;
	_ =	swait.ge @!p1 [sflag:s4], $0x800  }
0xaf: {  	s2 =	smov.u32 @p1 s13;
	[sflag:s4] =	ssyncset.done @!p1 $0x0  }
0xb0: {  	s15 =	simm.s32 @!p1 $0x0;
	s13 =	smov.u32 s2;
	[sflag:s4] =	ssyncadd.s32 @!p1 $0xFFFFF800  }
.LBB2_13:
0xb1: {  	s0 =	rddreg [dreg:$0x5]  }
0xb2: {  	s2 =	simm.s32 $0x800;
	s4 =	simm.s32 $0x7A1400;
	s28 =	rddreg [dreg:$0x6]  }
0xb3: {  	[tilespmem:s22], [sflag:$0x1] =	stream.strided.gather [hbm4b:s0+s2], $0x4000, s4, s2, $0x38;
	[tilespmem:$0x1B980] =	vst v63  }
0xb4: {  	s29 =	rddreg [dreg:$0x7]  }
0xb5: {  	[tilespmem:s23], [sflag:$0x2] =	stream.strided.gather [hbm4b:s28+s2], $0x4000, s4, s2, $0x38;
	[tilespmem:$0x1B980] =	vst v63  }
0xb6: {  	s11 =	simm.s32 $0x0;
	s0 =	rddreg [dreg:$0x8]  }
0xb7: {  	[tilespmem:s24], [sflag:$0x3] =	stream.strided.gather [hbm4b:s29+s2], $0x4000, s4, s2, $0x38;
	[tilespmem:$0x1B980] =	vst v63  }
.LBB2_14:
0xb8: {  	s2 =	simm.s32 $0x800  }
.Ltmp11:
0xb9: {  	s4 =	simm.s32 $0x7A1400;
	s28 =	simm.s32 $0x1;
	(pc) =	sbr.rel .LBB2_15-.Ltmp11, $4  }
0xba: {  	[tilespmem:s25], [sflag:$0x4] =	stream.strided.gather [hbm4b:s0+s2], $0x4000, s4, s2, $0x38;
	[tilespmem:$0x1B980] =	vst v63  }
0xbb: {  	_ =	swait.ge [sflag:s28], $0x4000  }
0xbc: {  	s14 =	sshll.u32 s11, $0x2;
	s29 =	sshll.u32 s11, $0xA;
	[sflag:s28] =	ssyncset.done $0x0  }
0xbd: {  	s12 =	sand.u32 $0x3FFFFC00, s29;
	s0 =	simm.s32 $0x0;
	[sflag:s28] =	ssyncadd.s32 $0xFFFFC000  }
.LBB2_18:
0xbe: {  	[hbm4b:s21+s6] =	stream.linear.scatter [tilespmem:s16], [sflag:$0x5], $0x80, $0x38;
	[tilespmem:$0x1B980] =	vst v63  }
.LBB2_19:
0xbf: {  	s0 =	sadd.s32 $0x1, s0  }
0xc0: {  	p1 =	sne.s32 s0, $0x10  }
.Ltmp12:
0xc1: {  	_ = 	snop;
	(pc) =	sbr.rel @!p1 .LBB2_20-.Ltmp12, $1  }
0xc2: {  	_ =	sdelay $0x3  }
.LBB2_15:
0xc3: {  	s4 =	sshll.u32 s0, $0x4  }
0xc4: {  	s2 =	sand.u32 $0x80, s4  }
0xc5: {  	s5 =	sand.u32 $0x70, s4;
	s2 =	sadd.s32 s2, s12  }
0xc6: {  	s2 =	sadd.s32 s5, s2  }
0xc7: {  	v8 =	vld [tilespmem:s2+$0x0];
	_ =	sdelay $0x4  }
0xc8: {  	vm0 =	vgt.s32 v8, $0xFFFFFFFF  }
0xc9: {  	v9 =	vmpcnt.ones.xlane vm0;
	_ =	sdelay $0x1  }
0xca: {  	(v2sf) =	vpush v9, $0x0;
	_ =	sdelay $0xe  }
0xcb: {  	s2 =	spop (v2sf)  }
0xcc: {  	p1 =	slt.s32 s2, $0x1  }
.Ltmp13:
0xcd: {  	_ = 	snop;
	(pc) =	sbr.rel @p1 .LBB2_19-.Ltmp13, $1  }
0xce: {  	_ =	sdelay $0x3  }
0xcf: {  	v9 =	vor.u32 s4, v2;
	s26 =	simm.s32 $0x18380  }
0xd0: {  	s5 =	simm.s32 $0x18400;
	[tilespmem:s26+$0x0] =	vst.msk vm0, v9  }
0xd1: {  	[tilespmem:s5+$0x0] =	vst.msk vm0, v8  }
0xd2: {  	v8 =	vld [tilespmem:s26+$0x0];
	_ =	sdelay $0x4  }
0xd3: {  	v8 =	vbroadcast v8, $0x0;
	_ =	sdelay $0x1  }
0xd4: {  	s28 =	sld [smem:$0x0];
	v62 =	vshll.u32 v8, $0x3  }
0xd5: {  	v8 =	vand.u32 $0x7F, v8;
	v9 =	vand.u32 $0xFFFFFC00, v62  }
0xd6: {  	v8 =	vor.u32 v8, v9  }
0xd7: {  	p1 =	sne.s32 s28, $0x8;
	v9 =	vadd.s32 v4, v8  }
0xd8: {  	v10 =	vld [tilespmem:s5+$0x0];
	s5 =	simm.s32 @!p1 $0x5  }
0xd9: {  	_ =	swait.ge @!p1 [sflag:s5], $0x400  }
0xda: {  	[sflag:s5] =	ssyncset.done @!p1 $0x0  }
0xdb: {  	[sflag:s5] =	ssyncadd.s32 @!p1 $0xFFFFFC00  }
0xdc: {  	v9 =	vld.idx.msk [tilespmem:v9+s22+$0x0], $0xffff  }
0xdd: {  	s5 =	smov.u32 s28;
	v11 =	vadd.s32 v5, v8  }
0xde: {  	s5 =	simm.s32 @!p1 $0x0  }
0xdf: {  	s5 =	sshll.u32 s5, $0x9  }
0xe0: {  	s16 =	sshra.s32 s5, $0x2  }
0xe1: {  	(v2sf) =	vpush v10, $0x0;
	[tilespmem:s16+$0x18480] =	vst v9  }
0xe2: {  	v9 =	vld.idx.msk [tilespmem:v11+s22+$0x0], $0xffff  }
0xe3: {  	v63 =	vadd.s32 v6, v8;
	_ =	sdelay $0x3  }
0xe4: {  	[tilespmem:s16+$0x18490] =	vst v9  }
0xe5: {  	v9 =	vld.idx.msk [tilespmem:v63+s22+$0x0], $0xffff  }
0xe6: {  	v8 =	vadd.s32 v7, v8;
	_ =	sdelay $0x3  }
0xe7: {  	s19 =	sadd.s32 $0xFFFFFFFF, s2;
	[tilespmem:s16+$0x184A0] =	vst v9  }
0xe8: {  	p1 =	sne.s32 s19, $0x0;
	v8 =	vld.idx.msk [tilespmem:v8+s22+$0x0], $0xffff  }
.Ltmp14:
0xe9: {  	s2 =	sshll.u32 s28, $0x7;
	(pc) =	sbr.rel @!p1 .LBB2_18-.Ltmp14, $4  }
0xea: {  	p2 =	seq.s32 s28, $0x8;
	s5 =	sadd.s32 $0x1, s28;
	s29 =	spop (v2sf)  }
0xeb: {  	s2 =	simm.s32 @p2 $0x0;
	s5 =	simm.s32 @p2 $0x1;
	s4 =	sshll.u32 s29, $0x4  }
0xec: {  	[smem:$0x0] =	sst s5;
	s21 =	sand.u32 $0x1FFFFFF0, s4;
	s4 =	simm.s32 $0x18381  }
0xed: {  	s21 =	sadd.s32 s7, s21;
	[tilespmem:s16+$0x184B0] =	vst v8;
	s16 =	sadd.s32 $0x18480, s2;
	s2 =	simm.s32 $0x18401  }
.LBB2_17:
0xee: {  	[hbm4b:s21+s6] =	stream.linear.scatter [tilespmem:s16], [sflag:$0x5], $0x80, $0x38;
	[tilespmem:$0x1B980] =	vst v63  }
0xef: {  	s19 =	sadd.s32 $0xFFFFFFFF, s19;
	v8 =	vld [tilespmem:s4+$0x0]  }
0xf0: {  	p1 =	sne.s32 s19, $0x0;
	_ =	sdelay $0x3  }
0xf1: {  	v8 =	vbroadcast v8, $0x0;
	_ =	sdelay $0x1  }
0xf2: {  	v9 =	vshll.u32 v8, $0x3  }
0xf3: {  	v8 =	vand.u32 $0x7F, v8;
	v9 =	vand.u32 $0xFFFFFC00, v9  }
0xf4: {  	v8 =	vor.u32 v8, v9  }
0xf5: {  	p2 =	sne.s32 s5, $0x8;
	s21 =	smov.u32 s5;
	v9 =	vadd.s32 v4, v8  }
0xf6: {  	s16 =	simm.s32 @!p2 $0x5;
	s21 =	simm.s32 @!p2 $0x0;
	v10 =	vld [tilespmem:s2+$0x0]  }
0xf7: {  	s26 =	sshll.u32 s5, $0x7;
	s21 =	sshll.u32 s21, $0x9;
	_ =	swait.ge @!p2 [sflag:s16], $0x400  }
0xf8: {  	p3 =	seq.s32 s5, $0x8;
	s5 =	sadd.s32 $0x1, s5;
	[sflag:s16] =	ssyncset.done @!p2 $0x0  }
0xf9: {  	s26 =	simm.s32 @p3 $0x0;
	s5 =	simm.s32 @p3 $0x1;
	[sflag:s16] =	ssyncadd.s32 @!p2 $0xFFFFFC00  }
0xfa: {  	v9 =	vld.idx.msk [tilespmem:v9+s22+$0x0], $0xffff;
	[smem:$0x0] =	sst s5  }
0xfb: {  	(v2sf) =	vpush v10, $0x0  }
0xfc: {  	v10 =	vadd.s32 v5, v8;
	_ =	sdelay $0x2  }
0xfd: {  	s16 =	sshra.s32 s21, $0x2  }
0xfe: {  	[tilespmem:s16+$0x18480] =	vst v9  }
0xff: {  	v9 =	vld.idx.msk [tilespmem:v10+s22+$0x0], $0xffff;
	_ =	sdelay $0x1  }
0x100: {  	v10 =	vadd.s32 v6, v8;
	_ =	sdelay $0x3  }
0x101: {  	[tilespmem:s16+$0x18490] =	vst v9  }
0x102: {  	v9 =	vld.idx.msk [tilespmem:v10+s22+$0x0], $0xffff;
	_ =	sdelay $0x1  }
0x103: {  	v8 =	vadd.s32 v7, v8;
	s21 =	spop (v2sf)  }
0x104: {  	s21 =	sshll.u32 s21, $0x4  }
0x105: {  	s21 =	sand.u32 $0x1FFFFFF0, s21;
	_ =	sdelay $0x1  }
0x106: {  	[tilespmem:s16+$0x184A0] =	vst v9  }
0x107: {  	v8 =	vld.idx.msk [tilespmem:v8+s22+$0x0], $0xffff;
	_ =	sdelay $0x1  }
.Ltmp15:
0x108: {  	(pc) =	sbr.rel @p1 .LBB2_17-.Ltmp15, $3  }
0x109: {  	_ =	sdelay $0x1  }
0x10a: {  	s4 =	sadd.s32 $0x1, s4  }
0x10b: {  	s2 =	sadd.s32 $0x1, s2;
	s21 =	sadd.s32 s7, s21;
	[tilespmem:s16+$0x184B0] =	vst v8;
	s16 =	sadd.s32 $0x18480, s26  }
.Ltmp16:
0x10c: {  	_ = 	snop;
	(pc) =	sbr.rel .LBB2_18-.Ltmp16, $1  }
0x10d: {  	_ =	sdelay $0x3  }
.LBB2_20:
0x10e: {  	p1 =	seq.s32 s11, $0x1E  }
0x10f: {  	s0 =	sadd.s32 @!p1 $0x4, s14  }
0x110: {  	p2 =	sgt.u32 @!p1 s0, s10  }
0x111: {  	s0 =	sshll.u32 @!p1 s0, $0x5;
	p2 =	por !p2, p1  }
0x112: {  	s0 =	simm.s32 @!p2 $0x0  }
0x113: {  	s0 =	sor.u32 @!p1 s1, s0  }
0x114: {  	s2 =	simm.s32 @!p1 $0x800;
	s0 =	sshll.u32 @!p1 s0, $0x8  }
0x115: {  	s29 =	simm.s32 $0x2;
	s4 =	simm.s32 @!p1 $0x7A1400;
	s0 =	sand.u32 @!p1 $0x1FFFFF00, s0  }
.Ltmp17:
0x116: {  	s5 =	simm.s32 @!p1 $0x8380;
	s0 =	sadd.s32 @!p1 s3, s0;
	(pc) =	sbr.rel .LBB2_21-.Ltmp17, $4  }
0x117: {  	[tilespmem:s5], [sflag:$0x1] =	stream.strided.gather @!p1 [hbm4b:s0+s2], $0x4000, s4, s2, $0x38;
	[tilespmem:$0x1B980] =	vst v63  }
0x118: {  	_ =	swait.ge [sflag:s29], $0x4000  }
0x119: {  	[sflag:s29] =	ssyncset.done $0x0  }
0x11a: {  	s11 =	sadd.s32 $0x1, s11;
	s0 =	simm.s32 $0x0;
	[sflag:s29] =	ssyncadd.s32 $0xFFFFC000  }
.LBB2_24:
0x11b: {  	[hbm4b:s21+s6] =	stream.linear.scatter [tilespmem:s16], [sflag:$0x5], $0x80, $0x38;
	[tilespmem:$0x1B980] =	vst v63  }
.LBB2_25:
0x11c: {  	s0 =	sadd.s32 $0x1, s0  }
0x11d: {  	p2 =	sne.s32 s0, $0x10  }
.Ltmp18:
0x11e: {  	_ = 	snop;
	(pc) =	sbr.rel @!p2 .LBB2_26-.Ltmp18, $1  }
0x11f: {  	_ =	sdelay $0x3  }
.LBB2_21:
0x120: {  	s4 =	sshll.u32 s0, $0x4  }
0x121: {  	s2 =	sand.u32 $0x80, s4  }
0x122: {  	s5 =	sand.u32 $0x70, s4;
	s2 =	sadd.s32 s2, s12  }
0x123: {  	s2 =	sadd.s32 s5, s2  }
0x124: {  	v8 =	vld [tilespmem:s2+$0x100];
	_ =	sdelay $0x4  }
0x125: {  	vm0 =	vgt.s32 v8, $0xFFFFFFFF  }
0x126: {  	v9 =	vmpcnt.ones.xlane vm0;
	_ =	sdelay $0x1  }
0x127: {  	(v2sf) =	vpush v9, $0x0;
	_ =	sdelay $0xe  }
0x128: {  	s2 =	spop (v2sf)  }
0x129: {  	p2 =	slt.s32 s2, $0x1  }
.Ltmp19:
0x12a: {  	_ = 	snop;
	(pc) =	sbr.rel @p2 .LBB2_25-.Ltmp19, $1  }
0x12b: {  	_ =	sdelay $0x3  }
0x12c: {  	v9 =	vor.u32 s4, v2;
	s26 =	simm.s32 $0x18380  }
0x12d: {  	s5 =	simm.s32 $0x18400;
	[tilespmem:s26+$0x0] =	vst.msk vm0, v9  }
0x12e: {  	[tilespmem:s5+$0x0] =	vst.msk vm0, v8  }
0x12f: {  	v8 =	vld [tilespmem:s26+$0x0];
	_ =	sdelay $0x4  }
0x130: {  	v8 =	vbroadcast v8, $0x0;
	_ =	sdelay $0x1  }
0x131: {  	s28 =	sld [smem:$0x0];
	v62 =	vshll.u32 v8, $0x3  }
0x132: {  	v8 =	vand.u32 $0x7F, v8;
	v9 =	vand.u32 $0xFFFFFC00, v62  }
0x133: {  	v8 =	vor.u32 v8, v9  }
0x134: {  	p2 =	sne.s32 s28, $0x8;
	v9 =	vadd.s32 v4, v8  }
0x135: {  	v10 =	vld [tilespmem:s5+$0x0];
	s5 =	simm.s32 @!p2 $0x5  }
0x136: {  	_ =	swait.ge @!p2 [sflag:s5], $0x400  }
0x137: {  	[sflag:s5] =	ssyncset.done @!p2 $0x0  }
0x138: {  	[sflag:s5] =	ssyncadd.s32 @!p2 $0xFFFFFC00  }
0x139: {  	v9 =	vld.idx.msk [tilespmem:v9+s23+$0x0], $0xffff  }
0x13a: {  	s5 =	smov.u32 s28;
	v11 =	vadd.s32 v5, v8  }
0x13b: {  	s5 =	simm.s32 @!p2 $0x0  }
0x13c: {  	s5 =	sshll.u32 s5, $0x9  }
0x13d: {  	s16 =	sshra.s32 s5, $0x2  }
0x13e: {  	(v2sf) =	vpush v10, $0x0;
	[tilespmem:s16+$0x18480] =	vst v9  }
0x13f: {  	v9 =	vld.idx.msk [tilespmem:v11+s23+$0x0], $0xffff  }
0x140: {  	v63 =	vadd.s32 v6, v8;
	_ =	sdelay $0x3  }
0x141: {  	[tilespmem:s16+$0x18490] =	vst v9  }
0x142: {  	v9 =	vld.idx.msk [tilespmem:v63+s23+$0x0], $0xffff  }
0x143: {  	v8 =	vadd.s32 v7, v8;
	_ =	sdelay $0x3  }
0x144: {  	s19 =	sadd.s32 $0xFFFFFFFF, s2;
	[tilespmem:s16+$0x184A0] =	vst v9  }
0x145: {  	p2 =	sne.s32 s19, $0x0;
	v8 =	vld.idx.msk [tilespmem:v8+s23+$0x0], $0xffff  }
.Ltmp20:
0x146: {  	s2 =	sshll.u32 s28, $0x7;
	(pc) =	sbr.rel @!p2 .LBB2_24-.Ltmp20, $4  }
0x147: {  	p3 =	seq.s32 s28, $0x8;
	s5 =	sadd.s32 $0x1, s28;
	s29 =	spop (v2sf)  }
0x148: {  	s2 =	simm.s32 @p3 $0x0;
	s5 =	simm.s32 @p3 $0x1;
	s4 =	sshll.u32 s29, $0x4  }
0x149: {  	[smem:$0x0] =	sst s5;
	s21 =	sand.u32 $0x1FFFFFF0, s4;
	s4 =	simm.s32 $0x18381  }
0x14a: {  	s21 =	sadd.s32 s7, s21;
	[tilespmem:s16+$0x184B0] =	vst v8;
	s16 =	sadd.s32 $0x18480, s2;
	s2 =	simm.s32 $0x18401  }
.LBB2_23:
0x14b: {  	[hbm4b:s21+s6] =	stream.linear.scatter [tilespmem:s16], [sflag:$0x5], $0x80, $0x38;
	[tilespmem:$0x1B980] =	vst v63  }
0x14c: {  	s19 =	sadd.s32 $0xFFFFFFFF, s19;
	v8 =	vld [tilespmem:s4+$0x0]  }
0x14d: {  	p2 =	sne.s32 s19, $0x0;
	_ =	sdelay $0x3  }
0x14e: {  	v8 =	vbroadcast v8, $0x0;
	_ =	sdelay $0x1  }
0x14f: {  	v9 =	vshll.u32 v8, $0x3  }
0x150: {  	v8 =	vand.u32 $0x7F, v8;
	v9 =	vand.u32 $0xFFFFFC00, v9  }
0x151: {  	v8 =	vor.u32 v8, v9  }
0x152: {  	p3 =	sne.s32 s5, $0x8;
	s21 =	smov.u32 s5;
	v9 =	vadd.s32 v4, v8  }
0x153: {  	s16 =	simm.s32 @!p3 $0x5;
	s21 =	simm.s32 @!p3 $0x0;
	v10 =	vld [tilespmem:s2+$0x0]  }
0x154: {  	s26 =	sshll.u32 s5, $0x7;
	s21 =	sshll.u32 s21, $0x9;
	_ =	swait.ge @!p3 [sflag:s16], $0x400  }
0x155: {  	p4 =	seq.s32 s5, $0x8;
	s5 =	sadd.s32 $0x1, s5;
	[sflag:s16] =	ssyncset.done @!p3 $0x0  }
0x156: {  	s26 =	simm.s32 @p4 $0x0;
	s5 =	simm.s32 @p4 $0x1;
	[sflag:s16] =	ssyncadd.s32 @!p3 $0xFFFFFC00  }
0x157: {  	v9 =	vld.idx.msk [tilespmem:v9+s23+$0x0], $0xffff;
	[smem:$0x0] =	sst s5  }
0x158: {  	(v2sf) =	vpush v10, $0x0  }
0x159: {  	v10 =	vadd.s32 v5, v8;
	_ =	sdelay $0x2  }
0x15a: {  	s16 =	sshra.s32 s21, $0x2  }
0x15b: {  	[tilespmem:s16+$0x18480] =	vst v9  }
0x15c: {  	v9 =	vld.idx.msk [tilespmem:v10+s23+$0x0], $0xffff;
	_ =	sdelay $0x1  }
0x15d: {  	v10 =	vadd.s32 v6, v8;
	_ =	sdelay $0x3  }
0x15e: {  	[tilespmem:s16+$0x18490] =	vst v9  }
0x15f: {  	v9 =	vld.idx.msk [tilespmem:v10+s23+$0x0], $0xffff;
	_ =	sdelay $0x1  }
0x160: {  	v8 =	vadd.s32 v7, v8;
	s21 =	spop (v2sf)  }
0x161: {  	s21 =	sshll.u32 s21, $0x4  }
0x162: {  	s21 =	sand.u32 $0x1FFFFFF0, s21;
	_ =	sdelay $0x1  }
0x163: {  	[tilespmem:s16+$0x184A0] =	vst v9  }
0x164: {  	v8 =	vld.idx.msk [tilespmem:v8+s23+$0x0], $0xffff;
	_ =	sdelay $0x1  }
.Ltmp21:
0x165: {  	(pc) =	sbr.rel @p2 .LBB2_23-.Ltmp21, $3  }
0x166: {  	_ =	sdelay $0x1  }
0x167: {  	s4 =	sadd.s32 $0x1, s4  }
0x168: {  	s2 =	sadd.s32 $0x1, s2;
	s21 =	sadd.s32 s7, s21;
	[tilespmem:s16+$0x184B0] =	vst v8;
	s16 =	sadd.s32 $0x18480, s26  }
.Ltmp22:
0x169: {  	_ = 	snop;
	(pc) =	sbr.rel .LBB2_24-.Ltmp22, $1  }
0x16a: {  	_ =	sdelay $0x3  }
.LBB2_26:
0x16b: {  	s0 =	sadd.s32 @!p1 $0x5, s14  }
0x16c: {  	p2 =	sgt.u32 @!p1 s0, s10  }
0x16d: {  	s0 =	sshll.u32 @!p1 s0, $0x5;
	p2 =	por !p2, p1  }
0x16e: {  	s0 =	simm.s32 @!p2 $0x0  }
0x16f: {  	s0 =	sor.u32 @!p1 s1, s0  }
0x170: {  	s0 =	sshll.u32 @!p1 s0, $0x8  }
0x171: {  	s12 =	simm.s32 @!p1 $0x800;
	s0 =	sand.u32 @!p1 $0x1FFFFF00, s0  }
0x172: {  	s4 =	simm.s32 @!p1 $0xC380;
	s2 =	sadd.s32 @!p1 s3, s0;
	s0 =	simm.s32 @!p1 $0x7A1400  }
0x173: {  	[tilespmem:s4], [sflag:$0x2] =	stream.strided.gather @!p1 [hbm4b:s2+s12], $0x4000, s0, s12, $0x38;
	[tilespmem:$0x1B980] =	vst v63  }
0x174: {  	s2 =	sor.u32 $0x2, s14  }
0x175: {  	p2 =	sgt.u32 s2, s10  }
.Ltmp23:
0x176: {  	_ = 	snop;
	(pc) =	sbr.rel @!p2 .LBB2_27-.Ltmp23, $4  }
0x177: {  	s29 =	simm.s32 $0x3  }
0x178: {  	_ =	swait.ge [sflag:s29], $0x4000  }
0x179: {  	[sflag:s29] =	ssyncset.done $0x0  }
0x17a: {  	[sflag:s29] =	ssyncadd.s32 $0xFFFFC000  }
.LBB2_33:
0x17b: {  	s2 =	sadd.s32 @!p1 $0x6, s14  }
0x17c: {  	p2 =	sgt.u32 @!p1 s2, s10  }
0x17d: {  	s2 =	sshll.u32 @!p1 s2, $0x5;
	p2 =	por !p2, p1  }
0x17e: {  	s2 =	simm.s32 @!p2 $0x0  }
0x17f: {  	s2 =	sor.u32 @!p1 s1, s2  }
0x180: {  	s2 =	sshll.u32 @!p1 s2, $0x8  }
0x181: {  	s2 =	sand.u32 @!p1 $0x1FFFFF00, s2  }
0x182: {  	s4 =	simm.s32 @!p1 $0x10380;
	s2 =	sadd.s32 @!p1 s3, s2  }
0x183: {  	[tilespmem:s4], [sflag:$0x3] =	stream.strided.gather @!p1 [hbm4b:s2+s12], $0x4000, s0, s12, $0x38;
	[tilespmem:$0x1B980] =	vst v63  }
0x184: {  	s0 =	sor.u32 $0x3, s14  }
0x185: {  	p2 =	sgt.u32 s0, s10  }
.Ltmp24:
0x186: {  	_ = 	snop;
	(pc) =	sbr.rel @!p2 .LBB2_34-.Ltmp24, $4  }
0x187: {  	_ = 	snop  }
0x188: {  	_ =	swait.ge [sflag:s30], $0x4000  }
0x189: {  	[sflag:s30] =	ssyncset.done $0x0  }
0x18a: {  	[sflag:s30] =	ssyncadd.s32 $0xFFFFC000  }
.LBB2_40:
.Ltmp25:
0x18b: {  	(pc) =	sbr.rel @p1 .LBB2_42-.Ltmp25, $1  }
0x18c: {  	_ =	sdelay $0x3  }
0x18d: {  	s0 =	sadd.s32 $0x7, s14  }
0x18e: {  	p1 =	sgt.u32 s0, s10;
	s0 =	sshll.u32 s0, $0x5  }
.Ltmp26:
0x18f: {  	s0 =	simm.s32 @p1 $0x0;
	(pc) =	sbr.rel .LBB2_14-.Ltmp26, $4  }
0x190: {  	s0 =	sor.u32 s1, s0  }
0x191: {  	s0 =	sshll.u32 s0, $0x8  }
0x192: {  	s0 =	sand.u32 $0x1FFFFF00, s0  }
0x193: {  	s0 =	sadd.s32 s3, s0  }
.LBB2_27:
.Ltmp27:
0x194: {  	(pc) =	sbr.rel .LBB2_28-.Ltmp27, $3  }
0x195: {  	_ =	sdelay $0x1  }
0x196: {  	s2 =	sshll.u32 s2, $0x8  }
0x197: {  	s21 =	simm.s32 $0x0;
	s19 =	sand.u32 $0x3FFFFF00, s2  }
.LBB2_31:
0x198: {  	[hbm4b:s28+s6] =	stream.linear.scatter [tilespmem:s26], [sflag:$0x5], $0x80, $0x38;
	[tilespmem:$0x1B980] =	vst v63  }
.LBB2_32:
0x199: {  	s21 =	sadd.s32 $0x1, s21  }
0x19a: {  	p2 =	sne.s32 s21, $0x10  }
.Ltmp28:
0x19b: {  	_ = 	snop;
	(pc) =	sbr.rel @!p2 .LBB2_33-.Ltmp28, $1  }
0x19c: {  	_ =	sdelay $0x3  }
.LBB2_28:
0x19d: {  	s4 =	sshll.u32 s21, $0x4  }
0x19e: {  	s2 =	sand.u32 $0x80, s4  }
0x19f: {  	s5 =	sand.u32 $0x70, s4;
	s2 =	sadd.s32 s2, s19  }
0x1a0: {  	s2 =	sadd.s32 s5, s2  }
0x1a1: {  	v8 =	vld [tilespmem:s2+$0x0];
	_ =	sdelay $0x4  }
0x1a2: {  	vm0 =	vgt.s32 v8, $0xFFFFFFFF  }
0x1a3: {  	v9 =	vmpcnt.ones.xlane vm0;
	_ =	sdelay $0x1  }
0x1a4: {  	(v2sf) =	vpush v9, $0x0;
	_ =	sdelay $0xe  }
0x1a5: {  	s2 =	spop (v2sf)  }
0x1a6: {  	p2 =	slt.s32 s2, $0x1  }
.Ltmp29:
0x1a7: {  	_ = 	snop;
	(pc) =	sbr.rel @p2 .LBB2_32-.Ltmp29, $1  }
0x1a8: {  	_ =	sdelay $0x3  }
0x1a9: {  	v9 =	vor.u32 s4, v2;
	s26 =	simm.s32 $0x18380  }
0x1aa: {  	s5 =	simm.s32 $0x18400;
	[tilespmem:s26+$0x0] =	vst.msk vm0, v9  }
0x1ab: {  	[tilespmem:s5+$0x0] =	vst.msk vm0, v8  }
0x1ac: {  	v8 =	vld [tilespmem:s26+$0x0];
	_ =	sdelay $0x4  }
0x1ad: {  	v8 =	vbroadcast v8, $0x0;
	_ =	sdelay $0x1  }
0x1ae: {  	s29 =	sld [smem:$0x0];
	v62 =	vshll.u32 v8, $0x3  }
0x1af: {  	v8 =	vand.u32 $0x7F, v8;
	v9 =	vand.u32 $0xFFFFFC00, v62  }
0x1b0: {  	v8 =	vor.u32 v8, v9  }
0x1b1: {  	p2 =	sne.s32 s29, $0x8;
	v9 =	vadd.s32 v4, v8  }
0x1b2: {  	v10 =	vld [tilespmem:s5+$0x0];
	s5 =	simm.s32 @!p2 $0x5  }
0x1b3: {  	_ =	swait.ge @!p2 [sflag:s5], $0x400  }
0x1b4: {  	[sflag:s5] =	ssyncset.done @!p2 $0x0  }
0x1b5: {  	[sflag:s5] =	ssyncadd.s32 @!p2 $0xFFFFFC00  }
0x1b6: {  	v9 =	vld.idx.msk [tilespmem:v9+s24+$0x0], $0xffff  }
0x1b7: {  	s5 =	smov.u32 s29;
	v11 =	vadd.s32 v5, v8  }
0x1b8: {  	s5 =	simm.s32 @!p2 $0x0  }
0x1b9: {  	s5 =	sshll.u32 s5, $0x9  }
0x1ba: {  	s16 =	sshra.s32 s5, $0x2  }
0x1bb: {  	(v2sf) =	vpush v10, $0x0;
	[tilespmem:s16+$0x18480] =	vst v9  }
0x1bc: {  	v9 =	vld.idx.msk [tilespmem:v11+s24+$0x0], $0xffff  }
0x1bd: {  	v63 =	vadd.s32 v6, v8;
	_ =	sdelay $0x3  }
0x1be: {  	[tilespmem:s16+$0x18490] =	vst v9  }
0x1bf: {  	v9 =	vld.idx.msk [tilespmem:v63+s24+$0x0], $0xffff  }
0x1c0: {  	v8 =	vadd.s32 v7, v8;
	_ =	sdelay $0x3  }
0x1c1: {  	s5 =	sadd.s32 $0xFFFFFFFF, s2;
	[tilespmem:s16+$0x184A0] =	vst v9  }
0x1c2: {  	p2 =	sne.s32 s5, $0x0;
	v8 =	vld.idx.msk [tilespmem:v8+s24+$0x0], $0xffff  }
.Ltmp30:
0x1c3: {  	s26 =	sshll.u32 s29, $0x7;
	(pc) =	sbr.rel @!p2 .LBB2_31-.Ltmp30, $4  }
0x1c4: {  	p3 =	seq.s32 s29, $0x8;
	s4 =	sadd.s32 $0x1, s29;
	s29 =	spop (v2sf)  }
0x1c5: {  	s26 =	simm.s32 @p3 $0x0;
	s4 =	simm.s32 @p3 $0x1;
	s2 =	sshll.u32 s29, $0x4  }
0x1c6: {  	s26 =	sadd.s32 $0x18480, s26;
	[smem:$0x0] =	sst s4;
	s28 =	sand.u32 $0x1FFFFFF0, s2  }
0x1c7: {  	s2 =	simm.s32 $0x18381;
	s28 =	sadd.s32 s7, s28;
	[tilespmem:s16+$0x184B0] =	vst v8;
	s16 =	simm.s32 $0x18401  }
.LBB2_30:
0x1c8: {  	[hbm4b:s28+s6] =	stream.linear.scatter [tilespmem:s26], [sflag:$0x5], $0x80, $0x38;
	[tilespmem:$0x1B980] =	vst v63  }
0x1c9: {  	s5 =	sadd.s32 $0xFFFFFFFF, s5;
	v8 =	vld [tilespmem:s2+$0x0]  }
0x1ca: {  	p2 =	sne.s32 s5, $0x0;
	_ =	sdelay $0x3  }
0x1cb: {  	v8 =	vbroadcast v8, $0x0;
	_ =	sdelay $0x1  }
0x1cc: {  	v9 =	vshll.u32 v8, $0x3  }
0x1cd: {  	v8 =	vand.u32 $0x7F, v8;
	v9 =	vand.u32 $0xFFFFFC00, v9  }
0x1ce: {  	v8 =	vor.u32 v8, v9  }
0x1cf: {  	p3 =	sne.s32 s4, $0x8;
	s28 =	smov.u32 s4;
	v9 =	vadd.s32 v4, v8  }
0x1d0: {  	s26 =	simm.s32 @!p3 $0x5;
	s28 =	simm.s32 @!p3 $0x0;
	v10 =	vld [tilespmem:s16+$0x0]  }
0x1d1: {  	s29 =	sshll.u32 s4, $0x7;
	s28 =	sshll.u32 s28, $0x9;
	_ =	swait.ge @!p3 [sflag:s26], $0x400  }
0x1d2: {  	p4 =	seq.s32 s4, $0x8;
	s4 =	sadd.s32 $0x1, s4;
	[sflag:s26] =	ssyncset.done @!p3 $0x0  }
0x1d3: {  	s29 =	simm.s32 @p4 $0x0;
	s4 =	simm.s32 @p4 $0x1;
	[sflag:s26] =	ssyncadd.s32 @!p3 $0xFFFFFC00  }
0x1d4: {  	v9 =	vld.idx.msk [tilespmem:v9+s24+$0x0], $0xffff;
	[smem:$0x0] =	sst s4  }
0x1d5: {  	(v2sf) =	vpush v10, $0x0  }
0x1d6: {  	v10 =	vadd.s32 v5, v8;
	_ =	sdelay $0x2  }
0x1d7: {  	s26 =	sshra.s32 s28, $0x2  }
0x1d8: {  	[tilespmem:s26+$0x18480] =	vst v9  }
0x1d9: {  	v9 =	vld.idx.msk [tilespmem:v10+s24+$0x0], $0xffff;
	_ =	sdelay $0x1  }
0x1da: {  	v10 =	vadd.s32 v6, v8;
	_ =	sdelay $0x3  }
0x1db: {  	[tilespmem:s26+$0x18490] =	vst v9  }
0x1dc: {  	v9 =	vld.idx.msk [tilespmem:v10+s24+$0x0], $0xffff;
	_ =	sdelay $0x1  }
0x1dd: {  	v8 =	vadd.s32 v7, v8;
	s28 =	spop (v2sf)  }
0x1de: {  	s28 =	sshll.u32 s28, $0x4  }
0x1df: {  	s28 =	sand.u32 $0x1FFFFFF0, s28;
	_ =	sdelay $0x1  }
0x1e0: {  	[tilespmem:s26+$0x184A0] =	vst v9  }
0x1e1: {  	v8 =	vld.idx.msk [tilespmem:v8+s24+$0x0], $0xffff;
	_ =	sdelay $0x1  }
.Ltmp31:
0x1e2: {  	(pc) =	sbr.rel @p2 .LBB2_30-.Ltmp31, $3  }
0x1e3: {  	_ =	sdelay $0x1  }
0x1e4: {  	s2 =	sadd.s32 $0x1, s2  }
0x1e5: {  	s16 =	sadd.s32 $0x1, s16;
	s28 =	sadd.s32 s7, s28;
	[tilespmem:s26+$0x184B0] =	vst v8;
	s26 =	sadd.s32 $0x18480, s29  }
.Ltmp32:
0x1e6: {  	_ = 	snop;
	(pc) =	sbr.rel .LBB2_31-.Ltmp32, $1  }
0x1e7: {  	_ =	sdelay $0x3  }
.LBB2_34:
.Ltmp33:
0x1e8: {  	(pc) =	sbr.rel .LBB2_35-.Ltmp33, $3  }
0x1e9: {  	_ =	sdelay $0x1  }
0x1ea: {  	s0 =	sshll.u32 s0, $0x8  }
0x1eb: {  	s12 =	simm.s32 $0x0;
	s0 =	sand.u32 $0x3FFFFF00, s0  }
.LBB2_38:
0x1ec: {  	[hbm4b:s21+s6] =	stream.linear.scatter [tilespmem:s19], [sflag:$0x5], $0x80, $0x38;
	[tilespmem:$0x1B980] =	vst v63  }
.LBB2_39:
0x1ed: {  	s12 =	sadd.s32 $0x1, s12  }
0x1ee: {  	p2 =	sne.s32 s12, $0x10  }
.Ltmp34:
0x1ef: {  	_ = 	snop;
	(pc) =	sbr.rel @!p2 .LBB2_40-.Ltmp34, $1  }
0x1f0: {  	_ =	sdelay $0x3  }
.LBB2_35:
0x1f1: {  	s4 =	sshll.u32 s12, $0x4  }
0x1f2: {  	s2 =	sand.u32 $0x80, s4  }
0x1f3: {  	s5 =	sand.u32 $0x70, s4;
	s2 =	sadd.s32 s2, s0  }
0x1f4: {  	s2 =	sadd.s32 s5, s2  }
0x1f5: {  	v8 =	vld [tilespmem:s2+$0x0];
	_ =	sdelay $0x4  }
0x1f6: {  	vm0 =	vgt.s32 v8, $0xFFFFFFFF  }
0x1f7: {  	v9 =	vmpcnt.ones.xlane vm0;
	_ =	sdelay $0x1  }
0x1f8: {  	(v2sf) =	vpush v9, $0x0;
	_ =	sdelay $0xe  }
0x1f9: {  	s2 =	spop (v2sf)  }
0x1fa: {  	p2 =	slt.s32 s2, $0x1  }
.Ltmp35:
0x1fb: {  	_ = 	snop;
	(pc) =	sbr.rel @p2 .LBB2_39-.Ltmp35, $1  }
0x1fc: {  	_ =	sdelay $0x3  }
0x1fd: {  	v9 =	vor.u32 s4, v2;
	s26 =	simm.s32 $0x18380  }
0x1fe: {  	s5 =	simm.s32 $0x18400;
	[tilespmem:s26+$0x0] =	vst.msk vm0, v9  }
0x1ff: {  	[tilespmem:s5+$0x0] =	vst.msk vm0, v8  }
0x200: {  	v8 =	vld [tilespmem:s26+$0x0];
	_ =	sdelay $0x4  }
0x201: {  	v8 =	vbroadcast v8, $0x0;
	_ =	sdelay $0x1  }
0x202: {  	s28 =	sld [smem:$0x0];
	v62 =	vshll.u32 v8, $0x3  }
0x203: {  	v8 =	vand.u32 $0x7F, v8;
	v9 =	vand.u32 $0xFFFFFC00, v62  }
0x204: {  	v8 =	vor.u32 v8, v9  }
0x205: {  	p2 =	sne.s32 s28, $0x8;
	v9 =	vadd.s32 v4, v8  }
0x206: {  	v10 =	vld [tilespmem:s5+$0x0];
	s5 =	simm.s32 @!p2 $0x5  }
0x207: {  	_ =	swait.ge @!p2 [sflag:s5], $0x400  }
0x208: {  	[sflag:s5] =	ssyncset.done @!p2 $0x0  }
0x209: {  	[sflag:s5] =	ssyncadd.s32 @!p2 $0xFFFFFC00  }
0x20a: {  	v9 =	vld.idx.msk [tilespmem:v9+s25+$0x0], $0xffff  }
0x20b: {  	s5 =	smov.u32 s28;
	v11 =	vadd.s32 v5, v8  }
0x20c: {  	s5 =	simm.s32 @!p2 $0x0  }
0x20d: {  	s5 =	sshll.u32 s5, $0x9  }
0x20e: {  	s16 =	sshra.s32 s5, $0x2  }
0x20f: {  	(v2sf) =	vpush v10, $0x0;
	[tilespmem:s16+$0x18480] =	vst v9  }
0x210: {  	v9 =	vld.idx.msk [tilespmem:v11+s25+$0x0], $0xffff  }
0x211: {  	v63 =	vadd.s32 v6, v8;
	_ =	sdelay $0x3  }
0x212: {  	[tilespmem:s16+$0x18490] =	vst v9  }
0x213: {  	v9 =	vld.idx.msk [tilespmem:v63+s25+$0x0], $0xffff  }
0x214: {  	v8 =	vadd.s32 v7, v8;
	_ =	sdelay $0x3  }
0x215: {  	s5 =	sadd.s32 $0xFFFFFFFF, s2;
	[tilespmem:s16+$0x184A0] =	vst v9  }
0x216: {  	p2 =	sne.s32 s5, $0x0;
	v8 =	vld.idx.msk [tilespmem:v8+s25+$0x0], $0xffff  }
.Ltmp36:
0x217: {  	s19 =	sshll.u32 s28, $0x7;
	(pc) =	sbr.rel @!p2 .LBB2_38-.Ltmp36, $4  }
0x218: {  	p3 =	seq.s32 s28, $0x8;
	s4 =	sadd.s32 $0x1, s28;
	s29 =	spop (v2sf)  }
0x219: {  	s19 =	simm.s32 @p3 $0x0;
	s4 =	simm.s32 @p3 $0x1;
	s2 =	sshll.u32 s29, $0x4  }
0x21a: {  	s19 =	sadd.s32 $0x18480, s19;
	[smem:$0x0] =	sst s4;
	s21 =	sand.u32 $0x1FFFFFF0, s2  }
0x21b: {  	s2 =	simm.s32 $0x18381;
	s21 =	sadd.s32 s7, s21;
	[tilespmem:s16+$0x184B0] =	vst v8;
	s16 =	simm.s32 $0x18401  }
.LBB2_37:
0x21c: {  	[hbm4b:s21+s6] =	stream.linear.scatter [tilespmem:s19], [sflag:$0x5], $0x80, $0x38;
	[tilespmem:$0x1B980] =	vst v63  }
0x21d: {  	s5 =	sadd.s32 $0xFFFFFFFF, s5;
	v8 =	vld [tilespmem:s2+$0x0]  }
0x21e: {  	p2 =	sne.s32 s5, $0x0;
	_ =	sdelay $0x3  }
0x21f: {  	v8 =	vbroadcast v8, $0x0;
	_ =	sdelay $0x1  }
0x220: {  	v9 =	vshll.u32 v8, $0x3  }
0x221: {  	v8 =	vand.u32 $0x7F, v8;
	v9 =	vand.u32 $0xFFFFFC00, v9  }
0x222: {  	v8 =	vor.u32 v8, v9  }
0x223: {  	p3 =	sne.s32 s4, $0x8;
	s21 =	smov.u32 s4;
	v9 =	vadd.s32 v4, v8  }
0x224: {  	s19 =	simm.s32 @!p3 $0x5;
	s21 =	simm.s32 @!p3 $0x0;
	v10 =	vld [tilespmem:s16+$0x0]  }
0x225: {  	s26 =	sshll.u32 s4, $0x7;
	s21 =	sshll.u32 s21, $0x9;
	_ =	swait.ge @!p3 [sflag:s19], $0x400  }
0x226: {  	p4 =	seq.s32 s4, $0x8;
	s4 =	sadd.s32 $0x1, s4;
	[sflag:s19] =	ssyncset.done @!p3 $0x0  }
0x227: {  	s26 =	simm.s32 @p4 $0x0;
	s4 =	simm.s32 @p4 $0x1;
	[sflag:s19] =	ssyncadd.s32 @!p3 $0xFFFFFC00  }
0x228: {  	v9 =	vld.idx.msk [tilespmem:v9+s25+$0x0], $0xffff;
	[smem:$0x0] =	sst s4  }
0x229: {  	(v2sf) =	vpush v10, $0x0  }
0x22a: {  	v10 =	vadd.s32 v5, v8;
	_ =	sdelay $0x2  }
0x22b: {  	s19 =	sshra.s32 s21, $0x2  }
0x22c: {  	[tilespmem:s19+$0x18480] =	vst v9  }
0x22d: {  	v9 =	vld.idx.msk [tilespmem:v10+s25+$0x0], $0xffff;
	_ =	sdelay $0x1  }
0x22e: {  	v10 =	vadd.s32 v6, v8;
	_ =	sdelay $0x3  }
0x22f: {  	[tilespmem:s19+$0x18490] =	vst v9  }
0x230: {  	v9 =	vld.idx.msk [tilespmem:v10+s25+$0x0], $0xffff;
	_ =	sdelay $0x1  }
0x231: {  	v8 =	vadd.s32 v7, v8;
	s21 =	spop (v2sf)  }
0x232: {  	s21 =	sshll.u32 s21, $0x4  }
0x233: {  	s21 =	sand.u32 $0x1FFFFFF0, s21;
	_ =	sdelay $0x1  }
0x234: {  	[tilespmem:s19+$0x184A0] =	vst v9  }
0x235: {  	v8 =	vld.idx.msk [tilespmem:v8+s25+$0x0], $0xffff;
	_ =	sdelay $0x1  }
.Ltmp37:
0x236: {  	(pc) =	sbr.rel @p2 .LBB2_37-.Ltmp37, $3  }
0x237: {  	_ =	sdelay $0x1  }
0x238: {  	s2 =	sadd.s32 $0x1, s2  }
0x239: {  	s16 =	sadd.s32 $0x1, s16;
	s21 =	sadd.s32 s7, s21;
	[tilespmem:s19+$0x184B0] =	vst v8;
	s19 =	sadd.s32 $0x18480, s26  }
.Ltmp38:
0x23a: {  	_ = 	snop;
	(pc) =	sbr.rel .LBB2_38-.Ltmp38, $1  }
0x23b: {  	_ =	sdelay $0x3  }
.LBB2_42:
.Ltmp39:
0x23c: {  	(pc) =	sbr.rel @!p5 .LBB2_43-.Ltmp39, $2  }
0x23d: {  	_ =	sdelay $0x2  }
0x23e: {  	s0 =	simm.s32 $0x0  }
.LBB2_48:
0x23f: {  	s0 =	sld [smem:$0x0];
	_ =	sdelay $0x2  }
0x240: {  	p1 =	slt.s32 s0, $0x1  }
0x241: {  	s2 =	simm.s32 @!p1 $0x5  }
0x242: {  	p2 =	seq.s32 @!p1 s0, $0x1;
	_ =	swait.ge @!p1 [sflag:s2], $0x80  }
0x243: {  	p2 =	por p1, p2;
	[sflag:s2] =	ssyncset.done @!p1 $0x0  }
0x244: {  	[sflag:s2] =	ssyncadd.s32 @!p1 $0xFFFFFF80;
	p1 =	slt.u32 @!p2 s0, $0x3  }
0x245: {  	p1 =	por p2, p1  }
.Ltmp40:
0x246: {  	_ = 	snop;
	(pc) =	sbr.rel @p1 .LBB2_50-.Ltmp40, $4  }
0x247: {  	s2 =	simm.s32 @!p2 $0x5  }
0x248: {  	_ =	swait.ge @!p2 [sflag:s2], $0x80  }
0x249: {  	[sflag:s2] =	ssyncset.done @!p2 $0x0  }
0x24a: {  	[sflag:s2] =	ssyncadd.s32 @!p2 $0xFFFFFF80  }
0x24b: {  	p1 =	seq.s32 s0, $0x3  }
0x24c: {  	p2 =	slt.u32 @!p1 s0, $0x5  }
0x24d: {  	s2 =	simm.s32 $0x5;
	p3 =	por p2, p1  }
0x24e: {  	_ =	swait.ge [sflag:s2], $0x80;
	p4 =	seq.s32 @!p3 s0, $0x5  }
0x24f: {  	[sflag:s2] =	ssyncset.done $0x0;
	s4 =	simm.s32 @!p4 $0x0;
	p5 =	por @!p1 p4, p2  }
0x250: {  	[sflag:s2] =	ssyncadd.s32 $0xFFFFFF80;
	s4 =	simm.s32 @p4 $0x1;
	p5 =	por p5, p1  }
0x251: {  	s2 =	simm.s32 @!p1 $0x5;
	[smem:$0x7FC] =	sst s4;
	p0 =	slt.u32 @!p5 s0, $0x7  }
0x252: {  	_ =	swait.ge @!p1 [sflag:s2], $0x80;
	s4 =	simm.s32 @!p0 $0x0  }
0x253: {  	[sflag:s2] =	ssyncset.done @!p1 $0x0;
	s4 =	simm.s32 @p0 $0x1  }
0x254: {  	[sflag:s2] =	ssyncadd.s32 @!p1 $0xFFFFFF80;
	s2 =	simm.s32 @!p3 $0x5;
	[smem:$0x7FB] =	sst s4  }
0x255: {  	_ =	swait.ge @!p3 [sflag:s2], $0x80  }
0x256: {  	[sflag:s2] =	ssyncset.done @!p3 $0x0  }
0x257: {  	[sflag:s2] =	ssyncadd.s32 @!p3 $0xFFFFFF80;
	s2 =	simm.s32 @!p5 $0x5  }
0x258: {  	_ =	swait.ge @!p5 [sflag:s2], $0x80  }
0x259: {  	p0 =	por @!p3 p0, p4;
	s26 =	sld [smem:$0x7FB]  }
0x25a: {  	p0 =	por @!p1 p0, p2;
	s29 =	sld [smem:$0x7FC]  }
0x25b: {  	p0 =	por p0, p1  }
0x25c: {  	p6 =	seq.s32 @!p0 s0, $0x7;
	p4 =	seq.s32 s26, $0x1  }
0x25d: {  	[sflag:s2] =	ssyncset.done @!p5 $0x0;
	p6 =	por @!p5 p6, p4;
	p4 =	seq.s32 s29, $0x1  }
0x25e: {  	s0 =	simm.s32 @!p0 $0x5;
	[sflag:s2] =	ssyncadd.s32 @!p5 $0xFFFFFF80;
	p3 =	por @!p3 p6, p4  }
0x25f: {  	s28 =	sld [smem:$0x7FD];
	_ =	swait.ge @!p0 [sflag:s0], $0x80;
	p2 =	por @!p1 p3, p2  }
0x260: {  	[sflag:s0] =	ssyncset.done @!p0 $0x0;
	p1 =	por p2, p1  }
0x261: {  	[sflag:s0] =	ssyncadd.s32 @!p0 $0xFFFFFF80;
	s0 =	simm.s32 @!p1 $0x5  }
0x262: {  	_ =	swait.ge @!p1 [sflag:s0], $0x80  }
0x263: {  	[sflag:s0] =	ssyncset.done @!p1 $0x0  }
0x264: {  	p5 =	seq.s32 s28, $0x1;
	[sflag:s0] =	ssyncadd.s32 @!p1 $0xFFFFFF80  }
.LBB2_50:
0x265: {  	p0 =	sgt.s32 s13, $0x0  }
.Ltmp41:
0x266: {  	_ = 	snop;
	(pc) =	sbr.rel @!p0 .LBB2_51-.Ltmp41, $2  }
0x267: {  	_ =	sdelay $0x2  }
0x268: {  	s0 =	simm.s32 $0x0  }
.LBB2_57:
0x269: {  	s2 =	sshll.u32 s0, $0x9  }
0x26a: {  	s2 =	sand.u32 $0x1FFFFE00, s2  }
0x26b: {  	s5 =	simm.s32 $0x80;
	s11 =	simm.s32 $0x100;
	s4 =	sadd.s32 s8, s2  }
0x26c: {  	[tilespmem:s17], [sflag:$0x7] =	stream.strided.gather [hbm4b:s4+s5], $0x800, s11, s5, $0x38;
	[tilespmem:$0x1B980] =	vst v63  }
0x26d: {  	_ =	swait.ge [sflag:s20], $0x800  }
0x26e: {  	[sflag:s20] =	ssyncset.done $0x0  }
0x26f: {  	s2 =	sadd.s32 s2, s9;
	[sflag:s20] =	ssyncadd.s32 $0xFFFFF800  }
0x270: {  	[tilespmem:s18], [sflag:$0x7] =	stream.strided.gather [hbm4b:s2+s5], $0x800, s11, s5, $0x38;
	[tilespmem:$0x1B980] =	vst v63  }
0x271: {  	_ =	swait.ge [sflag:s20], $0x800  }
0x272: {  	[sflag:s20] =	ssyncset.done $0x0  }
0x273: {  	s19 =	simm.s32 $0x0;
	[sflag:s20] =	ssyncadd.s32 $0xFFFFF800  }
0x274: {  	v8 =	vld [tilespmem:s19+$0x1B100]  }
0x275: {  	v9 =	vld [tilespmem:s19+$0x1A880];
	_ =	sdelay $0x3  }
0x276: {  	(v2sf) =	vpush v8, $0x0  }
0x277: {  	(v2sf) =	vpush v9, $0x0;
	_ =	sdelay $0xd  }
0x278: {  	s21 =	spop (v2sf)  }
0x279: {  	s26 =	spop (v2sf)  }
0x27a: {  	s28 =	stileid.u32;
	s2 =	sshll.u32 s21, $0x4;
	s4 =	sshll.u32 s26, $0x4  }
0x27b: {  	s5 =	sshll.u32 s28, $0x6;
	s2 =	sand.u32 $0x1FFFFFF0, s2;
	s4 =	sand.u32 $0x1FFFFFF0, s4  }
0x27c: {  	s29 =	sadd.s32 s7, s2;
	s2 =	sor.u32 $0x1C06, s5;
	s4 =	sadd.s32 s7, s4  }
0x27d: {  	[hbm:s29], [sflag:s2] =	dma.local [hbm:s4], $0x10  }
0x27e: {  	s4 =	simm.s32 $0x4;
	_ =	swait.ge [sflag:s31], $0x10  }
.LBB2_58:
0x27f: {  	p1 =	sne.s32 s4, $0x1FFC  }
0x280: {  	[sflag:s31] =	ssyncset.done $0x0;
	s5 =	smov.u32 s4;
	s4 =	sadd.s32 $0x4, s4  }
0x281: {  	s5 =	sshra.s32 s5, $0x2;
	[sflag:s31] =	ssyncadd.s32 $0xFFFFFFF0  }
0x282: {  	v8 =	vld [tilespmem:s5+$0x1B100]  }
0x283: {  	v9 =	vld [tilespmem:s5+$0x1A880];
	_ =	sdelay $0x3  }
0x284: {  	(v2sf) =	vpush v8, $0x0  }
0x285: {  	(v2sf) =	vpush v9, $0x0;
	_ =	sdelay $0xd  }
0x286: {  	s5 =	spop (v2sf)  }
0x287: {  	s5 =	sshll.u32 s5, $0x4;
	s11 =	spop (v2sf)  }
.Ltmp42:
0x288: {  	s11 =	sshll.u32 s11, $0x4;
	s5 =	sand.u32 $0x1FFFFFF0, s5;
	(pc) =	sbr.rel @p1 .LBB2_58-.Ltmp42, $4  }
0x289: {  	s11 =	sand.u32 $0x1FFFFFF0, s11;
	s5 =	sadd.s32 s7, s5  }
0x28a: {  	s11 =	sadd.s32 s7, s11  }
0x28b: {  	[hbm:s5], [sflag:s2] =	dma.local [hbm:s11], $0x10  }
0x28c: {  	_ =	swait.ge [sflag:s31], $0x10  }
0x28d: {  	s0 =	sadd.s32 $0x1, s0  }
0x28e: {  	p0 =	seq.s32 s0, s13  }
.Ltmp43:
0x28f: {  	_ = 	snop;
	(pc) =	sbr.rel @!p0 .LBB2_57-.Ltmp43, $3  }
0x290: {  	_ =	sdelay $0x1  }
0x291: {  	[sflag:s31] =	ssyncset.done $0x0  }
0x292: {  	[sflag:s31] =	ssyncadd.s32 $0xFFFFFFF0  }
.LBB2_51:
0x293: {  	p0 =	sgt.s32 s15, $0x0  }
.Ltmp44:
0x294: {  	_ = 	snop;
	(pc) =	sbr.rel @!p0 .LBB2_55-.Ltmp44, $2  }
0x295: {  	_ =	sdelay $0x2  }
0x296: {  	s2 =	rddreg [dreg:$0xa]  }
0x297: {  	s0 =	simm.s32 $0x1B100  }
0x298: {  	s2 =	simm.s32 $0x1A880;
	v8 =	vld [tilespmem:s0+$0x0]  }
0x299: {  	v9 =	vld [tilespmem:s2+$0x0];
	_ =	sdelay $0x3  }
0x29a: {  	(v2sf) =	vpush v8, $0x0  }
0x29b: {  	(v2sf) =	vpush v9, $0x0;
	_ =	sdelay $0xd  }
0x29c: {  	s4 =	spop (v2sf)  }
0x29d: {  	s11 =	stileid.u32;
	p0 =	sne.s32 s15, $0x1;
	s5 =	spop (v2sf)  }
0x29e: {  	s11 =	sshll.u32 s11, $0x6;
	s4 =	sshll.u32 s4, $0x4;
	s5 =	sshll.u32 s5, $0x4  }
.Ltmp45:
0x29f: {  	s4 =	sand.u32 $0x1FFFFFF0, s4;
	s5 =	sand.u32 $0x1FFFFFF0, s5;
	(pc) =	sbr.rel @!p0 .LBB2_54-.Ltmp45, $4  }
0x2a0: {  	s12 =	sadd.s32 s7, s4;
	s4 =	sor.u32 $0x1C06, s11;
	s5 =	sadd.s32 s7, s5  }
0x2a1: {  	[hbm:s12], [sflag:s4] =	dma.local [hbm:s5], $0x10  }
0x2a2: {  	_ =	swait.ge [sflag:s31], $0x10  }
0x2a3: {  	s5 =	sadd.s32 $0xFFFFFFFF, s15;
	[sflag:s31] =	ssyncset.done $0x0  }
.LBB2_53:
0x2a4: {  	[sflag:s31] =	ssyncadd.s32 $0xFFFFFFF0;
	s0 =	sadd.s32 $0x1, s0;
	s2 =	sadd.s32 $0x1, s2  }
0x2a5: {  	p1 =	sne.s32 s5, $0x1;
	s5 =	sadd.s32 $0xFFFFFFFF, s5;
	v8 =	vld [tilespmem:s0+$0x0]  }
0x2a6: {  	v9 =	vld [tilespmem:s2+$0x0];
	_ =	sdelay $0x3  }
0x2a7: {  	(v2sf) =	vpush v8, $0x0  }
0x2a8: {  	(v2sf) =	vpush v9, $0x0;
	_ =	sdelay $0xd  }
0x2a9: {  	s11 =	spop (v2sf)  }
0x2aa: {  	s11 =	sshll.u32 s11, $0x4;
	s12 =	spop (v2sf)  }
0x2ab: {  	s12 =	sshll.u32 s12, $0x4;
	s11 =	sand.u32 $0x1FFFFFF0, s11  }
.Ltmp46:
0x2ac: {  	s12 =	sand.u32 $0x1FFFFFF0, s12;
	(pc) =	sbr.rel @p1 .LBB2_53-.Ltmp46, $4  }
0x2ad: {  	s11 =	sadd.s32 s7, s11;
	s12 =	sadd.s32 s7, s12  }
0x2ae: {  	[hbm:s11], [sflag:s4] =	dma.local [hbm:s12], $0x10  }
0x2af: {  	_ =	swait.ge [sflag:s31], $0x10  }
0x2b0: {  	[sflag:s31] =	ssyncset.done $0x0  }
.Ltmp47:
0x2b1: {  	_ = 	snop;
	(pc) =	sbr.rel .LBB2_54-.Ltmp47, $1  }
0x2b2: {  	_ =	sdelay $0x3  }
.LBB2_46:
0x2b3: {  	[hbm4b:s14+s6] =	stream.linear.scatter [tilespmem:s12], [sflag:$0x5], $0x80, $0x38;
	[tilespmem:$0x1B980] =	vst v63  }
.LBB2_47:
0x2b4: {  	s0 =	sadd.s32 $0x1, s0  }
0x2b5: {  	p1 =	sne.s32 s0, $0x10  }
.Ltmp48:
0x2b6: {  	_ = 	snop;
	(pc) =	sbr.rel @!p1 .LBB2_48-.Ltmp48, $1  }
0x2b7: {  	_ =	sdelay $0x3  }
.LBB2_43:
0x2b8: {  	s4 =	sshll.u32 s0, $0x4  }
0x2b9: {  	s2 =	sand.u32 $0xF0, s4  }
0x2ba: {  	v8 =	vld [tilespmem:s2+$0x7A00];
	_ =	sdelay $0x4  }
0x2bb: {  	vm0 =	vgt.s32 v8, $0xFFFFFFFF  }
0x2bc: {  	v9 =	vmpcnt.ones.xlane vm0;
	_ =	sdelay $0x1  }
0x2bd: {  	(v2sf) =	vpush v9, $0x0;
	_ =	sdelay $0xe  }
0x2be: {  	s2 =	spop (v2sf)  }
0x2bf: {  	p1 =	slt.s32 s2, $0x1  }
.Ltmp49:
0x2c0: {  	_ = 	snop;
	(pc) =	sbr.rel @p1 .LBB2_47-.Ltmp49, $1  }
0x2c1: {  	_ =	sdelay $0x3  }
0x2c2: {  	v9 =	vor.u32 s4, v2;
	s21 =	simm.s32 $0x18380  }
0x2c3: {  	s5 =	simm.s32 $0x18400;
	[tilespmem:s21+$0x0] =	vst.msk vm0, v9  }
0x2c4: {  	[tilespmem:s5+$0x0] =	vst.msk vm0, v8  }
0x2c5: {  	v8 =	vld [tilespmem:s21+$0x0];
	_ =	sdelay $0x4  }
0x2c6: {  	(v2sf) =	vpush v8, $0x0;
	_ =	sdelay $0x7  }
0x2c7: {  	v8 =	vld [tilespmem:s5+$0x0]  }
0x2c8: {  	s4 =	sld [smem:$0x0];
	_ =	sdelay $0x2  }
0x2c9: {  	p2 =	sne.s32 s4, $0x8  }
0x2ca: {  	s5 =	simm.s32 @!p2 $0x5;
	(v2sf) =	vpush v8, $0x0  }
0x2cb: {  	_ =	swait.ge @!p2 [sflag:s5], $0x400  }
0x2cc: {  	s11 =	spop (v2sf)  }
0x2cd: {  	[sflag:s5] =	ssyncset.done @!p2 $0x0;
	s11 =	sshll.u32 s11, $0x9  }
0x2ce: {  	[sflag:s5] =	ssyncadd.s32 @!p2 $0xFFFFFC00;
	s26 =	sshra.s32 s11, $0x2  }
0x2cf: {  	v8 =	vld [tilespmem:s26+$0x18880]  }
0x2d0: {  	s12 =	sshll.u32 s4, $0x7  }
0x2d1: {  	p1 =	seq.s32 s4, $0x8;
	s11 =	sadd.s32 $0x1, s4;
	s4 =	simm.s32 @!p2 $0x0  }
0x2d2: {  	s4 =	sshll.u32 s4, $0x9  }
0x2d3: {  	s14 =	sshra.s32 s4, $0x2  }
0x2d4: {  	[tilespmem:s14+$0x18480] =	vst v8  }
0x2d5: {  	v8 =	vld [tilespmem:s26+$0x18890];
	_ =	sdelay $0x4  }
0x2d6: {  	[tilespmem:s14+$0x18490] =	vst v8  }
0x2d7: {  	v8 =	vld [tilespmem:s26+$0x188A0];
	_ =	sdelay $0x4  }
0x2d8: {  	s4 =	sadd.s32 $0xFFFFFFFF, s2;
	[tilespmem:s14+$0x184A0] =	vst v8  }
0x2d9: {  	p2 =	sne.s32 s4, $0x0;
	v8 =	vld [tilespmem:s26+$0x188B0]  }
.Ltmp50:
0x2da: {  	_ = 	snop;
	(pc) =	sbr.rel @!p2 .LBB2_46-.Ltmp50, $4  }
0x2db: {  	s12 =	simm.s32 @p1 $0x0;
	s28 =	spop (v2sf)  }
0x2dc: {  	s12 =	sadd.s32 $0x18480, s12;
	s2 =	sshll.u32 s28, $0x4  }
0x2dd: {  	s5 =	simm.s32 $0x18401;
	s11 =	simm.s32 @p1 $0x1;
	s29 =	sand.u32 $0x1FFFFFF0, s2  }
0x2de: {  	[smem:$0x0] =	sst s11;
	s2 =	simm.s32 $0x18381;
	[tilespmem:s14+$0x184B0] =	vst v8;
	s14 =	sadd.s32 s7, s29  }
.LBB2_45:
0x2df: {  	[hbm4b:s14+s6] =	stream.linear.scatter [tilespmem:s12], [sflag:$0x5], $0x80, $0x38;
	[tilespmem:$0x1B980] =	vst v63  }
0x2e0: {  	s4 =	sadd.s32 $0xFFFFFFFF, s4;
	v8 =	vld [tilespmem:s2+$0x0]  }
0x2e1: {  	p1 =	sne.s32 s4, $0x0;
	v9 =	vld [tilespmem:s5+$0x0];
	_ =	sdelay $0x3  }
0x2e2: {  	(v2sf) =	vpush v8, $0x0  }
0x2e3: {  	(v2sf) =	vpush v9, $0x0;
	_ =	sdelay $0xb  }
0x2e4: {  	p2 =	sne.s32 s11, $0x8;
	s12 =	sshll.u32 s11, $0x7;
	s16 =	sadd.s32 $0x1, s11  }
0x2e5: {  	p3 =	seq.s32 s11, $0x8;
	s14 =	simm.s32 @!p2 $0x5;
	s11 =	simm.s32 @!p2 $0x0  }
0x2e6: {  	_ =	swait.ge @!p2 [sflag:s14], $0x400  }
0x2e7: {  	s16 =	simm.s32 @p3 $0x1;
	s19 =	spop (v2sf)  }
0x2e8: {  	[sflag:s14] =	ssyncset.done @!p2 $0x0;
	s19 =	sshll.u32 s19, $0x9;
	s21 =	spop (v2sf)  }
0x2e9: {  	[sflag:s14] =	ssyncadd.s32 @!p2 $0xFFFFFC00;
	s14 =	sshra.s32 s19, $0x2;
	s19 =	sshll.u32 s21, $0x4  }
0x2ea: {  	s12 =	simm.s32 @p3 $0x0;
	v8 =	vld [tilespmem:s14+$0x18880];
	s19 =	sand.u32 $0x1FFFFFF0, s19;
	[smem:$0x0] =	sst s16  }
0x2eb: {  	_ =	sdelay $0x1  }
0x2ec: {  	s11 =	sshll.u32 s11, $0x9  }
0x2ed: {  	s11 =	sshra.s32 s11, $0x2  }
0x2ee: {  	[tilespmem:s11+$0x18480] =	vst v8  }
0x2ef: {  	v8 =	vld [tilespmem:s14+$0x18890];
	_ =	sdelay $0x4  }
0x2f0: {  	[tilespmem:s11+$0x18490] =	vst v8  }
0x2f1: {  	v8 =	vld [tilespmem:s14+$0x188A0];
	_ =	sdelay $0x4  }
0x2f2: {  	[tilespmem:s11+$0x184A0] =	vst v8  }
0x2f3: {  	v8 =	vld [tilespmem:s14+$0x188B0]  }
.Ltmp51:
0x2f4: {  	(pc) =	sbr.rel @p1 .LBB2_45-.Ltmp51, $3  }
0x2f5: {  	_ =	sdelay $0x1  }
0x2f6: {  	s2 =	sadd.s32 $0x1, s2;
	s12 =	sadd.s32 $0x18480, s12  }
0x2f7: {  	s5 =	sadd.s32 $0x1, s5;
	s14 =	sadd.s32 s7, s19;
	[tilespmem:s11+$0x184B0] =	vst v8;
	s11 =	smov.u32 s16  }
.Ltmp52:
0x2f8: {  	_ = 	snop;
	(pc) =	sbr.rel .LBB2_46-.Ltmp52, $1  }
0x2f9: {  	_ =	sdelay $0x3  }
.LBB2_56:
0x2fa: {  	_ =	sfence.sel $0x180000  }
0x2fb: {  	[bflag:$0x0] =	sbarrier.arrive $0xFFFF  }
0x2fc: {  	_ =	strace $0x90000047  }
0x2fd: {  	s0 =	stileid.u32;
	[bflag:$0x2] =	sbarrier.arrive $0xFFFF  }
0x2fe: {  	p0 =	sne.s32 s0, $0x0;
	s0 =	rddreg [dreg:$0x4]  }
0x2ff: {  	s0 =	sadd.s32 @!p0 $0x100000, s0  }
0x300: {  	[sflag:s0] =	ssyncadd.tile.s32 @!p0 $0x1;
	_ =	shalt  }
.Lfunc_end2:
_tile_overlayer_lowered:
.L_overlay_start_2:
0x301: {  	(tag) =	ssettag $0x2  }
0x302: {  	s0 =	rddreg [dreg:$0x0];
	s2 =	stileid.u32  }
0x303: {  	s1 =	rddreg [dreg:$0x1];
	p0 =	sne.s32 s2, $0x0  }
0x304: {  	s3 =	rddreg [dreg:$0x2];
	[bflag:$0x3] =	sbarrier.arrive $0xFFFF;
	s2 =	simm.s32 @!p0 $0x1C07  }
0x305: {  	[timem:s3], [sflag:s2] =	dma.local @!p0 [hbm:s0], s1  }
0x306: {  	s0 =	simm.s32 @!p0 $0x7  }
0x307: {  	_ =	swait.ge @!p0 [sflag:s0], s1  }
0x308: {  	s1 =	ssub.s32 @!p0 $0x0, s1;
	[sflag:s0] =	ssyncset.done @!p0 $0x0  }
0x309: {  	[sflag:s0] =	ssyncadd.s32 @!p0 s1  }
0x30a: {  	[bflag:$0x3] =	sbarrier.arrive $0xFFFF  }
0x30b: {  	_ =	shalt  }

// kernel: _conditioner.7.cloned.1.call-start
scs
__scs_entry_jumppad:
0x0: {  	(pc) =	sbr.rel $0x88, $3  }
0x1: {  	(tag) =	ssettag $0x0;
	lr =	simm.s32 $0x1  }
0x2: {  	[smem:$0x3F9D] =	sst lr;
	_ =	strace $0xD0000000  }
0x3: {  	_ = 	snop  }
0x4: {  	_ = 	snop  }
0x5: {  	_ = 	snop  }
0x6: {  	_ = 	snop  }
0x7: {  	_ = 	snop  }
__scs_overlays_trampoline_lowered:
0x8: {  	[smem:$0x3FAC] =	sst s0  }
0x9: {  	[smem:$0x3FAD] =	sst s1  }
0xa: {  	[smem:$0x3FAE] =	sst s2  }
0xb: {  	[smem:$0x3FAF] =	sst s3  }
0xc: {  	[smem:$0x3FB0] =	sst s4  }
0xd: {  	[smem:$0x3FB1] =	sst s5  }
0xe: {  	[smem:$0x3FB2] =	sst s6  }
0xf: {  	[smem:$0x3FB3] =	sst s7  }
0x10: {  	[smem:$0x3FB4] =	sst s8  }
0x11: {  	[smem:$0x3FB5] =	sst s9;
	s0 =	simm.s32 @!p0 $0x0  }
0x12: {  	s1 =	sld [smem:$0x3F9B];
	s0 =	simm.s32 @p0 $0x1  }
0x13: {  	[smem:$0x3FB6] =	sst s0;
	s0 =	simm.s32 @!p1 $0x0  }
0x14: {  	s2 =	sld [smem:$0x3F9A];
	s0 =	simm.s32 @p1 $0x1  }
0x15: {  	[smem:$0x3FB7] =	sst s0;
	s0 =	simm.s32 @!p2 $0x0  }
0x16: {  	s3 =	sld [smem:$0x3FDB];
	s0 =	simm.s32 @p2 $0x1  }
0x17: {  	s4 =	simm.s32 $0x1BF5;
	[smem:$0x3FB9] =	sst s0  }
0x18: {  	s0 =	sld [smem:$0x3F9C];
	_ =	swait.ge [sflag:s4], $0x0  }
0x19: {  	s7 =	sld [smem:$0x3F9D]  }
0x1a: {  	s8 =	sadd.s32 $0xFFFFE003, lr  }
0x1b: {  	s9 =	sadd.s32 $0xFFFFFEF7, lr;
	s5 =	simm.s32 $0xFFFFFFFF;
	p2 =	slt.u32 s8, $0xFFFFF086  }
0x1c: {  	p1 =	slt.u32 s9, $0xF7A;
	s5 =	simm.s32 @!p2 $0x0  }
0x1d: {  	s5 =	simm.s32 @p1 $0x1;
	p0 =	seq.s32 s7, s2  }
0x1e: {  	s7 =	smul.u32 @!p0 $0xF7A, s2;
	p2 =	seq.s32 @!p0 s5, $0x0  }
0x1f: {  	s9 =	smul.u32 $0xF7A, s1;
	s8 =	simm.s32 @!p0 $0x1BF5;
	p2 =	por !p2, p0  }
0x20: {  	[sflag:s8] =	ssyncset.s32 @!p0 $0xFFFFF086;
	s6 =	sadd.s32 @!p0 s3, s7;
	s7 =	simm.s32 @!p0 $0x108  }
0x21: {  	s3 =	sadd.s32 s3, s9;
	s6 =	sadd.s32 @!p0 $0x88, s6;
	s7 =	simm.s32 @p2 $0x1082  }
0x22: {  	[simem:s7], [sflag:s8] =	dma.local @!p0 [hbm:s6], $0xF7A  }
0x23: {  	s9 =	sor.u32 $0xD0000000, s2;
	s6 =	simm.s32 $0x108;
	_ =	swait.ge @!p0 [sflag:s8], $0x0  }
0x24: {  	s3 =	sadd.s32 $0x88, s3;
	s6 =	simm.s32 @!p1 $0x1082;
	[sflag:s4] =	ssyncset.s32 $0xFFFFF086  }
0x25: {  	[simem:s6], [sflag:s4] =	dma.local [hbm:s3], $0xF7A  }
0x26: {  	[smem:$0x3F9D] =	sst s1;
	(tag) =	ssettag s2;
	_ =	strace s9  }
0x27: {  	s1 =	sld [smem:$0x3FAD]  }
0x28: {  	s2 =	sld [smem:$0x3FAE]  }
0x29: {  	s4 =	sld [smem:$0x3FB0]  }
0x2a: {  	p0 =	seq.s32 s5, $0x0;
	s5 =	sld [smem:$0x3FB1]  }
0x2b: {  	s6 =	sld [smem:$0x3FB2]  }
0x2c: {  	s7 =	sld [smem:$0x3FB3]  }
0x2d: {  	s3 =	simm.s32 $0x108;
	s8 =	sld [smem:$0x3FB4]  }
0x2e: {  	s3 =	simm.s32 @!p0 $0x1082;
	s9 =	sld [smem:$0x3FB5]  }
0x2f: {  	lr =	sadd.s32 s0, s3;
	s0 =	sld [smem:$0x3FAC]  }
0x30: {  	s3 =	sld [smem:$0x3FAF]  }
0x31: {  	[smem:$0x3FB8] =	sst s10  }
0x32: {  	s10 =	sld [smem:$0x3FB6];
	_ =	sdelay $0x3  }
0x33: {  	p0 =	seq.s32 s10, $0x1;
	s10 =	sld [smem:$0x3FB8];
	_ =	sdelay $0x3  }
0x34: {  	[smem:$0x3FB8] =	sst s10  }
0x35: {  	s10 =	sld [smem:$0x3FB7];
	_ =	sdelay $0x3  }
0x36: {  	p1 =	seq.s32 s10, $0x1;
	s10 =	sld [smem:$0x3FB8];
	_ =	sdelay $0x3  }
0x37: {  	[smem:$0x3FB8] =	sst s10  }
0x38: {  	s10 =	sld [smem:$0x3FB9]  }
0x39: {  	_ = 	snop;
	(pc) =	sbr.ind lr, $3  }
0x3a: {  	_ = 	snop  }
0x3b: {  	_ = 	snop  }
0x3c: {  	p2 =	seq.s32 s10, $0x1;
	s10 =	sld [smem:$0x3FB8]  }
0x3d: {  	_ =	shalt  }
0x3e: {  	_ =	shalt  }
0x3f: {  	_ =	shalt  }
0x40: {  	_ =	shalt  }
0x41: {  	_ =	shalt  }
0x42: {  	_ =	shalt  }
0x43: {  	_ =	shalt  }
0x44: {  	_ =	shalt  }
0x45: {  	_ =	shalt  }
0x46: {  	_ =	shalt  }
0x47: {  	_ =	shalt  }
0x48: {  	_ =	shalt  }
0x49: {  	_ =	shalt  }
0x4a: {  	_ =	shalt  }
0x4b: {  	_ =	shalt  }
0x4c: {  	_ =	shalt  }
0x4d: {  	_ =	shalt  }
0x4e: {  	_ =	shalt  }
0x4f: {  	_ =	shalt  }
0x50: {  	_ =	shalt  }
0x51: {  	_ =	shalt  }
0x52: {  	_ =	shalt  }
0x53: {  	_ =	shalt  }
0x54: {  	_ =	shalt  }
0x55: {  	_ =	shalt  }
0x56: {  	_ =	shalt  }
0x57: {  	_ =	shalt  }
0x58: {  	_ =	shalt  }
0x59: {  	_ =	shalt  }
0x5a: {  	_ =	shalt  }
0x5b: {  	_ =	shalt  }
0x5c: {  	_ =	shalt  }
0x5d: {  	_ =	shalt  }
0x5e: {  	_ =	shalt  }
0x5f: {  	_ =	shalt  }
0x60: {  	_ =	shalt  }
0x61: {  	_ =	shalt  }
0x62: {  	_ =	shalt  }
0x63: {  	_ =	shalt  }
0x64: {  	_ =	shalt  }
0x65: {  	_ =	shalt  }
0x66: {  	_ =	shalt  }
0x67: {  	_ =	shalt  }
0x68: {  	_ =	shalt  }
0x69: {  	_ =	shalt  }
0x6a: {  	_ =	shalt  }
0x6b: {  	_ =	shalt  }
0x6c: {  	_ =	shalt  }
0x6d: {  	_ =	shalt  }
0x6e: {  	_ =	shalt  }
0x6f: {  	_ =	shalt  }
0x70: {  	_ =	shalt  }
0x71: {  	_ =	shalt  }
0x72: {  	_ =	shalt  }
0x73: {  	_ =	shalt  }
0x74: {  	_ =	shalt  }
0x75: {  	_ =	shalt  }
0x76: {  	_ =	shalt  }
0x77: {  	_ =	shalt  }
0x78: {  	_ =	shalt  }
0x79: {  	_ =	shalt  }
0x7a: {  	_ =	shalt  }
0x7b: {  	_ =	shalt  }
0x7c: {  	_ =	shalt  }
0x7d: {  	_ =	shalt  }
0x7e: {  	_ =	shalt  }
0x7f: {  	_ =	shalt  }
0x80: {  	_ =	shalt  }
0x81: {  	_ =	shalt  }
0x82: {  	_ =	shalt  }
0x83: {  	_ =	shalt  }
0x84: {  	_ =	shalt  }
0x85: {  	_ =	shalt  }
0x86: {  	_ =	shalt  }
0x87: {  	_ =	shalt  }
.Lfunc_end0:
.L_simem_size_0:
called_computation.1_lowered:
.L_overlay_start_0:
0x88: {  	s2 =	sld [smem:$0x3FD9]  }
0x89: {  	s3 =	sld [smem:$0x3FFE];
	_ =	sdelay $0x1  }
0x8a: {  	s1 =	srdreg.scid  }
0x8b: {  	s0 =	sand.u32 $0x1, s1  }
0x8c: {  	s17 =	sshll.u32 s0, $0xA;
	s2 =	sadd.s32 s3, s2  }
0x8d: {  	s2 =	sadd.s32 s2, s17  }
0x8e: {  	[smem:$0x3FC4] =	sst s2  }
0x8f: {  	_ = 	snop  }
0x90: {  	s2 =	sld [smem:$0x3FD0];
	(tm) =	ssettm $0x1  }
0x91: {  	s18 =	sld [smem:$0x3FFB];
	_ =	sdelay $0x3  }
0x92: {  	_ =	strace s18  }
0x93: {  	s3 =	sld [smem:$0x3FFC];
	_ =	sdelay $0x3  }
0x94: {  	_ =	strace s3  }
0x95: {  	s3 =	sld [smem:$0x3FFD];
	_ =	sdelay $0x3  }
0x96: {  	_ =	strace s3  }
0x97: {  	_ =	strace $0x8FFFFFFF  }
0x98: {  	s19 =	sld [smem:$0x3FDB];
	_ =	sdelay $0x1  }
0x99: {  	s4 =	simm.s32 $_scs_section_size  }
0x9a: {  	s5 =	simm.s32 $_size__tile_overlayer_lowered;
	s6 =	simm.s32 $_tile_overlayer_lowered  }
0x9b: {  	s22 =	simm.s32 $0x1BFF;
	s21 =	sshll.u32 s6, $0x1;
	s3 =	sadd.s32 s4, s19  }
0x9c: {  	s7 =	simm.s32 $0x0;
	s20 =	sshll.u32 s5, $0x1;
	s5 =	sadd.s32 s21, s3  }
0x9d: {  	[timem:s7], [sflag:s22] =	dma.local [hbm:s5], s20  }
0x9e: {  	_ =	swait.ge [sflag:s22], s20  }
0x9f: {  	s4 =	ssub.s32 $0x0, s20;
	[sflag:s22] =	ssyncset.done $0x0  }
0xa0: {  	[sflag:s22] =	ssyncadd.s32 s4;
	_ =	sdelay $0x1  }
0xa1: {  	s23 =	simm.s32 $0x1B8B  }
0xa2: {  	_ =	swait.ge [sflag:s23], $0x1  }
0xa3: {  	[sflag:s23] =	ssyncset.done $0x0  }
0xa4: {  	s25 =	simm.s32 $0x1B8E;
	s24 =	sld [smem:$0x3FFE];
	[sflag:s23] =	ssyncadd.s32 $0xFFFFFFFF  }
0xa5: {  	s26 =	simm.s32 $execute0_lowered;
	[smem:$0x3FD2] =	sst s25  }
0xa6: {  	s5 =	sshll.u32 s26, $0x1;
	_ =	strace $0x80000049;
	[dreg:$0x1] =	wrdreg $0xFFFFFFFF  }
0xa7: {  	s28 =	simm.s32 $_size_execute0_lowered;
	s3 =	sadd.s32 s3, s5;
	[dreg:$0x0] =	wrdreg $0x0  }
0xa8: {  	s5 =	sshll.u32 s28, $0x1;
	[dreg:$0x2] =	wrdreg s3  }
0xa9: {  	[dreg:$0x3] =	wrdreg s5  }
0xaa: {  	[dreg:$0x4] =	wrdreg $0xC0  }
0xab: {  	_ =	task [dreg:s7], $0x5FFFF  }
0xac: {  	[dreg:$0x1] =	wrdreg $0xFFFFFFFF  }
0xad: {  	[dreg:$0x0] =	wrdreg $0x60  }
0xae: {  	[dreg:$0x2] =	wrdreg s24  }
0xaf: {  	[dreg:$0x3] =	wrdreg s2  }
0xb0: {  	[dreg:$0x4] =	wrdreg $0x9  }
0xb1: {  	_ =	task.clear_ibuf [dreg:s7], $0x5FFFF;
	_ =	strace $0x90000049  }
0xb2: {  	s29 =	simm.s32 $0x9;
	_ =	strace $0x8000004B  }
0xb3: {  	_ =	swait.ge [sflag:s29], $0x1  }
0xb4: {  	[sflag:s29] =	ssyncadd.s32 $0xFFFFFFFF  }
0xb5: {  	_ =	strace $0x9000004B  }
0xb6: {  	_ =	sfence  }
0xb7: {  	s30 =	sld [smem:$0x0];
	_ =	sdelay $0x2  }
0xb8: {  	s31 =	sshll.u32 s1, $0xD;
	s1 =	sshrl.u32 s1, $0x2  }
0xb9: {  	s3 =	sand.u32 $0x4000, s31;
	s1 =	sadd.s32 s1, s30  }
0xba: {  	s0 =	sor.u32 s3, s0;
	s1 =	sshll.u32 s1, $0x11  }
0xbb: {  	s0 =	sor.u32 s1, s0  }
0xbc: {  	s0 =	sadd.s32 $0x8F2B, s0  }
0xbd: {  	[sflag:s0] =	ssyncadd.remote.s32 $0x1  }
0xbe: {  	_ =	sfence.sel $0xFFFF  }
0xbf: {  	[dreg:$0x0] =	wrdreg $0xFFFFFFFF;
	(pc) =	sbr.abs _section_cstart, $3  }
0xc0: {  	[dreg:$0x1] =	wrdreg $0xFFFFFFFF  }
0xc1: {  	_ =	task.clear_ibuf [dreg:s7], $0x2FFFF;
	_ =	strace $0x9FFFFFFF  }
0xc2: {  	(tm) =	ssettm $0x7FFFFFFF  }
0xc3: {  	_ =	shalt  }
tec
execute0_lowered:
.L_overlay_start_1:
0x0: {  	(tag) =	ssettag $0x1  }
0x1: {  	s3 =	rddreg [dreg:$0x0]  }
0x2: {  	s4 =	rddreg [dreg:$0x1]  }
0x3: {  	s0 =	rddreg [dreg:$0x2];
	s1 =	simm.s32 $0x0  }
0x4: {  	s5 =	srdreg.scid;
	s2 =	stileid.u32;
	s17 =	simm.s32 $0x8000  }
0x5: {  	s18 =	simm.s32 $0x0;
	[smem:$0x7FF] =	sst s1;
	s5 =	sand.u32 $0x1, s5  }
0x6: {  	s12 =	sadd.s32 $0x2E00, s3;
	s7 =	sshll.u32 s2, $0xF;
	s6 =	ssub.s32 $0x2, s5  }
0x7: {  	s14 =	sadd.s32 $0x82E00, s3;
	s5 =	sshll.u32 s5, $0xE;
	s31 =	sshrl.u32 s6, $0x1  }
0x8: {  	_ =	strace $0x8000004A;
	s10 =	sor.u32 s5, s7;
	s15 =	ssub.s32 s6, s31  }
0x9: {  	s5 =	sand.u32 $0x1C000, s10;
	s3 =	sadd.s32 s12, s10;
	s8 =	sor.u32 $0x1000, s10  }
0xa: {  	s11 =	sor.u32 $0x2000, s10;
	s16 =	sor.u32 $0x3000, s10;
	s4 =	sadd.s32 s4, s5  }
0xb: {  	s5 =	sadd.s32 s14, s10;
	s6 =	sadd.s32 s12, s8;
	s8 =	sadd.s32 s14, s8  }
0xc: {  	s9 =	sadd.s32 s12, s11;
	s11 =	sadd.s32 s14, s11;
	s12 =	sadd.s32 s12, s16  }
0xd: {  	s14 =	sadd.s32 s14, s16;
	s15 =	smax.u32 s15, $0x1;
	s16 =	simm.s32 $0x1  }
0xe: {  	s7 =	sadd.s32 $0x1000, s4;
	s10 =	sadd.s32 $0x2000, s4;
	s13 =	sadd.s32 $0x3000, s4  }
.LBB2_1:
0xf: {  	[tilespmem:s1], [sflag:$0x1] =	stream.linear.gather [hbm4b:s3+s1], $0x8000, $0x38;
	[tilespmem:$0x10000] =	vst v63  }
0x10: {  	_ =	swait.ge [sflag:s16], $0x8000  }
0x11: {  	[sflag:s16] =	ssyncset.done $0x0  }
0x12: {  	[sflag:s16] =	ssyncadd.s32 $0xFFFF8000  }
0x13: {  	[tilespmem:s17], [sflag:$0x1] =	stream.linear.gather [hbm4b:s4+s1], $0x8000, $0x38;
	[tilespmem:$0x10000] =	vst v63  }
0x14: {  	_ =	swait.ge [sflag:s16], $0x8000  }
0x15: {  	[sflag:s16] =	ssyncset.done $0x0  }
0x16: {  	s19 =	simm.s32 $0x0;
	[sflag:s16] =	ssyncadd.s32 $0xFFFF8000  }
0x17: {  	v5 =	vld [tilespmem:s19+$0x8000]  }
0x18: {  	v6 =	vld [tilespmem:s19+$0x8010]  }
0x19: {  	v1 =	vld [tilespmem:s19+$0x8020]  }
0x1a: {  	v0 =	vld [tilespmem:s19+$0x8030]  }
0x1b: {  	v2 =	vld [tilespmem:s19+$0x0]  }
0x1c: {  	v4 =	vld [tilespmem:s19+$0x10]  }
0x1d: {  	s20 =	simm.s32 $0x200;
	v3 =	vld [tilespmem:s19+$0x20]  }
.LBB2_2:
0x1e: {  	s21 =	sshra.s32 s20, $0x2;
	p0 =	sne.s32 s20, $0x1FE00;
	v7 =	vld [tilespmem:s19+$0x30];
	v8 =	vmov v1  }
0x1f: {  	v9 =	vld [tilespmem:s21+$0x8000];
	v10 =	vmov v0  }
0x20: {  	v11 =	vld [tilespmem:s21+$0x8010];
	v2 =	vadd.f32 v5, v2  }
.Ltmp0:
0x21: {  	v1 =	vld [tilespmem:s21+$0x8020];
	v4 =	vadd.f32 v6, v4;
	(pc) =	sbr.rel @p0 .LBB2_2-.Ltmp0, $4  }
0x22: {  	v0 =	vld [tilespmem:s21+$0x8030];
	[tilespmem:s19+$0x0] =	vst v2;
	v3 =	vadd.f32 v8, v3  }
0x23: {  	v2 =	vld [tilespmem:s21+$0x0];
	[tilespmem:s19+$0x10] =	vst v4;
	v7 =	vadd.f32 v10, v7  }
0x24: {  	v4 =	vld [tilespmem:s21+$0x10];
	[tilespmem:s19+$0x20] =	vst v3;
	v5 =	vmov v9  }
0x25: {  	s20 =	sadd.s32 $0x200, s20;
	v3 =	vld [tilespmem:s21+$0x20];
	[tilespmem:s19+$0x30] =	vst v7;
	v6 =	vmov v11;
	s19 =	smov.u32 s21  }
0x26: {  	v7 =	vld [tilespmem:s19+$0x30];
	_ =	sdelay $0x1  }
0x27: {  	v2 =	vadd.f32 v5, v2  }
0x28: {  	v4 =	vadd.f32 v6, v4  }
0x29: {  	[tilespmem:s19+$0x0] =	vst v2;
	v1 =	vadd.f32 v1, v3  }
0x2a: {  	[tilespmem:s19+$0x10] =	vst v4;
	v0 =	vadd.f32 v0, v7  }
0x2b: {  	[tilespmem:s19+$0x20] =	vst v1  }
0x2c: {  	s31 =	simm.s32 $0x0;
	[tilespmem:s19+$0x30] =	vst v0  }
0x2d: {  	[hbm4b:s5+s31] =	stream.linear.scatter [tilespmem:s31], [sflag:$0x1], $0x8000, $0x38;
	[tilespmem:$0x10000] =	vst v63  }
0x2e: {  	_ =	swait.ge [sflag:s16], $0x8000  }
0x2f: {  	[sflag:s16] =	ssyncset.done $0x0  }
0x30: {  	[sflag:s16] =	ssyncadd.s32 $0xFFFF8000  }
0x31: {  	[tilespmem:s31], [sflag:$0x1] =	stream.linear.gather [hbm4b:s6+s31], $0x8000, $0x38;
	[tilespmem:$0x10000] =	vst v63  }
0x32: {  	_ =	swait.ge [sflag:s16], $0x8000  }
0x33: {  	[sflag:s16] =	ssyncset.done $0x0  }
0x34: {  	[sflag:s16] =	ssyncadd.s32 $0xFFFF8000  }
0x35: {  	[tilespmem:s17], [sflag:$0x1] =	stream.linear.gather [hbm4b:s7+s31], $0x8000, $0x38;
	[tilespmem:$0x10000] =	vst v63  }
0x36: {  	_ =	swait.ge [sflag:s16], $0x8000  }
0x37: {  	[sflag:s16] =	ssyncset.done $0x0  }
0x38: {  	s19 =	simm.s32 $0x0;
	[sflag:s16] =	ssyncadd.s32 $0xFFFF8000  }
0x39: {  	v5 =	vld [tilespmem:s19+$0x8000]  }
0x3a: {  	v6 =	vld [tilespmem:s19+$0x8010]  }
0x3b: {  	v1 =	vld [tilespmem:s19+$0x8020]  }
0x3c: {  	v0 =	vld [tilespmem:s19+$0x8030]  }
0x3d: {  	v2 =	vld [tilespmem:s19+$0x0]  }
0x3e: {  	v4 =	vld [tilespmem:s19+$0x10]  }
0x3f: {  	s20 =	simm.s32 $0x200;
	v3 =	vld [tilespmem:s19+$0x20]  }
.LBB2_4:
0x40: {  	s21 =	sshra.s32 s20, $0x2;
	p0 =	sne.s32 s20, $0x1FE00;
	v7 =	vld [tilespmem:s19+$0x30];
	v8 =	vmov v1  }
0x41: {  	v9 =	vld [tilespmem:s21+$0x8000];
	v10 =	vmov v0  }
0x42: {  	v11 =	vld [tilespmem:s21+$0x8010];
	v2 =	vadd.f32 v5, v2  }
.Ltmp1:
0x43: {  	v1 =	vld [tilespmem:s21+$0x8020];
	v4 =	vadd.f32 v6, v4;
	(pc) =	sbr.rel @p0 .LBB2_4-.Ltmp1, $4  }
0x44: {  	v0 =	vld [tilespmem:s21+$0x8030];
	[tilespmem:s19+$0x0] =	vst v2;
	v3 =	vadd.f32 v8, v3  }
0x45: {  	v2 =	vld [tilespmem:s21+$0x0];
	[tilespmem:s19+$0x10] =	vst v4;
	v7 =	vadd.f32 v10, v7  }
0x46: {  	v4 =	vld [tilespmem:s21+$0x10];
	[tilespmem:s19+$0x20] =	vst v3;
	v5 =	vmov v9  }
0x47: {  	s20 =	sadd.s32 $0x200, s20;
	v3 =	vld [tilespmem:s21+$0x20];
	[tilespmem:s19+$0x30] =	vst v7;
	v6 =	vmov v11;
	s19 =	smov.u32 s21  }
0x48: {  	v7 =	vld [tilespmem:s19+$0x30];
	_ =	sdelay $0x1  }
0x49: {  	v2 =	vadd.f32 v5, v2  }
0x4a: {  	v4 =	vadd.f32 v6, v4  }
0x4b: {  	[tilespmem:s19+$0x0] =	vst v2;
	v1 =	vadd.f32 v1, v3  }
0x4c: {  	[tilespmem:s19+$0x10] =	vst v4;
	v0 =	vadd.f32 v0, v7  }
0x4d: {  	[tilespmem:s19+$0x20] =	vst v1  }
0x4e: {  	s31 =	simm.s32 $0x0;
	[tilespmem:s19+$0x30] =	vst v0  }
0x4f: {  	[hbm4b:s8+s31] =	stream.linear.scatter [tilespmem:s31], [sflag:$0x1], $0x8000, $0x38;
	[tilespmem:$0x10000] =	vst v63  }
0x50: {  	_ =	swait.ge [sflag:s16], $0x8000  }
0x51: {  	[sflag:s16] =	ssyncset.done $0x0  }
0x52: {  	[sflag:s16] =	ssyncadd.s32 $0xFFFF8000  }
0x53: {  	[tilespmem:s31], [sflag:$0x1] =	stream.linear.gather [hbm4b:s9+s31], $0x8000, $0x38;
	[tilespmem:$0x10000] =	vst v63  }
0x54: {  	_ =	swait.ge [sflag:s16], $0x8000  }
0x55: {  	[sflag:s16] =	ssyncset.done $0x0  }
0x56: {  	[sflag:s16] =	ssyncadd.s32 $0xFFFF8000  }
0x57: {  	[tilespmem:s17], [sflag:$0x1] =	stream.linear.gather [hbm4b:s10+s31], $0x8000, $0x38;
	[tilespmem:$0x10000] =	vst v63  }
0x58: {  	_ =	swait.ge [sflag:s16], $0x8000  }
0x59: {  	[sflag:s16] =	ssyncset.done $0x0  }
0x5a: {  	s19 =	simm.s32 $0x0;
	[sflag:s16] =	ssyncadd.s32 $0xFFFF8000  }
0x5b: {  	v5 =	vld [tilespmem:s19+$0x8000]  }
0x5c: {  	v6 =	vld [tilespmem:s19+$0x8010]  }
0x5d: {  	v1 =	vld [tilespmem:s19+$0x8020]  }
0x5e: {  	v0 =	vld [tilespmem:s19+$0x8030]  }
0x5f: {  	v2 =	vld [tilespmem:s19+$0x0]  }
0x60: {  	v4 =	vld [tilespmem:s19+$0x10]  }
0x61: {  	s20 =	simm.s32 $0x200;
	v3 =	vld [tilespmem:s19+$0x20]  }
.LBB2_6:
0x62: {  	s21 =	sshra.s32 s20, $0x2;
	p0 =	sne.s32 s20, $0x1FE00;
	v7 =	vld [tilespmem:s19+$0x30];
	v8 =	vmov v1  }
0x63: {  	v9 =	vld [tilespmem:s21+$0x8000];
	v10 =	vmov v0  }
0x64: {  	v11 =	vld [tilespmem:s21+$0x8010];
	v2 =	vadd.f32 v5, v2  }
.Ltmp2:
0x65: {  	v1 =	vld [tilespmem:s21+$0x8020];
	v4 =	vadd.f32 v6, v4;
	(pc) =	sbr.rel @p0 .LBB2_6-.Ltmp2, $4  }
0x66: {  	v0 =	vld [tilespmem:s21+$0x8030];
	[tilespmem:s19+$0x0] =	vst v2;
	v3 =	vadd.f32 v8, v3  }
0x67: {  	v2 =	vld [tilespmem:s21+$0x0];
	[tilespmem:s19+$0x10] =	vst v4;
	v7 =	vadd.f32 v10, v7  }
0x68: {  	v4 =	vld [tilespmem:s21+$0x10];
	[tilespmem:s19+$0x20] =	vst v3;
	v5 =	vmov v9  }
0x69: {  	s20 =	sadd.s32 $0x200, s20;
	v3 =	vld [tilespmem:s21+$0x20];
	[tilespmem:s19+$0x30] =	vst v7;
	v6 =	vmov v11;
	s19 =	smov.u32 s21  }
0x6a: {  	v7 =	vld [tilespmem:s19+$0x30];
	_ =	sdelay $0x1  }
0x6b: {  	v2 =	vadd.f32 v5, v2  }
0x6c: {  	v4 =	vadd.f32 v6, v4  }
0x6d: {  	[tilespmem:s19+$0x0] =	vst v2;
	v1 =	vadd.f32 v1, v3  }
0x6e: {  	[tilespmem:s19+$0x10] =	vst v4;
	v0 =	vadd.f32 v0, v7  }
0x6f: {  	[tilespmem:s19+$0x20] =	vst v1  }
0x70: {  	s31 =	simm.s32 $0x0;
	[tilespmem:s19+$0x30] =	vst v0  }
0x71: {  	[hbm4b:s11+s31] =	stream.linear.scatter [tilespmem:s31], [sflag:$0x1], $0x8000, $0x38;
	[tilespmem:$0x10000] =	vst v63  }
0x72: {  	_ =	swait.ge [sflag:s16], $0x8000  }
0x73: {  	[sflag:s16] =	ssyncset.done $0x0  }
0x74: {  	[sflag:s16] =	ssyncadd.s32 $0xFFFF8000  }
0x75: {  	[tilespmem:s31], [sflag:$0x1] =	stream.linear.gather [hbm4b:s12+s31], $0x8000, $0x38;
	[tilespmem:$0x10000] =	vst v63  }
0x76: {  	_ =	swait.ge [sflag:s16], $0x8000  }
0x77: {  	[sflag:s16] =	ssyncset.done $0x0  }
0x78: {  	[sflag:s16] =	ssyncadd.s32 $0xFFFF8000  }
0x79: {  	[tilespmem:s17], [sflag:$0x1] =	stream.linear.gather [hbm4b:s13+s31], $0x8000, $0x38;
	[tilespmem:$0x10000] =	vst v63  }
0x7a: {  	_ =	swait.ge [sflag:s16], $0x8000  }
0x7b: {  	[sflag:s16] =	ssyncset.done $0x0  }
0x7c: {  	s19 =	simm.s32 $0x0;
	[sflag:s16] =	ssyncadd.s32 $0xFFFF8000  }
0x7d: {  	v5 =	vld [tilespmem:s19+$0x8000]  }
0x7e: {  	v6 =	vld [tilespmem:s19+$0x8010]  }
0x7f: {  	v1 =	vld [tilespmem:s19+$0x8020]  }
0x80: {  	v0 =	vld [tilespmem:s19+$0x8030]  }
0x81: {  	v2 =	vld [tilespmem:s19+$0x0]  }
0x82: {  	v4 =	vld [tilespmem:s19+$0x10]  }
0x83: {  	s20 =	simm.s32 $0x200;
	v3 =	vld [tilespmem:s19+$0x20]  }
.LBB2_8:
0x84: {  	s21 =	sshra.s32 s20, $0x2;
	p0 =	sne.s32 s20, $0x1FE00;
	v7 =	vld [tilespmem:s19+$0x30];
	v8 =	vmov v1  }
0x85: {  	v9 =	vld [tilespmem:s21+$0x8000];
	v10 =	vmov v0  }
0x86: {  	v11 =	vld [tilespmem:s21+$0x8010];
	v2 =	vadd.f32 v5, v2  }
.Ltmp3:
0x87: {  	v1 =	vld [tilespmem:s21+$0x8020];
	v4 =	vadd.f32 v6, v4;
	(pc) =	sbr.rel @p0 .LBB2_8-.Ltmp3, $4  }
0x88: {  	v0 =	vld [tilespmem:s21+$0x8030];
	[tilespmem:s19+$0x0] =	vst v2;
	v3 =	vadd.f32 v8, v3  }
0x89: {  	v2 =	vld [tilespmem:s21+$0x0];
	[tilespmem:s19+$0x10] =	vst v4;
	v7 =	vadd.f32 v10, v7  }
0x8a: {  	v4 =	vld [tilespmem:s21+$0x10];
	[tilespmem:s19+$0x20] =	vst v3;
	v5 =	vmov v9  }
0x8b: {  	s20 =	sadd.s32 $0x200, s20;
	v3 =	vld [tilespmem:s21+$0x20];
	[tilespmem:s19+$0x30] =	vst v7;
	v6 =	vmov v11;
	s19 =	smov.u32 s21  }
0x8c: {  	v7 =	vld [tilespmem:s19+$0x30];
	_ =	sdelay $0x1  }
0x8d: {  	v2 =	vadd.f32 v5, v2  }
0x8e: {  	v4 =	vadd.f32 v6, v4  }
0x8f: {  	[tilespmem:s19+$0x0] =	vst v2;
	v1 =	vadd.f32 v1, v3  }
0x90: {  	s18 =	sadd.s32 $0x1, s18;
	[tilespmem:s19+$0x10] =	vst v4;
	v0 =	vadd.f32 v0, v7  }
0x91: {  	p0 =	sne.s32 s18, s15;
	[tilespmem:s19+$0x20] =	vst v1  }
.Ltmp4:
0x92: {  	[tilespmem:s19+$0x30] =	vst v0;
	(pc) =	sbr.rel @p0 .LBB2_1-.Ltmp4, $4  }
0x93: {  	[hbm4b:s14+s1] =	stream.linear.scatter [tilespmem:s1], [sflag:$0x1], $0x8000, $0x38;
	[tilespmem:$0x10000] =	vst v63  }
0x94: {  	_ =	swait.ge [sflag:s16], $0x8000  }
0x95: {  	[sflag:s16] =	ssyncset.done $0x0  }
0x96: {  	[sflag:s16] =	ssyncadd.s32 $0xFFFF8000  }
0x97: {  	_ =	sfence.sel $0x180000  }
0x98: {  	[bflag:$0x0] =	sbarrier.arrive $0xFFFF  }
0x99: {  	p0 =	sne.s32 s2, $0x0;
	_ =	strace $0x9000004A  }
0x9a: {  	s0 =	sadd.s32 @!p0 $0x100000, s0;
	[bflag:$0x2] =	sbarrier.arrive $0xFFFF  }
0x9b: {  	[sflag:s0] =	ssyncadd.tile.s32 @!p0 $0x1;
	_ =	shalt  }
.Lfunc_end2:
_tile_overlayer_lowered:
.L_overlay_start_2:
0x9c: {  	(tag) =	ssettag $0x2  }
0x9d: {  	s0 =	rddreg [dreg:$0x0];
	s2 =	stileid.u32  }
0x9e: {  	s1 =	rddreg [dreg:$0x1];
	p0 =	sne.s32 s2, $0x0  }
0x9f: {  	s3 =	rddreg [dreg:$0x2];
	[bflag:$0x3] =	sbarrier.arrive $0xFFFF;
	s2 =	simm.s32 @!p0 $0x1C01  }
0xa0: {  	[timem:s3], [sflag:s2] =	dma.local @!p0 [hbm:s0], s1  }
0xa1: {  	s0 =	simm.s32 @!p0 $0x1  }
0xa2: {  	_ =	swait.ge @!p0 [sflag:s0], s1  }
0xa3: {  	s1 =	ssub.s32 @!p0 $0x0, s1;
	[sflag:s0] =	ssyncset.done @!p0 $0x0  }
0xa4: {  	[sflag:s0] =	ssyncadd.s32 @!p0 s1  }
0xa5: {  	[bflag:$0x3] =	sbarrier.arrive $0xFFFF  }
0xa6: {  	_ =	shalt  }

</sc_bundles>
